<compile_context>
chip_gen: v7x
topology: tpu7x:2x2x1
jax: 0.10.2.dev20260603
libtpu: 0.0.44.dev20260713+nightly
codegen_flags: <defaults>
</compile_context>

<pallas_src>
import functools

import jax
import jax.numpy as jnp
from jax import lax
from jax.experimental import pallas as pl
from jax.experimental.pallas import tpu as pltpu
from jax.experimental.pallas import tpu_sc as plsc

NC = 2
NS = 16
LANES = 16

W_CAT1 = 72
W_DST1 = 16
W_CAT2 = 48
W_DST2 = 16

_HIGH = jax.lax.Precision.HIGHEST


def _mm(a, b):
    return jnp.dot(a, b, precision=_HIGH, preferred_element_type=jnp.float32)


def _leaky_exp(e):
    return jnp.exp(jnp.maximum(e, 0.2 * e))


def _vgather(x, idx):
    return x.at[idx].get(mode="promise_in_bounds")


def _tc1_body(x_ref, w_ref, p_ref, d_ref, cat_ref, adst_ref):
    h = _mm(x_ref[...], w_ref[...])
    cat_ref[...] = _mm(h, p_ref[...])
    adst_ref[...] = _mm(h, d_ref[...])


def _tc2_body(a0_ref, a1_ref, cat_ref, adst_ref, b1_ref,
              s64_ref, sa_ref, sd_ref, e8_ref, wmu_ref, wstd_ref,
              pmu_ref, pstd_ref, qmu_ref, qstd_ref,
              cat2_ref, adst2_ref):
    accsum = a0_ref[...] + a1_ref[...]
    cat1 = cat_ref[...]
    h1 = _mm(cat1, s64_ref[...])
    asrc1 = _mm(cat1, sa_ref[...])
    num_e = _mm(accsum, s64_ref[...])
    s_e = _mm(accsum, sa_ref[...])
    ad1 = _mm(adst_ref[...], sd_ref[...])
    g_self = _leaky_exp(asrc1 + ad1)
    den64 = _mm(s_e + g_self, e8_ref[...])
    gexp64 = _mm(g_self, e8_ref[...])
    out1 = (num_e + gexp64 * h1) / (den64 + 1e-16) + b1_ref[...]
    h2 = jnp.maximum(out1, 0.0)
    hmu = _mm(h2, wmu_ref[...])
    hstd = _mm(h2, wstd_ref[...])
    cat2_ref[...] = _mm(hmu, pmu_ref[...]) + _mm(hstd, pstd_ref[...])
    adst2_ref[...] = _mm(hmu, qmu_ref[...]) + _mm(hstd, qstd_ref[...])


def _tc3_body(a0_ref, a1_ref, cat2_ref, adst2_ref, bmu_ref, bstd_ref,
              tmu_ref, tstd_ref, bsmu_ref, bsstd_ref, umu_ref, ustd_ref,
              mu_ref, std_ref):
    accsum = a0_ref[...] + a1_ref[...]
    cat2 = cat2_ref[...]
    adst2 = adst2_ref[...]
    hmu = _mm(cat2, tmu_ref[...])
    hstd = _mm(cat2, tstd_ref[...])
    amu_s = _mm(cat2, bsmu_ref[...])
    astd_s = _mm(cat2, bsstd_ref[...])
    admu = _mm(adst2, umu_ref[...])
    adstd = _mm(adst2, ustd_ref[...])
    gmu = _leaky_exp(amu_s + admu)
    gstd = _leaky_exp(astd_s + adstd)
    num_mu = _mm(accsum, tmu_ref[...])
    num_std = _mm(accsum, tstd_ref[...])
    s_mu = _mm(accsum, bsmu_ref[...])
    s_std = _mm(accsum, bsstd_ref[...])
    mu_ref[...] = (num_mu + gmu * hmu) / (s_mu + gmu + 1e-16) + bmu_ref[...]
    std_ref[...] = (num_std + gstd * hstd) / (s_std + gstd + 1e-16) + bstd_ref[...]


def _sc1_body(cat_hbm, adst_hbm, src_hbm, dst_hbm, out_hbm,
              idx_s, idx_d, rin0, rin1, dr0, dr1, rout0, rout1,
              acc, sg0, sg1, sd0, sd1, ss0, ss1,
              *, cpt, rows_per_tile, chunk_e):
    c = lax.axis_index("c")
    s = lax.axis_index("s")
    w = c * NS + s
    lane = lax.iota(jnp.int32, LANES)
    rowpat = lane >> 3
    colpat = lane & 7
    half = lane < 8
    zv = jnp.zeros((LANES,), jnp.float32)

    @plsc.parallel_loop(0, chunk_e, 1, unroll=8)
    def zrow(r):
        for q in range(W_CAT1 // LANES):
            rout0[r, pl.ds(q * LANES, LANES)] = zv
        rout0[r, pl.ds(W_CAT1 - LANES, LANES)] = zv
    base_r = s * rows_per_tile
    nfull, rem = divmod(rows_per_tile, chunk_e)
    for b in range(nfull):
        pltpu.sync_copy(rout0, acc.at[pl.ds(base_r + b * chunk_e, chunk_e)])
    if rem:
        pltpu.sync_copy(rout0.at[pl.ds(0, rem)],
                        acc.at[pl.ds(base_r + nfull * chunk_e, rem)])
    plsc.subcore_barrier()

    pltpu.sync_copy(src_hbm.at[pl.ds(w * cpt, cpt)], idx_s)
    pltpu.sync_copy(dst_hbm.at[pl.ds(w * cpt, cpt)], idx_d)

    bufs = ((rin0, dr0, rout0, sg0, sd0, ss0),
            (rin1, dr1, rout1, sg1, sd1, ss1))

    def gather(j, b):
        rin, dr, _, sg, sd, _ = bufs[b]
        pltpu.async_copy(cat_hbm.at[idx_s.at[j]], rin, sg)
        pltpu.async_copy(adst_hbm.at[idx_d.at[j]], dr, sd)

    def gather_wait(j, b):
        rin, dr, _, sg, sd, _ = bufs[b]
        pltpu.make_async_copy(cat_hbm.at[idx_s.at[j]], rin, sg).wait()
        pltpu.make_async_copy(adst_hbm.at[idx_d.at[j]], dr, sd).wait()

    def scatter(j, b):
        _, _, rout, _, _, ss = bufs[b]
        pltpu.async_copy(rout, acc.at[idx_d.at[j]], ss, add=True)

    def scatter_wait(j, b):
        _, _, rout, _, _, ss = bufs[b]
        pltpu.make_async_copy(rout, acc.at[idx_d.at[j]], ss).wait()

    def compute(b):
        rin, dr, rout, _, _, _ = bufs[b]

        @plsc.parallel_loop(0, chunk_e, 1, unroll=8)
        def sstep(i):
            av = rin[i, pl.ds(56, LANES)]
            dv = dr[i, pl.ds(0, LANES)]
            g = _leaky_exp(av + dv)
            v3s = av
            for k in range(4):
                gexp = _vgather(g, 8 + 2 * k + rowpat)
                vks = rin[i, pl.ds(16 * k, LANES)] * gexp
                rout[i, pl.ds(16 * k, LANES)] = vks
                if k == 3:
                    v3s = vks
            comb = jnp.where(half, _vgather(v3s, 8 + colpat),
                             _vgather(g, 8 + colpat))
            rout[i, pl.ds(56, LANES)] = comb

    gather(0, 0)

    def step(j, b):
        @pl.when(j + 1 < cpt)
        def _():
            gather(j + 1, 1 - b)
        gather_wait(j, b)

        @pl.when(j >= 2)
        def _():
            scatter_wait(j - 2, b)
        compute(b)
        scatter(j, b)

    def pair(p, _):
        step(2 * p, 0)
        step(2 * p + 1, 1)
        return 0
    lax.fori_loop(0, cpt // 2, pair, 0)
    scatter_wait(cpt - 2, 0)
    scatter_wait(cpt - 1, 1)

    plsc.subcore_barrier()
    pltpu.sync_copy(acc.at[pl.ds(base_r, rows_per_tile)],
                    out_hbm.at[c, pl.ds(base_r, rows_per_tile)])


def _sc2_body(cat_hbm, adst_hbm, src_hbm, dst_hbm, out_hbm,
              idx_s, idx_d, rin0, rin1, dr0, dr1, rout0, rout1,
              acc, sg0, sg1, sd0, sd1, ss0, ss1,
              *, cpt, rows_per_tile, chunk_e):
    c = lax.axis_index("c")
    s = lax.axis_index("s")
    w = c * NS + s
    lane = lax.iota(jnp.int32, LANES)
    ones_i = lane * 0 + 1
    zeros_i = lane * 0
    zv = jnp.zeros((LANES,), jnp.float32)

    @plsc.parallel_loop(0, chunk_e, 1, unroll=8)
    def zrow(r):
        for q in range(W_CAT2 // LANES):
            rout0[r, pl.ds(q * LANES, LANES)] = zv
    base_r = s * rows_per_tile
    nfull, rem = divmod(rows_per_tile, chunk_e)
    for b in range(nfull):
        pltpu.sync_copy(rout0, acc.at[pl.ds(base_r + b * chunk_e, chunk_e)])
    if rem:
        pltpu.sync_copy(rout0.at[pl.ds(0, rem)],
                        acc.at[pl.ds(base_r + nfull * chunk_e, rem)])
    plsc.subcore_barrier()

    pltpu.sync_copy(src_hbm.at[pl.ds(w * cpt, cpt)], idx_s)
    pltpu.sync_copy(dst_hbm.at[pl.ds(w * cpt, cpt)], idx_d)

    bufs = ((rin0, dr0, rout0, sg0, sd0, ss0),
            (rin1, dr1, rout1, sg1, sd1, ss1))

    def gather(j, b):
        rin, dr, _, sg, sd, _ = bufs[b]
        pltpu.async_copy(cat_hbm.at[idx_s.at[j]], rin, sg)
        pltpu.async_copy(adst_hbm.at[idx_d.at[j]], dr, sd)

    def gather_wait(j, b):
        rin, dr, _, sg, sd, _ = bufs[b]
        pltpu.make_async_copy(cat_hbm.at[idx_s.at[j]], rin, sg).wait()
        pltpu.make_async_copy(adst_hbm.at[idx_d.at[j]], dr, sd).wait()

    def scatter(j, b):
        _, _, rout, _, _, ss = bufs[b]
        pltpu.async_copy(rout, acc.at[idx_d.at[j]], ss, add=True)

    def scatter_wait(j, b):
        _, _, rout, _, _, ss = bufs[b]
        pltpu.make_async_copy(rout, acc.at[idx_d.at[j]], ss).wait()

    def compute(b):
        rin, dr, rout, _, _, _ = bufs[b]

        @plsc.parallel_loop(0, chunk_e, 1, unroll=8)
        def sstep(i):
            av = rin[i, pl.ds(0, LANES)]
            dv = dr[i, pl.ds(0, LANES)]
            g = _leaky_exp(av + dv)
            rout[i, pl.ds(0, LANES)] = g
            gmu = _vgather(g, zeros_i)
            rout[i, pl.ds(16, LANES)] = rin[i, pl.ds(16, LANES)] * gmu
            gstd = _vgather(g, ones_i)
            rout[i, pl.ds(32, LANES)] = rin[i, pl.ds(32, LANES)] * gstd

    gather(0, 0)

    def step(j, b):
        @pl.when(j + 1 < cpt)
        def _():
            gather(j + 1, 1 - b)
        gather_wait(j, b)

        @pl.when(j >= 2)
        def _():
            scatter_wait(j - 2, b)
        compute(b)
        scatter(j, b)

    def pair(p, _):
        step(2 * p, 0)
        step(2 * p + 1, 1)
        return 0
    lax.fori_loop(0, cpt // 2, pair, 0)
    scatter_wait(cpt - 2, 0)
    scatter_wait(cpt - 1, 1)

    plsc.subcore_barrier()
    pltpu.sync_copy(acc.at[pl.ds(base_r, rows_per_tile)],
                    out_hbm.at[c, pl.ds(base_r, rows_per_tile)])


def _expand_blockdiag(att, heads, ch):
    eye = jnp.eye(heads, dtype=jnp.float32)
    return (att[:, :, None] * eye[:, None, :]).reshape(heads * ch, heads)


def kernel(features, edges, W1, att_src1, att_dst1, b1,
           W_mu, att_src_mu, att_dst_mu, b_mu,
           W_std, att_src_std, att_dst_std, b_std):
    n, d_in = features.shape
    e_total = edges.shape[1]
    heads, hid = att_src1.shape[1], att_src1.shape[2]
    z = W_mu.shape[1]
    hh = heads * hid

    f32 = jnp.float32
    eye64 = jnp.eye(hh, dtype=f32)
    eye16 = jnp.eye(z, dtype=f32)

    asrc_bd = _expand_blockdiag(att_src1.reshape(heads, hid), heads, hid)
    adst_bd = _expand_blockdiag(att_dst1.reshape(heads, hid), heads, hid)
    P1 = jnp.concatenate([eye64, asrc_bd], axis=1)
    D1 = jnp.concatenate([jnp.zeros((hh, 8), f32), adst_bd], axis=1)

    S64 = jnp.concatenate([eye64, jnp.zeros((8, hh), f32)], axis=0)
    SA = jnp.concatenate([jnp.zeros((hh, heads), f32),
                          jnp.eye(heads, dtype=f32)], axis=0)
    E8 = jnp.repeat(jnp.eye(heads, dtype=f32), hid, axis=1)
    SD = jnp.concatenate([jnp.zeros((8, heads), f32),
                          jnp.eye(heads, dtype=f32)], axis=0)

    Pmu = jnp.zeros((z, W_CAT2), f32)
    Pmu = Pmu.at[:, 16:16 + z].set(eye16)
    Pmu = Pmu.at[:, 0].set(att_src_mu.reshape(z))
    Pstd = jnp.zeros((z, W_CAT2), f32)
    Pstd = Pstd.at[:, 16 + z:16 + 2 * z].set(eye16)
    Pstd = Pstd.at[:, 1].set(att_src_std.reshape(z))
    Qmu = jnp.zeros((z, W_DST2), f32).at[:, 0].set(att_dst_mu.reshape(z))
    Qstd = jnp.zeros((z, W_DST2), f32).at[:, 1].set(att_dst_std.reshape(z))

    Tmu = jnp.zeros((W_CAT2, z), f32).at[16:16 + z, :].set(eye16)
    Tstd = jnp.zeros((W_CAT2, z), f32).at[16 + z:16 + 2 * z, :].set(eye16)
    Bsmu = jnp.zeros((W_CAT2, z), f32).at[0, :].set(1.0)
    Bsstd = jnp.zeros((W_CAT2, z), f32).at[1, :].set(1.0)
    Umu = jnp.zeros((W_DST2, z), f32).at[0, :].set(1.0)
    Ustd = jnp.zeros((W_DST2, z), f32).at[1, :].set(1.0)

    chunk_e = 128
    rows_pad = -(-e_total // chunk_e)
    rows_pad = -(-rows_pad // (NC * NS * 8)) * (NC * NS * 8)
    e_pad = rows_pad * chunk_e
    cpt = rows_pad // (NC * NS)
    rpt = -(-(n + 1) // (NS * 8)) * 8
    n_pad = rpt * NS

    pad_idx = (n + jnp.arange(e_pad - e_total, dtype=edges.dtype)
               % jnp.asarray(n_pad - n, dtype=edges.dtype))
    src2d = jnp.concatenate([edges[0], pad_idx]).reshape(rows_pad, chunk_e)
    dst2d = jnp.concatenate([edges[1], pad_idx]).reshape(rows_pad, chunk_e)

    R = 2000
    grid = (n // R,)

    def _blk(w):
        return pl.BlockSpec((R, w), lambda i: (i, 0))

    def _full(a):
        return pl.BlockSpec(a.shape, lambda i: tuple(0 for _ in a.shape))

    cat1, adst1 = pl.pallas_call(
        _tc1_body,
        grid=grid,
        in_specs=[_blk(d_in), _full(W1), _full(P1), _full(D1)],
        out_specs=[_blk(W_CAT1), _blk(W_DST1)],
        out_shape=[jax.ShapeDtypeStruct((n, W_CAT1), f32),
                   jax.ShapeDtypeStruct((n, W_DST1), f32)],
    )(features, W1, P1, D1)
    cat1p = jnp.pad(cat1, ((0, n_pad - n), (0, 0)))
    adst1p = jnp.pad(adst1, ((0, n_pad - n), (0, 0)))

    mesh = plsc.VectorSubcoreMesh(core_axis_name="c", subcore_axis_name="s",
                                  num_cores=NC, num_subcores=NS)

    sc1 = pl.kernel(
        functools.partial(_sc1_body, cpt=cpt, rows_per_tile=rpt,
                          chunk_e=chunk_e),
        out_type=jax.ShapeDtypeStruct((NC, n_pad, W_CAT1), f32),
        mesh=mesh,
        compiler_params=pltpu.CompilerParams(use_tc_tiling_on_sc=False),
        scratch_types=[
            pltpu.VMEM((cpt, chunk_e), jnp.int32),
            pltpu.VMEM((cpt, chunk_e), jnp.int32),
            pltpu.VMEM((chunk_e, W_CAT1), f32),
            pltpu.VMEM((chunk_e, W_CAT1), f32),
            pltpu.VMEM((chunk_e, W_DST1), f32),
            pltpu.VMEM((chunk_e, W_DST1), f32),
            pltpu.VMEM((chunk_e, W_CAT1), f32),
            pltpu.VMEM((chunk_e, W_CAT1), f32),
            pltpu.VMEM_SHARED((n_pad, W_CAT1), f32),
            pltpu.SemaphoreType.DMA,
            pltpu.SemaphoreType.DMA,
            pltpu.SemaphoreType.DMA,
            pltpu.SemaphoreType.DMA,
            pltpu.SemaphoreType.DMA,
            pltpu.SemaphoreType.DMA,
        ],
    )
    acc1 = sc1(cat1p, adst1p, src2d, dst2d)

    b1r = b1.reshape(1, hh)
    cat2, adst2 = pl.pallas_call(
        _tc2_body,
        grid=grid,
        in_specs=[_blk(W_CAT1), _blk(W_CAT1), _blk(W_CAT1), _blk(W_DST1),
                  _full(b1r), _full(S64), _full(SA), _full(SD), _full(E8),
                  _full(W_mu), _full(W_std), _full(Pmu), _full(Pstd),
                  _full(Qmu), _full(Qstd)],
        out_specs=[_blk(W_CAT2), _blk(W_DST2)],
        out_shape=[jax.ShapeDtypeStruct((n, W_CAT2), f32),
                   jax.ShapeDtypeStruct((n, W_DST2), f32)],
    )(acc1[0, :n], acc1[1, :n], cat1, adst1, b1r,
      S64, SA, SD, E8, W_mu, W_std, Pmu, Pstd, Qmu, Qstd)

    cat2p = jnp.pad(cat2, ((0, n_pad - n), (0, 0)))
    adst2p = jnp.pad(adst2, ((0, n_pad - n), (0, 0)))
    sc2 = pl.kernel(
        functools.partial(_sc2_body, cpt=cpt, rows_per_tile=rpt,
                          chunk_e=chunk_e),
        out_type=jax.ShapeDtypeStruct((NC, n_pad, W_CAT2), f32),
        mesh=mesh,
        compiler_params=pltpu.CompilerParams(use_tc_tiling_on_sc=False),
        scratch_types=[
            pltpu.VMEM((cpt, chunk_e), jnp.int32),
            pltpu.VMEM((cpt, chunk_e), jnp.int32),
            pltpu.VMEM((chunk_e, W_CAT2), f32),
            pltpu.VMEM((chunk_e, W_CAT2), f32),
            pltpu.VMEM((chunk_e, W_DST2), f32),
            pltpu.VMEM((chunk_e, W_DST2), f32),
            pltpu.VMEM((chunk_e, W_CAT2), f32),
            pltpu.VMEM((chunk_e, W_CAT2), f32),
            pltpu.VMEM_SHARED((n_pad, W_CAT2), f32),
            pltpu.SemaphoreType.DMA,
            pltpu.SemaphoreType.DMA,
            pltpu.SemaphoreType.DMA,
            pltpu.SemaphoreType.DMA,
            pltpu.SemaphoreType.DMA,
            pltpu.SemaphoreType.DMA,
        ],
    )
    acc2 = sc2(cat2p, adst2p, src2d, dst2d)

    bmur = b_mu.reshape(1, z)
    bstdr = b_std.reshape(1, z)
    mu, std = pl.pallas_call(
        _tc3_body,
        grid=grid,
        in_specs=[_blk(W_CAT2), _blk(W_CAT2), _blk(W_CAT2), _blk(W_DST2),
                  _full(bmur), _full(bstdr), _full(Tmu), _full(Tstd),
                  _full(Bsmu), _full(Bsstd), _full(Umu), _full(Ustd)],
        out_specs=[_blk(z), _blk(z)],
        out_shape=[jax.ShapeDtypeStruct((n, z), f32),
                   jax.ShapeDtypeStruct((n, z), f32)],
    )(acc2[0, :n], acc2[1, :n], cat2, adst2, bmur, bstdr,
      Tmu, Tstd, Bsmu, Bsstd, Umu, Ustd)

    return (mu, std)

# --- scband reference (transcript-rebuilt; emitter-appended) ---
"""Pipeline reference for scband-gat-80814104642288 (READ-ONLY COPY).

The authoritative reference and input builder live on the scoring server;
editing this copy changes nothing except your own understanding.
"""

import jax, jax.numpy as jnp
import numpy as np

N = 10000
E = 320000
D_IN = 128
HIDDEN = 8
HEADS = 8
Z_DIM = 16


def _gat_layer(x, edge_index, W, att_src, att_dst, bias, heads, out_ch):
    # Faithful PyG GATConv (concat=True, add_self_loops=True, negative_slope=0.2)
    n = x.shape[0]
    src = edge_index[0]
    dst = edge_index[1]
    loops = jnp.arange(n, dtype=src.dtype)
    src = jnp.concatenate([src, loops])
    dst = jnp.concatenate([dst, loops])
    h = (x @ W).reshape(n, heads, out_ch)
    a_src = jnp.sum(h * att_src, axis=-1)  # [n, heads]
    a_dst = jnp.sum(h * att_dst, axis=-1)  # [n, heads]
    e = a_src[src] + a_dst[dst]            # [e, heads]
    e = jax.nn.leaky_relu(e, negative_slope=0.2)
    m = jax.ops.segment_max(e, dst, num_segments=n)
    m = jnp.where(jnp.isfinite(m), m, 0.0)
    ex = jnp.exp(e - m[dst])
    s = jax.ops.segment_sum(ex, dst, num_segments=n)
    alpha = ex / (s[dst] + 1e-16)          # softmax over incoming edges per dst
    msg = alpha[:, :, None] * h[src]       # [e, heads, out_ch]
    out = jax.ops.segment_sum(msg, dst, num_segments=n)
    return out.reshape(n, heads * out_ch) + bias


def setup_inputs(seed: int = 0) -> dict:
    key = jax.random.key(seed)
    ks = jax.random.split(key, 16)
    inp = {}
    inp["features"] = jax.random.normal(ks[0], (N, D_IN), dtype=jnp.float32)
    inp["edges"] = jax.random.randint(ks[1], (2, E), 0, N, dtype=jnp.int32)
    # gat1 params
    inp["W1"] = jax.random.normal(ks[2], (D_IN, HIDDEN * HEADS), dtype=jnp.float32) * 0.1
    inp["att_src1"] = jax.random.normal(ks[3], (1, HEADS, HIDDEN), dtype=jnp.float32) * 0.1
    inp["att_dst1"] = jax.random.normal(ks[4], (1, HEADS, HIDDEN), dtype=jnp.float32) * 0.1
    inp["b1"] = jnp.zeros((HIDDEN * HEADS,), dtype=jnp.float32)
    # gat2_mu params (heads=1)
    inp["W_mu"] = jax.random.normal(ks[5], (HIDDEN * HEADS, Z_DIM), dtype=jnp.float32) * 0.1
    inp["att_src_mu"] = jax.random.normal(ks[6], (1, 1, Z_DIM), dtype=jnp.float32) * 0.1
    inp["att_dst_mu"] = jax.random.normal(ks[7], (1, 1, Z_DIM), dtype=jnp.float32) * 0.1
    inp["b_mu"] = jnp.zeros((Z_DIM,), dtype=jnp.float32)
    # gat2_std params (heads=1)
    inp["W_std"] = jax.random.normal(ks[8], (HIDDEN * HEADS, Z_DIM), dtype=jnp.float32) * 0.1
    inp["att_src_std"] = jax.random.normal(ks[9], (1, 1, Z_DIM), dtype=jnp.float32) * 0.1
    inp["att_dst_std"] = jax.random.normal(ks[10], (1, 1, Z_DIM), dtype=jnp.float32) * 0.1
    inp["b_std"] = jnp.zeros((Z_DIM,), dtype=jnp.float32)
    return inp


def reference(features, edges, W1, att_src1, att_dst1, b1,
              W_mu, att_src_mu, att_dst_mu, b_mu,
              W_std, att_src_std, att_dst_std, b_std):
    h = _gat_layer(features, edges, W1, att_src1, att_dst1, b1, HEADS, HIDDEN)
    h = jax.nn.relu(h)
    # dropout p=0.0 -> identity
    mu = _gat_layer(h, edges, W_mu, att_src_mu, att_dst_mu, b_mu, 1, Z_DIM)
    std = _gat_layer(h, edges, W_std, att_src_std, att_dst_std, b_std, 1, Z_DIM)
    return (mu, std)

if __name__ == "__main__":
    import jax
    _d = setup_inputs()
    print(jax.jit(kernel)(*tuple(_d.values())))

</pallas_src>

<mosaic_0001>
#map = affine_map<(d0, d1) -> (0, 0)>
#map1 = affine_map<(d0, d1) -> (0, 0, 0)>
module attributes {stable_mosaic.version = 14 : i64} {
  func.func @_sc1_body(%arg0: i32, %arg1: i32, %arg2: memref<10112x72xf32, #tpu.memory_space<hbm>>, %arg3: memref<10112x16xf32, #tpu.memory_space<hbm>>, %arg4: memref<2560x128xi32, #tpu.memory_space<hbm>>, %arg5: memref<2560x128xi32, #tpu.memory_space<hbm>>, %arg6: memref<2x10112x72xf32, #tpu.memory_space<hbm>>, %arg7: memref<80x128xi32, #tpu.memory_space<vmem>>, %arg8: memref<80x128xi32, #tpu.memory_space<vmem>>, %arg9: memref<128x72xf32, #tpu.memory_space<vmem>>, %arg10: memref<128x72xf32, #tpu.memory_space<vmem>>, %arg11: memref<128x16xf32, #tpu.memory_space<vmem>>, %arg12: memref<128x16xf32, #tpu.memory_space<vmem>>, %arg13: memref<128x72xf32, #tpu.memory_space<vmem>>, %arg14: memref<128x72xf32, #tpu.memory_space<vmem>>, %arg15: memref<10112x72xf32, #tpu.memory_space<vmem_shared>>, %arg16: memref<!tpu.dma_semaphore, #tpu.memory_space<semaphore_mem>>, %arg17: memref<!tpu.dma_semaphore, #tpu.memory_space<semaphore_mem>>, %arg18: memref<!tpu.dma_semaphore, #tpu.memory_space<semaphore_mem>>, %arg19: memref<!tpu.dma_semaphore, #tpu.memory_space<semaphore_mem>>, %arg20: memref<!tpu.dma_semaphore, #tpu.memory_space<semaphore_mem>>, %arg21: memref<!tpu.dma_semaphore, #tpu.memory_space<semaphore_mem>>) attributes {dimension_semantics = [#tpu.dimension_semantics<core_parallel>, #tpu.dimension_semantics<subcore_parallel>], iteration_bounds = array<i64: 2, 16>, scalar_prefetch = 0 : i64, scratch_operands = 15 : i64, tpu.core_type = #tpu.core_type<sc_vector_subcore>, window_params = [{transform_indices = #map}, {transform_indices = #map}, {transform_indices = #map}, {transform_indices = #map}, {transform_indices = #map1}]} {
    %mul3A = arith.constant 16 : i32
    %mul3A_0 = arith.muli %arg0, %mul3A : i32
    %add3A = arith.addi %mul3A_0, %arg1 : i32
    %iota3A = tpu.iota {dimensions = array<i32: 0>} : vector<16xi32>
    %shift_right_arithmetic3A = arith.constant 3 : i32
    %shift_right_arithmetic3A_1 = vector.broadcast %shift_right_arithmetic3A : i32 to vector<16xi32>
    %shift_right_arithmetic3A_2 = arith.shrsi %iota3A, %shift_right_arithmetic3A_1 : vector<16xi32>
    %and3A = arith.constant 7 : i32
    %and3A_3 = vector.broadcast %and3A : i32 to vector<16xi32>
    %and3A_4 = arith.andi %iota3A, %and3A_3 : vector<16xi32>
    %lt3A = arith.constant 8 : i32
    %lt3A_5 = vector.broadcast %lt3A : i32 to vector<16xi32>
    %lt3A_6 = arith.cmpi slt, %iota3A, %lt3A_5 : vector<16xi32>
    %broadcast_in_dim3A = arith.constant 0.000000e+00 : f32
    %broadcast_in_dim3A_7 = vector.broadcast %broadcast_in_dim3A : f32 to vector<16xf32>
    %parallel_loop3A = arith.constant 0 : i32
    %parallel_loop3A_8 = arith.constant 128 : i32
    %parallel_loop3A_9 = arith.constant 1 : i32
    scf.for %parallel_loop3A_59 = %parallel_loop3A to %parallel_loop3A_8 step %parallel_loop3A_9  : i32 {
      %parallel_loop3A_60 = arith.index_cast %parallel_loop3A_59 : i32 to index
      %parallel_loop3A_61 = arith.constant 0 : index
      %parallel_loop3A_62 = tpu.vector_load %arg13[%parallel_loop3A_60, %parallel_loop3A_61] {strides = array<i32>} : memref<128x72xf32, #tpu.memory_space<vmem>>, vector<1x16xf32>,
      %parallel_loop3A_63 = vector.shape_cast %parallel_loop3A_62 : vector<1x16xf32> to vector<16xf32>
      %parallel_loop3A_64 = vector.shape_cast %broadcast_in_dim3A_7 : vector<16xf32> to vector<1x16xf32>
      tpu.vector_store %arg13[%parallel_loop3A_60, %parallel_loop3A_61], %parallel_loop3A_64 {strides = array<i32>} : memref<128x72xf32, #tpu.memory_space<vmem>>, vector<1x16xf32>,
      %parallel_loop3A_65 = arith.index_cast %parallel_loop3A_59 : i32 to index
      %parallel_loop3A_66 = arith.constant 16 : index
      %parallel_loop3A_67 = tpu.vector_load %arg13[%parallel_loop3A_65, %parallel_loop3A_66] {strides = array<i32>} : memref<128x72xf32, #tpu.memory_space<vmem>>, vector<1x16xf32>,
      %parallel_loop3A_68 = vector.shape_cast %parallel_loop3A_67 : vector<1x16xf32> to vector<16xf32>
      %parallel_loop3A_69 = vector.shape_cast %broadcast_in_dim3A_7 : vector<16xf32> to vector<1x16xf32>
      tpu.vector_store %arg13[%parallel_loop3A_65, %parallel_loop3A_66], %parallel_loop3A_69 {strides = array<i32>} : memref<128x72xf32, #tpu.memory_space<vmem>>, vector<1x16xf32>,
      %parallel_loop3A_70 = arith.index_cast %parallel_loop3A_59 : i32 to index
      %parallel_loop3A_71 = arith.constant 32 : index
      %parallel_loop3A_72 = tpu.vector_load %arg13[%parallel_loop3A_70, %parallel_loop3A_71] {strides = array<i32>} : memref<128x72xf32, #tpu.memory_space<vmem>>, vector<1x16xf32>,
      %parallel_loop3A_73 = vector.shape_cast %parallel_loop3A_72 : vector<1x16xf32> to vector<16xf32>
      %parallel_loop3A_74 = vector.shape_cast %broadcast_in_dim3A_7 : vector<16xf32> to vector<1x16xf32>
      tpu.vector_store %arg13[%parallel_loop3A_70, %parallel_loop3A_71], %parallel_loop3A_74 {strides = array<i32>} : memref<128x72xf32, #tpu.memory_space<vmem>>, vector<1x16xf32>,
      %parallel_loop3A_75 = arith.index_cast %parallel_loop3A_59 : i32 to index
      %parallel_loop3A_76 = arith.constant 48 : index
      %parallel_loop3A_77 = tpu.vector_load %arg13[%parallel_loop3A_75, %parallel_loop3A_76] {strides = array<i32>} : memref<128x72xf32, #tpu.memory_space<vmem>>, vector<1x16xf32>,
      %parallel_loop3A_78 = vector.shape_cast %parallel_loop3A_77 : vector<1x16xf32> to vector<16xf32>
      %parallel_loop3A_79 = vector.shape_cast %broadcast_in_dim3A_7 : vector<16xf32> to vector<1x16xf32>
      tpu.vector_store %arg13[%parallel_loop3A_75, %parallel_loop3A_76], %parallel_loop3A_79 {strides = array<i32>} : memref<128x72xf32, #tpu.memory_space<vmem>>, vector<1x16xf32>,
      %parallel_loop3A_80 = arith.index_cast %parallel_loop3A_59 : i32 to index
      %parallel_loop3A_81 = arith.constant 56 : index
      %parallel_loop3A_82 = tpu.vector_load %arg13[%parallel_loop3A_80, %parallel_loop3A_81] {strides = array<i32>} : memref<128x72xf32, #tpu.memory_space<vmem>>, vector<1x16xf32>,
      %parallel_loop3A_83 = vector.shape_cast %parallel_loop3A_82 : vector<1x16xf32> to vector<16xf32>
      %parallel_loop3A_84 = vector.shape_cast %broadcast_in_dim3A_7 : vector<16xf32> to vector<1x16xf32>
      tpu.vector_store %arg13[%parallel_loop3A_80, %parallel_loop3A_81], %parallel_loop3A_84 {strides = array<i32>} : memref<128x72xf32, #tpu.memory_space<vmem>>, vector<1x16xf32>,
    } {sc.loop_unroll_factor = 8 : i64, sc.parallel_access}
    %mul3A_10 = arith.constant 632 : i32
    %mul3A_11 = arith.muli %arg1, %mul3A_10 : i32
    %add3A_12 = arith.constant 0 : i32
    %add3A_13 = arith.addi %mul3A_11, %add3A_12 : i32
    "tpu.region"() ({
      %run_scoped3A = tpu.sem_alloc : memref<!tpu.dma_semaphore, #tpu.memory_space<semaphore_mem>>
      %dma_start3A_59 = arith.constant 0 : i32
      %dma_start3A_60 = tpu.memref_slice %arg15[%add3A_13, %dma_start3A_59] : memref<10112x72xf32, #tpu.memory_space<vmem_shared>> -> memref<128x72xf32, #tpu.memory_space<vmem_shared>>
      %dma_start3A_61 = arith.constant 0 : i32
      %dma_start3A_62 = tpu.memref_slice %arg15[%add3A_13, %dma_start3A_61] : memref<10112x72xf32, #tpu.memory_space<vmem_shared>> -> memref<128x72xf32, #tpu.memory_space<vmem_shared>>
      tpu.enqueue_dma source(%arg13 : memref<128x72xf32, #tpu.memory_space<vmem>>) target(%dma_start3A_62 : memref<128x72xf32, #tpu.memory_space<vmem_shared>>) target_semaphore(%run_scoped3A : memref<!tpu.dma_semaphore, #tpu.memory_space<semaphore_mem>>)
      %dma_wait3A_63 = arith.constant 0 : i32
      %dma_wait3A_64 = tpu.memref_slice %arg15[%add3A_13, %dma_wait3A_63] : memref<10112x72xf32, #tpu.memory_space<vmem_shared>> -> memref<128x72xf32, #tpu.memory_space<vmem_shared>>
      %dma_wait3A_65 = arith.constant 0 : i32
      %dma_wait3A_66 = tpu.memref_slice %arg15[%add3A_13, %dma_wait3A_65] : memref<10112x72xf32, #tpu.memory_space<vmem_shared>> -> memref<128x72xf32, #tpu.memory_space<vmem_shared>>
      tpu.wait_dma2 semaphore(%run_scoped3A : memref<!tpu.dma_semaphore, #tpu.memory_space<semaphore_mem>>) src(%arg13 : memref<128x72xf32, #tpu.memory_space<vmem>>) dst(%dma_wait3A_66 : memref<128x72xf32, #tpu.memory_space<vmem_shared>>)
      tpu.yield
    }) : () -> ()
    %add3A_14 = arith.constant 128 : i32
    %add3A_15 = arith.addi %mul3A_11, %add3A_14 : i32
    "tpu.region"() ({
      %run_scoped3A = tpu.sem_alloc : memref<!tpu.dma_semaphore, #tpu.memory_space<semaphore_mem>>
      %dma_start3A_59 = arith.constant 0 : i32
      %dma_start3A_60 = tpu.memref_slice %arg15[%add3A_15, %dma_start3A_59] : memref<10112x72xf32, #tpu.memory_space<vmem_shared>> -> memref<128x72xf32, #tpu.memory_space<vmem_shared>>
      %dma_start3A_61 = arith.constant 0 : i32
      %dma_start3A_62 = tpu.memref_slice %arg15[%add3A_15, %dma_start3A_61] : memref<10112x72xf32, #tpu.memory_space<vmem_shared>> -> memref<128x72xf32, #tpu.memory_space<vmem_shared>>
      tpu.enqueue_dma source(%arg13 : memref<128x72xf32, #tpu.memory_space<vmem>>) target(%dma_start3A_62 : memref<128x72xf32, #tpu.memory_space<vmem_shared>>) target_semaphore(%run_scoped3A : memref<!tpu.dma_semaphore, #tpu.memory_space<semaphore_mem>>)
      %dma_wait3A_63 = arith.constant 0 : i32
      %dma_wait3A_64 = tpu.memref_slice %arg15[%add3A_15, %dma_wait3A_63] : memref<10112x72xf32, #tpu.memory_space<vmem_shared>> -> memref<128x72xf32, #tpu.memory_space<vmem_shared>>
      %dma_wait3A_65 = arith.constant 0 : i32
      %dma_wait3A_66 = tpu.memref_slice %arg15[%add3A_15, %dma_wait3A_65] : memref<10112x72xf32, #tpu.memory_space<vmem_shared>> -> memref<128x72xf32, #tpu.memory_space<vmem_shared>>
      tpu.wait_dma2 semaphore(%run_scoped3A : memref<!tpu.dma_semaphore, #tpu.memory_space<semaphore_mem>>) src(%arg13 : memref<128x72xf32, #tpu.memory_space<vmem>>) dst(%dma_wait3A_66 : memref<128x72xf32, #tpu.memory_space<vmem_shared>>)
      tpu.yield
    }) : () -> ()
    %add3A_16 = arith.constant 256 : i32
    %add3A_17 = arith.addi %mul3A_11, %add3A_16 : i32
    "tpu.region"() ({
      %run_scoped3A = tpu.sem_alloc : memref<!tpu.dma_semaphore, #tpu.memory_space<semaphore_mem>>
      %dma_start3A_59 = arith.constant 0 : i32
      %dma_start3A_60 = tpu.memref_slice %arg15[%add3A_17, %dma_start3A_59] : memref<10112x72xf32, #tpu.memory_space<vmem_shared>> -> memref<128x72xf32, #tpu.memory_space<vmem_shared>>
      %dma_start3A_61 = arith.constant 0 : i32
      %dma_start3A_62 = tpu.memref_slice %arg15[%add3A_17, %dma_start3A_61] : memref<10112x72xf32, #tpu.memory_space<vmem_shared>> -> memref<128x72xf32, #tpu.memory_space<vmem_shared>>
      tpu.enqueue_dma source(%arg13 : memref<128x72xf32, #tpu.memory_space<vmem>>) target(%dma_start3A_62 : memref<128x72xf32, #tpu.memory_space<vmem_shared>>) target_semaphore(%run_scoped3A : memref<!tpu.dma_semaphore, #tpu.memory_space<semaphore_mem>>)
      %dma_wait3A_63 = arith.constant 0 : i32
      %dma_wait3A_64 = tpu.memref_slice %arg15[%add3A_17, %dma_wait3A_63] : memref<10112x72xf32, #tpu.memory_space<vmem_shared>> -> memref<128x72xf32, #tpu.memory_space<vmem_shared>>
      %dma_wait3A_65 = arith.constant 0 : i32
      %dma_wait3A_66 = tpu.memref_slice %arg15[%add3A_17, %dma_wait3A_65] : memref<10112x72xf32, #tpu.memory_space<vmem_shared>> -> memref<128x72xf32, #tpu.memory_space<vmem_shared>>
      tpu.wait_dma2 semaphore(%run_scoped3A : memref<!tpu.dma_semaphore, #tpu.memory_space<semaphore_mem>>) src(%arg13 : memref<128x72xf32, #tpu.memory_space<vmem>>) dst(%dma_wait3A_66 : memref<128x72xf32, #tpu.memory_space<vmem_shared>>)
      tpu.yield
    }) : () -> ()
    %add3A_18 = arith.constant 384 : i32
    %add3A_19 = arith.addi %mul3A_11, %add3A_18 : i32
    "tpu.region"() ({
      %run_scoped3A = tpu.sem_alloc : memref<!tpu.dma_semaphore, #tpu.memory_space<semaphore_mem>>
      %dma_start3A_59 = arith.constant 0 : i32
      %dma_start3A_60 = tpu.memref_slice %arg15[%add3A_19, %dma_start3A_59] : memref<10112x72xf32, #tpu.memory_space<vmem_shared>> -> memref<128x72xf32, #tpu.memory_space<vmem_shared>>
      %dma_start3A_61 = arith.constant 0 : i32
      %dma_start3A_62 = tpu.memref_slice %arg15[%add3A_19, %dma_start3A_61] : memref<10112x72xf32, #tpu.memory_space<vmem_shared>> -> memref<128x72xf32, #tpu.memory_space<vmem_shared>>
      tpu.enqueue_dma source(%arg13 : memref<128x72xf32, #tpu.memory_space<vmem>>) target(%dma_start3A_62 : memref<128x72xf32, #tpu.memory_space<vmem_shared>>) target_semaphore(%run_scoped3A : memref<!tpu.dma_semaphore, #tpu.memory_space<semaphore_mem>>)
      %dma_wait3A_63 = arith.constant 0 : i32
      %dma_wait3A_64 = tpu.memref_slice %arg15[%add3A_19, %dma_wait3A_63] : memref<10112x72xf32, #tpu.memory_space<vmem_shared>> -> memref<128x72xf32, #tpu.memory_space<vmem_shared>>
      %dma_wait3A_65 = arith.constant 0 : i32
      %dma_wait3A_66 = tpu.memref_slice %arg15[%add3A_19, %dma_wait3A_65] : memref<10112x72xf32, #tpu.memory_space<vmem_shared>> -> memref<128x72xf32, #tpu.memory_space<vmem_shared>>
      tpu.wait_dma2 semaphore(%run_scoped3A : memref<!tpu.dma_semaphore, #tpu.memory_space<semaphore_mem>>) src(%arg13 : memref<128x72xf32, #tpu.memory_space<vmem>>) dst(%dma_wait3A_66 : memref<128x72xf32, #tpu.memory_space<vmem_shared>>)
      tpu.yield
    }) : () -> ()
    %add3A_20 = arith.constant 512 : i32
    %add3A_21 = arith.addi %mul3A_11, %add3A_20 : i32
    "tpu.region"() ({
      %run_scoped3A = tpu.sem_alloc : memref<!tpu.dma_semaphore, #tpu.memory_space<semaphore_mem>>
      %dma_start3A_59 = arith.constant 0 : i32
      %dma_start3A_60 = arith.constant 0 : i32
      %dma_start3A_61 = tpu.memref_slice %arg13[%dma_start3A_59, %dma_start3A_60] : memref<128x72xf32, #tpu.memory_space<vmem>> -> memref<120x72xf32, #tpu.memory_space<vmem>>
      %dma_start3A_62 = arith.constant 0 : i32
      %dma_start3A_63 = tpu.memref_slice %arg15[%add3A_21, %dma_start3A_62] : memref<10112x72xf32, #tpu.memory_space<vmem_shared>> -> memref<120x72xf32, #tpu.memory_space<vmem_shared>>
      %dma_start3A_64 = arith.constant 0 : i32
      %dma_start3A_65 = tpu.memref_slice %arg15[%add3A_21, %dma_start3A_64] : memref<10112x72xf32, #tpu.memory_space<vmem_shared>> -> memref<120x72xf32, #tpu.memory_space<vmem_shared>>
      %dma_start3A_66 = arith.constant 0 : i32
      %dma_start3A_67 = arith.constant 0 : i32
      %dma_start3A_68 = tpu.memref_slice %arg13[%dma_start3A_66, %dma_start3A_67] : memref<128x72xf32, #tpu.memory_space<vmem>> -> memref<120x72xf32, #tpu.memory_space<vmem>>
      tpu.enqueue_dma source(%dma_start3A_68 : memref<120x72xf32, #tpu.memory_space<vmem>>) target(%dma_start3A_65 : memref<120x72xf32, #tpu.memory_space<vmem_shared>>) target_semaphore(%run_scoped3A : memref<!tpu.dma_semaphore, #tpu.memory_space<semaphore_mem>>)
      %dma_wait3A_69 = arith.constant 0 : i32
      %dma_wait3A_70 = arith.constant 0 : i32
      %dma_wait3A_71 = tpu.memref_slice %arg13[%dma_wait3A_69, %dma_wait3A_70] : memref<128x72xf32, #tpu.memory_space<vmem>> -> memref<120x72xf32, #tpu.memory_space<vmem>>
      %dma_wait3A_72 = arith.constant 0 : i32
      %dma_wait3A_73 = tpu.memref_slice %arg15[%add3A_21, %dma_wait3A_72] : memref<10112x72xf32, #tpu.memory_space<vmem_shared>> -> memref<120x72xf32, #tpu.memory_space<vmem_shared>>
      %dma_wait3A_74 = arith.constant 0 : i32
      %dma_wait3A_75 = tpu.memref_slice %arg15[%add3A_21, %dma_wait3A_74] : memref<10112x72xf32, #tpu.memory_space<vmem_shared>> -> memref<120x72xf32, #tpu.memory_space<vmem_shared>>
      %dma_wait3A_76 = arith.constant 0 : i32
      %dma_wait3A_77 = arith.constant 0 : i32
      %dma_wait3A_78 = tpu.memref_slice %arg13[%dma_wait3A_76, %dma_wait3A_77] : memref<128x72xf32, #tpu.memory_space<vmem>> -> memref<120x72xf32, #tpu.memory_space<vmem>>
      tpu.wait_dma2 semaphore(%run_scoped3A : memref<!tpu.dma_semaphore, #tpu.memory_space<semaphore_mem>>) src(%dma_wait3A_78 : memref<120x72xf32, #tpu.memory_space<vmem>>) dst(%dma_wait3A_75 : memref<120x72xf32, #tpu.memory_space<vmem_shared>>)
      tpu.yield
    }) : () -> ()
    %barrier3A = arith.constant 0 : index
    tpu.barrier barrier_id(%barrier3A)
    %mul3A_22 = arith.constant 80 : i32
    %mul3A_23 = arith.muli %add3A, %mul3A_22 : i32
    "tpu.region"() ({
      %run_scoped3A = tpu.sem_alloc : memref<!tpu.dma_semaphore, #tpu.memory_space<semaphore_mem>>
      %dma_start3A_59 = arith.constant 0 : i32
      %dma_start3A_60 = tpu.memref_slice %arg4[%mul3A_23, %dma_start3A_59] : memref<2560x128xi32, #tpu.memory_space<hbm>> -> memref<80x128xi32, #tpu.memory_space<hbm>>
      %dma_start3A_61 = arith.constant 0 : i32
      %dma_start3A_62 = tpu.memref_slice %arg4[%mul3A_23, %dma_start3A_61] : memref<2560x128xi32, #tpu.memory_space<hbm>> -> memref<80x128xi32, #tpu.memory_space<hbm>>
      tpu.enqueue_dma source(%dma_start3A_62 : memref<80x128xi32, #tpu.memory_space<hbm>>) target(%arg7 : memref<80x128xi32, #tpu.memory_space<vmem>>) target_semaphore(%run_scoped3A : memref<!tpu.dma_semaphore, #tpu.memory_space<semaphore_mem>>)
      %dma_wait3A_63 = arith.constant 0 : i32
      %dma_wait3A_64 = tpu.memref_slice %arg4[%mul3A_23, %dma_wait3A_63] : memref<2560x128xi32, #tpu.memory_space<hbm>> -> memref<80x128xi32, #tpu.memory_space<hbm>>
      %dma_wait3A_65 = arith.constant 0 : i32
      %dma_wait3A_66 = tpu.memref_slice %arg4[%mul3A_23, %dma_wait3A_65] : memref<2560x128xi32, #tpu.memory_space<hbm>> -> memref<80x128xi32, #tpu.memory_space<hbm>>
      tpu.wait_dma2 semaphore(%run_scoped3A : memref<!tpu.dma_semaphore, #tpu.memory_space<semaphore_mem>>) src(%dma_wait3A_66 : memref<80x128xi32, #tpu.memory_space<hbm>>) dst(%arg7 : memref<80x128xi32, #tpu.memory_space<vmem>>)
      tpu.yield
    }) : () -> ()
    %mul3A_24 = arith.constant 80 : i32
    %mul3A_25 = arith.muli %add3A, %mul3A_24 : i32
    "tpu.region"() ({
      %run_scoped3A = tpu.sem_alloc : memref<!tpu.dma_semaphore, #tpu.memory_space<semaphore_mem>>
      %dma_start3A_59 = arith.constant 0 : i32
      %dma_start3A_60 = tpu.memref_slice %arg5[%mul3A_25, %dma_start3A_59] : memref<2560x128xi32, #tpu.memory_space<hbm>> -> memref<80x128xi32, #tpu.memory_space<hbm>>
      %dma_start3A_61 = arith.constant 0 : i32
      %dma_start3A_62 = tpu.memref_slice %arg5[%mul3A_25, %dma_start3A_61] : memref<2560x128xi32, #tpu.memory_space<hbm>> -> memref<80x128xi32, #tpu.memory_space<hbm>>
      tpu.enqueue_dma source(%dma_start3A_62 : memref<80x128xi32, #tpu.memory_space<hbm>>) target(%arg8 : memref<80x128xi32, #tpu.memory_space<vmem>>) target_semaphore(%run_scoped3A : memref<!tpu.dma_semaphore, #tpu.memory_space<semaphore_mem>>)
      %dma_wait3A_63 = arith.constant 0 : i32
      %dma_wait3A_64 = tpu.memref_slice %arg5[%mul3A_25, %dma_wait3A_63] : memref<2560x128xi32, #tpu.memory_space<hbm>> -> memref<80x128xi32, #tpu.memory_space<hbm>>
      %dma_wait3A_65 = arith.constant 0 : i32
      %dma_wait3A_66 = tpu.memref_slice %arg5[%mul3A_25, %dma_wait3A_65] : memref<2560x128xi32, #tpu.memory_space<hbm>> -> memref<80x128xi32, #tpu.memory_space<hbm>>
      tpu.wait_dma2 semaphore(%run_scoped3A : memref<!tpu.dma_semaphore, #tpu.memory_space<semaphore_mem>>) src(%dma_wait3A_66 : memref<80x128xi32, #tpu.memory_space<hbm>>) dst(%arg8 : memref<80x128xi32, #tpu.memory_space<vmem>>)
      tpu.yield
    }) : () -> ()
    %dma_start3A = arith.constant 0 : i32
    %dma_start3A_26 = arith.constant 0 : i32
    %dma_start3A_27 = tpu.memref_slice %arg7[%dma_start3A, %dma_start3A_26] : memref<80x128xi32, #tpu.memory_space<vmem>> -> memref<1x128xi32, #tpu.memory_space<vmem>>
    %dma_start3A_28 = tpu.memref_squeeze %dma_start3A_27 : memref<1x128xi32, #tpu.memory_space<vmem>> -> memref<128xi32, #tpu.memory_space<vmem>>
    %dma_start3A_29 = arith.constant 0 : i32
    %dma_start3A_30 = arith.constant 0 : i32
    %dma_start3A_31 = tpu.memref_slice %arg2[%dma_start3A_29, %dma_start3A_30] : memref<10112x72xf32, #tpu.memory_space<hbm>> -> memref<10112x72xf32, #tpu.memory_space<hbm>>
    tpu.enqueue_indirect_dma source(%dma_start3A_31 : memref<10112x72xf32, #tpu.memory_space<hbm>>) target(%arg9 : memref<128x72xf32, #tpu.memory_space<vmem>>) offsets(%dma_start3A_28 : memref<128xi32, #tpu.memory_space<vmem>>) semaphore(%arg16 : memref<!tpu.dma_semaphore, #tpu.memory_space<semaphore_mem>>)
    %dma_start3A_32 = arith.constant 0 : i32
    %dma_start3A_33 = arith.constant 0 : i32
    %dma_start3A_34 = tpu.memref_slice %arg8[%dma_start3A_32, %dma_start3A_33] : memref<80x128xi32, #tpu.memory_space<vmem>> -> memref<1x128xi32, #tpu.memory_space<vmem>>
    %dma_start3A_35 = tpu.memref_squeeze %dma_start3A_34 : memref<1x128xi32, #tpu.memory_space<vmem>> -> memref<128xi32, #tpu.memory_space<vmem>>
    %dma_start3A_36 = arith.constant 0 : i32
    %dma_start3A_37 = arith.constant 0 : i32
    %dma_start3A_38 = tpu.memref_slice %arg3[%dma_start3A_36, %dma_start3A_37] : memref<10112x16xf32, #tpu.memory_space<hbm>> -> memref<10112x16xf32, #tpu.memory_space<hbm>>
    tpu.enqueue_indirect_dma source(%dma_start3A_38 : memref<10112x16xf32, #tpu.memory_space<hbm>>) target(%arg11 : memref<128x16xf32, #tpu.memory_space<vmem>>) offsets(%dma_start3A_35 : memref<128xi32, #tpu.memory_space<vmem>>) semaphore(%arg18 : memref<!tpu.dma_semaphore, #tpu.memory_space<semaphore_mem>>)
    %scan3A = arith.constant 0 : i32
    %scan3A_39 = arith.constant 0 : i32
    %scan3A_40 = arith.constant 40 : i32
    %scan3A_41 = arith.addi %scan3A_39, %scan3A_40 : i32
    %scan3A_42 = arith.constant 1 : i32
    %scan3A_43 = scf.for %scan3A_59 = %scan3A_39 to %scan3A_41 step %scan3A_42 iter_args(%scan3A_60 = %scan3A) -> (i32)  : i32 {
      %mul3A_61 = arith.constant 2 : i32
      %mul3A_62 = arith.muli %mul3A_61, %scan3A_59 : i32
      %add3A_63 = arith.constant 1 : i32
      %add3A_64 = arith.addi %mul3A_62, %add3A_63 : i32
      %lt3A_65 = arith.constant 80 : i32
      %lt3A_66 = arith.cmpi slt, %add3A_64, %lt3A_65 : i32
      %convert_element_type3A = arith.extui %lt3A_66 : i1 to i32
      %cond3A = arith.constant 0 : i32
      %cond3A_67 = arith.cmpi ne, %convert_element_type3A, %cond3A : i32
      scf.if %cond3A_67 {
        %add3A_131 = arith.constant 1 : i32
        %add3A_132 = arith.addi %mul3A_62, %add3A_131 : i32
        %dma_start3A_133 = arith.constant 0 : i32
        %dma_start3A_134 = tpu.memref_slice %arg7[%add3A_132, %dma_start3A_133] : memref<80x128xi32, #tpu.memory_space<vmem>> -> memref<1x128xi32, #tpu.memory_space<vmem>>
        %dma_start3A_135 = tpu.memref_squeeze %dma_start3A_134 : memref<1x128xi32, #tpu.memory_space<vmem>> -> memref<128xi32, #tpu.memory_space<vmem>>
        %dma_start3A_136 = arith.constant 0 : i32
        %dma_start3A_137 = arith.constant 0 : i32
        %dma_start3A_138 = tpu.memref_slice %arg2[%dma_start3A_136, %dma_start3A_137] : memref<10112x72xf32, #tpu.memory_space<hbm>> -> memref<10112x72xf32, #tpu.memory_space<hbm>>
        tpu.enqueue_indirect_dma source(%dma_start3A_138 : memref<10112x72xf32, #tpu.memory_space<hbm>>) target(%arg10 : memref<128x72xf32, #tpu.memory_space<vmem>>) offsets(%dma_start3A_135 : memref<128xi32, #tpu.memory_space<vmem>>) semaphore(%arg17 : memref<!tpu.dma_semaphore, #tpu.memory_space<semaphore_mem>>)
        %dma_start3A_139 = arith.constant 0 : i32
        %dma_start3A_140 = tpu.memref_slice %arg8[%add3A_132, %dma_start3A_139] : memref<80x128xi32, #tpu.memory_space<vmem>> -> memref<1x128xi32, #tpu.memory_space<vmem>>
        %dma_start3A_141 = tpu.memref_squeeze %dma_start3A_140 : memref<1x128xi32, #tpu.memory_space<vmem>> -> memref<128xi32, #tpu.memory_space<vmem>>
        %dma_start3A_142 = arith.constant 0 : i32
        %dma_start3A_143 = arith.constant 0 : i32
        %dma_start3A_144 = tpu.memref_slice %arg3[%dma_start3A_142, %dma_start3A_143] : memref<10112x16xf32, #tpu.memory_space<hbm>> -> memref<10112x16xf32, #tpu.memory_space<hbm>>
        tpu.enqueue_indirect_dma source(%dma_start3A_144 : memref<10112x16xf32, #tpu.memory_space<hbm>>) target(%arg12 : memref<128x16xf32, #tpu.memory_space<vmem>>) offsets(%dma_start3A_141 : memref<128xi32, #tpu.memory_space<vmem>>) semaphore(%arg19 : memref<!tpu.dma_semaphore, #tpu.memory_space<semaphore_mem>>)
      } else {
      }
      %dma_wait3A_68 = arith.constant 0 : i32
      %dma_wait3A_69 = tpu.memref_slice %arg7[%mul3A_62, %dma_wait3A_68] : memref<80x128xi32, #tpu.memory_space<vmem>> -> memref<1x128xi32, #tpu.memory_space<vmem>>
      %dma_wait3A_70 = tpu.memref_squeeze %dma_wait3A_69 : memref<1x128xi32, #tpu.memory_space<vmem>> -> memref<128xi32, #tpu.memory_space<vmem>>
      %dma_wait3A_71 = arith.constant 0 : i32
      %dma_wait3A_72 = arith.constant 0 : i32
      %dma_wait3A_73 = tpu.memref_slice %arg2[%dma_wait3A_71, %dma_wait3A_72] : memref<10112x72xf32, #tpu.memory_space<hbm>> -> memref<10112x72xf32, #tpu.memory_space<hbm>>
      tpu.wait_indirect_dma semaphore(%arg16 : memref<!tpu.dma_semaphore, #tpu.memory_space<semaphore_mem>>) src(%dma_wait3A_73 : memref<10112x72xf32, #tpu.memory_space<hbm>>) dst(%arg9 : memref<128x72xf32, #tpu.memory_space<vmem>>)
      %dma_wait3A_74 = arith.constant 0 : i32
      %dma_wait3A_75 = tpu.memref_slice %arg8[%mul3A_62, %dma_wait3A_74] : memref<80x128xi32, #tpu.memory_space<vmem>> -> memref<1x128xi32, #tpu.memory_space<vmem>>
      %dma_wait3A_76 = tpu.memref_squeeze %dma_wait3A_75 : memref<1x128xi32, #tpu.memory_space<vmem>> -> memref<128xi32, #tpu.memory_space<vmem>>
      %dma_wait3A_77 = arith.constant 0 : i32
      %dma_wait3A_78 = arith.constant 0 : i32
      %dma_wait3A_79 = tpu.memref_slice %arg3[%dma_wait3A_77, %dma_wait3A_78] : memref<10112x16xf32, #tpu.memory_space<hbm>> -> memref<10112x16xf32, #tpu.memory_space<hbm>>
      tpu.wait_indirect_dma semaphore(%arg18 : memref<!tpu.dma_semaphore, #tpu.memory_space<semaphore_mem>>) src(%dma_wait3A_79 : memref<10112x16xf32, #tpu.memory_space<hbm>>) dst(%arg11 : memref<128x16xf32, #tpu.memory_space<vmem>>)
      %ge3A = arith.constant 2 : i32
      %ge3A_80 = arith.cmpi sge, %mul3A_62, %ge3A : i32
      %convert_element_type3A_81 = arith.extui %ge3A_80 : i1 to i32
      %cond3A_82 = arith.constant 0 : i32
      %cond3A_83 = arith.cmpi ne, %convert_element_type3A_81, %cond3A_82 : i32
      scf.if %cond3A_83 {
        %sub3A = arith.constant 2 : i32
        %sub3A_131 = arith.subi %mul3A_62, %sub3A : i32
        %dma_wait3A_132 = arith.constant 0 : i32
        %dma_wait3A_133 = tpu.memref_slice %arg8[%sub3A_131, %dma_wait3A_132] : memref<80x128xi32, #tpu.memory_space<vmem>> -> memref<1x128xi32, #tpu.memory_space<vmem>>
        %dma_wait3A_134 = tpu.memref_squeeze %dma_wait3A_133 : memref<1x128xi32, #tpu.memory_space<vmem>> -> memref<128xi32, #tpu.memory_space<vmem>>
        %dma_wait3A_135 = arith.constant 0 : i32
        %dma_wait3A_136 = arith.constant 0 : i32
        %dma_wait3A_137 = tpu.memref_slice %arg15[%dma_wait3A_135, %dma_wait3A_136] : memref<10112x72xf32, #tpu.memory_space<vmem_shared>> -> memref<10112x72xf32, #tpu.memory_space<vmem_shared>>
        tpu.wait_indirect_dma semaphore(%arg20 : memref<!tpu.dma_semaphore, #tpu.memory_space<semaphore_mem>>) src(%arg13 : memref<128x72xf32, #tpu.memory_space<vmem>>) dst(%dma_wait3A_137 : memref<10112x72xf32, #tpu.memory_space<vmem_shared>>)
      } else {
      }
      %parallel_loop3A_84 = arith.constant 0 : i32
      %parallel_loop3A_85 = arith.constant 128 : i32
      %parallel_loop3A_86 = arith.constant 1 : i32
      scf.for %parallel_loop3A_131 = %parallel_loop3A_84 to %parallel_loop3A_85 step %parallel_loop3A_86  : i32 {
        %parallel_loop3A_132 = arith.index_cast %parallel_loop3A_131 : i32 to index
        %parallel_loop3A_133 = arith.constant 56 : index
        %parallel_loop3A_134 = tpu.vector_load %arg9[%parallel_loop3A_132, %parallel_loop3A_133] {strides = array<i32>} : memref<128x72xf32, #tpu.memory_space<vmem>>, vector<1x16xf32>,
        %parallel_loop3A_135 = vector.shape_cast %parallel_loop3A_134 : vector<1x16xf32> to vector<16xf32>
        %parallel_loop3A_136 = arith.index_cast %parallel_loop3A_131 : i32 to index
        %parallel_loop3A_137 = arith.constant 0 : index
        %parallel_loop3A_138 = tpu.vector_load %arg11[%parallel_loop3A_136, %parallel_loop3A_137] {strides = array<i32>} : memref<128x16xf32, #tpu.memory_space<vmem>>, vector<1x16xf32>,
        %parallel_loop3A_139 = vector.shape_cast %parallel_loop3A_138 : vector<1x16xf32> to vector<16xf32>
        %parallel_loop3A_140 = arith.addf %parallel_loop3A_135, %parallel_loop3A_139 : vector<16xf32>
        %parallel_loop3A_141 = arith.constant 2.000000e-01 : f32
        %parallel_loop3A_142 = vector.broadcast %parallel_loop3A_141 : f32 to vector<16xf32>
        %parallel_loop3A_143 = arith.mulf %parallel_loop3A_142, %parallel_loop3A_140 : vector<16xf32>
        %parallel_loop3A_144 = arith.maximumf %parallel_loop3A_140, %parallel_loop3A_143 : vector<16xf32>
        %parallel_loop3A_145 = math.exp %parallel_loop3A_144 : vector<16xf32>
        %parallel_loop3A_146 = arith.constant 8 : i32
        %parallel_loop3A_147 = vector.broadcast %parallel_loop3A_146 : i32 to vector<16xi32>
        %parallel_loop3A_148 = arith.addi %parallel_loop3A_147, %shift_right_arithmetic3A_2 : vector<16xi32>
        %parallel_loop3A_149 = arith.constant 0 : i32
        %parallel_loop3A_150 = vector.broadcast %parallel_loop3A_149 : i32 to vector<16xi32>
        %parallel_loop3A_151 = arith.cmpi slt, %parallel_loop3A_148, %parallel_loop3A_150 : vector<16xi32>
        %parallel_loop3A_152 = arith.constant 16 : i32
        %parallel_loop3A_153 = vector.broadcast %parallel_loop3A_152 : i32 to vector<16xi32>
        %parallel_loop3A_154 = arith.addi %parallel_loop3A_148, %parallel_loop3A_153 : vector<16xi32>
        %parallel_loop3A_155 = arith.select %parallel_loop3A_151, %parallel_loop3A_154, %parallel_loop3A_148 : vector<16xi1>, vector<16xi32>
        %parallel_loop3A_156 = vector.shape_cast %parallel_loop3A_155 : vector<16xi32> to vector<16x1xi32>
        %parallel_loop3A_157 = vector.shape_cast %parallel_loop3A_156 : vector<16x1xi32> to vector<16xi32>
        %parallel_loop3A_158 = tpu.dynamic_gather %parallel_loop3A_145[%parallel_loop3A_157] in [0] : vector<16xf32>, vector<16xi32> -> vector<16xf32>
        %parallel_loop3A_159 = arith.index_cast %parallel_loop3A_131 : i32 to index
        %parallel_loop3A_160 = arith.constant 0 : index
        %parallel_loop3A_161 = tpu.vector_load %arg9[%parallel_loop3A_159, %parallel_loop3A_160] {strides = array<i32>} : memref<128x72xf32, #tpu.memory_space<vmem>>, vector<1x16xf32>,
        %parallel_loop3A_162 = vector.shape_cast %parallel_loop3A_161 : vector<1x16xf32> to vector<16xf32>
        %parallel_loop3A_163 = arith.mulf %parallel_loop3A_162, %parallel_loop3A_158 : vector<16xf32>
        %parallel_loop3A_164 = arith.index_cast %parallel_loop3A_131 : i32 to index
        %parallel_loop3A_165 = arith.constant 0 : index
        %parallel_loop3A_166 = tpu.vector_load %arg13[%parallel_loop3A_164, %parallel_loop3A_165] {strides = array<i32>} : memref<128x72xf32, #tpu.memory_space<vmem>>, vector<1x16xf32>,
        %parallel_loop3A_167 = vector.shape_cast %parallel_loop3A_166 : vector<1x16xf32> to vector<16xf32>
        %parallel_loop3A_168 = vector.shape_cast %parallel_loop3A_163 : vector<16xf32> to vector<1x16xf32>
        tpu.vector_store %arg13[%parallel_loop3A_164, %parallel_loop3A_165], %parallel_loop3A_168 {strides = array<i32>} : memref<128x72xf32, #tpu.memory_space<vmem>>, vector<1x16xf32>,
        %parallel_loop3A_169 = arith.constant 10 : i32
        %parallel_loop3A_170 = vector.broadcast %parallel_loop3A_169 : i32 to vector<16xi32>
        %parallel_loop3A_171 = arith.addi %parallel_loop3A_170, %shift_right_arithmetic3A_2 : vector<16xi32>
        %parallel_loop3A_172 = arith.constant 0 : i32
        %parallel_loop3A_173 = vector.broadcast %parallel_loop3A_172 : i32 to vector<16xi32>
        %parallel_loop3A_174 = arith.cmpi slt, %parallel_loop3A_171, %parallel_loop3A_173 : vector<16xi32>
        %parallel_loop3A_175 = arith.constant 16 : i32
        %parallel_loop3A_176 = vector.broadcast %parallel_loop3A_175 : i32 to vector<16xi32>
        %parallel_loop3A_177 = arith.addi %parallel_loop3A_171, %parallel_loop3A_176 : vector<16xi32>
        %parallel_loop3A_178 = arith.select %parallel_loop3A_174, %parallel_loop3A_177, %parallel_loop3A_171 : vector<16xi1>, vector<16xi32>
        %parallel_loop3A_179 = vector.shape_cast %parallel_loop3A_178 : vector<16xi32> to vector<16x1xi32>
        %parallel_loop3A_180 = vector.shape_cast %parallel_loop3A_179 : vector<16x1xi32> to vector<16xi32>
        %parallel_loop3A_181 = tpu.dynamic_gather %parallel_loop3A_145[%parallel_loop3A_180] in [0] : vector<16xf32>, vector<16xi32> -> vector<16xf32>
        %parallel_loop3A_182 = arith.index_cast %parallel_loop3A_131 : i32 to index
        %parallel_loop3A_183 = arith.constant 16 : index
        %parallel_loop3A_184 = tpu.vector_load %arg9[%parallel_loop3A_182, %parallel_loop3A_183] {strides = array<i32>} : memref<128x72xf32, #tpu.memory_space<vmem>>, vector<1x16xf32>,
        %parallel_loop3A_185 = vector.shape_cast %parallel_loop3A_184 : vector<1x16xf32> to vector<16xf32>
        %parallel_loop3A_186 = arith.mulf %parallel_loop3A_185, %parallel_loop3A_181 : vector<16xf32>
        %parallel_loop3A_187 = arith.index_cast %parallel_loop3A_131 : i32 to index
        %parallel_loop3A_188 = arith.constant 16 : index
        %parallel_loop3A_189 = tpu.vector_load %arg13[%parallel_loop3A_187, %parallel_loop3A_188] {strides = array<i32>} : memref<128x72xf32, #tpu.memory_space<vmem>>, vector<1x16xf32>,
        %parallel_loop3A_190 = vector.shape_cast %parallel_loop3A_189 : vector<1x16xf32> to vector<16xf32>
        %parallel_loop3A_191 = vector.shape_cast %parallel_loop3A_186 : vector<16xf32> to vector<1x16xf32>
        tpu.vector_store %arg13[%parallel_loop3A_187, %parallel_loop3A_188], %parallel_loop3A_191 {strides = array<i32>} : memref<128x72xf32, #tpu.memory_space<vmem>>, vector<1x16xf32>,
        %parallel_loop3A_192 = arith.constant 12 : i32
        %parallel_loop3A_193 = vector.broadcast %parallel_loop3A_192 : i32 to vector<16xi32>
        %parallel_loop3A_194 = arith.addi %parallel_loop3A_193, %shift_right_arithmetic3A_2 : vector<16xi32>
        %parallel_loop3A_195 = arith.constant 0 : i32
        %parallel_loop3A_196 = vector.broadcast %parallel_loop3A_195 : i32 to vector<16xi32>
        %parallel_loop3A_197 = arith.cmpi slt, %parallel_loop3A_194, %parallel_loop3A_196 : vector<16xi32>
        %parallel_loop3A_198 = arith.constant 16 : i32
        %parallel_loop3A_199 = vector.broadcast %parallel_loop3A_198 : i32 to vector<16xi32>
        %parallel_loop3A_200 = arith.addi %parallel_loop3A_194, %parallel_loop3A_199 : vector<16xi32>
        %parallel_loop3A_201 = arith.select %parallel_loop3A_197, %parallel_loop3A_200, %parallel_loop3A_194 : vector<16xi1>, vector<16xi32>
        %parallel_loop3A_202 = vector.shape_cast %parallel_loop3A_201 : vector<16xi32> to vector<16x1xi32>
        %parallel_loop3A_203 = vector.shape_cast %parallel_loop3A_202 : vector<16x1xi32> to vector<16xi32>
        %parallel_loop3A_204 = tpu.dynamic_gather %parallel_loop3A_145[%parallel_loop3A_203] in [0] : vector<16xf32>, vector<16xi32> -> vector<16xf32>
        %parallel_loop3A_205 = arith.index_cast %parallel_loop3A_131 : i32 to index
        %parallel_loop3A_206 = arith.constant 32 : index
        %parallel_loop3A_207 = tpu.vector_load %arg9[%parallel_loop3A_205, %parallel_loop3A_206] {strides = array<i32>} : memref<128x72xf32, #tpu.memory_space<vmem>>, vector<1x16xf32>,
        %parallel_loop3A_208 = vector.shape_cast %parallel_loop3A_207 : vector<1x16xf32> to vector<16xf32>
        %parallel_loop3A_209 = arith.mulf %parallel_loop3A_208, %parallel_loop3A_204 : vector<16xf32>
        %parallel_loop3A_210 = arith.index_cast %parallel_loop3A_131 : i32 to index
        %parallel_loop3A_211 = arith.constant 32 : index
        %parallel_loop3A_212 = tpu.vector_load %arg13[%parallel_loop3A_210, %parallel_loop3A_211] {strides = array<i32>} : memref<128x72xf32, #tpu.memory_space<vmem>>, vector<1x16xf32>,
        %parallel_loop3A_213 = vector.shape_cast %parallel_loop3A_212 : vector<1x16xf32> to vector<16xf32>
        %parallel_loop3A_214 = vector.shape_cast %parallel_loop3A_209 : vector<16xf32> to vector<1x16xf32>
        tpu.vector_store %arg13[%parallel_loop3A_210, %parallel_loop3A_211], %parallel_loop3A_214 {strides = array<i32>} : memref<128x72xf32, #tpu.memory_space<vmem>>, vector<1x16xf32>,
        %parallel_loop3A_215 = arith.constant 14 : i32
        %parallel_loop3A_216 = vector.broadcast %parallel_loop3A_215 : i32 to vector<16xi32>
        %parallel_loop3A_217 = arith.addi %parallel_loop3A_216, %shift_right_arithmetic3A_2 : vector<16xi32>
        %parallel_loop3A_218 = arith.constant 0 : i32
        %parallel_loop3A_219 = vector.broadcast %parallel_loop3A_218 : i32 to vector<16xi32>
        %parallel_loop3A_220 = arith.cmpi slt, %parallel_loop3A_217, %parallel_loop3A_219 : vector<16xi32>
        %parallel_loop3A_221 = arith.constant 16 : i32
        %parallel_loop3A_222 = vector.broadcast %parallel_loop3A_221 : i32 to vector<16xi32>
        %parallel_loop3A_223 = arith.addi %parallel_loop3A_217, %parallel_loop3A_222 : vector<16xi32>
        %parallel_loop3A_224 = arith.select %parallel_loop3A_220, %parallel_loop3A_223, %parallel_loop3A_217 : vector<16xi1>, vector<16xi32>
        %parallel_loop3A_225 = vector.shape_cast %parallel_loop3A_224 : vector<16xi32> to vector<16x1xi32>
        %parallel_loop3A_226 = vector.shape_cast %parallel_loop3A_225 : vector<16x1xi32> to vector<16xi32>
        %parallel_loop3A_227 = tpu.dynamic_gather %parallel_loop3A_145[%parallel_loop3A_226] in [0] : vector<16xf32>, vector<16xi32> -> vector<16xf32>
        %parallel_loop3A_228 = arith.index_cast %parallel_loop3A_131 : i32 to index
        %parallel_loop3A_229 = arith.constant 48 : index
        %parallel_loop3A_230 = tpu.vector_load %arg9[%parallel_loop3A_228, %parallel_loop3A_229] {strides = array<i32>} : memref<128x72xf32, #tpu.memory_space<vmem>>, vector<1x16xf32>,
        %parallel_loop3A_231 = vector.shape_cast %parallel_loop3A_230 : vector<1x16xf32> to vector<16xf32>
        %parallel_loop3A_232 = arith.mulf %parallel_loop3A_231, %parallel_loop3A_227 : vector<16xf32>
        %parallel_loop3A_233 = arith.index_cast %parallel_loop3A_131 : i32 to index
        %parallel_loop3A_234 = arith.constant 48 : index
        %parallel_loop3A_235 = tpu.vector_load %arg13[%parallel_loop3A_233, %parallel_loop3A_234] {strides = array<i32>} : memref<128x72xf32, #tpu.memory_space<vmem>>, vector<1x16xf32>,
        %parallel_loop3A_236 = vector.shape_cast %parallel_loop3A_235 : vector<1x16xf32> to vector<16xf32>
        %parallel_loop3A_237 = vector.shape_cast %parallel_loop3A_232 : vector<16xf32> to vector<1x16xf32>
        tpu.vector_store %arg13[%parallel_loop3A_233, %parallel_loop3A_234], %parallel_loop3A_237 {strides = array<i32>} : memref<128x72xf32, #tpu.memory_space<vmem>>, vector<1x16xf32>,
        %parallel_loop3A_238 = arith.constant 8 : i32
        %parallel_loop3A_239 = vector.broadcast %parallel_loop3A_238 : i32 to vector<16xi32>
        %parallel_loop3A_240 = arith.addi %parallel_loop3A_239, %and3A_4 : vector<16xi32>
        %parallel_loop3A_241 = arith.constant 0 : i32
        %parallel_loop3A_242 = vector.broadcast %parallel_loop3A_241 : i32 to vector<16xi32>
        %parallel_loop3A_243 = arith.cmpi slt, %parallel_loop3A_240, %parallel_loop3A_242 : vector<16xi32>
        %parallel_loop3A_244 = arith.constant 16 : i32
        %parallel_loop3A_245 = vector.broadcast %parallel_loop3A_244 : i32 to vector<16xi32>
        %parallel_loop3A_246 = arith.addi %parallel_loop3A_240, %parallel_loop3A_245 : vector<16xi32>
        %parallel_loop3A_247 = arith.select %parallel_loop3A_243, %parallel_loop3A_246, %parallel_loop3A_240 : vector<16xi1>, vector<16xi32>
        %parallel_loop3A_248 = vector.shape_cast %parallel_loop3A_247 : vector<16xi32> to vector<16x1xi32>
        %parallel_loop3A_249 = vector.shape_cast %parallel_loop3A_248 : vector<16x1xi32> to vector<16xi32>
        %parallel_loop3A_250 = tpu.dynamic_gather %parallel_loop3A_232[%parallel_loop3A_249] in [0] : vector<16xf32>, vector<16xi32> -> vector<16xf32>
        %parallel_loop3A_251 = arith.constant 8 : i32
        %parallel_loop3A_252 = vector.broadcast %parallel_loop3A_251 : i32 to vector<16xi32>
        %parallel_loop3A_253 = arith.addi %parallel_loop3A_252, %and3A_4 : vector<16xi32>
        %parallel_loop3A_254 = arith.constant 0 : i32
        %parallel_loop3A_255 = vector.broadcast %parallel_loop3A_254 : i32 to vector<16xi32>
        %parallel_loop3A_256 = arith.cmpi slt, %parallel_loop3A_253, %parallel_loop3A_255 : vector<16xi32>
        %parallel_loop3A_257 = arith.constant 16 : i32
        %parallel_loop3A_258 = vector.broadcast %parallel_loop3A_257 : i32 to vector<16xi32>
        %parallel_loop3A_259 = arith.addi %parallel_loop3A_253, %parallel_loop3A_258 : vector<16xi32>
        %parallel_loop3A_260 = arith.select %parallel_loop3A_256, %parallel_loop3A_259, %parallel_loop3A_253 : vector<16xi1>, vector<16xi32>
        %parallel_loop3A_261 = vector.shape_cast %parallel_loop3A_260 : vector<16xi32> to vector<16x1xi32>
        %parallel_loop3A_262 = vector.shape_cast %parallel_loop3A_261 : vector<16x1xi32> to vector<16xi32>
        %parallel_loop3A_263 = tpu.dynamic_gather %parallel_loop3A_145[%parallel_loop3A_262] in [0] : vector<16xf32>, vector<16xi32> -> vector<16xf32>
        %parallel_loop3A_264 = arith.select %lt3A_6, %parallel_loop3A_250, %parallel_loop3A_263 : vector<16xi1>, vector<16xf32>
        %parallel_loop3A_265 = arith.index_cast %parallel_loop3A_131 : i32 to index
        %parallel_loop3A_266 = arith.constant 56 : index
        %parallel_loop3A_267 = tpu.vector_load %arg13[%parallel_loop3A_265, %parallel_loop3A_266] {strides = array<i32>} : memref<128x72xf32, #tpu.memory_space<vmem>>, vector<1x16xf32>,
        %parallel_loop3A_268 = vector.shape_cast %parallel_loop3A_267 : vector<1x16xf32> to vector<16xf32>
        %parallel_loop3A_269 = vector.shape_cast %parallel_loop3A_264 : vector<16xf32> to vector<1x16xf32>
        tpu.vector_store %arg13[%parallel_loop3A_265, %parallel_loop3A_266], %parallel_loop3A_269 {strides = array<i32>} : memref<128x72xf32, #tpu.memory_space<vmem>>, vector<1x16xf32>,
      } {sc.loop_unroll_factor = 8 : i64, sc.parallel_access}
      %dma_start3A_87 = arith.constant 0 : i32
      %dma_start3A_88 = tpu.memref_slice %arg8[%mul3A_62, %dma_start3A_87] : memref<80x128xi32, #tpu.memory_space<vmem>> -> memref<1x128xi32, #tpu.memory_space<vmem>>
      %dma_start3A_89 = tpu.memref_squeeze %dma_start3A_88 : memref<1x128xi32, #tpu.memory_space<vmem>> -> memref<128xi32, #tpu.memory_space<vmem>>
      %dma_start3A_90 = arith.constant 0 : i32
      %dma_start3A_91 = arith.constant 0 : i32
      %dma_start3A_92 = tpu.memref_slice %arg15[%dma_start3A_90, %dma_start3A_91] : memref<10112x72xf32, #tpu.memory_space<vmem_shared>> -> memref<10112x72xf32, #tpu.memory_space<vmem_shared>>
      tpu.enqueue_indirect_dma source(%arg13 : memref<128x72xf32, #tpu.memory_space<vmem>>) target(%dma_start3A_92 : memref<10112x72xf32, #tpu.memory_space<vmem_shared>>) offsets(%dma_start3A_89 : memref<128xi32, #tpu.memory_space<vmem>>) semaphore(%arg20 : memref<!tpu.dma_semaphore, #tpu.memory_space<semaphore_mem>>) {add = true}
      %mul3A_93 = arith.constant 2 : i32
      %mul3A_94 = arith.muli %mul3A_93, %scan3A_59 : i32
      %add3A_95 = arith.constant 1 : i32
      %add3A_96 = arith.addi %mul3A_94, %add3A_95 : i32
      %add3A_97 = arith.constant 1 : i32
      %add3A_98 = arith.addi %add3A_96, %add3A_97 : i32
      %lt3A_99 = arith.constant 80 : i32
      %lt3A_100 = arith.cmpi slt, %add3A_98, %lt3A_99 : i32
      %convert_element_type3A_101 = arith.extui %lt3A_100 : i1 to i32
      %cond3A_102 = arith.constant 0 : i32
      %cond3A_103 = arith.cmpi ne, %convert_element_type3A_101, %cond3A_102 : i32
      scf.if %cond3A_103 {
        %add3A_131 = arith.constant 1 : i32
        %add3A_132 = arith.addi %add3A_96, %add3A_131 : i32
        %dma_start3A_133 = arith.constant 0 : i32
        %dma_start3A_134 = tpu.memref_slice %arg7[%add3A_132, %dma_start3A_133] : memref<80x128xi32, #tpu.memory_space<vmem>> -> memref<1x128xi32, #tpu.memory_space<vmem>>
        %dma_start3A_135 = tpu.memref_squeeze %dma_start3A_134 : memref<1x128xi32, #tpu.memory_space<vmem>> -> memref<128xi32, #tpu.memory_space<vmem>>
        %dma_start3A_136 = arith.constant 0 : i32
        %dma_start3A_137 = arith.constant 0 : i32
        %dma_start3A_138 = tpu.memref_slice %arg2[%dma_start3A_136, %dma_start3A_137] : memref<10112x72xf32, #tpu.memory_space<hbm>> -> memref<10112x72xf32, #tpu.memory_space<hbm>>
        tpu.enqueue_indirect_dma source(%dma_start3A_138 : memref<10112x72xf32, #tpu.memory_space<hbm>>) target(%arg9 : memref<128x72xf32, #tpu.memory_space<vmem>>) offsets(%dma_start3A_135 : memref<128xi32, #tpu.memory_space<vmem>>) semaphore(%arg16 : memref<!tpu.dma_semaphore, #tpu.memory_space<semaphore_mem>>)
        %dma_start3A_139 = arith.constant 0 : i32
        %dma_start3A_140 = tpu.memref_slice %arg8[%add3A_132, %dma_start3A_139] : memref<80x128xi32, #tpu.memory_space<vmem>> -> memref<1x128xi32, #tpu.memory_space<vmem>>
        %dma_start3A_141 = tpu.memref_squeeze %dma_start3A_140 : memref<1x128xi32, #tpu.memory_space<vmem>> -> memref<128xi32, #tpu.memory_space<vmem>>
        %dma_start3A_142 = arith.constant 0 : i32
        %dma_start3A_143 = arith.constant 0 : i32
        %dma_start3A_144 = tpu.memref_slice %arg3[%dma_start3A_142, %dma_start3A_143] : memref<10112x16xf32, #tpu.memory_space<hbm>> -> memref<10112x16xf32, #tpu.memory_space<hbm>>
        tpu.enqueue_indirect_dma source(%dma_start3A_144 : memref<10112x16xf32, #tpu.memory_space<hbm>>) target(%arg11 : memref<128x16xf32, #tpu.memory_space<vmem>>) offsets(%dma_start3A_141 : memref<128xi32, #tpu.memory_space<vmem>>) semaphore(%arg18 : memref<!tpu.dma_semaphore, #tpu.memory_space<semaphore_mem>>)
      } else {
      }
      %dma_wait3A_104 = arith.constant 0 : i32
      %dma_wait3A_105 = tpu.memref_slice %arg7[%add3A_96, %dma_wait3A_104] : memref<80x128xi32, #tpu.memory_space<vmem>> -> memref<1x128xi32, #tpu.memory_space<vmem>>
      %dma_wait3A_106 = tpu.memref_squeeze %dma_wait3A_105 : memref<1x128xi32, #tpu.memory_space<vmem>> -> memref<128xi32, #tpu.memory_space<vmem>>
      %dma_wait3A_107 = arith.constant 0 : i32
      %dma_wait3A_108 = arith.constant 0 : i32
      %dma_wait3A_109 = tpu.memref_slice %arg2[%dma_wait3A_107, %dma_wait3A_108] : memref<10112x72xf32, #tpu.memory_space<hbm>> -> memref<10112x72xf32, #tpu.memory_space<hbm>>
      tpu.wait_indirect_dma semaphore(%arg17 : memref<!tpu.dma_semaphore, #tpu.memory_space<semaphore_mem>>) src(%dma_wait3A_109 : memref<10112x72xf32, #tpu.memory_space<hbm>>) dst(%arg10 : memref<128x72xf32, #tpu.memory_space<vmem>>)
      %dma_wait3A_110 = arith.constant 0 : i32
      %dma_wait3A_111 = tpu.memref_slice %arg8[%add3A_96, %dma_wait3A_110] : memref<80x128xi32, #tpu.memory_space<vmem>> -> memref<1x128xi32, #tpu.memory_space<vmem>>
      %dma_wait3A_112 = tpu.memref_squeeze %dma_wait3A_111 : memref<1x128xi32, #tpu.memory_space<vmem>> -> memref<128xi32, #tpu.memory_space<vmem>>
      %dma_wait3A_113 = arith.constant 0 : i32
      %dma_wait3A_114 = arith.constant 0 : i32
      %dma_wait3A_115 = tpu.memref_slice %arg3[%dma_wait3A_113, %dma_wait3A_114] : memref<10112x16xf32, #tpu.memory_space<hbm>> -> memref<10112x16xf32, #tpu.memory_space<hbm>>
      tpu.wait_indirect_dma semaphore(%arg19 : memref<!tpu.dma_semaphore, #tpu.memory_space<semaphore_mem>>) src(%dma_wait3A_115 : memref<10112x16xf32, #tpu.memory_space<hbm>>) dst(%arg12 : memref<128x16xf32, #tpu.memory_space<vmem>>)
      %ge3A_116 = arith.constant 2 : i32
      %ge3A_117 = arith.cmpi sge, %add3A_96, %ge3A_116 : i32
      %convert_element_type3A_118 = arith.extui %ge3A_117 : i1 to i32
      %cond3A_119 = arith.constant 0 : i32
      %cond3A_120 = arith.cmpi ne, %convert_element_type3A_118, %cond3A_119 : i32
      scf.if %cond3A_120 {
        %sub3A = arith.constant 2 : i32
        %sub3A_131 = arith.subi %add3A_96, %sub3A : i32
        %dma_wait3A_132 = arith.constant 0 : i32
        %dma_wait3A_133 = tpu.memref_slice %arg8[%sub3A_131, %dma_wait3A_132] : memref<80x128xi32, #tpu.memory_space<vmem>> -> memref<1x128xi32, #tpu.memory_space<vmem>>
        %dma_wait3A_134 = tpu.memref_squeeze %dma_wait3A_133 : memref<1x128xi32, #tpu.memory_space<vmem>> -> memref<128xi32, #tpu.memory_space<vmem>>
        %dma_wait3A_135 = arith.constant 0 : i32
        %dma_wait3A_136 = arith.constant 0 : i32
        %dma_wait3A_137 = tpu.memref_slice %arg15[%dma_wait3A_135, %dma_wait3A_136] : memref<10112x72xf32, #tpu.memory_space<vmem_shared>> -> memref<10112x72xf32, #tpu.memory_space<vmem_shared>>
        tpu.wait_indirect_dma semaphore(%arg21 : memref<!tpu.dma_semaphore, #tpu.memory_space<semaphore_mem>>) src(%arg14 : memref<128x72xf32, #tpu.memory_space<vmem>>) dst(%dma_wait3A_137 : memref<10112x72xf32, #tpu.memory_space<vmem_shared>>)
      } else {
      }
      %parallel_loop3A_121 = arith.constant 0 : i32
      %parallel_loop3A_122 = arith.constant 128 : i32
      %parallel_loop3A_123 = arith.constant 1 : i32
      scf.for %parallel_loop3A_131 = %parallel_loop3A_121 to %parallel_loop3A_122 step %parallel_loop3A_123  : i32 {
        %parallel_loop3A_132 = arith.index_cast %parallel_loop3A_131 : i32 to index
        %parallel_loop3A_133 = arith.constant 56 : index
        %parallel_loop3A_134 = tpu.vector_load %arg10[%parallel_loop3A_132, %parallel_loop3A_133] {strides = array<i32>} : memref<128x72xf32, #tpu.memory_space<vmem>>, vector<1x16xf32>,
        %parallel_loop3A_135 = vector.shape_cast %parallel_loop3A_134 : vector<1x16xf32> to vector<16xf32>
        %parallel_loop3A_136 = arith.index_cast %parallel_loop3A_131 : i32 to index
        %parallel_loop3A_137 = arith.constant 0 : index
        %parallel_loop3A_138 = tpu.vector_load %arg12[%parallel_loop3A_136, %parallel_loop3A_137] {strides = array<i32>} : memref<128x16xf32, #tpu.memory_space<vmem>>, vector<1x16xf32>,
        %parallel_loop3A_139 = vector.shape_cast %parallel_loop3A_138 : vector<1x16xf32> to vector<16xf32>
        %parallel_loop3A_140 = arith.addf %parallel_loop3A_135, %parallel_loop3A_139 : vector<16xf32>
        %parallel_loop3A_141 = arith.constant 2.000000e-01 : f32
        %parallel_loop3A_142 = vector.broadcast %parallel_loop3A_141 : f32 to vector<16xf32>
        %parallel_loop3A_143 = arith.mulf %parallel_loop3A_142, %parallel_loop3A_140 : vector<16xf32>
        %parallel_loop3A_144 = arith.maximumf %parallel_loop3A_140, %parallel_loop3A_143 : vector<16xf32>
        %parallel_loop3A_145 = math.exp %parallel_loop3A_144 : vector<16xf32>
        %parallel_loop3A_146 = arith.constant 8 : i32
        %parallel_loop3A_147 = vector.broadcast %parallel_loop3A_146 : i32 to vector<16xi32>
        %parallel_loop3A_148 = arith.addi %parallel_loop3A_147, %shift_right_arithmetic3A_2 : vector<16xi32>
        %parallel_loop3A_149 = arith.constant 0 : i32
        %parallel_loop3A_150 = vector.broadcast %parallel_loop3A_149 : i32 to vector<16xi32>
        %parallel_loop3A_151 = arith.cmpi slt, %parallel_loop3A_148, %parallel_loop3A_150 : vector<16xi32>
        %parallel_loop3A_152 = arith.constant 16 : i32
        %parallel_loop3A_153 = vector.broadcast %parallel_loop3A_152 : i32 to vector<16xi32>
        %parallel_loop3A_154 = arith.addi %parallel_loop3A_148, %parallel_loop3A_153 : vector<16xi32>
        %parallel_loop3A_155 = arith.select %parallel_loop3A_151, %parallel_loop3A_154, %parallel_loop3A_148 : vector<16xi1>, vector<16xi32>
        %parallel_loop3A_156 = vector.shape_cast %parallel_loop3A_155 : vector<16xi32> to vector<16x1xi32>
        %parallel_loop3A_157 = vector.shape_cast %parallel_loop3A_156 : vector<16x1xi32> to vector<16xi32>
        %parallel_loop3A_158 = tpu.dynamic_gather %parallel_loop3A_145[%parallel_loop3A_157] in [0] : vector<16xf32>, vector<16xi32> -> vector<16xf32>
        %parallel_loop3A_159 = arith.index_cast %parallel_loop3A_131 : i32 to index
        %parallel_loop3A_160 = arith.constant 0 : index
        %parallel_loop3A_161 = tpu.vector_load %arg10[%parallel_loop3A_159, %parallel_loop3A_160] {strides = array<i32>} : memref<128x72xf32, #tpu.memory_space<vmem>>, vector<1x16xf32>,
        %parallel_loop3A_162 = vector.shape_cast %parallel_loop3A_161 : vector<1x16xf32> to vector<16xf32>
        %parallel_loop3A_163 = arith.mulf %parallel_loop3A_162, %parallel_loop3A_158 : vector<16xf32>
        %parallel_loop3A_164 = arith.index_cast %parallel_loop3A_131 : i32 to index
        %parallel_loop3A_165 = arith.constant 0 : index
        %parallel_loop3A_166 = tpu.vector_load %arg14[%parallel_loop3A_164, %parallel_loop3A_165] {strides = array<i32>} : memref<128x72xf32, #tpu.memory_space<vmem>>, vector<1x16xf32>,
        %parallel_loop3A_167 = vector.shape_cast %parallel_loop3A_166 : vector<1x16xf32> to vector<16xf32>
        %parallel_loop3A_168 = vector.shape_cast %parallel_loop3A_163 : vector<16xf32> to vector<1x16xf32>
        tpu.vector_store %arg14[%parallel_loop3A_164, %parallel_loop3A_165], %parallel_loop3A_168 {strides = array<i32>} : memref<128x72xf32, #tpu.memory_space<vmem>>, vector<1x16xf32>,
        %parallel_loop3A_169 = arith.constant 10 : i32
        %parallel_loop3A_170 = vector.broadcast %parallel_loop3A_169 : i32 to vector<16xi32>
        %parallel_loop3A_171 = arith.addi %parallel_loop3A_170, %shift_right_arithmetic3A_2 : vector<16xi32>
        %parallel_loop3A_172 = arith.constant 0 : i32
        %parallel_loop3A_173 = vector.broadcast %parallel_loop3A_172 : i32 to vector<16xi32>
        %parallel_loop3A_174 = arith.cmpi slt, %parallel_loop3A_171, %parallel_loop3A_173 : vector<16xi32>
        %parallel_loop3A_175 = arith.constant 16 : i32
        %parallel_loop3A_176 = vector.broadcast %parallel_loop3A_175 : i32 to vector<16xi32>
        %parallel_loop3A_177 = arith.addi %parallel_loop3A_171, %parallel_loop3A_176 : vector<16xi32>
        %parallel_loop3A_178 = arith.select %parallel_loop3A_174, %parallel_loop3A_177, %parallel_loop3A_171 : vector<16xi1>, vector<16xi32>
        %parallel_loop3A_179 = vector.shape_cast %parallel_loop3A_178 : vector<16xi32> to vector<16x1xi32>
        %parallel_loop3A_180 = vector.shape_cast %parallel_loop3A_179 : vector<16x1xi32> to vector<16xi32>
        %parallel_loop3A_181 = tpu.dynamic_gather %parallel_loop3A_145[%parallel_loop3A_180] in [0] : vector<16xf32>, vector<16xi32> -> vector<16xf32>
        %parallel_loop3A_182 = arith.index_cast %parallel_loop3A_131 : i32 to index
        %parallel_loop3A_183 = arith.constant 16 : index
        %parallel_loop3A_184 = tpu.vector_load %arg10[%parallel_loop3A_182, %parallel_loop3A_183] {strides = array<i32>} : memref<128x72xf32, #tpu.memory_space<vmem>>, vector<1x16xf32>,
        %parallel_loop3A_185 = vector.shape_cast %parallel_loop3A_184 : vector<1x16xf32> to vector<16xf32>
        %parallel_loop3A_186 = arith.mulf %parallel_loop3A_185, %parallel_loop3A_181 : vector<16xf32>
        %parallel_loop3A_187 = arith.index_cast %parallel_loop3A_131 : i32 to index
        %parallel_loop3A_188 = arith.constant 16 : index
        %parallel_loop3A_189 = tpu.vector_load %arg14[%parallel_loop3A_187, %parallel_loop3A_188] {strides = array<i32>} : memref<128x72xf32, #tpu.memory_space<vmem>>, vector<1x16xf32>,
        %parallel_loop3A_190 = vector.shape_cast %parallel_loop3A_189 : vector<1x16xf32> to vector<16xf32>
        %parallel_loop3A_191 = vector.shape_cast %parallel_loop3A_186 : vector<16xf32> to vector<1x16xf32>
        tpu.vector_store %arg14[%parallel_loop3A_187, %parallel_loop3A_188], %parallel_loop3A_191 {strides = array<i32>} : memref<128x72xf32, #tpu.memory_space<vmem>>, vector<1x16xf32>,
        %parallel_loop3A_192 = arith.constant 12 : i32
        %parallel_loop3A_193 = vector.broadcast %parallel_loop3A_192 : i32 to vector<16xi32>
        %parallel_loop3A_194 = arith.addi %parallel_loop3A_193, %shift_right_arithmetic3A_2 : vector<16xi32>
        %parallel_loop3A_195 = arith.constant 0 : i32
        %parallel_loop3A_196 = vector.broadcast %parallel_loop3A_195 : i32 to vector<16xi32>
        %parallel_loop3A_197 = arith.cmpi slt, %parallel_loop3A_194, %parallel_loop3A_196 : vector<16xi32>
        %parallel_loop3A_198 = arith.constant 16 : i32
        %parallel_loop3A_199 = vector.broadcast %parallel_loop3A_198 : i32 to vector<16xi32>
        %parallel_loop3A_200 = arith.addi %parallel_loop3A_194, %parallel_loop3A_199 : vector<16xi32>
        %parallel_loop3A_201 = arith.select %parallel_loop3A_197, %parallel_loop3A_200, %parallel_loop3A_194 : vector<16xi1>, vector<16xi32>
        %parallel_loop3A_202 = vector.shape_cast %parallel_loop3A_201 : vector<16xi32> to vector<16x1xi32>
        %parallel_loop3A_203 = vector.shape_cast %parallel_loop3A_202 : vector<16x1xi32> to vector<16xi32>
        %parallel_loop3A_204 = tpu.dynamic_gather %parallel_loop3A_145[%parallel_loop3A_203] in [0] : vector<16xf32>, vector<16xi32> -> vector<16xf32>
        %parallel_loop3A_205 = arith.index_cast %parallel_loop3A_131 : i32 to index
        %parallel_loop3A_206 = arith.constant 32 : index
        %parallel_loop3A_207 = tpu.vector_load %arg10[%parallel_loop3A_205, %parallel_loop3A_206] {strides = array<i32>} : memref<128x72xf32, #tpu.memory_space<vmem>>, vector<1x16xf32>,
        %parallel_loop3A_208 = vector.shape_cast %parallel_loop3A_207 : vector<1x16xf32> to vector<16xf32>
        %parallel_loop3A_209 = arith.mulf %parallel_loop3A_208, %parallel_loop3A_204 : vector<16xf32>
        %parallel_loop3A_210 = arith.index_cast %parallel_loop3A_131 : i32 to index
        %parallel_loop3A_211 = arith.constant 32 : index
        %parallel_loop3A_212 = tpu.vector_load %arg14[%parallel_loop3A_210, %parallel_loop3A_211] {strides = array<i32>} : memref<128x72xf32, #tpu.memory_space<vmem>>, vector<1x16xf32>,
        %parallel_loop3A_213 = vector.shape_cast %parallel_loop3A_212 : vector<1x16xf32> to vector<16xf32>
        %parallel_loop3A_214 = vector.shape_cast %parallel_loop3A_209 : vector<16xf32> to vector<1x16xf32>
        tpu.vector_store %arg14[%parallel_loop3A_210, %parallel_loop3A_211], %parallel_loop3A_214 {strides = array<i32>} : memref<128x72xf32, #tpu.memory_space<vmem>>, vector<1x16xf32>,
        %parallel_loop3A_215 = arith.constant 14 : i32
        %parallel_loop3A_216 = vector.broadcast %parallel_loop3A_215 : i32 to vector<16xi32>
        %parallel_loop3A_217 = arith.addi %parallel_loop3A_216, %shift_right_arithmetic3A_2 : vector<16xi32>
        %parallel_loop3A_218 = arith.constant 0 : i32
        %parallel_loop3A_219 = vector.broadcast %parallel_loop3A_218 : i32 to vector<16xi32>
        %parallel_loop3A_220 = arith.cmpi slt, %parallel_loop3A_217, %parallel_loop3A_219 : vector<16xi32>
        %parallel_loop3A_221 = arith.constant 16 : i32
        %parallel_loop3A_222 = vector.broadcast %parallel_loop3A_221 : i32 to vector<16xi32>
        %parallel_loop3A_223 = arith.addi %parallel_loop3A_217, %parallel_loop3A_222 : vector<16xi32>
        %parallel_loop3A_224 = arith.select %parallel_loop3A_220, %parallel_loop3A_223, %parallel_loop3A_217 : vector<16xi1>, vector<16xi32>
        %parallel_loop3A_225 = vector.shape_cast %parallel_loop3A_224 : vector<16xi32> to vector<16x1xi32>
        %parallel_loop3A_226 = vector.shape_cast %parallel_loop3A_225 : vector<16x1xi32> to vector<16xi32>
        %parallel_loop3A_227 = tpu.dynamic_gather %parallel_loop3A_145[%parallel_loop3A_226] in [0] : vector<16xf32>, vector<16xi32> -> vector<16xf32>
        %parallel_loop3A_228 = arith.index_cast %parallel_loop3A_131 : i32 to index
        %parallel_loop3A_229 = arith.constant 48 : index
        %parallel_loop3A_230 = tpu.vector_load %arg10[%parallel_loop3A_228, %parallel_loop3A_229] {strides = array<i32>} : memref<128x72xf32, #tpu.memory_space<vmem>>, vector<1x16xf32>,
        %parallel_loop3A_231 = vector.shape_cast %parallel_loop3A_230 : vector<1x16xf32> to vector<16xf32>
        %parallel_loop3A_232 = arith.mulf %parallel_loop3A_231, %parallel_loop3A_227 : vector<16xf32>
        %parallel_loop3A_233 = arith.index_cast %parallel_loop3A_131 : i32 to index
        %parallel_loop3A_234 = arith.constant 48 : index
        %parallel_loop3A_235 = tpu.vector_load %arg14[%parallel_loop3A_233, %parallel_loop3A_234] {strides = array<i32>} : memref<128x72xf32, #tpu.memory_space<vmem>>, vector<1x16xf32>,
        %parallel_loop3A_236 = vector.shape_cast %parallel_loop3A_235 : vector<1x16xf32> to vector<16xf32>
        %parallel_loop3A_237 = vector.shape_cast %parallel_loop3A_232 : vector<16xf32> to vector<1x16xf32>
        tpu.vector_store %arg14[%parallel_loop3A_233, %parallel_loop3A_234], %parallel_loop3A_237 {strides = array<i32>} : memref<128x72xf32, #tpu.memory_space<vmem>>, vector<1x16xf32>,
        %parallel_loop3A_238 = arith.constant 8 : i32
        %parallel_loop3A_239 = vector.broadcast %parallel_loop3A_238 : i32 to vector<16xi32>
        %parallel_loop3A_240 = arith.addi %parallel_loop3A_239, %and3A_4 : vector<16xi32>
        %parallel_loop3A_241 = arith.constant 0 : i32
        %parallel_loop3A_242 = vector.broadcast %parallel_loop3A_241 : i32 to vector<16xi32>
        %parallel_loop3A_243 = arith.cmpi slt, %parallel_loop3A_240, %parallel_loop3A_242 : vector<16xi32>
        %parallel_loop3A_244 = arith.constant 16 : i32
        %parallel_loop3A_245 = vector.broadcast %parallel_loop3A_244 : i32 to vector<16xi32>
        %parallel_loop3A_246 = arith.addi %parallel_loop3A_240, %parallel_loop3A_245 : vector<16xi32>
        %parallel_loop3A_247 = arith.select %parallel_loop3A_243, %parallel_loop3A_246, %parallel_loop3A_240 : vector<16xi1>, vector<16xi32>
        %parallel_loop3A_248 = vector.shape_cast %parallel_loop3A_247 : vector<16xi32> to vector<16x1xi32>
        %parallel_loop3A_249 = vector.shape_cast %parallel_loop3A_248 : vector<16x1xi32> to vector<16xi32>
        %parallel_loop3A_250 = tpu.dynamic_gather %parallel_loop3A_232[%parallel_loop3A_249] in [0] : vector<16xf32>, vector<16xi32> -> vector<16xf32>
        %parallel_loop3A_251 = arith.constant 8 : i32
        %parallel_loop3A_252 = vector.broadcast %parallel_loop3A_251 : i32 to vector<16xi32>
        %parallel_loop3A_253 = arith.addi %parallel_loop3A_252, %and3A_4 : vector<16xi32>
        %parallel_loop3A_254 = arith.constant 0 : i32
        %parallel_loop3A_255 = vector.broadcast %parallel_loop3A_254 : i32 to vector<16xi32>
        %parallel_loop3A_256 = arith.cmpi slt, %parallel_loop3A_253, %parallel_loop3A_255 : vector<16xi32>
        %parallel_loop3A_257 = arith.constant 16 : i32
        %parallel_loop3A_258 = vector.broadcast %parallel_loop3A_257 : i32 to vector<16xi32>
        %parallel_loop3A_259 = arith.addi %parallel_loop3A_253, %parallel_loop3A_258 : vector<16xi32>
        %parallel_loop3A_260 = arith.select %parallel_loop3A_256, %parallel_loop3A_259, %parallel_loop3A_253 : vector<16xi1>, vector<16xi32>
        %parallel_loop3A_261 = vector.shape_cast %parallel_loop3A_260 : vector<16xi32> to vector<16x1xi32>
        %parallel_loop3A_262 = vector.shape_cast %parallel_loop3A_261 : vector<16x1xi32> to vector<16xi32>
        %parallel_loop3A_263 = tpu.dynamic_gather %parallel_loop3A_145[%parallel_loop3A_262] in [0] : vector<16xf32>, vector<16xi32> -> vector<16xf32>
        %parallel_loop3A_264 = arith.select %lt3A_6, %parallel_loop3A_250, %parallel_loop3A_263 : vector<16xi1>, vector<16xf32>
        %parallel_loop3A_265 = arith.index_cast %parallel_loop3A_131 : i32 to index
        %parallel_loop3A_266 = arith.constant 56 : index
        %parallel_loop3A_267 = tpu.vector_load %arg14[%parallel_loop3A_265, %parallel_loop3A_266] {strides = array<i32>} : memref<128x72xf32, #tpu.memory_space<vmem>>, vector<1x16xf32>,
        %parallel_loop3A_268 = vector.shape_cast %parallel_loop3A_267 : vector<1x16xf32> to vector<16xf32>
        %parallel_loop3A_269 = vector.shape_cast %parallel_loop3A_264 : vector<16xf32> to vector<1x16xf32>
        tpu.vector_store %arg14[%parallel_loop3A_265, %parallel_loop3A_266], %parallel_loop3A_269 {strides = array<i32>} : memref<128x72xf32, #tpu.memory_space<vmem>>, vector<1x16xf32>,
      } {sc.loop_unroll_factor = 8 : i64, sc.parallel_access}
      %dma_start3A_124 = arith.constant 0 : i32
      %dma_start3A_125 = tpu.memref_slice %arg8[%add3A_96, %dma_start3A_124] : memref<80x128xi32, #tpu.memory_space<vmem>> -> memref<1x128xi32, #tpu.memory_space<vmem>>
      %dma_start3A_126 = tpu.memref_squeeze %dma_start3A_125 : memref<1x128xi32, #tpu.memory_space<vmem>> -> memref<128xi32, #tpu.memory_space<vmem>>
      %dma_start3A_127 = arith.constant 0 : i32
      %dma_start3A_128 = arith.constant 0 : i32
      %dma_start3A_129 = tpu.memref_slice %arg15[%dma_start3A_127, %dma_start3A_128] : memref<10112x72xf32, #tpu.memory_space<vmem_shared>> -> memref<10112x72xf32, #tpu.memory_space<vmem_shared>>
      tpu.enqueue_indirect_dma source(%arg14 : memref<128x72xf32, #tpu.memory_space<vmem>>) target(%dma_start3A_129 : memref<10112x72xf32, #tpu.memory_space<vmem_shared>>) offsets(%dma_start3A_126 : memref<128xi32, #tpu.memory_space<vmem>>) semaphore(%arg21 : memref<!tpu.dma_semaphore, #tpu.memory_space<semaphore_mem>>) {add = true}
      %scan3A_130 = arith.constant 0 : i32
      scf.yield %scan3A_130 : i32
    }
    %scan3A_44 = arith.constant 40 : i32
    %dma_wait3A = arith.constant 78 : i32
    %dma_wait3A_45 = arith.constant 0 : i32
    %dma_wait3A_46 = tpu.memref_slice %arg8[%dma_wait3A, %dma_wait3A_45] : memref<80x128xi32, #tpu.memory_space<vmem>> -> memref<1x128xi32, #tpu.memory_space<vmem>>
    %dma_wait3A_47 = tpu.memref_squeeze %dma_wait3A_46 : memref<1x128xi32, #tpu.memory_space<vmem>> -> memref<128xi32, #tpu.memory_space<vmem>>
    %dma_wait3A_48 = arith.constant 0 : i32
    %dma_wait3A_49 = arith.constant 0 : i32
    %dma_wait3A_50 = tpu.memref_slice %arg15[%dma_wait3A_48, %dma_wait3A_49] : memref<10112x72xf32, #tpu.memory_space<vmem_shared>> -> memref<10112x72xf32, #tpu.memory_space<vmem_shared>>
    tpu.wait_indirect_dma semaphore(%arg20 : memref<!tpu.dma_semaphore, #tpu.memory_space<semaphore_mem>>) src(%arg13 : memref<128x72xf32, #tpu.memory_space<vmem>>) dst(%dma_wait3A_50 : memref<10112x72xf32, #tpu.memory_space<vmem_shared>>)
    %dma_wait3A_51 = arith.constant 79 : i32
    %dma_wait3A_52 = arith.constant 0 : i32
    %dma_wait3A_53 = tpu.memref_slice %arg8[%dma_wait3A_51, %dma_wait3A_52] : memref<80x128xi32, #tpu.memory_space<vmem>> -> memref<1x128xi32, #tpu.memory_space<vmem>>
    %dma_wait3A_54 = tpu.memref_squeeze %dma_wait3A_53 : memref<1x128xi32, #tpu.memory_space<vmem>> -> memref<128xi32, #tpu.memory_space<vmem>>
    %dma_wait3A_55 = arith.constant 0 : i32
    %dma_wait3A_56 = arith.constant 0 : i32
    %dma_wait3A_57 = tpu.memref_slice %arg15[%dma_wait3A_55, %dma_wait3A_56] : memref<10112x72xf32, #tpu.memory_space<vmem_shared>> -> memref<10112x72xf32, #tpu.memory_space<vmem_shared>>
    tpu.wait_indirect_dma semaphore(%arg21 : memref<!tpu.dma_semaphore, #tpu.memory_space<semaphore_mem>>) src(%arg14 : memref<128x72xf32, #tpu.memory_space<vmem>>) dst(%dma_wait3A_57 : memref<10112x72xf32, #tpu.memory_space<vmem_shared>>)
    %barrier3A_58 = arith.constant 0 : index
    tpu.barrier barrier_id(%barrier3A_58)
    "tpu.region"() ({
      %run_scoped3A = tpu.sem_alloc : memref<!tpu.dma_semaphore, #tpu.memory_space<semaphore_mem>>
      %dma_start3A_59 = arith.constant 0 : i32
      %dma_start3A_60 = tpu.memref_slice %arg6[%arg0, %mul3A_11, %dma_start3A_59] : memref<2x10112x72xf32, #tpu.memory_space<hbm>> -> memref<1x632x72xf32, #tpu.memory_space<hbm>>
      %dma_start3A_61 = tpu.memref_squeeze %dma_start3A_60 : memref<1x632x72xf32, #tpu.memory_space<hbm>> -> memref<632x72xf32, #tpu.memory_space<hbm>>
      %dma_start3A_62 = arith.constant 0 : i32
      %dma_start3A_63 = tpu.memref_slice %arg15[%mul3A_11, %dma_start3A_62] : memref<10112x72xf32, #tpu.memory_space<vmem_shared>> -> memref<632x72xf32, #tpu.memory_space<vmem_shared>>
      tpu.enqueue_dma source(%dma_start3A_63 : memref<632x72xf32, #tpu.memory_space<vmem_shared>>) target(%dma_start3A_61 : memref<632x72xf32, #tpu.memory_space<hbm>>) target_semaphore(%run_scoped3A : memref<!tpu.dma_semaphore, #tpu.memory_space<semaphore_mem>>)
      %dma_wait3A_64 = arith.constant 0 : i32
      %dma_wait3A_65 = tpu.memref_slice %arg6[%arg0, %mul3A_11, %dma_wait3A_64] : memref<2x10112x72xf32, #tpu.memory_space<hbm>> -> memref<1x632x72xf32, #tpu.memory_space<hbm>>
      %dma_wait3A_66 = tpu.memref_squeeze %dma_wait3A_65 : memref<1x632x72xf32, #tpu.memory_space<hbm>> -> memref<632x72xf32, #tpu.memory_space<hbm>>
      %dma_wait3A_67 = arith.constant 0 : i32
      %dma_wait3A_68 = tpu.memref_slice %arg15[%mul3A_11, %dma_wait3A_67] : memref<10112x72xf32, #tpu.memory_space<vmem_shared>> -> memref<632x72xf32, #tpu.memory_space<vmem_shared>>
      tpu.wait_dma2 semaphore(%run_scoped3A : memref<!tpu.dma_semaphore, #tpu.memory_space<semaphore_mem>>) src(%dma_wait3A_68 : memref<632x72xf32, #tpu.memory_space<vmem_shared>>) dst(%dma_wait3A_66 : memref<632x72xf32, #tpu.memory_space<hbm>>)
      tpu.yield
    }) : () -> ()
    return
  }
}

#map = affine_map<(d0, d1) -> (0, 0)>
#map1 = affine_map<(d0, d1) -> (0, 0, 0)>
module attributes {stable_mosaic.version = 14 : i64} {
  func.func @_sc2_body(%arg0: i32, %arg1: i32, %arg2: memref<10112x48xf32, #tpu.memory_space<hbm>>, %arg3: memref<10112x16xf32, #tpu.memory_space<hbm>>, %arg4: memref<2560x128xi32, #tpu.memory_space<hbm>>, %arg5: memref<2560x128xi32, #tpu.memory_space<hbm>>, %arg6: memref<2x10112x48xf32, #tpu.memory_space<hbm>>, %arg7: memref<80x128xi32, #tpu.memory_space<vmem>>, %arg8: memref<80x128xi32, #tpu.memory_space<vmem>>, %arg9: memref<128x48xf32, #tpu.memory_space<vmem>>, %arg10: memref<128x48xf32, #tpu.memory_space<vmem>>, %arg11: memref<128x16xf32, #tpu.memory_space<vmem>>, %arg12: memref<128x16xf32, #tpu.memory_space<vmem>>, %arg13: memref<128x48xf32, #tpu.memory_space<vmem>>, %arg14: memref<128x48xf32, #tpu.memory_space<vmem>>, %arg15: memref<10112x48xf32, #tpu.memory_space<vmem_shared>>, %arg16: memref<!tpu.dma_semaphore, #tpu.memory_space<semaphore_mem>>, %arg17: memref<!tpu.dma_semaphore, #tpu.memory_space<semaphore_mem>>, %arg18: memref<!tpu.dma_semaphore, #tpu.memory_space<semaphore_mem>>, %arg19: memref<!tpu.dma_semaphore, #tpu.memory_space<semaphore_mem>>, %arg20: memref<!tpu.dma_semaphore, #tpu.memory_space<semaphore_mem>>, %arg21: memref<!tpu.dma_semaphore, #tpu.memory_space<semaphore_mem>>) attributes {dimension_semantics = [#tpu.dimension_semantics<core_parallel>, #tpu.dimension_semantics<subcore_parallel>], iteration_bounds = array<i64: 2, 16>, scalar_prefetch = 0 : i64, scratch_operands = 15 : i64, tpu.core_type = #tpu.core_type<sc_vector_subcore>, window_params = [{transform_indices = #map}, {transform_indices = #map}, {transform_indices = #map}, {transform_indices = #map}, {transform_indices = #map1}]} {
    %mul3A = arith.constant 16 : i32
    %mul3A_0 = arith.muli %arg0, %mul3A : i32
    %add3A = arith.addi %mul3A_0, %arg1 : i32
    %iota3A = tpu.iota {dimensions = array<i32: 0>} : vector<16xi32>
    %mul3A_1 = arith.constant 0 : i32
    %mul3A_2 = vector.broadcast %mul3A_1 : i32 to vector<16xi32>
    %mul3A_3 = arith.muli %iota3A, %mul3A_2 : vector<16xi32>
    %add3A_4 = arith.constant 1 : i32
    %add3A_5 = vector.broadcast %add3A_4 : i32 to vector<16xi32>
    %add3A_6 = arith.addi %mul3A_3, %add3A_5 : vector<16xi32>
    %mul3A_7 = arith.constant 0 : i32
    %mul3A_8 = vector.broadcast %mul3A_7 : i32 to vector<16xi32>
    %mul3A_9 = arith.muli %iota3A, %mul3A_8 : vector<16xi32>
    %broadcast_in_dim3A = arith.constant 0.000000e+00 : f32
    %broadcast_in_dim3A_10 = vector.broadcast %broadcast_in_dim3A : f32 to vector<16xf32>
    %parallel_loop3A = arith.constant 0 : i32
    %parallel_loop3A_11 = arith.constant 128 : i32
    %parallel_loop3A_12 = arith.constant 1 : i32
    scf.for %parallel_loop3A_62 = %parallel_loop3A to %parallel_loop3A_11 step %parallel_loop3A_12  : i32 {
      %parallel_loop3A_63 = arith.index_cast %parallel_loop3A_62 : i32 to index
      %parallel_loop3A_64 = arith.constant 0 : index
      %parallel_loop3A_65 = tpu.vector_load %arg13[%parallel_loop3A_63, %parallel_loop3A_64] {strides = array<i32>} : memref<128x48xf32, #tpu.memory_space<vmem>>, vector<1x16xf32>,
      %parallel_loop3A_66 = vector.shape_cast %parallel_loop3A_65 : vector<1x16xf32> to vector<16xf32>
      %parallel_loop3A_67 = vector.shape_cast %broadcast_in_dim3A_10 : vector<16xf32> to vector<1x16xf32>
      tpu.vector_store %arg13[%parallel_loop3A_63, %parallel_loop3A_64], %parallel_loop3A_67 {strides = array<i32>} : memref<128x48xf32, #tpu.memory_space<vmem>>, vector<1x16xf32>,
      %parallel_loop3A_68 = arith.index_cast %parallel_loop3A_62 : i32 to index
      %parallel_loop3A_69 = arith.constant 16 : index
      %parallel_loop3A_70 = tpu.vector_load %arg13[%parallel_loop3A_68, %parallel_loop3A_69] {strides = array<i32>} : memref<128x48xf32, #tpu.memory_space<vmem>>, vector<1x16xf32>,
      %parallel_loop3A_71 = vector.shape_cast %parallel_loop3A_70 : vector<1x16xf32> to vector<16xf32>
      %parallel_loop3A_72 = vector.shape_cast %broadcast_in_dim3A_10 : vector<16xf32> to vector<1x16xf32>
      tpu.vector_store %arg13[%parallel_loop3A_68, %parallel_loop3A_69], %parallel_loop3A_72 {strides = array<i32>} : memref<128x48xf32, #tpu.memory_space<vmem>>, vector<1x16xf32>,
      %parallel_loop3A_73 = arith.index_cast %parallel_loop3A_62 : i32 to index
      %parallel_loop3A_74 = arith.constant 32 : index
      %parallel_loop3A_75 = tpu.vector_load %arg13[%parallel_loop3A_73, %parallel_loop3A_74] {strides = array<i32>} : memref<128x48xf32, #tpu.memory_space<vmem>>, vector<1x16xf32>,
      %parallel_loop3A_76 = vector.shape_cast %parallel_loop3A_75 : vector<1x16xf32> to vector<16xf32>
      %parallel_loop3A_77 = vector.shape_cast %broadcast_in_dim3A_10 : vector<16xf32> to vector<1x16xf32>
      tpu.vector_store %arg13[%parallel_loop3A_73, %parallel_loop3A_74], %parallel_loop3A_77 {strides = array<i32>} : memref<128x48xf32, #tpu.memory_space<vmem>>, vector<1x16xf32>,
    } {sc.loop_unroll_factor = 8 : i64, sc.parallel_access}
    %mul3A_13 = arith.constant 632 : i32
    %mul3A_14 = arith.muli %arg1, %mul3A_13 : i32
    %add3A_15 = arith.constant 0 : i32
    %add3A_16 = arith.addi %mul3A_14, %add3A_15 : i32
    "tpu.region"() ({
      %run_scoped3A = tpu.sem_alloc : memref<!tpu.dma_semaphore, #tpu.memory_space<semaphore_mem>>
      %dma_start3A_62 = arith.constant 0 : i32
      %dma_start3A_63 = tpu.memref_slice %arg15[%add3A_16, %dma_start3A_62] : memref<10112x48xf32, #tpu.memory_space<vmem_shared>> -> memref<128x48xf32, #tpu.memory_space<vmem_shared>>
      %dma_start3A_64 = arith.constant 0 : i32
      %dma_start3A_65 = tpu.memref_slice %arg15[%add3A_16, %dma_start3A_64] : memref<10112x48xf32, #tpu.memory_space<vmem_shared>> -> memref<128x48xf32, #tpu.memory_space<vmem_shared>>
      tpu.enqueue_dma source(%arg13 : memref<128x48xf32, #tpu.memory_space<vmem>>) target(%dma_start3A_65 : memref<128x48xf32, #tpu.memory_space<vmem_shared>>) target_semaphore(%run_scoped3A : memref<!tpu.dma_semaphore, #tpu.memory_space<semaphore_mem>>)
      %dma_wait3A_66 = arith.constant 0 : i32
      %dma_wait3A_67 = tpu.memref_slice %arg15[%add3A_16, %dma_wait3A_66] : memref<10112x48xf32, #tpu.memory_space<vmem_shared>> -> memref<128x48xf32, #tpu.memory_space<vmem_shared>>
      %dma_wait3A_68 = arith.constant 0 : i32
      %dma_wait3A_69 = tpu.memref_slice %arg15[%add3A_16, %dma_wait3A_68] : memref<10112x48xf32, #tpu.memory_space<vmem_shared>> -> memref<128x48xf32, #tpu.memory_space<vmem_shared>>
      tpu.wait_dma2 semaphore(%run_scoped3A : memref<!tpu.dma_semaphore, #tpu.memory_space<semaphore_mem>>) src(%arg13 : memref<128x48xf32, #tpu.memory_space<vmem>>) dst(%dma_wait3A_69 : memref<128x48xf32, #tpu.memory_space<vmem_shared>>)
      tpu.yield
    }) : () -> ()
    %add3A_17 = arith.constant 128 : i32
    %add3A_18 = arith.addi %mul3A_14, %add3A_17 : i32
    "tpu.region"() ({
      %run_scoped3A = tpu.sem_alloc : memref<!tpu.dma_semaphore, #tpu.memory_space<semaphore_mem>>
      %dma_start3A_62 = arith.constant 0 : i32
      %dma_start3A_63 = tpu.memref_slice %arg15[%add3A_18, %dma_start3A_62] : memref<10112x48xf32, #tpu.memory_space<vmem_shared>> -> memref<128x48xf32, #tpu.memory_space<vmem_shared>>
      %dma_start3A_64 = arith.constant 0 : i32
      %dma_start3A_65 = tpu.memref_slice %arg15[%add3A_18, %dma_start3A_64] : memref<10112x48xf32, #tpu.memory_space<vmem_shared>> -> memref<128x48xf32, #tpu.memory_space<vmem_shared>>
      tpu.enqueue_dma source(%arg13 : memref<128x48xf32, #tpu.memory_space<vmem>>) target(%dma_start3A_65 : memref<128x48xf32, #tpu.memory_space<vmem_shared>>) target_semaphore(%run_scoped3A : memref<!tpu.dma_semaphore, #tpu.memory_space<semaphore_mem>>)
      %dma_wait3A_66 = arith.constant 0 : i32
      %dma_wait3A_67 = tpu.memref_slice %arg15[%add3A_18, %dma_wait3A_66] : memref<10112x48xf32, #tpu.memory_space<vmem_shared>> -> memref<128x48xf32, #tpu.memory_space<vmem_shared>>
      %dma_wait3A_68 = arith.constant 0 : i32
      %dma_wait3A_69 = tpu.memref_slice %arg15[%add3A_18, %dma_wait3A_68] : memref<10112x48xf32, #tpu.memory_space<vmem_shared>> -> memref<128x48xf32, #tpu.memory_space<vmem_shared>>
      tpu.wait_dma2 semaphore(%run_scoped3A : memref<!tpu.dma_semaphore, #tpu.memory_space<semaphore_mem>>) src(%arg13 : memref<128x48xf32, #tpu.memory_space<vmem>>) dst(%dma_wait3A_69 : memref<128x48xf32, #tpu.memory_space<vmem_shared>>)
      tpu.yield
    }) : () -> ()
    %add3A_19 = arith.constant 256 : i32
    %add3A_20 = arith.addi %mul3A_14, %add3A_19 : i32
    "tpu.region"() ({
      %run_scoped3A = tpu.sem_alloc : memref<!tpu.dma_semaphore, #tpu.memory_space<semaphore_mem>>
      %dma_start3A_62 = arith.constant 0 : i32
      %dma_start3A_63 = tpu.memref_slice %arg15[%add3A_20, %dma_start3A_62] : memref<10112x48xf32, #tpu.memory_space<vmem_shared>> -> memref<128x48xf32, #tpu.memory_space<vmem_shared>>
      %dma_start3A_64 = arith.constant 0 : i32
      %dma_start3A_65 = tpu.memref_slice %arg15[%add3A_20, %dma_start3A_64] : memref<10112x48xf32, #tpu.memory_space<vmem_shared>> -> memref<128x48xf32, #tpu.memory_space<vmem_shared>>
      tpu.enqueue_dma source(%arg13 : memref<128x48xf32, #tpu.memory_space<vmem>>) target(%dma_start3A_65 : memref<128x48xf32, #tpu.memory_space<vmem_shared>>) target_semaphore(%run_scoped3A : memref<!tpu.dma_semaphore, #tpu.memory_space<semaphore_mem>>)
      %dma_wait3A_66 = arith.constant 0 : i32
      %dma_wait3A_67 = tpu.memref_slice %arg15[%add3A_20, %dma_wait3A_66] : memref<10112x48xf32, #tpu.memory_space<vmem_shared>> -> memref<128x48xf32, #tpu.memory_space<vmem_shared>>
      %dma_wait3A_68 = arith.constant 0 : i32
      %dma_wait3A_69 = tpu.memref_slice %arg15[%add3A_20, %dma_wait3A_68] : memref<10112x48xf32, #tpu.memory_space<vmem_shared>> -> memref<128x48xf32, #tpu.memory_space<vmem_shared>>
      tpu.wait_dma2 semaphore(%run_scoped3A : memref<!tpu.dma_semaphore, #tpu.memory_space<semaphore_mem>>) src(%arg13 : memref<128x48xf32, #tpu.memory_space<vmem>>) dst(%dma_wait3A_69 : memref<128x48xf32, #tpu.memory_space<vmem_shared>>)
      tpu.yield
    }) : () -> ()
    %add3A_21 = arith.constant 384 : i32
    %add3A_22 = arith.addi %mul3A_14, %add3A_21 : i32
    "tpu.region"() ({
      %run_scoped3A = tpu.sem_alloc : memref<!tpu.dma_semaphore, #tpu.memory_space<semaphore_mem>>
      %dma_start3A_62 = arith.constant 0 : i32
      %dma_start3A_63 = tpu.memref_slice %arg15[%add3A_22, %dma_start3A_62] : memref<10112x48xf32, #tpu.memory_space<vmem_shared>> -> memref<128x48xf32, #tpu.memory_space<vmem_shared>>
      %dma_start3A_64 = arith.constant 0 : i32
      %dma_start3A_65 = tpu.memref_slice %arg15[%add3A_22, %dma_start3A_64] : memref<10112x48xf32, #tpu.memory_space<vmem_shared>> -> memref<128x48xf32, #tpu.memory_space<vmem_shared>>
      tpu.enqueue_dma source(%arg13 : memref<128x48xf32, #tpu.memory_space<vmem>>) target(%dma_start3A_65 : memref<128x48xf32, #tpu.memory_space<vmem_shared>>) target_semaphore(%run_scoped3A : memref<!tpu.dma_semaphore, #tpu.memory_space<semaphore_mem>>)
      %dma_wait3A_66 = arith.constant 0 : i32
      %dma_wait3A_67 = tpu.memref_slice %arg15[%add3A_22, %dma_wait3A_66] : memref<10112x48xf32, #tpu.memory_space<vmem_shared>> -> memref<128x48xf32, #tpu.memory_space<vmem_shared>>
      %dma_wait3A_68 = arith.constant 0 : i32
      %dma_wait3A_69 = tpu.memref_slice %arg15[%add3A_22, %dma_wait3A_68] : memref<10112x48xf32, #tpu.memory_space<vmem_shared>> -> memref<128x48xf32, #tpu.memory_space<vmem_shared>>
      tpu.wait_dma2 semaphore(%run_scoped3A : memref<!tpu.dma_semaphore, #tpu.memory_space<semaphore_mem>>) src(%arg13 : memref<128x48xf32, #tpu.memory_space<vmem>>) dst(%dma_wait3A_69 : memref<128x48xf32, #tpu.memory_space<vmem_shared>>)
      tpu.yield
    }) : () -> ()
    %add3A_23 = arith.constant 512 : i32
    %add3A_24 = arith.addi %mul3A_14, %add3A_23 : i32
    "tpu.region"() ({
      %run_scoped3A = tpu.sem_alloc : memref<!tpu.dma_semaphore, #tpu.memory_space<semaphore_mem>>
      %dma_start3A_62 = arith.constant 0 : i32
      %dma_start3A_63 = arith.constant 0 : i32
      %dma_start3A_64 = tpu.memref_slice %arg13[%dma_start3A_62, %dma_start3A_63] : memref<128x48xf32, #tpu.memory_space<vmem>> -> memref<120x48xf32, #tpu.memory_space<vmem>>
      %dma_start3A_65 = arith.constant 0 : i32
      %dma_start3A_66 = tpu.memref_slice %arg15[%add3A_24, %dma_start3A_65] : memref<10112x48xf32, #tpu.memory_space<vmem_shared>> -> memref<120x48xf32, #tpu.memory_space<vmem_shared>>
      %dma_start3A_67 = arith.constant 0 : i32
      %dma_start3A_68 = tpu.memref_slice %arg15[%add3A_24, %dma_start3A_67] : memref<10112x48xf32, #tpu.memory_space<vmem_shared>> -> memref<120x48xf32, #tpu.memory_space<vmem_shared>>
      %dma_start3A_69 = arith.constant 0 : i32
      %dma_start3A_70 = arith.constant 0 : i32
      %dma_start3A_71 = tpu.memref_slice %arg13[%dma_start3A_69, %dma_start3A_70] : memref<128x48xf32, #tpu.memory_space<vmem>> -> memref<120x48xf32, #tpu.memory_space<vmem>>
      tpu.enqueue_dma source(%dma_start3A_71 : memref<120x48xf32, #tpu.memory_space<vmem>>) target(%dma_start3A_68 : memref<120x48xf32, #tpu.memory_space<vmem_shared>>) target_semaphore(%run_scoped3A : memref<!tpu.dma_semaphore, #tpu.memory_space<semaphore_mem>>)
      %dma_wait3A_72 = arith.constant 0 : i32
      %dma_wait3A_73 = arith.constant 0 : i32
      %dma_wait3A_74 = tpu.memref_slice %arg13[%dma_wait3A_72, %dma_wait3A_73] : memref<128x48xf32, #tpu.memory_space<vmem>> -> memref<120x48xf32, #tpu.memory_space<vmem>>
      %dma_wait3A_75 = arith.constant 0 : i32
      %dma_wait3A_76 = tpu.memref_slice %arg15[%add3A_24, %dma_wait3A_75] : memref<10112x48xf32, #tpu.memory_space<vmem_shared>> -> memref<120x48xf32, #tpu.memory_space<vmem_shared>>
      %dma_wait3A_77 = arith.constant 0 : i32
      %dma_wait3A_78 = tpu.memref_slice %arg15[%add3A_24, %dma_wait3A_77] : memref<10112x48xf32, #tpu.memory_space<vmem_shared>> -> memref<120x48xf32, #tpu.memory_space<vmem_shared>>
      %dma_wait3A_79 = arith.constant 0 : i32
      %dma_wait3A_80 = arith.constant 0 : i32
      %dma_wait3A_81 = tpu.memref_slice %arg13[%dma_wait3A_79, %dma_wait3A_80] : memref<128x48xf32, #tpu.memory_space<vmem>> -> memref<120x48xf32, #tpu.memory_space<vmem>>
      tpu.wait_dma2 semaphore(%run_scoped3A : memref<!tpu.dma_semaphore, #tpu.memory_space<semaphore_mem>>) src(%dma_wait3A_81 : memref<120x48xf32, #tpu.memory_space<vmem>>) dst(%dma_wait3A_78 : memref<120x48xf32, #tpu.memory_space<vmem_shared>>)
      tpu.yield
    }) : () -> ()
    %barrier3A = arith.constant 0 : index
    tpu.barrier barrier_id(%barrier3A)
    %mul3A_25 = arith.constant 80 : i32
    %mul3A_26 = arith.muli %add3A, %mul3A_25 : i32
    "tpu.region"() ({
      %run_scoped3A = tpu.sem_alloc : memref<!tpu.dma_semaphore, #tpu.memory_space<semaphore_mem>>
      %dma_start3A_62 = arith.constant 0 : i32
      %dma_start3A_63 = tpu.memref_slice %arg4[%mul3A_26, %dma_start3A_62] : memref<2560x128xi32, #tpu.memory_space<hbm>> -> memref<80x128xi32, #tpu.memory_space<hbm>>
      %dma_start3A_64 = arith.constant 0 : i32
      %dma_start3A_65 = tpu.memref_slice %arg4[%mul3A_26, %dma_start3A_64] : memref<2560x128xi32, #tpu.memory_space<hbm>> -> memref<80x128xi32, #tpu.memory_space<hbm>>
      tpu.enqueue_dma source(%dma_start3A_65 : memref<80x128xi32, #tpu.memory_space<hbm>>) target(%arg7 : memref<80x128xi32, #tpu.memory_space<vmem>>) target_semaphore(%run_scoped3A : memref<!tpu.dma_semaphore, #tpu.memory_space<semaphore_mem>>)
      %dma_wait3A_66 = arith.constant 0 : i32
      %dma_wait3A_67 = tpu.memref_slice %arg4[%mul3A_26, %dma_wait3A_66] : memref<2560x128xi32, #tpu.memory_space<hbm>> -> memref<80x128xi32, #tpu.memory_space<hbm>>
      %dma_wait3A_68 = arith.constant 0 : i32
      %dma_wait3A_69 = tpu.memref_slice %arg4[%mul3A_26, %dma_wait3A_68] : memref<2560x128xi32, #tpu.memory_space<hbm>> -> memref<80x128xi32, #tpu.memory_space<hbm>>
      tpu.wait_dma2 semaphore(%run_scoped3A : memref<!tpu.dma_semaphore, #tpu.memory_space<semaphore_mem>>) src(%dma_wait3A_69 : memref<80x128xi32, #tpu.memory_space<hbm>>) dst(%arg7 : memref<80x128xi32, #tpu.memory_space<vmem>>)
      tpu.yield
    }) : () -> ()
    %mul3A_27 = arith.constant 80 : i32
    %mul3A_28 = arith.muli %add3A, %mul3A_27 : i32
    "tpu.region"() ({
      %run_scoped3A = tpu.sem_alloc : memref<!tpu.dma_semaphore, #tpu.memory_space<semaphore_mem>>
      %dma_start3A_62 = arith.constant 0 : i32
      %dma_start3A_63 = tpu.memref_slice %arg5[%mul3A_28, %dma_start3A_62] : memref<2560x128xi32, #tpu.memory_space<hbm>> -> memref<80x128xi32, #tpu.memory_space<hbm>>
      %dma_start3A_64 = arith.constant 0 : i32
      %dma_start3A_65 = tpu.memref_slice %arg5[%mul3A_28, %dma_start3A_64] : memref<2560x128xi32, #tpu.memory_space<hbm>> -> memref<80x128xi32, #tpu.memory_space<hbm>>
      tpu.enqueue_dma source(%dma_start3A_65 : memref<80x128xi32, #tpu.memory_space<hbm>>) target(%arg8 : memref<80x128xi32, #tpu.memory_space<vmem>>) target_semaphore(%run_scoped3A : memref<!tpu.dma_semaphore, #tpu.memory_space<semaphore_mem>>)
      %dma_wait3A_66 = arith.constant 0 : i32
      %dma_wait3A_67 = tpu.memref_slice %arg5[%mul3A_28, %dma_wait3A_66] : memref<2560x128xi32, #tpu.memory_space<hbm>> -> memref<80x128xi32, #tpu.memory_space<hbm>>
      %dma_wait3A_68 = arith.constant 0 : i32
      %dma_wait3A_69 = tpu.memref_slice %arg5[%mul3A_28, %dma_wait3A_68] : memref<2560x128xi32, #tpu.memory_space<hbm>> -> memref<80x128xi32, #tpu.memory_space<hbm>>
      tpu.wait_dma2 semaphore(%run_scoped3A : memref<!tpu.dma_semaphore, #tpu.memory_space<semaphore_mem>>) src(%dma_wait3A_69 : memref<80x128xi32, #tpu.memory_space<hbm>>) dst(%arg8 : memref<80x128xi32, #tpu.memory_space<vmem>>)
      tpu.yield
    }) : () -> ()
    %dma_start3A = arith.constant 0 : i32
    %dma_start3A_29 = arith.constant 0 : i32
    %dma_start3A_30 = tpu.memref_slice %arg7[%dma_start3A, %dma_start3A_29] : memref<80x128xi32, #tpu.memory_space<vmem>> -> memref<1x128xi32, #tpu.memory_space<vmem>>
    %dma_start3A_31 = tpu.memref_squeeze %dma_start3A_30 : memref<1x128xi32, #tpu.memory_space<vmem>> -> memref<128xi32, #tpu.memory_space<vmem>>
    %dma_start3A_32 = arith.constant 0 : i32
    %dma_start3A_33 = arith.constant 0 : i32
    %dma_start3A_34 = tpu.memref_slice %arg2[%dma_start3A_32, %dma_start3A_33] : memref<10112x48xf32, #tpu.memory_space<hbm>> -> memref<10112x48xf32, #tpu.memory_space<hbm>>
    tpu.enqueue_indirect_dma source(%dma_start3A_34 : memref<10112x48xf32, #tpu.memory_space<hbm>>) target(%arg9 : memref<128x48xf32, #tpu.memory_space<vmem>>) offsets(%dma_start3A_31 : memref<128xi32, #tpu.memory_space<vmem>>) semaphore(%arg16 : memref<!tpu.dma_semaphore, #tpu.memory_space<semaphore_mem>>)
    %dma_start3A_35 = arith.constant 0 : i32
    %dma_start3A_36 = arith.constant 0 : i32
    %dma_start3A_37 = tpu.memref_slice %arg8[%dma_start3A_35, %dma_start3A_36] : memref<80x128xi32, #tpu.memory_space<vmem>> -> memref<1x128xi32, #tpu.memory_space<vmem>>
    %dma_start3A_38 = tpu.memref_squeeze %dma_start3A_37 : memref<1x128xi32, #tpu.memory_space<vmem>> -> memref<128xi32, #tpu.memory_space<vmem>>
    %dma_start3A_39 = arith.constant 0 : i32
    %dma_start3A_40 = arith.constant 0 : i32
    %dma_start3A_41 = tpu.memref_slice %arg3[%dma_start3A_39, %dma_start3A_40] : memref<10112x16xf32, #tpu.memory_space<hbm>> -> memref<10112x16xf32, #tpu.memory_space<hbm>>
    tpu.enqueue_indirect_dma source(%dma_start3A_41 : memref<10112x16xf32, #tpu.memory_space<hbm>>) target(%arg11 : memref<128x16xf32, #tpu.memory_space<vmem>>) offsets(%dma_start3A_38 : memref<128xi32, #tpu.memory_space<vmem>>) semaphore(%arg18 : memref<!tpu.dma_semaphore, #tpu.memory_space<semaphore_mem>>)
    %scan3A = arith.constant 0 : i32
    %scan3A_42 = arith.constant 0 : i32
    %scan3A_43 = arith.constant 40 : i32
    %scan3A_44 = arith.addi %scan3A_42, %scan3A_43 : i32
    %scan3A_45 = arith.constant 1 : i32
    %scan3A_46 = scf.for %scan3A_62 = %scan3A_42 to %scan3A_44 step %scan3A_45 iter_args(%scan3A_63 = %scan3A) -> (i32)  : i32 {
      %mul3A_64 = arith.constant 2 : i32
      %mul3A_65 = arith.muli %mul3A_64, %scan3A_62 : i32
      %add3A_66 = arith.constant 1 : i32
      %add3A_67 = arith.addi %mul3A_65, %add3A_66 : i32
      %lt3A = arith.constant 80 : i32
      %lt3A_68 = arith.cmpi slt, %add3A_67, %lt3A : i32
      %convert_element_type3A = arith.extui %lt3A_68 : i1 to i32
      %cond3A = arith.constant 0 : i32
      %cond3A_69 = arith.cmpi ne, %convert_element_type3A, %cond3A : i32
      scf.if %cond3A_69 {
        %add3A_133 = arith.constant 1 : i32
        %add3A_134 = arith.addi %mul3A_65, %add3A_133 : i32
        %dma_start3A_135 = arith.constant 0 : i32
        %dma_start3A_136 = tpu.memref_slice %arg7[%add3A_134, %dma_start3A_135] : memref<80x128xi32, #tpu.memory_space<vmem>> -> memref<1x128xi32, #tpu.memory_space<vmem>>
        %dma_start3A_137 = tpu.memref_squeeze %dma_start3A_136 : memref<1x128xi32, #tpu.memory_space<vmem>> -> memref<128xi32, #tpu.memory_space<vmem>>
        %dma_start3A_138 = arith.constant 0 : i32
        %dma_start3A_139 = arith.constant 0 : i32
        %dma_start3A_140 = tpu.memref_slice %arg2[%dma_start3A_138, %dma_start3A_139] : memref<10112x48xf32, #tpu.memory_space<hbm>> -> memref<10112x48xf32, #tpu.memory_space<hbm>>
        tpu.enqueue_indirect_dma source(%dma_start3A_140 : memref<10112x48xf32, #tpu.memory_space<hbm>>) target(%arg10 : memref<128x48xf32, #tpu.memory_space<vmem>>) offsets(%dma_start3A_137 : memref<128xi32, #tpu.memory_space<vmem>>) semaphore(%arg17 : memref<!tpu.dma_semaphore, #tpu.memory_space<semaphore_mem>>)
        %dma_start3A_141 = arith.constant 0 : i32
        %dma_start3A_142 = tpu.memref_slice %arg8[%add3A_134, %dma_start3A_141] : memref<80x128xi32, #tpu.memory_space<vmem>> -> memref<1x128xi32, #tpu.memory_space<vmem>>
        %dma_start3A_143 = tpu.memref_squeeze %dma_start3A_142 : memref<1x128xi32, #tpu.memory_space<vmem>> -> memref<128xi32, #tpu.memory_space<vmem>>
        %dma_start3A_144 = arith.constant 0 : i32
        %dma_start3A_145 = arith.constant 0 : i32
        %dma_start3A_146 = tpu.memref_slice %arg3[%dma_start3A_144, %dma_start3A_145] : memref<10112x16xf32, #tpu.memory_space<hbm>> -> memref<10112x16xf32, #tpu.memory_space<hbm>>
        tpu.enqueue_indirect_dma source(%dma_start3A_146 : memref<10112x16xf32, #tpu.memory_space<hbm>>) target(%arg12 : memref<128x16xf32, #tpu.memory_space<vmem>>) offsets(%dma_start3A_143 : memref<128xi32, #tpu.memory_space<vmem>>) semaphore(%arg19 : memref<!tpu.dma_semaphore, #tpu.memory_space<semaphore_mem>>)
      } else {
      }
      %dma_wait3A_70 = arith.constant 0 : i32
      %dma_wait3A_71 = tpu.memref_slice %arg7[%mul3A_65, %dma_wait3A_70] : memref<80x128xi32, #tpu.memory_space<vmem>> -> memref<1x128xi32, #tpu.memory_space<vmem>>
      %dma_wait3A_72 = tpu.memref_squeeze %dma_wait3A_71 : memref<1x128xi32, #tpu.memory_space<vmem>> -> memref<128xi32, #tpu.memory_space<vmem>>
      %dma_wait3A_73 = arith.constant 0 : i32
      %dma_wait3A_74 = arith.constant 0 : i32
      %dma_wait3A_75 = tpu.memref_slice %arg2[%dma_wait3A_73, %dma_wait3A_74] : memref<10112x48xf32, #tpu.memory_space<hbm>> -> memref<10112x48xf32, #tpu.memory_space<hbm>>
      tpu.wait_indirect_dma semaphore(%arg16 : memref<!tpu.dma_semaphore, #tpu.memory_space<semaphore_mem>>) src(%dma_wait3A_75 : memref<10112x48xf32, #tpu.memory_space<hbm>>) dst(%arg9 : memref<128x48xf32, #tpu.memory_space<vmem>>)
      %dma_wait3A_76 = arith.constant 0 : i32
      %dma_wait3A_77 = tpu.memref_slice %arg8[%mul3A_65, %dma_wait3A_76] : memref<80x128xi32, #tpu.memory_space<vmem>> -> memref<1x128xi32, #tpu.memory_space<vmem>>
      %dma_wait3A_78 = tpu.memref_squeeze %dma_wait3A_77 : memref<1x128xi32, #tpu.memory_space<vmem>> -> memref<128xi32, #tpu.memory_space<vmem>>
      %dma_wait3A_79 = arith.constant 0 : i32
      %dma_wait3A_80 = arith.constant 0 : i32
      %dma_wait3A_81 = tpu.memref_slice %arg3[%dma_wait3A_79, %dma_wait3A_80] : memref<10112x16xf32, #tpu.memory_space<hbm>> -> memref<10112x16xf32, #tpu.memory_space<hbm>>
      tpu.wait_indirect_dma semaphore(%arg18 : memref<!tpu.dma_semaphore, #tpu.memory_space<semaphore_mem>>) src(%dma_wait3A_81 : memref<10112x16xf32, #tpu.memory_space<hbm>>) dst(%arg11 : memref<128x16xf32, #tpu.memory_space<vmem>>)
      %ge3A = arith.constant 2 : i32
      %ge3A_82 = arith.cmpi sge, %mul3A_65, %ge3A : i32
      %convert_element_type3A_83 = arith.extui %ge3A_82 : i1 to i32
      %cond3A_84 = arith.constant 0 : i32
      %cond3A_85 = arith.cmpi ne, %convert_element_type3A_83, %cond3A_84 : i32
      scf.if %cond3A_85 {
        %sub3A = arith.constant 2 : i32
        %sub3A_133 = arith.subi %mul3A_65, %sub3A : i32
        %dma_wait3A_134 = arith.constant 0 : i32
        %dma_wait3A_135 = tpu.memref_slice %arg8[%sub3A_133, %dma_wait3A_134] : memref<80x128xi32, #tpu.memory_space<vmem>> -> memref<1x128xi32, #tpu.memory_space<vmem>>
        %dma_wait3A_136 = tpu.memref_squeeze %dma_wait3A_135 : memref<1x128xi32, #tpu.memory_space<vmem>> -> memref<128xi32, #tpu.memory_space<vmem>>
        %dma_wait3A_137 = arith.constant 0 : i32
        %dma_wait3A_138 = arith.constant 0 : i32
        %dma_wait3A_139 = tpu.memref_slice %arg15[%dma_wait3A_137, %dma_wait3A_138] : memref<10112x48xf32, #tpu.memory_space<vmem_shared>> -> memref<10112x48xf32, #tpu.memory_space<vmem_shared>>
        tpu.wait_indirect_dma semaphore(%arg20 : memref<!tpu.dma_semaphore, #tpu.memory_space<semaphore_mem>>) src(%arg13 : memref<128x48xf32, #tpu.memory_space<vmem>>) dst(%dma_wait3A_139 : memref<10112x48xf32, #tpu.memory_space<vmem_shared>>)
      } else {
      }
      %parallel_loop3A_86 = arith.constant 0 : i32
      %parallel_loop3A_87 = arith.constant 128 : i32
      %parallel_loop3A_88 = arith.constant 1 : i32
      scf.for %parallel_loop3A_133 = %parallel_loop3A_86 to %parallel_loop3A_87 step %parallel_loop3A_88  : i32 {
        %parallel_loop3A_134 = arith.index_cast %parallel_loop3A_133 : i32 to index
        %parallel_loop3A_135 = arith.constant 0 : index
        %parallel_loop3A_136 = tpu.vector_load %arg9[%parallel_loop3A_134, %parallel_loop3A_135] {strides = array<i32>} : memref<128x48xf32, #tpu.memory_space<vmem>>, vector<1x16xf32>,
        %parallel_loop3A_137 = vector.shape_cast %parallel_loop3A_136 : vector<1x16xf32> to vector<16xf32>
        %parallel_loop3A_138 = arith.index_cast %parallel_loop3A_133 : i32 to index
        %parallel_loop3A_139 = arith.constant 0 : index
        %parallel_loop3A_140 = tpu.vector_load %arg11[%parallel_loop3A_138, %parallel_loop3A_139] {strides = array<i32>} : memref<128x16xf32, #tpu.memory_space<vmem>>, vector<1x16xf32>,
        %parallel_loop3A_141 = vector.shape_cast %parallel_loop3A_140 : vector<1x16xf32> to vector<16xf32>
        %parallel_loop3A_142 = arith.addf %parallel_loop3A_137, %parallel_loop3A_141 : vector<16xf32>
        %parallel_loop3A_143 = arith.constant 2.000000e-01 : f32
        %parallel_loop3A_144 = vector.broadcast %parallel_loop3A_143 : f32 to vector<16xf32>
        %parallel_loop3A_145 = arith.mulf %parallel_loop3A_144, %parallel_loop3A_142 : vector<16xf32>
        %parallel_loop3A_146 = arith.maximumf %parallel_loop3A_142, %parallel_loop3A_145 : vector<16xf32>
        %parallel_loop3A_147 = math.exp %parallel_loop3A_146 : vector<16xf32>
        %parallel_loop3A_148 = arith.index_cast %parallel_loop3A_133 : i32 to index
        %parallel_loop3A_149 = arith.constant 0 : index
        %parallel_loop3A_150 = tpu.vector_load %arg13[%parallel_loop3A_148, %parallel_loop3A_149] {strides = array<i32>} : memref<128x48xf32, #tpu.memory_space<vmem>>, vector<1x16xf32>,
        %parallel_loop3A_151 = vector.shape_cast %parallel_loop3A_150 : vector<1x16xf32> to vector<16xf32>
        %parallel_loop3A_152 = vector.shape_cast %parallel_loop3A_147 : vector<16xf32> to vector<1x16xf32>
        tpu.vector_store %arg13[%parallel_loop3A_148, %parallel_loop3A_149], %parallel_loop3A_152 {strides = array<i32>} : memref<128x48xf32, #tpu.memory_space<vmem>>, vector<1x16xf32>,
        %parallel_loop3A_153 = arith.constant 0 : i32
        %parallel_loop3A_154 = vector.broadcast %parallel_loop3A_153 : i32 to vector<16xi32>
        %parallel_loop3A_155 = arith.cmpi slt, %mul3A_9, %parallel_loop3A_154 : vector<16xi32>
        %parallel_loop3A_156 = arith.constant 16 : i32
        %parallel_loop3A_157 = vector.broadcast %parallel_loop3A_156 : i32 to vector<16xi32>
        %parallel_loop3A_158 = arith.addi %mul3A_9, %parallel_loop3A_157 : vector<16xi32>
        %parallel_loop3A_159 = arith.select %parallel_loop3A_155, %parallel_loop3A_158, %mul3A_9 : vector<16xi1>, vector<16xi32>
        %parallel_loop3A_160 = vector.shape_cast %parallel_loop3A_159 : vector<16xi32> to vector<16x1xi32>
        %parallel_loop3A_161 = vector.shape_cast %parallel_loop3A_160 : vector<16x1xi32> to vector<16xi32>
        %parallel_loop3A_162 = tpu.dynamic_gather %parallel_loop3A_147[%parallel_loop3A_161] in [0] : vector<16xf32>, vector<16xi32> -> vector<16xf32>
        %parallel_loop3A_163 = arith.index_cast %parallel_loop3A_133 : i32 to index
        %parallel_loop3A_164 = arith.constant 16 : index
        %parallel_loop3A_165 = tpu.vector_load %arg9[%parallel_loop3A_163, %parallel_loop3A_164] {strides = array<i32>} : memref<128x48xf32, #tpu.memory_space<vmem>>, vector<1x16xf32>,
        %parallel_loop3A_166 = vector.shape_cast %parallel_loop3A_165 : vector<1x16xf32> to vector<16xf32>
        %parallel_loop3A_167 = arith.mulf %parallel_loop3A_166, %parallel_loop3A_162 : vector<16xf32>
        %parallel_loop3A_168 = arith.index_cast %parallel_loop3A_133 : i32 to index
        %parallel_loop3A_169 = arith.constant 16 : index
        %parallel_loop3A_170 = tpu.vector_load %arg13[%parallel_loop3A_168, %parallel_loop3A_169] {strides = array<i32>} : memref<128x48xf32, #tpu.memory_space<vmem>>, vector<1x16xf32>,
        %parallel_loop3A_171 = vector.shape_cast %parallel_loop3A_170 : vector<1x16xf32> to vector<16xf32>
        %parallel_loop3A_172 = vector.shape_cast %parallel_loop3A_167 : vector<16xf32> to vector<1x16xf32>
        tpu.vector_store %arg13[%parallel_loop3A_168, %parallel_loop3A_169], %parallel_loop3A_172 {strides = array<i32>} : memref<128x48xf32, #tpu.memory_space<vmem>>, vector<1x16xf32>,
        %parallel_loop3A_173 = arith.constant 0 : i32
        %parallel_loop3A_174 = vector.broadcast %parallel_loop3A_173 : i32 to vector<16xi32>
        %parallel_loop3A_175 = arith.cmpi slt, %add3A_6, %parallel_loop3A_174 : vector<16xi32>
        %parallel_loop3A_176 = arith.constant 16 : i32
        %parallel_loop3A_177 = vector.broadcast %parallel_loop3A_176 : i32 to vector<16xi32>
        %parallel_loop3A_178 = arith.addi %add3A_6, %parallel_loop3A_177 : vector<16xi32>
        %parallel_loop3A_179 = arith.select %parallel_loop3A_175, %parallel_loop3A_178, %add3A_6 : vector<16xi1>, vector<16xi32>
        %parallel_loop3A_180 = vector.shape_cast %parallel_loop3A_179 : vector<16xi32> to vector<16x1xi32>
        %parallel_loop3A_181 = vector.shape_cast %parallel_loop3A_180 : vector<16x1xi32> to vector<16xi32>
        %parallel_loop3A_182 = tpu.dynamic_gather %parallel_loop3A_147[%parallel_loop3A_181] in [0] : vector<16xf32>, vector<16xi32> -> vector<16xf32>
        %parallel_loop3A_183 = arith.index_cast %parallel_loop3A_133 : i32 to index
        %parallel_loop3A_184 = arith.constant 32 : index
        %parallel_loop3A_185 = tpu.vector_load %arg9[%parallel_loop3A_183, %parallel_loop3A_184] {strides = array<i32>} : memref<128x48xf32, #tpu.memory_space<vmem>>, vector<1x16xf32>,
        %parallel_loop3A_186 = vector.shape_cast %parallel_loop3A_185 : vector<1x16xf32> to vector<16xf32>
        %parallel_loop3A_187 = arith.mulf %parallel_loop3A_186, %parallel_loop3A_182 : vector<16xf32>
        %parallel_loop3A_188 = arith.index_cast %parallel_loop3A_133 : i32 to index
        %parallel_loop3A_189 = arith.constant 32 : index
        %parallel_loop3A_190 = tpu.vector_load %arg13[%parallel_loop3A_188, %parallel_loop3A_189] {strides = array<i32>} : memref<128x48xf32, #tpu.memory_space<vmem>>, vector<1x16xf32>,
        %parallel_loop3A_191 = vector.shape_cast %parallel_loop3A_190 : vector<1x16xf32> to vector<16xf32>
        %parallel_loop3A_192 = vector.shape_cast %parallel_loop3A_187 : vector<16xf32> to vector<1x16xf32>
        tpu.vector_store %arg13[%parallel_loop3A_188, %parallel_loop3A_189], %parallel_loop3A_192 {strides = array<i32>} : memref<128x48xf32, #tpu.memory_space<vmem>>, vector<1x16xf32>,
      } {sc.loop_unroll_factor = 8 : i64, sc.parallel_access}
      %dma_start3A_89 = arith.constant 0 : i32
      %dma_start3A_90 = tpu.memref_slice %arg8[%mul3A_65, %dma_start3A_89] : memref<80x128xi32, #tpu.memory_space<vmem>> -> memref<1x128xi32, #tpu.memory_space<vmem>>
      %dma_start3A_91 = tpu.memref_squeeze %dma_start3A_90 : memref<1x128xi32, #tpu.memory_space<vmem>> -> memref<128xi32, #tpu.memory_space<vmem>>
      %dma_start3A_92 = arith.constant 0 : i32
      %dma_start3A_93 = arith.constant 0 : i32
      %dma_start3A_94 = tpu.memref_slice %arg15[%dma_start3A_92, %dma_start3A_93] : memref<10112x48xf32, #tpu.memory_space<vmem_shared>> -> memref<10112x48xf32, #tpu.memory_space<vmem_shared>>
      tpu.enqueue_indirect_dma source(%arg13 : memref<128x48xf32, #tpu.memory_space<vmem>>) target(%dma_start3A_94 : memref<10112x48xf32, #tpu.memory_space<vmem_shared>>) offsets(%dma_start3A_91 : memref<128xi32, #tpu.memory_space<vmem>>) semaphore(%arg20 : memref<!tpu.dma_semaphore, #tpu.memory_space<semaphore_mem>>) {add = true}
      %mul3A_95 = arith.constant 2 : i32
      %mul3A_96 = arith.muli %mul3A_95, %scan3A_62 : i32
      %add3A_97 = arith.constant 1 : i32
      %add3A_98 = arith.addi %mul3A_96, %add3A_97 : i32
      %add3A_99 = arith.constant 1 : i32
      %add3A_100 = arith.addi %add3A_98, %add3A_99 : i32
      %lt3A_101 = arith.constant 80 : i32
      %lt3A_102 = arith.cmpi slt, %add3A_100, %lt3A_101 : i32
      %convert_element_type3A_103 = arith.extui %lt3A_102 : i1 to i32
      %cond3A_104 = arith.constant 0 : i32
      %cond3A_105 = arith.cmpi ne, %convert_element_type3A_103, %cond3A_104 : i32
      scf.if %cond3A_105 {
        %add3A_133 = arith.constant 1 : i32
        %add3A_134 = arith.addi %add3A_98, %add3A_133 : i32
        %dma_start3A_135 = arith.constant 0 : i32
        %dma_start3A_136 = tpu.memref_slice %arg7[%add3A_134, %dma_start3A_135] : memref<80x128xi32, #tpu.memory_space<vmem>> -> memref<1x128xi32, #tpu.memory_space<vmem>>
        %dma_start3A_137 = tpu.memref_squeeze %dma_start3A_136 : memref<1x128xi32, #tpu.memory_space<vmem>> -> memref<128xi32, #tpu.memory_space<vmem>>
        %dma_start3A_138 = arith.constant 0 : i32
        %dma_start3A_139 = arith.constant 0 : i32
        %dma_start3A_140 = tpu.memref_slice %arg2[%dma_start3A_138, %dma_start3A_139] : memref<10112x48xf32, #tpu.memory_space<hbm>> -> memref<10112x48xf32, #tpu.memory_space<hbm>>
        tpu.enqueue_indirect_dma source(%dma_start3A_140 : memref<10112x48xf32, #tpu.memory_space<hbm>>) target(%arg9 : memref<128x48xf32, #tpu.memory_space<vmem>>) offsets(%dma_start3A_137 : memref<128xi32, #tpu.memory_space<vmem>>) semaphore(%arg16 : memref<!tpu.dma_semaphore, #tpu.memory_space<semaphore_mem>>)
        %dma_start3A_141 = arith.constant 0 : i32
        %dma_start3A_142 = tpu.memref_slice %arg8[%add3A_134, %dma_start3A_141] : memref<80x128xi32, #tpu.memory_space<vmem>> -> memref<1x128xi32, #tpu.memory_space<vmem>>
        %dma_start3A_143 = tpu.memref_squeeze %dma_start3A_142 : memref<1x128xi32, #tpu.memory_space<vmem>> -> memref<128xi32, #tpu.memory_space<vmem>>
        %dma_start3A_144 = arith.constant 0 : i32
        %dma_start3A_145 = arith.constant 0 : i32
        %dma_start3A_146 = tpu.memref_slice %arg3[%dma_start3A_144, %dma_start3A_145] : memref<10112x16xf32, #tpu.memory_space<hbm>> -> memref<10112x16xf32, #tpu.memory_space<hbm>>
        tpu.enqueue_indirect_dma source(%dma_start3A_146 : memref<10112x16xf32, #tpu.memory_space<hbm>>) target(%arg11 : memref<128x16xf32, #tpu.memory_space<vmem>>) offsets(%dma_start3A_143 : memref<128xi32, #tpu.memory_space<vmem>>) semaphore(%arg18 : memref<!tpu.dma_semaphore, #tpu.memory_space<semaphore_mem>>)
      } else {
      }
      %dma_wait3A_106 = arith.constant 0 : i32
      %dma_wait3A_107 = tpu.memref_slice %arg7[%add3A_98, %dma_wait3A_106] : memref<80x128xi32, #tpu.memory_space<vmem>> -> memref<1x128xi32, #tpu.memory_space<vmem>>
      %dma_wait3A_108 = tpu.memref_squeeze %dma_wait3A_107 : memref<1x128xi32, #tpu.memory_space<vmem>> -> memref<128xi32, #tpu.memory_space<vmem>>
      %dma_wait3A_109 = arith.constant 0 : i32
      %dma_wait3A_110 = arith.constant 0 : i32
      %dma_wait3A_111 = tpu.memref_slice %arg2[%dma_wait3A_109, %dma_wait3A_110] : memref<10112x48xf32, #tpu.memory_space<hbm>> -> memref<10112x48xf32, #tpu.memory_space<hbm>>
      tpu.wait_indirect_dma semaphore(%arg17 : memref<!tpu.dma_semaphore, #tpu.memory_space<semaphore_mem>>) src(%dma_wait3A_111 : memref<10112x48xf32, #tpu.memory_space<hbm>>) dst(%arg10 : memref<128x48xf32, #tpu.memory_space<vmem>>)
      %dma_wait3A_112 = arith.constant 0 : i32
      %dma_wait3A_113 = tpu.memref_slice %arg8[%add3A_98, %dma_wait3A_112] : memref<80x128xi32, #tpu.memory_space<vmem>> -> memref<1x128xi32, #tpu.memory_space<vmem>>
      %dma_wait3A_114 = tpu.memref_squeeze %dma_wait3A_113 : memref<1x128xi32, #tpu.memory_space<vmem>> -> memref<128xi32, #tpu.memory_space<vmem>>
      %dma_wait3A_115 = arith.constant 0 : i32
      %dma_wait3A_116 = arith.constant 0 : i32
      %dma_wait3A_117 = tpu.memref_slice %arg3[%dma_wait3A_115, %dma_wait3A_116] : memref<10112x16xf32, #tpu.memory_space<hbm>> -> memref<10112x16xf32, #tpu.memory_space<hbm>>
      tpu.wait_indirect_dma semaphore(%arg19 : memref<!tpu.dma_semaphore, #tpu.memory_space<semaphore_mem>>) src(%dma_wait3A_117 : memref<10112x16xf32, #tpu.memory_space<hbm>>) dst(%arg12 : memref<128x16xf32, #tpu.memory_space<vmem>>)
      %ge3A_118 = arith.constant 2 : i32
      %ge3A_119 = arith.cmpi sge, %add3A_98, %ge3A_118 : i32
      %convert_element_type3A_120 = arith.extui %ge3A_119 : i1 to i32
      %cond3A_121 = arith.constant 0 : i32
      %cond3A_122 = arith.cmpi ne, %convert_element_type3A_120, %cond3A_121 : i32
      scf.if %cond3A_122 {
        %sub3A = arith.constant 2 : i32
        %sub3A_133 = arith.subi %add3A_98, %sub3A : i32
        %dma_wait3A_134 = arith.constant 0 : i32
        %dma_wait3A_135 = tpu.memref_slice %arg8[%sub3A_133, %dma_wait3A_134] : memref<80x128xi32, #tpu.memory_space<vmem>> -> memref<1x128xi32, #tpu.memory_space<vmem>>
        %dma_wait3A_136 = tpu.memref_squeeze %dma_wait3A_135 : memref<1x128xi32, #tpu.memory_space<vmem>> -> memref<128xi32, #tpu.memory_space<vmem>>
        %dma_wait3A_137 = arith.constant 0 : i32
        %dma_wait3A_138 = arith.constant 0 : i32
        %dma_wait3A_139 = tpu.memref_slice %arg15[%dma_wait3A_137, %dma_wait3A_138] : memref<10112x48xf32, #tpu.memory_space<vmem_shared>> -> memref<10112x48xf32, #tpu.memory_space<vmem_shared>>
        tpu.wait_indirect_dma semaphore(%arg21 : memref<!tpu.dma_semaphore, #tpu.memory_space<semaphore_mem>>) src(%arg14 : memref<128x48xf32, #tpu.memory_space<vmem>>) dst(%dma_wait3A_139 : memref<10112x48xf32, #tpu.memory_space<vmem_shared>>)
      } else {
      }
      %parallel_loop3A_123 = arith.constant 0 : i32
      %parallel_loop3A_124 = arith.constant 128 : i32
      %parallel_loop3A_125 = arith.constant 1 : i32
      scf.for %parallel_loop3A_133 = %parallel_loop3A_123 to %parallel_loop3A_124 step %parallel_loop3A_125  : i32 {
        %parallel_loop3A_134 = arith.index_cast %parallel_loop3A_133 : i32 to index
        %parallel_loop3A_135 = arith.constant 0 : index
        %parallel_loop3A_136 = tpu.vector_load %arg10[%parallel_loop3A_134, %parallel_loop3A_135] {strides = array<i32>} : memref<128x48xf32, #tpu.memory_space<vmem>>, vector<1x16xf32>,
        %parallel_loop3A_137 = vector.shape_cast %parallel_loop3A_136 : vector<1x16xf32> to vector<16xf32>
        %parallel_loop3A_138 = arith.index_cast %parallel_loop3A_133 : i32 to index
        %parallel_loop3A_139 = arith.constant 0 : index
        %parallel_loop3A_140 = tpu.vector_load %arg12[%parallel_loop3A_138, %parallel_loop3A_139] {strides = array<i32>} : memref<128x16xf32, #tpu.memory_space<vmem>>, vector<1x16xf32>,
        %parallel_loop3A_141 = vector.shape_cast %parallel_loop3A_140 : vector<1x16xf32> to vector<16xf32>
        %parallel_loop3A_142 = arith.addf %parallel_loop3A_137, %parallel_loop3A_141 : vector<16xf32>
        %parallel_loop3A_143 = arith.constant 2.000000e-01 : f32
        %parallel_loop3A_144 = vector.broadcast %parallel_loop3A_143 : f32 to vector<16xf32>
        %parallel_loop3A_145 = arith.mulf %parallel_loop3A_144, %parallel_loop3A_142 : vector<16xf32>
        %parallel_loop3A_146 = arith.maximumf %parallel_loop3A_142, %parallel_loop3A_145 : vector<16xf32>
        %parallel_loop3A_147 = math.exp %parallel_loop3A_146 : vector<16xf32>
        %parallel_loop3A_148 = arith.index_cast %parallel_loop3A_133 : i32 to index
        %parallel_loop3A_149 = arith.constant 0 : index
        %parallel_loop3A_150 = tpu.vector_load %arg14[%parallel_loop3A_148, %parallel_loop3A_149] {strides = array<i32>} : memref<128x48xf32, #tpu.memory_space<vmem>>, vector<1x16xf32>,
        %parallel_loop3A_151 = vector.shape_cast %parallel_loop3A_150 : vector<1x16xf32> to vector<16xf32>
        %parallel_loop3A_152 = vector.shape_cast %parallel_loop3A_147 : vector<16xf32> to vector<1x16xf32>
        tpu.vector_store %arg14[%parallel_loop3A_148, %parallel_loop3A_149], %parallel_loop3A_152 {strides = array<i32>} : memref<128x48xf32, #tpu.memory_space<vmem>>, vector<1x16xf32>,
        %parallel_loop3A_153 = arith.constant 0 : i32
        %parallel_loop3A_154 = vector.broadcast %parallel_loop3A_153 : i32 to vector<16xi32>
        %parallel_loop3A_155 = arith.cmpi slt, %mul3A_9, %parallel_loop3A_154 : vector<16xi32>
        %parallel_loop3A_156 = arith.constant 16 : i32
        %parallel_loop3A_157 = vector.broadcast %parallel_loop3A_156 : i32 to vector<16xi32>
        %parallel_loop3A_158 = arith.addi %mul3A_9, %parallel_loop3A_157 : vector<16xi32>
        %parallel_loop3A_159 = arith.select %parallel_loop3A_155, %parallel_loop3A_158, %mul3A_9 : vector<16xi1>, vector<16xi32>
        %parallel_loop3A_160 = vector.shape_cast %parallel_loop3A_159 : vector<16xi32> to vector<16x1xi32>
        %parallel_loop3A_161 = vector.shape_cast %parallel_loop3A_160 : vector<16x1xi32> to vector<16xi32>
        %parallel_loop3A_162 = tpu.dynamic_gather %parallel_loop3A_147[%parallel_loop3A_161] in [0] : vector<16xf32>, vector<16xi32> -> vector<16xf32>
        %parallel_loop3A_163 = arith.index_cast %parallel_loop3A_133 : i32 to index
        %parallel_loop3A_164 = arith.constant 16 : index
        %parallel_loop3A_165 = tpu.vector_load %arg10[%parallel_loop3A_163, %parallel_loop3A_164] {strides = array<i32>} : memref<128x48xf32, #tpu.memory_space<vmem>>, vector<1x16xf32>,
        %parallel_loop3A_166 = vector.shape_cast %parallel_loop3A_165 : vector<1x16xf32> to vector<16xf32>
        %parallel_loop3A_167 = arith.mulf %parallel_loop3A_166, %parallel_loop3A_162 : vector<16xf32>
        %parallel_loop3A_168 = arith.index_cast %parallel_loop3A_133 : i32 to index
        %parallel_loop3A_169 = arith.constant 16 : index
        %parallel_loop3A_170 = tpu.vector_load %arg14[%parallel_loop3A_168, %parallel_loop3A_169] {strides = array<i32>} : memref<128x48xf32, #tpu.memory_space<vmem>>, vector<1x16xf32>,
        %parallel_loop3A_171 = vector.shape_cast %parallel_loop3A_170 : vector<1x16xf32> to vector<16xf32>
        %parallel_loop3A_172 = vector.shape_cast %parallel_loop3A_167 : vector<16xf32> to vector<1x16xf32>
        tpu.vector_store %arg14[%parallel_loop3A_168, %parallel_loop3A_169], %parallel_loop3A_172 {strides = array<i32>} : memref<128x48xf32, #tpu.memory_space<vmem>>, vector<1x16xf32>,
        %parallel_loop3A_173 = arith.constant 0 : i32
        %parallel_loop3A_174 = vector.broadcast %parallel_loop3A_173 : i32 to vector<16xi32>
        %parallel_loop3A_175 = arith.cmpi slt, %add3A_6, %parallel_loop3A_174 : vector<16xi32>
        %parallel_loop3A_176 = arith.constant 16 : i32
        %parallel_loop3A_177 = vector.broadcast %parallel_loop3A_176 : i32 to vector<16xi32>
        %parallel_loop3A_178 = arith.addi %add3A_6, %parallel_loop3A_177 : vector<16xi32>
        %parallel_loop3A_179 = arith.select %parallel_loop3A_175, %parallel_loop3A_178, %add3A_6 : vector<16xi1>, vector<16xi32>
        %parallel_loop3A_180 = vector.shape_cast %parallel_loop3A_179 : vector<16xi32> to vector<16x1xi32>
        %parallel_loop3A_181 = vector.shape_cast %parallel_loop3A_180 : vector<16x1xi32> to vector<16xi32>
        %parallel_loop3A_182 = tpu.dynamic_gather %parallel_loop3A_147[%parallel_loop3A_181] in [0] : vector<16xf32>, vector<16xi32> -> vector<16xf32>
        %parallel_loop3A_183 = arith.index_cast %parallel_loop3A_133 : i32 to index
        %parallel_loop3A_184 = arith.constant 32 : index
        %parallel_loop3A_185 = tpu.vector_load %arg10[%parallel_loop3A_183, %parallel_loop3A_184] {strides = array<i32>} : memref<128x48xf32, #tpu.memory_space<vmem>>, vector<1x16xf32>,
        %parallel_loop3A_186 = vector.shape_cast %parallel_loop3A_185 : vector<1x16xf32> to vector<16xf32>
        %parallel_loop3A_187 = arith.mulf %parallel_loop3A_186, %parallel_loop3A_182 : vector<16xf32>
        %parallel_loop3A_188 = arith.index_cast %parallel_loop3A_133 : i32 to index
        %parallel_loop3A_189 = arith.constant 32 : index
        %parallel_loop3A_190 = tpu.vector_load %arg14[%parallel_loop3A_188, %parallel_loop3A_189] {strides = array<i32>} : memref<128x48xf32, #tpu.memory_space<vmem>>, vector<1x16xf32>,
        %parallel_loop3A_191 = vector.shape_cast %parallel_loop3A_190 : vector<1x16xf32> to vector<16xf32>
        %parallel_loop3A_192 = vector.shape_cast %parallel_loop3A_187 : vector<16xf32> to vector<1x16xf32>
        tpu.vector_store %arg14[%parallel_loop3A_188, %parallel_loop3A_189], %parallel_loop3A_192 {strides = array<i32>} : memref<128x48xf32, #tpu.memory_space<vmem>>, vector<1x16xf32>,
      } {sc.loop_unroll_factor = 8 : i64, sc.parallel_access}
      %dma_start3A_126 = arith.constant 0 : i32
      %dma_start3A_127 = tpu.memref_slice %arg8[%add3A_98, %dma_start3A_126] : memref<80x128xi32, #tpu.memory_space<vmem>> -> memref<1x128xi32, #tpu.memory_space<vmem>>
      %dma_start3A_128 = tpu.memref_squeeze %dma_start3A_127 : memref<1x128xi32, #tpu.memory_space<vmem>> -> memref<128xi32, #tpu.memory_space<vmem>>
      %dma_start3A_129 = arith.constant 0 : i32
      %dma_start3A_130 = arith.constant 0 : i32
      %dma_start3A_131 = tpu.memref_slice %arg15[%dma_start3A_129, %dma_start3A_130] : memref<10112x48xf32, #tpu.memory_space<vmem_shared>> -> memref<10112x48xf32, #tpu.memory_space<vmem_shared>>
      tpu.enqueue_indirect_dma source(%arg14 : memref<128x48xf32, #tpu.memory_space<vmem>>) target(%dma_start3A_131 : memref<10112x48xf32, #tpu.memory_space<vmem_shared>>) offsets(%dma_start3A_128 : memref<128xi32, #tpu.memory_space<vmem>>) semaphore(%arg21 : memref<!tpu.dma_semaphore, #tpu.memory_space<semaphore_mem>>) {add = true}
      %scan3A_132 = arith.constant 0 : i32
      scf.yield %scan3A_132 : i32
    }
    %scan3A_47 = arith.constant 40 : i32
    %dma_wait3A = arith.constant 78 : i32
    %dma_wait3A_48 = arith.constant 0 : i32
    %dma_wait3A_49 = tpu.memref_slice %arg8[%dma_wait3A, %dma_wait3A_48] : memref<80x128xi32, #tpu.memory_space<vmem>> -> memref<1x128xi32, #tpu.memory_space<vmem>>
    %dma_wait3A_50 = tpu.memref_squeeze %dma_wait3A_49 : memref<1x128xi32, #tpu.memory_space<vmem>> -> memref<128xi32, #tpu.memory_space<vmem>>
    %dma_wait3A_51 = arith.constant 0 : i32
    %dma_wait3A_52 = arith.constant 0 : i32
    %dma_wait3A_53 = tpu.memref_slice %arg15[%dma_wait3A_51, %dma_wait3A_52] : memref<10112x48xf32, #tpu.memory_space<vmem_shared>> -> memref<10112x48xf32, #tpu.memory_space<vmem_shared>>
    tpu.wait_indirect_dma semaphore(%arg20 : memref<!tpu.dma_semaphore, #tpu.memory_space<semaphore_mem>>) src(%arg13 : memref<128x48xf32, #tpu.memory_space<vmem>>) dst(%dma_wait3A_53 : memref<10112x48xf32, #tpu.memory_space<vmem_shared>>)
    %dma_wait3A_54 = arith.constant 79 : i32
    %dma_wait3A_55 = arith.constant 0 : i32
    %dma_wait3A_56 = tpu.memref_slice %arg8[%dma_wait3A_54, %dma_wait3A_55] : memref<80x128xi32, #tpu.memory_space<vmem>> -> memref<1x128xi32, #tpu.memory_space<vmem>>
    %dma_wait3A_57 = tpu.memref_squeeze %dma_wait3A_56 : memref<1x128xi32, #tpu.memory_space<vmem>> -> memref<128xi32, #tpu.memory_space<vmem>>
    %dma_wait3A_58 = arith.constant 0 : i32
    %dma_wait3A_59 = arith.constant 0 : i32
    %dma_wait3A_60 = tpu.memref_slice %arg15[%dma_wait3A_58, %dma_wait3A_59] : memref<10112x48xf32, #tpu.memory_space<vmem_shared>> -> memref<10112x48xf32, #tpu.memory_space<vmem_shared>>
    tpu.wait_indirect_dma semaphore(%arg21 : memref<!tpu.dma_semaphore, #tpu.memory_space<semaphore_mem>>) src(%arg14 : memref<128x48xf32, #tpu.memory_space<vmem>>) dst(%dma_wait3A_60 : memref<10112x48xf32, #tpu.memory_space<vmem_shared>>)
    %barrier3A_61 = arith.constant 0 : index
    tpu.barrier barrier_id(%barrier3A_61)
    "tpu.region"() ({
      %run_scoped3A = tpu.sem_alloc : memref<!tpu.dma_semaphore, #tpu.memory_space<semaphore_mem>>
      %dma_start3A_62 = arith.constant 0 : i32
      %dma_start3A_63 = tpu.memref_slice %arg6[%arg0, %mul3A_14, %dma_start3A_62] : memref<2x10112x48xf32, #tpu.memory_space<hbm>> -> memref<1x632x48xf32, #tpu.memory_space<hbm>>
      %dma_start3A_64 = tpu.memref_squeeze %dma_start3A_63 : memref<1x632x48xf32, #tpu.memory_space<hbm>> -> memref<632x48xf32, #tpu.memory_space<hbm>>
      %dma_start3A_65 = arith.constant 0 : i32
      %dma_start3A_66 = tpu.memref_slice %arg15[%mul3A_14, %dma_start3A_65] : memref<10112x48xf32, #tpu.memory_space<vmem_shared>> -> memref<632x48xf32, #tpu.memory_space<vmem_shared>>
      tpu.enqueue_dma source(%dma_start3A_66 : memref<632x48xf32, #tpu.memory_space<vmem_shared>>) target(%dma_start3A_64 : memref<632x48xf32, #tpu.memory_space<hbm>>) target_semaphore(%run_scoped3A : memref<!tpu.dma_semaphore, #tpu.memory_space<semaphore_mem>>)
      %dma_wait3A_67 = arith.constant 0 : i32
      %dma_wait3A_68 = tpu.memref_slice %arg6[%arg0, %mul3A_14, %dma_wait3A_67] : memref<2x10112x48xf32, #tpu.memory_space<hbm>> -> memref<1x632x48xf32, #tpu.memory_space<hbm>>
      %dma_wait3A_69 = tpu.memref_squeeze %dma_wait3A_68 : memref<1x632x48xf32, #tpu.memory_space<hbm>> -> memref<632x48xf32, #tpu.memory_space<hbm>>
      %dma_wait3A_70 = arith.constant 0 : i32
      %dma_wait3A_71 = tpu.memref_slice %arg15[%mul3A_14, %dma_wait3A_70] : memref<10112x48xf32, #tpu.memory_space<vmem_shared>> -> memref<632x48xf32, #tpu.memory_space<vmem_shared>>
      tpu.wait_dma2 semaphore(%run_scoped3A : memref<!tpu.dma_semaphore, #tpu.memory_space<semaphore_mem>>) src(%dma_wait3A_71 : memref<632x48xf32, #tpu.memory_space<vmem_shared>>) dst(%dma_wait3A_69 : memref<632x48xf32, #tpu.memory_space<hbm>>)
      tpu.yield
    }) : () -> ()
    return
  }
}

module attributes {stable_mosaic.version = 14 : i64} {
  func.func @_tc1_body(%arg0: i32, %arg1: memref<2000x128xf32, #tpu.memory_space<vmem>>, %arg2: memref<128x64xf32, #tpu.memory_space<vmem>>, %arg3: memref<64x72xf32, #tpu.memory_space<vmem>>, %arg4: memref<64x16xf32, #tpu.memory_space<vmem>>, %arg5: memref<2000x72xf32, #tpu.memory_space<vmem>>, %arg6: memref<2000x16xf32, #tpu.memory_space<vmem>>) attributes {dimension_semantics = [#tpu.dimension_semantics<arbitrary>], iteration_bounds = array<i64: 5>, scalar_prefetch = 0 : i64, scratch_operands = 0 : i64, tpu.core_type = #tpu.core_type<tc>, window_params = [{transform_indices = @transform_0, window_bounds = array<i64: 2000, 128>}, {pipeline_mode = #tpu.pipeline_mode<synchronous>, transform_indices = @transform_1, window_bounds = array<i64: 128, 64>}, {pipeline_mode = #tpu.pipeline_mode<synchronous>, transform_indices = @transform_2, window_bounds = array<i64: 64, 72>}, {pipeline_mode = #tpu.pipeline_mode<synchronous>, transform_indices = @transform_3, window_bounds = array<i64: 64, 16>}, {transform_indices = @transform_4, window_bounds = array<i64: 2000, 72>}, {transform_indices = @transform_5, window_bounds = array<i64: 2000, 16>}]} {
    %get3A = arith.constant 0 : index
    %get3A_0 = arith.constant 0 : index
    %get3A_1 = vector.load %arg1[%get3A, %get3A_0] : memref<2000x128xf32, #tpu.memory_space<vmem>>, vector<2000x128xf32>
    %get3A_2 = arith.constant 0 : index
    %get3A_3 = arith.constant 0 : index
    %get3A_4 = vector.load %arg2[%get3A_2, %get3A_3] : memref<128x64xf32, #tpu.memory_space<vmem>>, vector<128x64xf32>
    %dot_general3A = arith.constant dense<0.000000e+00> : vector<2000x64xf32>
    %dot_general3A_5 = tpu.matmul %get3A_1, %get3A_4, %dot_general3A {dimension_numbers = #tpu.dot_dimension_numbers<[1], [0], [0], [1], [0, 0, 1, 1], [], []>, precision = #tpu.contract_precision<fp32>, transpose_lhs_hint = false} : vector<2000x128xf32>, vector<128x64xf32>, vector<2000x64xf32> -> vector<2000x64xf32>
    %get3A_6 = arith.constant 0 : index
    %get3A_7 = arith.constant 0 : index
    %get3A_8 = vector.load %arg3[%get3A_6, %get3A_7] : memref<64x72xf32, #tpu.memory_space<vmem>>, vector<64x72xf32>
    %dot_general3A_9 = arith.constant dense<0.000000e+00> : vector<2000x72xf32>
    %dot_general3A_10 = tpu.matmul %dot_general3A_5, %get3A_8, %dot_general3A_9 {dimension_numbers = #tpu.dot_dimension_numbers<[1], [0], [0], [1], [0, 0, 1, 1], [], []>, precision = #tpu.contract_precision<fp32>, transpose_lhs_hint = false} : vector<2000x64xf32>, vector<64x72xf32>, vector<2000x72xf32> -> vector<2000x72xf32>
    %swap3A = arith.constant 0 : index
    %swap3A_11 = arith.constant 0 : index
    %swap3A_12 = vector.load %arg5[%swap3A, %swap3A_11] : memref<2000x72xf32, #tpu.memory_space<vmem>>, vector<2000x72xf32>
    tpu.vector_store %arg5[%swap3A, %swap3A_11], %dot_general3A_10 {strides = array<i32>} : memref<2000x72xf32, #tpu.memory_space<vmem>>, vector<2000x72xf32>,
    %get3A_13 = arith.constant 0 : index
    %get3A_14 = arith.constant 0 : index
    %get3A_15 = vector.load %arg4[%get3A_13, %get3A_14] : memref<64x16xf32, #tpu.memory_space<vmem>>, vector<64x16xf32>
    %dot_general3A_16 = arith.constant dense<0.000000e+00> : vector<2000x16xf32>
    %dot_general3A_17 = tpu.matmul %dot_general3A_5, %get3A_15, %dot_general3A_16 {dimension_numbers = #tpu.dot_dimension_numbers<[1], [0], [0], [1], [0, 0, 1, 1], [], []>, precision = #tpu.contract_precision<fp32>, transpose_lhs_hint = false} : vector<2000x64xf32>, vector<64x16xf32>, vector<2000x16xf32> -> vector<2000x16xf32>
    %swap3A_18 = arith.constant 0 : index
    %swap3A_19 = arith.constant 0 : index
    %swap3A_20 = vector.load %arg6[%swap3A_18, %swap3A_19] : memref<2000x16xf32, #tpu.memory_space<vmem>>, vector<2000x16xf32>
    tpu.vector_store %arg6[%swap3A_18, %swap3A_19], %dot_general3A_17 {strides = array<i32>} : memref<2000x16xf32, #tpu.memory_space<vmem>>, vector<2000x16xf32>,
    return
  }
  func.func @transform_0(%arg0: i32) -> (i32, i32) {
    %c0_i32 = arith.constant 0 : i32
    %c0_i32_0 = arith.constant 0 : i32
    return %arg0, %c0_i32 : i32, i32
  }
  func.func @transform_1(%arg0: i32) -> (i32, i32) {
    %c0_i32 = arith.constant 0 : i32
    %c0_i32_0 = arith.constant 0 : i32
    %c0_i32_1 = arith.constant 0 : i32
    return %c0_i32, %c0_i32_0 : i32, i32
  }
  func.func @transform_2(%arg0: i32) -> (i32, i32) {
    %c0_i32 = arith.constant 0 : i32
    %c0_i32_0 = arith.constant 0 : i32
    %c0_i32_1 = arith.constant 0 : i32
    return %c0_i32, %c0_i32_0 : i32, i32
  }
  func.func @transform_3(%arg0: i32) -> (i32, i32) {
    %c0_i32 = arith.constant 0 : i32
    %c0_i32_0 = arith.constant 0 : i32
    %c0_i32_1 = arith.constant 0 : i32
    return %c0_i32, %c0_i32_0 : i32, i32
  }
  func.func @transform_4(%arg0: i32) -> (i32, i32) {
    %c0_i32 = arith.constant 0 : i32
    %c0_i32_0 = arith.constant 0 : i32
    return %arg0, %c0_i32 : i32, i32
  }
  func.func @transform_5(%arg0: i32) -> (i32, i32) {
    %c0_i32 = arith.constant 0 : i32
    %c0_i32_0 = arith.constant 0 : i32
    return %arg0, %c0_i32 : i32, i32
  }
}

module attributes {stable_mosaic.version = 14 : i64} {
  func.func @_tc2_body(%arg0: i32, %arg1: memref<2000x72xf32, #tpu.memory_space<vmem>>, %arg2: memref<2000x72xf32, #tpu.memory_space<vmem>>, %arg3: memref<2000x72xf32, #tpu.memory_space<vmem>>, %arg4: memref<2000x16xf32, #tpu.memory_space<vmem>>, %arg5: memref<1x64xf32, #tpu.memory_space<vmem>>, %arg6: memref<72x64xf32, #tpu.memory_space<vmem>>, %arg7: memref<72x8xf32, #tpu.memory_space<vmem>>, %arg8: memref<16x8xf32, #tpu.memory_space<vmem>>, %arg9: memref<8x64xf32, #tpu.memory_space<vmem>>, %arg10: memref<64x16xf32, #tpu.memory_space<vmem>>, %arg11: memref<64x16xf32, #tpu.memory_space<vmem>>, %arg12: memref<16x48xf32, #tpu.memory_space<vmem>>, %arg13: memref<16x48xf32, #tpu.memory_space<vmem>>, %arg14: memref<16x16xf32, #tpu.memory_space<vmem>>, %arg15: memref<16x16xf32, #tpu.memory_space<vmem>>, %arg16: memref<2000x48xf32, #tpu.memory_space<vmem>>, %arg17: memref<2000x16xf32, #tpu.memory_space<vmem>>) attributes {dimension_semantics = [#tpu.dimension_semantics<arbitrary>], iteration_bounds = array<i64: 5>, scalar_prefetch = 0 : i64, scratch_operands = 0 : i64, tpu.core_type = #tpu.core_type<tc>, window_params = [{transform_indices = @transform_0, window_bounds = array<i64: 2000, 72>}, {transform_indices = @transform_1, window_bounds = array<i64: 2000, 72>}, {transform_indices = @transform_2, window_bounds = array<i64: 2000, 72>}, {transform_indices = @transform_3, window_bounds = array<i64: 2000, 16>}, {pipeline_mode = #tpu.pipeline_mode<synchronous>, transform_indices = @transform_4, window_bounds = array<i64: 1, 64>}, {pipeline_mode = #tpu.pipeline_mode<synchronous>, transform_indices = @transform_5, window_bounds = array<i64: 72, 64>}, {pipeline_mode = #tpu.pipeline_mode<synchronous>, transform_indices = @transform_6, window_bounds = array<i64: 72, 8>}, {pipeline_mode = #tpu.pipeline_mode<synchronous>, transform_indices = @transform_7, window_bounds = array<i64: 16, 8>}, {pipeline_mode = #tpu.pipeline_mode<synchronous>, transform_indices = @transform_8, window_bounds = array<i64: 8, 64>}, {pipeline_mode = #tpu.pipeline_mode<synchronous>, transform_indices = @transform_9, window_bounds = array<i64: 64, 16>}, {pipeline_mode = #tpu.pipeline_mode<synchronous>, transform_indices = @transform_10, window_bounds = array<i64: 64, 16>}, {pipeline_mode = #tpu.pipeline_mode<synchronous>, transform_indices = @transform_11, window_bounds = array<i64: 16, 48>}, {pipeline_mode = #tpu.pipeline_mode<synchronous>, transform_indices = @transform_12, window_bounds = array<i64: 16, 48>}, {pipeline_mode = #tpu.pipeline_mode<synchronous>, transform_indices = @transform_13, window_bounds = array<i64: 16, 16>}, {pipeline_mode = #tpu.pipeline_mode<synchronous>, transform_indices = @transform_14, window_bounds = array<i64: 16, 16>}, {transform_indices = @transform_15, window_bounds = array<i64: 2000, 48>}, {transform_indices = @transform_16, window_bounds = array<i64: 2000, 16>}]} {
    %get3A = arith.constant 0 : index
    %get3A_0 = arith.constant 0 : index
    %get3A_1 = vector.load %arg1[%get3A, %get3A_0] : memref<2000x72xf32, #tpu.memory_space<vmem>>, vector<2000x72xf32>
    %get3A_2 = arith.constant 0 : index
    %get3A_3 = arith.constant 0 : index
    %get3A_4 = vector.load %arg2[%get3A_2, %get3A_3] : memref<2000x72xf32, #tpu.memory_space<vmem>>, vector<2000x72xf32>
    %add3A = arith.addf %get3A_1, %get3A_4 : vector<2000x72xf32>
    %get3A_5 = arith.constant 0 : index
    %get3A_6 = arith.constant 0 : index
    %get3A_7 = vector.load %arg3[%get3A_5, %get3A_6] : memref<2000x72xf32, #tpu.memory_space<vmem>>, vector<2000x72xf32>
    %get3A_8 = arith.constant 0 : index
    %get3A_9 = arith.constant 0 : index
    %get3A_10 = vector.load %arg6[%get3A_8, %get3A_9] : memref<72x64xf32, #tpu.memory_space<vmem>>, vector<72x64xf32>
    %dot_general3A = arith.constant dense<0.000000e+00> : vector<2000x64xf32>
    %dot_general3A_11 = tpu.matmul %get3A_7, %get3A_10, %dot_general3A {dimension_numbers = #tpu.dot_dimension_numbers<[1], [0], [0], [1], [0, 0, 1, 1], [], []>, precision = #tpu.contract_precision<fp32>, transpose_lhs_hint = false} : vector<2000x72xf32>, vector<72x64xf32>, vector<2000x64xf32> -> vector<2000x64xf32>
    %get3A_12 = arith.constant 0 : index
    %get3A_13 = arith.constant 0 : index
    %get3A_14 = vector.load %arg7[%get3A_12, %get3A_13] : memref<72x8xf32, #tpu.memory_space<vmem>>, vector<72x8xf32>
    %dot_general3A_15 = arith.constant dense<0.000000e+00> : vector<2000x8xf32>
    %dot_general3A_16 = tpu.matmul %get3A_7, %get3A_14, %dot_general3A_15 {dimension_numbers = #tpu.dot_dimension_numbers<[1], [0], [0], [1], [0, 0, 1, 1], [], []>, precision = #tpu.contract_precision<fp32>, transpose_lhs_hint = false} : vector<2000x72xf32>, vector<72x8xf32>, vector<2000x8xf32> -> vector<2000x8xf32>
    %get3A_17 = arith.constant 0 : index
    %get3A_18 = arith.constant 0 : index
    %get3A_19 = vector.load %arg6[%get3A_17, %get3A_18] : memref<72x64xf32, #tpu.memory_space<vmem>>, vector<72x64xf32>
    %dot_general3A_20 = arith.constant dense<0.000000e+00> : vector<2000x64xf32>
    %dot_general3A_21 = tpu.matmul %add3A, %get3A_19, %dot_general3A_20 {dimension_numbers = #tpu.dot_dimension_numbers<[1], [0], [0], [1], [0, 0, 1, 1], [], []>, precision = #tpu.contract_precision<fp32>, transpose_lhs_hint = false} : vector<2000x72xf32>, vector<72x64xf32>, vector<2000x64xf32> -> vector<2000x64xf32>
    %get3A_22 = arith.constant 0 : index
    %get3A_23 = arith.constant 0 : index
    %get3A_24 = vector.load %arg7[%get3A_22, %get3A_23] : memref<72x8xf32, #tpu.memory_space<vmem>>, vector<72x8xf32>
    %dot_general3A_25 = arith.constant dense<0.000000e+00> : vector<2000x8xf32>
    %dot_general3A_26 = tpu.matmul %add3A, %get3A_24, %dot_general3A_25 {dimension_numbers = #tpu.dot_dimension_numbers<[1], [0], [0], [1], [0, 0, 1, 1], [], []>, precision = #tpu.contract_precision<fp32>, transpose_lhs_hint = false} : vector<2000x72xf32>, vector<72x8xf32>, vector<2000x8xf32> -> vector<2000x8xf32>
    %get3A_27 = arith.constant 0 : index
    %get3A_28 = arith.constant 0 : index
    %get3A_29 = vector.load %arg4[%get3A_27, %get3A_28] : memref<2000x16xf32, #tpu.memory_space<vmem>>, vector<2000x16xf32>
    %get3A_30 = arith.constant 0 : index
    %get3A_31 = arith.constant 0 : index
    %get3A_32 = vector.load %arg8[%get3A_30, %get3A_31] : memref<16x8xf32, #tpu.memory_space<vmem>>, vector<16x8xf32>
    %dot_general3A_33 = arith.constant dense<0.000000e+00> : vector<2000x8xf32>
    %dot_general3A_34 = tpu.matmul %get3A_29, %get3A_32, %dot_general3A_33 {dimension_numbers = #tpu.dot_dimension_numbers<[1], [0], [0], [1], [0, 0, 1, 1], [], []>, precision = #tpu.contract_precision<fp32>, transpose_lhs_hint = false} : vector<2000x16xf32>, vector<16x8xf32>, vector<2000x8xf32> -> vector<2000x8xf32>
    %add3A_35 = arith.addf %dot_general3A_16, %dot_general3A_34 : vector<2000x8xf32>
    %mul3A = arith.constant 2.000000e-01 : f32
    %mul3A_36 = vector.broadcast %mul3A : f32 to vector<2000x8xf32>
    %mul3A_37 = arith.mulf %mul3A_36, %add3A_35 : vector<2000x8xf32>
    %max3A = arith.maximumf %add3A_35, %mul3A_37 : vector<2000x8xf32>
    %exp3A = math.exp %max3A : vector<2000x8xf32>
    %add3A_38 = arith.addf %dot_general3A_26, %exp3A : vector<2000x8xf32>
    %get3A_39 = arith.constant 0 : index
    %get3A_40 = arith.constant 0 : index
    %get3A_41 = vector.load %arg9[%get3A_39, %get3A_40] : memref<8x64xf32, #tpu.memory_space<vmem>>, vector<8x64xf32>
    %dot_general3A_42 = arith.constant dense<0.000000e+00> : vector<2000x64xf32>
    %dot_general3A_43 = tpu.matmul %add3A_38, %get3A_41, %dot_general3A_42 {dimension_numbers = #tpu.dot_dimension_numbers<[1], [0], [0], [1], [0, 0, 1, 1], [], []>, precision = #tpu.contract_precision<fp32>, transpose_lhs_hint = false} : vector<2000x8xf32>, vector<8x64xf32>, vector<2000x64xf32> -> vector<2000x64xf32>
    %get3A_44 = arith.constant 0 : index
    %get3A_45 = arith.constant 0 : index
    %get3A_46 = vector.load %arg9[%get3A_44, %get3A_45] : memref<8x64xf32, #tpu.memory_space<vmem>>, vector<8x64xf32>
    %dot_general3A_47 = arith.constant dense<0.000000e+00> : vector<2000x64xf32>
    %dot_general3A_48 = tpu.matmul %exp3A, %get3A_46, %dot_general3A_47 {dimension_numbers = #tpu.dot_dimension_numbers<[1], [0], [0], [1], [0, 0, 1, 1], [], []>, precision = #tpu.contract_precision<fp32>, transpose_lhs_hint = false} : vector<2000x8xf32>, vector<8x64xf32>, vector<2000x64xf32> -> vector<2000x64xf32>
    %mul3A_49 = arith.mulf %dot_general3A_48, %dot_general3A_11 : vector<2000x64xf32>
    %add3A_50 = arith.addf %dot_general3A_21, %mul3A_49 : vector<2000x64xf32>
    %add3A_51 = arith.constant 1.000000e-16 : f32
    %add3A_52 = vector.broadcast %add3A_51 : f32 to vector<2000x64xf32>
    %add3A_53 = arith.addf %dot_general3A_43, %add3A_52 : vector<2000x64xf32>
    %div3A = arith.divf %add3A_50, %add3A_53 : vector<2000x64xf32>
    %get3A_54 = arith.constant 0 : index
    %get3A_55 = arith.constant 0 : index
    %get3A_56 = vector.load %arg5[%get3A_54, %get3A_55] : memref<1x64xf32, #tpu.memory_space<vmem>>, vector<1x64xf32>
    %add3A_57 = vector.broadcast %get3A_56 : vector<1x64xf32> to vector<2000x64xf32>
    %add3A_58 = arith.addf %div3A, %add3A_57 : vector<2000x64xf32>
    %max3A_59 = arith.constant 0.000000e+00 : f32
    %max3A_60 = vector.broadcast %max3A_59 : f32 to vector<2000x64xf32>
    %max3A_61 = arith.maximumf %add3A_58, %max3A_60 : vector<2000x64xf32>
    %get3A_62 = arith.constant 0 : index
    %get3A_63 = arith.constant 0 : index
    %get3A_64 = vector.load %arg10[%get3A_62, %get3A_63] : memref<64x16xf32, #tpu.memory_space<vmem>>, vector<64x16xf32>
    %dot_general3A_65 = arith.constant dense<0.000000e+00> : vector<2000x16xf32>
    %dot_general3A_66 = tpu.matmul %max3A_61, %get3A_64, %dot_general3A_65 {dimension_numbers = #tpu.dot_dimension_numbers<[1], [0], [0], [1], [0, 0, 1, 1], [], []>, precision = #tpu.contract_precision<fp32>, transpose_lhs_hint = false} : vector<2000x64xf32>, vector<64x16xf32>, vector<2000x16xf32> -> vector<2000x16xf32>
    %get3A_67 = arith.constant 0 : index
    %get3A_68 = arith.constant 0 : index
    %get3A_69 = vector.load %arg11[%get3A_67, %get3A_68] : memref<64x16xf32, #tpu.memory_space<vmem>>, vector<64x16xf32>
    %dot_general3A_70 = arith.constant dense<0.000000e+00> : vector<2000x16xf32>
    %dot_general3A_71 = tpu.matmul %max3A_61, %get3A_69, %dot_general3A_70 {dimension_numbers = #tpu.dot_dimension_numbers<[1], [0], [0], [1], [0, 0, 1, 1], [], []>, precision = #tpu.contract_precision<fp32>, transpose_lhs_hint = false} : vector<2000x64xf32>, vector<64x16xf32>, vector<2000x16xf32> -> vector<2000x16xf32>
    %get3A_72 = arith.constant 0 : index
    %get3A_73 = arith.constant 0 : index
    %get3A_74 = vector.load %arg12[%get3A_72, %get3A_73] : memref<16x48xf32, #tpu.memory_space<vmem>>, vector<16x48xf32>
    %dot_general3A_75 = arith.constant dense<0.000000e+00> : vector<2000x48xf32>
    %dot_general3A_76 = tpu.matmul %dot_general3A_66, %get3A_74, %dot_general3A_75 {dimension_numbers = #tpu.dot_dimension_numbers<[1], [0], [0], [1], [0, 0, 1, 1], [], []>, precision = #tpu.contract_precision<fp32>, transpose_lhs_hint = false} : vector<2000x16xf32>, vector<16x48xf32>, vector<2000x48xf32> -> vector<2000x48xf32>
    %get3A_77 = arith.constant 0 : index
    %get3A_78 = arith.constant 0 : index
    %get3A_79 = vector.load %arg13[%get3A_77, %get3A_78] : memref<16x48xf32, #tpu.memory_space<vmem>>, vector<16x48xf32>
    %dot_general3A_80 = arith.constant dense<0.000000e+00> : vector<2000x48xf32>
    %dot_general3A_81 = tpu.matmul %dot_general3A_71, %get3A_79, %dot_general3A_80 {dimension_numbers = #tpu.dot_dimension_numbers<[1], [0], [0], [1], [0, 0, 1, 1], [], []>, precision = #tpu.contract_precision<fp32>, transpose_lhs_hint = false} : vector<2000x16xf32>, vector<16x48xf32>, vector<2000x48xf32> -> vector<2000x48xf32>
    %add3A_82 = arith.addf %dot_general3A_76, %dot_general3A_81 : vector<2000x48xf32>
    %swap3A = arith.constant 0 : index
    %swap3A_83 = arith.constant 0 : index
    %swap3A_84 = vector.load %arg16[%swap3A, %swap3A_83] : memref<2000x48xf32, #tpu.memory_space<vmem>>, vector<2000x48xf32>
    tpu.vector_store %arg16[%swap3A, %swap3A_83], %add3A_82 {strides = array<i32>} : memref<2000x48xf32, #tpu.memory_space<vmem>>, vector<2000x48xf32>,
    %get3A_85 = arith.constant 0 : index
    %get3A_86 = arith.constant 0 : index
    %get3A_87 = vector.load %arg14[%get3A_85, %get3A_86] : memref<16x16xf32, #tpu.memory_space<vmem>>, vector<16x16xf32>
    %dot_general3A_88 = arith.constant dense<0.000000e+00> : vector<2000x16xf32>
    %dot_general3A_89 = tpu.matmul %dot_general3A_66, %get3A_87, %dot_general3A_88 {dimension_numbers = #tpu.dot_dimension_numbers<[1], [0], [0], [1], [0, 0, 1, 1], [], []>, precision = #tpu.contract_precision<fp32>, transpose_lhs_hint = false} : vector<2000x16xf32>, vector<16x16xf32>, vector<2000x16xf32> -> vector<2000x16xf32>
    %get3A_90 = arith.constant 0 : index
    %get3A_91 = arith.constant 0 : index
    %get3A_92 = vector.load %arg15[%get3A_90, %get3A_91] : memref<16x16xf32, #tpu.memory_space<vmem>>, vector<16x16xf32>
    %dot_general3A_93 = arith.constant dense<0.000000e+00> : vector<2000x16xf32>
    %dot_general3A_94 = tpu.matmul %dot_general3A_71, %get3A_92, %dot_general3A_93 {dimension_numbers = #tpu.dot_dimension_numbers<[1], [0], [0], [1], [0, 0, 1, 1], [], []>, precision = #tpu.contract_precision<fp32>, transpose_lhs_hint = false} : vector<2000x16xf32>, vector<16x16xf32>, vector<2000x16xf32> -> vector<2000x16xf32>
    %add3A_95 = arith.addf %dot_general3A_89, %dot_general3A_94 : vector<2000x16xf32>
    %swap3A_96 = arith.constant 0 : index
    %swap3A_97 = arith.constant 0 : index
    %swap3A_98 = vector.load %arg17[%swap3A_96, %swap3A_97] : memref<2000x16xf32, #tpu.memory_space<vmem>>, vector<2000x16xf32>
    tpu.vector_store %arg17[%swap3A_96, %swap3A_97], %add3A_95 {strides = array<i32>} : memref<2000x16xf32, #tpu.memory_space<vmem>>, vector<2000x16xf32>,
    return
  }
  func.func @transform_0(%arg0: i32) -> (i32, i32) {
    %c0_i32 = arith.constant 0 : i32
    %c0_i32_0 = arith.constant 0 : i32
    return %arg0, %c0_i32 : i32, i32
  }
  func.func @transform_1(%arg0: i32) -> (i32, i32) {
    %c0_i32 = arith.constant 0 : i32
    %c0_i32_0 = arith.constant 0 : i32
    return %arg0, %c0_i32 : i32, i32
  }
  func.func @transform_2(%arg0: i32) -> (i32, i32) {
    %c0_i32 = arith.constant 0 : i32
    %c0_i32_0 = arith.constant 0 : i32
    return %arg0, %c0_i32 : i32, i32
  }
  func.func @transform_3(%arg0: i32) -> (i32, i32) {
    %c0_i32 = arith.constant 0 : i32
    %c0_i32_0 = arith.constant 0 : i32
    return %arg0, %c0_i32 : i32, i32
  }
  func.func @transform_4(%arg0: i32) -> (i32, i32) {
    %c0_i32 = arith.constant 0 : i32
    %c0_i32_0 = arith.constant 0 : i32
    %c0_i32_1 = arith.constant 0 : i32
    return %c0_i32, %c0_i32_0 : i32, i32
  }
  func.func @transform_5(%arg0: i32) -> (i32, i32) {
    %c0_i32 = arith.constant 0 : i32
    %c0_i32_0 = arith.constant 0 : i32
    %c0_i32_1 = arith.constant 0 : i32
    return %c0_i32, %c0_i32_0 : i32, i32
  }
  func.func @transform_6(%arg0: i32) -> (i32, i32) {
    %c0_i32 = arith.constant 0 : i32
    %c0_i32_0 = arith.constant 0 : i32
    %c0_i32_1 = arith.constant 0 : i32
    return %c0_i32, %c0_i32_0 : i32, i32
  }
  func.func @transform_7(%arg0: i32) -> (i32, i32) {
    %c0_i32 = arith.constant 0 : i32
    %c0_i32_0 = arith.constant 0 : i32
    %c0_i32_1 = arith.constant 0 : i32
    return %c0_i32, %c0_i32_0 : i32, i32
  }
  func.func @transform_8(%arg0: i32) -> (i32, i32) {
    %c0_i32 = arith.constant 0 : i32
    %c0_i32_0 = arith.constant 0 : i32
    %c0_i32_1 = arith.constant 0 : i32
    return %c0_i32, %c0_i32_0 : i32, i32
  }
  func.func @transform_9(%arg0: i32) -> (i32, i32) {
    %c0_i32 = arith.constant 0 : i32
    %c0_i32_0 = arith.constant 0 : i32
    %c0_i32_1 = arith.constant 0 : i32
    return %c0_i32, %c0_i32_0 : i32, i32
  }
  func.func @transform_10(%arg0: i32) -> (i32, i32) {
    %c0_i32 = arith.constant 0 : i32
    %c0_i32_0 = arith.constant 0 : i32
    %c0_i32_1 = arith.constant 0 : i32
    return %c0_i32, %c0_i32_0 : i32, i32
  }
  func.func @transform_11(%arg0: i32) -> (i32, i32) {
    %c0_i32 = arith.constant 0 : i32
    %c0_i32_0 = arith.constant 0 : i32
    %c0_i32_1 = arith.constant 0 : i32
    return %c0_i32, %c0_i32_0 : i32, i32
  }
  func.func @transform_12(%arg0: i32) -> (i32, i32) {
    %c0_i32 = arith.constant 0 : i32
    %c0_i32_0 = arith.constant 0 : i32
    %c0_i32_1 = arith.constant 0 : i32
    return %c0_i32, %c0_i32_0 : i32, i32
  }
  func.func @transform_13(%arg0: i32) -> (i32, i32) {
    %c0_i32 = arith.constant 0 : i32
    %c0_i32_0 = arith.constant 0 : i32
    %c0_i32_1 = arith.constant 0 : i32
    return %c0_i32, %c0_i32_0 : i32, i32
  }
  func.func @transform_14(%arg0: i32) -> (i32, i32) {
    %c0_i32 = arith.constant 0 : i32
    %c0_i32_0 = arith.constant 0 : i32
    %c0_i32_1 = arith.constant 0 : i32
    return %c0_i32, %c0_i32_0 : i32, i32
  }
  func.func @transform_15(%arg0: i32) -> (i32, i32) {
    %c0_i32 = arith.constant 0 : i32
    %c0_i32_0 = arith.constant 0 : i32
    return %arg0, %c0_i32 : i32, i32
  }
  func.func @transform_16(%arg0: i32) -> (i32, i32) {
    %c0_i32 = arith.constant 0 : i32
    %c0_i32_0 = arith.constant 0 : i32
    return %arg0, %c0_i32 : i32, i32
  }
}

module attributes {stable_mosaic.version = 14 : i64} {
  func.func @_tc3_body(%arg0: i32, %arg1: memref<2000x48xf32, #tpu.memory_space<vmem>>, %arg2: memref<2000x48xf32, #tpu.memory_space<vmem>>, %arg3: memref<2000x48xf32, #tpu.memory_space<vmem>>, %arg4: memref<2000x16xf32, #tpu.memory_space<vmem>>, %arg5: memref<1x16xf32, #tpu.memory_space<vmem>>, %arg6: memref<1x16xf32, #tpu.memory_space<vmem>>, %arg7: memref<48x16xf32, #tpu.memory_space<vmem>>, %arg8: memref<48x16xf32, #tpu.memory_space<vmem>>, %arg9: memref<48x16xf32, #tpu.memory_space<vmem>>, %arg10: memref<48x16xf32, #tpu.memory_space<vmem>>, %arg11: memref<16x16xf32, #tpu.memory_space<vmem>>, %arg12: memref<16x16xf32, #tpu.memory_space<vmem>>, %arg13: memref<2000x16xf32, #tpu.memory_space<vmem>>, %arg14: memref<2000x16xf32, #tpu.memory_space<vmem>>) attributes {dimension_semantics = [#tpu.dimension_semantics<arbitrary>], iteration_bounds = array<i64: 5>, scalar_prefetch = 0 : i64, scratch_operands = 0 : i64, tpu.core_type = #tpu.core_type<tc>, window_params = [{transform_indices = @transform_0, window_bounds = array<i64: 2000, 48>}, {transform_indices = @transform_1, window_bounds = array<i64: 2000, 48>}, {transform_indices = @transform_2, window_bounds = array<i64: 2000, 48>}, {transform_indices = @transform_3, window_bounds = array<i64: 2000, 16>}, {pipeline_mode = #tpu.pipeline_mode<synchronous>, transform_indices = @transform_4, window_bounds = array<i64: 1, 16>}, {pipeline_mode = #tpu.pipeline_mode<synchronous>, transform_indices = @transform_5, window_bounds = array<i64: 1, 16>}, {pipeline_mode = #tpu.pipeline_mode<synchronous>, transform_indices = @transform_6, window_bounds = array<i64: 48, 16>}, {pipeline_mode = #tpu.pipeline_mode<synchronous>, transform_indices = @transform_7, window_bounds = array<i64: 48, 16>}, {pipeline_mode = #tpu.pipeline_mode<synchronous>, transform_indices = @transform_8, window_bounds = array<i64: 48, 16>}, {pipeline_mode = #tpu.pipeline_mode<synchronous>, transform_indices = @transform_9, window_bounds = array<i64: 48, 16>}, {pipeline_mode = #tpu.pipeline_mode<synchronous>, transform_indices = @transform_10, window_bounds = array<i64: 16, 16>}, {pipeline_mode = #tpu.pipeline_mode<synchronous>, transform_indices = @transform_11, window_bounds = array<i64: 16, 16>}, {transform_indices = @transform_12, window_bounds = array<i64: 2000, 16>}, {transform_indices = @transform_13, window_bounds = array<i64: 2000, 16>}]} {
    %get3A = arith.constant 0 : index
    %get3A_0 = arith.constant 0 : index
    %get3A_1 = vector.load %arg1[%get3A, %get3A_0] : memref<2000x48xf32, #tpu.memory_space<vmem>>, vector<2000x48xf32>
    %get3A_2 = arith.constant 0 : index
    %get3A_3 = arith.constant 0 : index
    %get3A_4 = vector.load %arg2[%get3A_2, %get3A_3] : memref<2000x48xf32, #tpu.memory_space<vmem>>, vector<2000x48xf32>
    %add3A = arith.addf %get3A_1, %get3A_4 : vector<2000x48xf32>
    %get3A_5 = arith.constant 0 : index
    %get3A_6 = arith.constant 0 : index
    %get3A_7 = vector.load %arg3[%get3A_5, %get3A_6] : memref<2000x48xf32, #tpu.memory_space<vmem>>, vector<2000x48xf32>
    %get3A_8 = arith.constant 0 : index
    %get3A_9 = arith.constant 0 : index
    %get3A_10 = vector.load %arg4[%get3A_8, %get3A_9] : memref<2000x16xf32, #tpu.memory_space<vmem>>, vector<2000x16xf32>
    %get3A_11 = arith.constant 0 : index
    %get3A_12 = arith.constant 0 : index
    %get3A_13 = vector.load %arg7[%get3A_11, %get3A_12] : memref<48x16xf32, #tpu.memory_space<vmem>>, vector<48x16xf32>
    %dot_general3A = arith.constant dense<0.000000e+00> : vector<2000x16xf32>
    %dot_general3A_14 = tpu.matmul %get3A_7, %get3A_13, %dot_general3A {dimension_numbers = #tpu.dot_dimension_numbers<[1], [0], [0], [1], [0, 0, 1, 1], [], []>, precision = #tpu.contract_precision<fp32>, transpose_lhs_hint = false} : vector<2000x48xf32>, vector<48x16xf32>, vector<2000x16xf32> -> vector<2000x16xf32>
    %get3A_15 = arith.constant 0 : index
    %get3A_16 = arith.constant 0 : index
    %get3A_17 = vector.load %arg8[%get3A_15, %get3A_16] : memref<48x16xf32, #tpu.memory_space<vmem>>, vector<48x16xf32>
    %dot_general3A_18 = arith.constant dense<0.000000e+00> : vector<2000x16xf32>
    %dot_general3A_19 = tpu.matmul %get3A_7, %get3A_17, %dot_general3A_18 {dimension_numbers = #tpu.dot_dimension_numbers<[1], [0], [0], [1], [0, 0, 1, 1], [], []>, precision = #tpu.contract_precision<fp32>, transpose_lhs_hint = false} : vector<2000x48xf32>, vector<48x16xf32>, vector<2000x16xf32> -> vector<2000x16xf32>
    %get3A_20 = arith.constant 0 : index
    %get3A_21 = arith.constant 0 : index
    %get3A_22 = vector.load %arg9[%get3A_20, %get3A_21] : memref<48x16xf32, #tpu.memory_space<vmem>>, vector<48x16xf32>
    %dot_general3A_23 = arith.constant dense<0.000000e+00> : vector<2000x16xf32>
    %dot_general3A_24 = tpu.matmul %get3A_7, %get3A_22, %dot_general3A_23 {dimension_numbers = #tpu.dot_dimension_numbers<[1], [0], [0], [1], [0, 0, 1, 1], [], []>, precision = #tpu.contract_precision<fp32>, transpose_lhs_hint = false} : vector<2000x48xf32>, vector<48x16xf32>, vector<2000x16xf32> -> vector<2000x16xf32>
    %get3A_25 = arith.constant 0 : index
    %get3A_26 = arith.constant 0 : index
    %get3A_27 = vector.load %arg10[%get3A_25, %get3A_26] : memref<48x16xf32, #tpu.memory_space<vmem>>, vector<48x16xf32>
    %dot_general3A_28 = arith.constant dense<0.000000e+00> : vector<2000x16xf32>
    %dot_general3A_29 = tpu.matmul %get3A_7, %get3A_27, %dot_general3A_28 {dimension_numbers = #tpu.dot_dimension_numbers<[1], [0], [0], [1], [0, 0, 1, 1], [], []>, precision = #tpu.contract_precision<fp32>, transpose_lhs_hint = false} : vector<2000x48xf32>, vector<48x16xf32>, vector<2000x16xf32> -> vector<2000x16xf32>
    %get3A_30 = arith.constant 0 : index
    %get3A_31 = arith.constant 0 : index
    %get3A_32 = vector.load %arg11[%get3A_30, %get3A_31] : memref<16x16xf32, #tpu.memory_space<vmem>>, vector<16x16xf32>
    %dot_general3A_33 = arith.constant dense<0.000000e+00> : vector<2000x16xf32>
    %dot_general3A_34 = tpu.matmul %get3A_10, %get3A_32, %dot_general3A_33 {dimension_numbers = #tpu.dot_dimension_numbers<[1], [0], [0], [1], [0, 0, 1, 1], [], []>, precision = #tpu.contract_precision<fp32>, transpose_lhs_hint = false} : vector<2000x16xf32>, vector<16x16xf32>, vector<2000x16xf32> -> vector<2000x16xf32>
    %get3A_35 = arith.constant 0 : index
    %get3A_36 = arith.constant 0 : index
    %get3A_37 = vector.load %arg12[%get3A_35, %get3A_36] : memref<16x16xf32, #tpu.memory_space<vmem>>, vector<16x16xf32>
    %dot_general3A_38 = arith.constant dense<0.000000e+00> : vector<2000x16xf32>
    %dot_general3A_39 = tpu.matmul %get3A_10, %get3A_37, %dot_general3A_38 {dimension_numbers = #tpu.dot_dimension_numbers<[1], [0], [0], [1], [0, 0, 1, 1], [], []>, precision = #tpu.contract_precision<fp32>, transpose_lhs_hint = false} : vector<2000x16xf32>, vector<16x16xf32>, vector<2000x16xf32> -> vector<2000x16xf32>
    %add3A_40 = arith.addf %dot_general3A_24, %dot_general3A_34 : vector<2000x16xf32>
    %mul3A = arith.constant 2.000000e-01 : f32
    %mul3A_41 = vector.broadcast %mul3A : f32 to vector<2000x16xf32>
    %mul3A_42 = arith.mulf %mul3A_41, %add3A_40 : vector<2000x16xf32>
    %max3A = arith.maximumf %add3A_40, %mul3A_42 : vector<2000x16xf32>
    %exp3A = math.exp %max3A : vector<2000x16xf32>
    %add3A_43 = arith.addf %dot_general3A_29, %dot_general3A_39 : vector<2000x16xf32>
    %mul3A_44 = arith.constant 2.000000e-01 : f32
    %mul3A_45 = vector.broadcast %mul3A_44 : f32 to vector<2000x16xf32>
    %mul3A_46 = arith.mulf %mul3A_45, %add3A_43 : vector<2000x16xf32>
    %max3A_47 = arith.maximumf %add3A_43, %mul3A_46 : vector<2000x16xf32>
    %exp3A_48 = math.exp %max3A_47 : vector<2000x16xf32>
    %get3A_49 = arith.constant 0 : index
    %get3A_50 = arith.constant 0 : index
    %get3A_51 = vector.load %arg7[%get3A_49, %get3A_50] : memref<48x16xf32, #tpu.memory_space<vmem>>, vector<48x16xf32>
    %dot_general3A_52 = arith.constant dense<0.000000e+00> : vector<2000x16xf32>
    %dot_general3A_53 = tpu.matmul %add3A, %get3A_51, %dot_general3A_52 {dimension_numbers = #tpu.dot_dimension_numbers<[1], [0], [0], [1], [0, 0, 1, 1], [], []>, precision = #tpu.contract_precision<fp32>, transpose_lhs_hint = false} : vector<2000x48xf32>, vector<48x16xf32>, vector<2000x16xf32> -> vector<2000x16xf32>
    %get3A_54 = arith.constant 0 : index
    %get3A_55 = arith.constant 0 : index
    %get3A_56 = vector.load %arg8[%get3A_54, %get3A_55] : memref<48x16xf32, #tpu.memory_space<vmem>>, vector<48x16xf32>
    %dot_general3A_57 = arith.constant dense<0.000000e+00> : vector<2000x16xf32>
    %dot_general3A_58 = tpu.matmul %add3A, %get3A_56, %dot_general3A_57 {dimension_numbers = #tpu.dot_dimension_numbers<[1], [0], [0], [1], [0, 0, 1, 1], [], []>, precision = #tpu.contract_precision<fp32>, transpose_lhs_hint = false} : vector<2000x48xf32>, vector<48x16xf32>, vector<2000x16xf32> -> vector<2000x16xf32>
    %get3A_59 = arith.constant 0 : index
    %get3A_60 = arith.constant 0 : index
    %get3A_61 = vector.load %arg9[%get3A_59, %get3A_60] : memref<48x16xf32, #tpu.memory_space<vmem>>, vector<48x16xf32>
    %dot_general3A_62 = arith.constant dense<0.000000e+00> : vector<2000x16xf32>
    %dot_general3A_63 = tpu.matmul %add3A, %get3A_61, %dot_general3A_62 {dimension_numbers = #tpu.dot_dimension_numbers<[1], [0], [0], [1], [0, 0, 1, 1], [], []>, precision = #tpu.contract_precision<fp32>, transpose_lhs_hint = false} : vector<2000x48xf32>, vector<48x16xf32>, vector<2000x16xf32> -> vector<2000x16xf32>
    %get3A_64 = arith.constant 0 : index
    %get3A_65 = arith.constant 0 : index
    %get3A_66 = vector.load %arg10[%get3A_64, %get3A_65] : memref<48x16xf32, #tpu.memory_space<vmem>>, vector<48x16xf32>
    %dot_general3A_67 = arith.constant dense<0.000000e+00> : vector<2000x16xf32>
    %dot_general3A_68 = tpu.matmul %add3A, %get3A_66, %dot_general3A_67 {dimension_numbers = #tpu.dot_dimension_numbers<[1], [0], [0], [1], [0, 0, 1, 1], [], []>, precision = #tpu.contract_precision<fp32>, transpose_lhs_hint = false} : vector<2000x48xf32>, vector<48x16xf32>, vector<2000x16xf32> -> vector<2000x16xf32>
    %mul3A_69 = arith.mulf %exp3A, %dot_general3A_14 : vector<2000x16xf32>
    %add3A_70 = arith.addf %dot_general3A_53, %mul3A_69 : vector<2000x16xf32>
    %add3A_71 = arith.addf %dot_general3A_63, %exp3A : vector<2000x16xf32>
    %add3A_72 = arith.constant 1.000000e-16 : f32
    %add3A_73 = vector.broadcast %add3A_72 : f32 to vector<2000x16xf32>
    %add3A_74 = arith.addf %add3A_71, %add3A_73 : vector<2000x16xf32>
    %div3A = arith.divf %add3A_70, %add3A_74 : vector<2000x16xf32>
    %get3A_75 = arith.constant 0 : index
    %get3A_76 = arith.constant 0 : index
    %get3A_77 = vector.load %arg5[%get3A_75, %get3A_76] : memref<1x16xf32, #tpu.memory_space<vmem>>, vector<1x16xf32>
    %add3A_78 = vector.broadcast %get3A_77 : vector<1x16xf32> to vector<2000x16xf32>
    %add3A_79 = arith.addf %div3A, %add3A_78 : vector<2000x16xf32>
    %swap3A = arith.constant 0 : index
    %swap3A_80 = arith.constant 0 : index
    %swap3A_81 = vector.load %arg13[%swap3A, %swap3A_80] : memref<2000x16xf32, #tpu.memory_space<vmem>>, vector<2000x16xf32>
    tpu.vector_store %arg13[%swap3A, %swap3A_80], %add3A_79 {strides = array<i32>} : memref<2000x16xf32, #tpu.memory_space<vmem>>, vector<2000x16xf32>,
    %mul3A_82 = arith.mulf %exp3A_48, %dot_general3A_19 : vector<2000x16xf32>
    %add3A_83 = arith.addf %dot_general3A_58, %mul3A_82 : vector<2000x16xf32>
    %add3A_84 = arith.addf %dot_general3A_68, %exp3A_48 : vector<2000x16xf32>
    %add3A_85 = arith.constant 1.000000e-16 : f32
    %add3A_86 = vector.broadcast %add3A_85 : f32 to vector<2000x16xf32>
    %add3A_87 = arith.addf %add3A_84, %add3A_86 : vector<2000x16xf32>
    %div3A_88 = arith.divf %add3A_83, %add3A_87 : vector<2000x16xf32>
    %get3A_89 = arith.constant 0 : index
    %get3A_90 = arith.constant 0 : index
    %get3A_91 = vector.load %arg6[%get3A_89, %get3A_90] : memref<1x16xf32, #tpu.memory_space<vmem>>, vector<1x16xf32>
    %add3A_92 = vector.broadcast %get3A_91 : vector<1x16xf32> to vector<2000x16xf32>
    %add3A_93 = arith.addf %div3A_88, %add3A_92 : vector<2000x16xf32>
    %swap3A_94 = arith.constant 0 : index
    %swap3A_95 = arith.constant 0 : index
    %swap3A_96 = vector.load %arg14[%swap3A_94, %swap3A_95] : memref<2000x16xf32, #tpu.memory_space<vmem>>, vector<2000x16xf32>
    tpu.vector_store %arg14[%swap3A_94, %swap3A_95], %add3A_93 {strides = array<i32>} : memref<2000x16xf32, #tpu.memory_space<vmem>>, vector<2000x16xf32>,
    return
  }
  func.func @transform_0(%arg0: i32) -> (i32, i32) {
    %c0_i32 = arith.constant 0 : i32
    %c0_i32_0 = arith.constant 0 : i32
    return %arg0, %c0_i32 : i32, i32
  }
  func.func @transform_1(%arg0: i32) -> (i32, i32) {
    %c0_i32 = arith.constant 0 : i32
    %c0_i32_0 = arith.constant 0 : i32
    return %arg0, %c0_i32 : i32, i32
  }
  func.func @transform_2(%arg0: i32) -> (i32, i32) {
    %c0_i32 = arith.constant 0 : i32
    %c0_i32_0 = arith.constant 0 : i32
    return %arg0, %c0_i32 : i32, i32
  }
  func.func @transform_3(%arg0: i32) -> (i32, i32) {
    %c0_i32 = arith.constant 0 : i32
    %c0_i32_0 = arith.constant 0 : i32
    return %arg0, %c0_i32 : i32, i32
  }
  func.func @transform_4(%arg0: i32) -> (i32, i32) {
    %c0_i32 = arith.constant 0 : i32
    %c0_i32_0 = arith.constant 0 : i32
    %c0_i32_1 = arith.constant 0 : i32
    return %c0_i32, %c0_i32_0 : i32, i32
  }
  func.func @transform_5(%arg0: i32) -> (i32, i32) {
    %c0_i32 = arith.constant 0 : i32
    %c0_i32_0 = arith.constant 0 : i32
    %c0_i32_1 = arith.constant 0 : i32
    return %c0_i32, %c0_i32_0 : i32, i32
  }
  func.func @transform_6(%arg0: i32) -> (i32, i32) {
    %c0_i32 = arith.constant 0 : i32
    %c0_i32_0 = arith.constant 0 : i32
    %c0_i32_1 = arith.constant 0 : i32
    return %c0_i32, %c0_i32_0 : i32, i32
  }
  func.func @transform_7(%arg0: i32) -> (i32, i32) {
    %c0_i32 = arith.constant 0 : i32
    %c0_i32_0 = arith.constant 0 : i32
    %c0_i32_1 = arith.constant 0 : i32
    return %c0_i32, %c0_i32_0 : i32, i32
  }
  func.func @transform_8(%arg0: i32) -> (i32, i32) {
    %c0_i32 = arith.constant 0 : i32
    %c0_i32_0 = arith.constant 0 : i32
    %c0_i32_1 = arith.constant 0 : i32
    return %c0_i32, %c0_i32_0 : i32, i32
  }
  func.func @transform_9(%arg0: i32) -> (i32, i32) {
    %c0_i32 = arith.constant 0 : i32
    %c0_i32_0 = arith.constant 0 : i32
    %c0_i32_1 = arith.constant 0 : i32
    return %c0_i32, %c0_i32_0 : i32, i32
  }
  func.func @transform_10(%arg0: i32) -> (i32, i32) {
    %c0_i32 = arith.constant 0 : i32
    %c0_i32_0 = arith.constant 0 : i32
    %c0_i32_1 = arith.constant 0 : i32
    return %c0_i32, %c0_i32_0 : i32, i32
  }
  func.func @transform_11(%arg0: i32) -> (i32, i32) {
    %c0_i32 = arith.constant 0 : i32
    %c0_i32_0 = arith.constant 0 : i32
    %c0_i32_1 = arith.constant 0 : i32
    return %c0_i32, %c0_i32_0 : i32, i32
  }
  func.func @transform_12(%arg0: i32) -> (i32, i32) {
    %c0_i32 = arith.constant 0 : i32
    %c0_i32_0 = arith.constant 0 : i32
    return %arg0, %c0_i32 : i32, i32
  }
  func.func @transform_13(%arg0: i32) -> (i32, i32) {
    %c0_i32 = arith.constant 0 : i32
    %c0_i32_0 = arith.constant 0 : i32
    return %arg0, %c0_i32 : i32, i32
  }
}

</mosaic_0001>

<sc_bundles>
// kernel: kernel.10.cloned.1.call-start
scs
__scs_entry_jumppad:
0x0: {  	(pc) =	sbr.rel $0x88, $3  }
0x1: {  	(tag) =	ssettag $0x0;
	lr =	simm.s32 $0x1  }
0x2: {  	[smem:$0x3F93] =	sst lr;
	_ =	strace $0xD0000000  }
0x3: {  	_ = 	snop  }
0x4: {  	_ = 	snop  }
0x5: {  	_ = 	snop  }
0x6: {  	_ = 	snop  }
0x7: {  	_ = 	snop  }
__scs_overlays_trampoline_lowered:
0x8: {  	[smem:$0x3FA2] =	sst s0  }
0x9: {  	[smem:$0x3FA3] =	sst s1  }
0xa: {  	[smem:$0x3FA4] =	sst s2  }
0xb: {  	[smem:$0x3FA5] =	sst s3  }
0xc: {  	[smem:$0x3FA6] =	sst s4  }
0xd: {  	[smem:$0x3FA7] =	sst s5  }
0xe: {  	[smem:$0x3FA8] =	sst s6  }
0xf: {  	[smem:$0x3FA9] =	sst s7  }
0x10: {  	[smem:$0x3FAA] =	sst s8  }
0x11: {  	[smem:$0x3FAB] =	sst s9;
	s0 =	simm.s32 @!p0 $0x0  }
0x12: {  	s1 =	sld [smem:$0x3F91];
	s0 =	simm.s32 @p0 $0x1  }
0x13: {  	[smem:$0x3FAC] =	sst s0;
	s0 =	simm.s32 @!p1 $0x0  }
0x14: {  	s2 =	sld [smem:$0x3F90];
	s0 =	simm.s32 @p1 $0x1  }
0x15: {  	[smem:$0x3FAD] =	sst s0;
	s0 =	simm.s32 @!p2 $0x0  }
0x16: {  	s3 =	sld [smem:$0x3FDB];
	s0 =	simm.s32 @p2 $0x1  }
0x17: {  	s4 =	simm.s32 $0x1BF5;
	[smem:$0x3FAF] =	sst s0  }
0x18: {  	s0 =	sld [smem:$0x3F92];
	_ =	swait.ge [sflag:s4], $0x0  }
0x19: {  	s7 =	sld [smem:$0x3F93]  }
0x1a: {  	s8 =	sadd.s32 $0xFFFFE003, lr  }
0x1b: {  	s9 =	sadd.s32 $0xFFFFFEF7, lr;
	s5 =	simm.s32 $0xFFFFFFFF;
	p2 =	slt.u32 s8, $0xFFFFF086  }
0x1c: {  	p1 =	slt.u32 s9, $0xF7A;
	s5 =	simm.s32 @!p2 $0x0  }
0x1d: {  	s5 =	simm.s32 @p1 $0x1;
	p0 =	seq.s32 s7, s2  }
0x1e: {  	s7 =	smul.u32 @!p0 $0xF7A, s2;
	p2 =	seq.s32 @!p0 s5, $0x0  }
0x1f: {  	s9 =	smul.u32 $0xF7A, s1;
	s8 =	simm.s32 @!p0 $0x1BF5;
	p2 =	por !p2, p0  }
0x20: {  	[sflag:s8] =	ssyncset.s32 @!p0 $0xFFFFF086;
	s6 =	sadd.s32 @!p0 s3, s7;
	s7 =	simm.s32 @!p0 $0x108  }
0x21: {  	s3 =	sadd.s32 s3, s9;
	s6 =	sadd.s32 @!p0 $0x88, s6;
	s7 =	simm.s32 @p2 $0x1082  }
0x22: {  	[simem:s7], [sflag:s8] =	dma.local @!p0 [hbm:s6], $0xF7A  }
0x23: {  	s9 =	sor.u32 $0xD0000000, s2;
	s6 =	simm.s32 $0x108;
	_ =	swait.ge @!p0 [sflag:s8], $0x0  }
0x24: {  	s3 =	sadd.s32 $0x88, s3;
	s6 =	simm.s32 @!p1 $0x1082;
	[sflag:s4] =	ssyncset.s32 $0xFFFFF086  }
0x25: {  	[simem:s6], [sflag:s4] =	dma.local [hbm:s3], $0xF7A  }
0x26: {  	[smem:$0x3F93] =	sst s1;
	(tag) =	ssettag s2;
	_ =	strace s9  }
0x27: {  	s1 =	sld [smem:$0x3FA3]  }
0x28: {  	s2 =	sld [smem:$0x3FA4]  }
0x29: {  	s4 =	sld [smem:$0x3FA6]  }
0x2a: {  	p0 =	seq.s32 s5, $0x0;
	s5 =	sld [smem:$0x3FA7]  }
0x2b: {  	s6 =	sld [smem:$0x3FA8]  }
0x2c: {  	s7 =	sld [smem:$0x3FA9]  }
0x2d: {  	s3 =	simm.s32 $0x108;
	s8 =	sld [smem:$0x3FAA]  }
0x2e: {  	s3 =	simm.s32 @!p0 $0x1082;
	s9 =	sld [smem:$0x3FAB]  }
0x2f: {  	lr =	sadd.s32 s0, s3;
	s0 =	sld [smem:$0x3FA2]  }
0x30: {  	s3 =	sld [smem:$0x3FA5]  }
0x31: {  	[smem:$0x3FAE] =	sst s10  }
0x32: {  	s10 =	sld [smem:$0x3FAC];
	_ =	sdelay $0x3  }
0x33: {  	p0 =	seq.s32 s10, $0x1;
	s10 =	sld [smem:$0x3FAE];
	_ =	sdelay $0x3  }
0x34: {  	[smem:$0x3FAE] =	sst s10  }
0x35: {  	s10 =	sld [smem:$0x3FAD];
	_ =	sdelay $0x3  }
0x36: {  	p1 =	seq.s32 s10, $0x1;
	s10 =	sld [smem:$0x3FAE];
	_ =	sdelay $0x3  }
0x37: {  	[smem:$0x3FAE] =	sst s10  }
0x38: {  	s10 =	sld [smem:$0x3FAF]  }
0x39: {  	_ = 	snop;
	(pc) =	sbr.ind lr, $3  }
0x3a: {  	_ = 	snop  }
0x3b: {  	_ = 	snop  }
0x3c: {  	p2 =	seq.s32 s10, $0x1;
	s10 =	sld [smem:$0x3FAE]  }
0x3d: {  	_ =	shalt  }
0x3e: {  	_ =	shalt  }
0x3f: {  	_ =	shalt  }
0x40: {  	_ =	shalt  }
0x41: {  	_ =	shalt  }
0x42: {  	_ =	shalt  }
0x43: {  	_ =	shalt  }
0x44: {  	_ =	shalt  }
0x45: {  	_ =	shalt  }
0x46: {  	_ =	shalt  }
0x47: {  	_ =	shalt  }
0x48: {  	_ =	shalt  }
0x49: {  	_ =	shalt  }
0x4a: {  	_ =	shalt  }
0x4b: {  	_ =	shalt  }
0x4c: {  	_ =	shalt  }
0x4d: {  	_ =	shalt  }
0x4e: {  	_ =	shalt  }
0x4f: {  	_ =	shalt  }
0x50: {  	_ =	shalt  }
0x51: {  	_ =	shalt  }
0x52: {  	_ =	shalt  }
0x53: {  	_ =	shalt  }
0x54: {  	_ =	shalt  }
0x55: {  	_ =	shalt  }
0x56: {  	_ =	shalt  }
0x57: {  	_ =	shalt  }
0x58: {  	_ =	shalt  }
0x59: {  	_ =	shalt  }
0x5a: {  	_ =	shalt  }
0x5b: {  	_ =	shalt  }
0x5c: {  	_ =	shalt  }
0x5d: {  	_ =	shalt  }
0x5e: {  	_ =	shalt  }
0x5f: {  	_ =	shalt  }
0x60: {  	_ =	shalt  }
0x61: {  	_ =	shalt  }
0x62: {  	_ =	shalt  }
0x63: {  	_ =	shalt  }
0x64: {  	_ =	shalt  }
0x65: {  	_ =	shalt  }
0x66: {  	_ =	shalt  }
0x67: {  	_ =	shalt  }
0x68: {  	_ =	shalt  }
0x69: {  	_ =	shalt  }
0x6a: {  	_ =	shalt  }
0x6b: {  	_ =	shalt  }
0x6c: {  	_ =	shalt  }
0x6d: {  	_ =	shalt  }
0x6e: {  	_ =	shalt  }
0x6f: {  	_ =	shalt  }
0x70: {  	_ =	shalt  }
0x71: {  	_ =	shalt  }
0x72: {  	_ =	shalt  }
0x73: {  	_ =	shalt  }
0x74: {  	_ =	shalt  }
0x75: {  	_ =	shalt  }
0x76: {  	_ =	shalt  }
0x77: {  	_ =	shalt  }
0x78: {  	_ =	shalt  }
0x79: {  	_ =	shalt  }
0x7a: {  	_ =	shalt  }
0x7b: {  	_ =	shalt  }
0x7c: {  	_ =	shalt  }
0x7d: {  	_ =	shalt  }
0x7e: {  	_ =	shalt  }
0x7f: {  	_ =	shalt  }
0x80: {  	_ =	shalt  }
0x81: {  	_ =	shalt  }
0x82: {  	_ =	shalt  }
0x83: {  	_ =	shalt  }
0x84: {  	_ =	shalt  }
0x85: {  	_ =	shalt  }
0x86: {  	_ =	shalt  }
0x87: {  	_ =	shalt  }
.Lfunc_end0:
.L_simem_size_0:
called_computation.1_lowered:
.L_overlay_start_0:
0x88: {  	s2 =	sld [smem:$0x3FD9]  }
0x89: {  	s3 =	sld [smem:$0x3FFE];
	_ =	sdelay $0x1  }
0x8a: {  	s1 =	srdreg.scid  }
0x8b: {  	s0 =	sand.u32 $0x1, s1  }
0x8c: {  	s14 =	sshll.u32 s0, $0xA;
	s2 =	sadd.s32 s3, s2  }
0x8d: {  	s2 =	sadd.s32 s2, s14  }
0x8e: {  	[smem:$0x3FBA] =	sst s2  }
0x8f: {  	_ = 	snop  }
0x90: {  	s2 =	sld [smem:$0x3FD0];
	_ =	sdelay $0x2  }
0x91: {  	s15 =	simm.s32 $0xA;
	s4 =	simm.s32 $0x10  }
0x92: {  	[smem:s4], [sflag:s15] =	dma.local [hbm:s2], $0x1  }
0x93: {  	_ =	swait.eq [sflag:s15], $0x1  }
0x94: {  	[sflag:s15] =	ssyncset.done $0x0  }
0x95: {  	[sflag:s15] =	ssyncadd.s32 $0xFFFFFFFF  }
0x96: {  	s16 =	sld [smem:$0x11];
	(tm) =	ssettm $0x1  }
0x97: {  	s17 =	sld [smem:$0x3FFB];
	_ =	sdelay $0x3  }
0x98: {  	_ =	strace s17  }
0x99: {  	s3 =	sld [smem:$0x3FFC];
	_ =	sdelay $0x3  }
0x9a: {  	_ =	strace s3  }
0x9b: {  	s3 =	sld [smem:$0x3FFD];
	_ =	sdelay $0x3  }
0x9c: {  	_ =	strace s3  }
0x9d: {  	_ =	strace $0x8FFFFFFF  }
0x9e: {  	s18 =	sld [smem:$0x3FDB];
	_ =	sdelay $0x1  }
0x9f: {  	s19 =	simm.s32 $_scs_section_size  }
0xa0: {  	s5 =	simm.s32 $_size__tile_overlayer_lowered;
	s6 =	simm.s32 $_tile_overlayer_lowered  }
0xa1: {  	s22 =	simm.s32 $0x1BFF;
	s21 =	sshll.u32 s6, $0x1;
	s3 =	sadd.s32 s19, s18  }
0xa2: {  	s7 =	simm.s32 $0x0;
	s20 =	sshll.u32 s5, $0x1;
	s5 =	sadd.s32 s21, s3  }
0xa3: {  	[timem:s7], [sflag:s22] =	dma.local [hbm:s5], s20  }
0xa4: {  	_ =	swait.ge [sflag:s22], s20  }
0xa5: {  	s4 =	ssub.s32 $0x0, s20;
	[sflag:s22] =	ssyncset.done $0x0  }
0xa6: {  	[sflag:s22] =	ssyncadd.s32 s4;
	_ =	sdelay $0x1  }
0xa7: {  	s23 =	simm.s32 $0x1B8B  }
0xa8: {  	_ =	swait.ge [sflag:s23], $0x1  }
0xa9: {  	[sflag:s23] =	ssyncset.done $0x0  }
0xaa: {  	s25 =	simm.s32 $0x1B8E;
	s24 =	sld [smem:$0x3FFE];
	[sflag:s23] =	ssyncadd.s32 $0xFFFFFFFF  }
0xab: {  	s26 =	simm.s32 $execute0_lowered;
	[smem:$0x3FD2] =	sst s25  }
0xac: {  	s5 =	sshll.u32 s26, $0x1;
	_ =	strace $0x80000049;
	[dreg:$0x1] =	wrdreg $0xFFFFFFFF  }
0xad: {  	s28 =	simm.s32 $_size_execute0_lowered;
	s3 =	sadd.s32 s3, s5;
	[dreg:$0x0] =	wrdreg $0x0  }
0xae: {  	s5 =	sshll.u32 s28, $0x1;
	[dreg:$0x2] =	wrdreg s3  }
0xaf: {  	[dreg:$0x3] =	wrdreg s5  }
0xb0: {  	[dreg:$0x4] =	wrdreg $0xC0  }
0xb1: {  	_ =	task [dreg:s7], $0x5FFFF  }
0xb2: {  	[dreg:$0x1] =	wrdreg $0xFFFFFFFF  }
0xb3: {  	[dreg:$0x0] =	wrdreg $0x60  }
0xb4: {  	[dreg:$0x2] =	wrdreg s24  }
0xb5: {  	[dreg:$0x3] =	wrdreg s16  }
0xb6: {  	[dreg:$0x4] =	wrdreg $0xC0000  }
0xb7: {  	[dreg:$0x5] =	wrdreg $0x9  }
0xb8: {  	_ =	task.clear_ibuf [dreg:s7], $0x6FFFF;
	_ =	strace $0x90000049  }
0xb9: {  	s29 =	simm.s32 $0x9;
	_ =	strace $0x8000004B  }
0xba: {  	_ =	swait.ge [sflag:s29], $0x1  }
0xbb: {  	[sflag:s29] =	ssyncadd.s32 $0xFFFFFFFF  }
0xbc: {  	_ =	strace $0x9000004B  }
0xbd: {  	_ =	sfence  }
0xbe: {  	s30 =	sld [smem:$0x0];
	_ =	sdelay $0x2  }
0xbf: {  	s31 =	sshll.u32 s1, $0xD;
	s1 =	sshrl.u32 s1, $0x2  }
0xc0: {  	s3 =	sand.u32 $0x4000, s31;
	s1 =	sadd.s32 s1, s30  }
0xc1: {  	s0 =	sor.u32 s3, s0;
	s1 =	sshll.u32 s1, $0x11  }
0xc2: {  	s0 =	sor.u32 s1, s0  }
0xc3: {  	s0 =	sadd.s32 $0x8F2B, s0  }
0xc4: {  	[sflag:s0] =	ssyncadd.remote.s32 $0x1  }
0xc5: {  	_ =	sfence.sel $0xFFFF  }
0xc6: {  	[dreg:$0x0] =	wrdreg $0xFFFFFFFF;
	(pc) =	sbr.abs _section_cstart, $3  }
0xc7: {  	[dreg:$0x1] =	wrdreg $0xFFFFFFFF  }
0xc8: {  	_ =	task.clear_ibuf [dreg:s7], $0x2FFFF;
	_ =	strace $0x9FFFFFFF  }
0xc9: {  	(tm) =	ssettm $0x7FFFFFFF  }
tec
execute0_lowered:
.L_overlay_start_1:
0x0: {  	(tag) =	ssettag $0x1  }
0x1: {  	s0 =	srdreg.scid;
	s1 =	rddreg [dreg:$0x0]  }
0x2: {  	s9 =	stileid.u32;
	s2 =	rddreg [dreg:$0x1];
	s15 =	simm.s32 $0x9000  }
0x3: {  	s16 =	simm.s32 $0x7;
	s18 =	simm.s32 $0x80;
	s28 =	simm.s32 $0xA800  }
0x4: {  	s29 =	simm.s32 $0x5;
	s30 =	simm.s32 $0x6;
	s0 =	sand.u32 $0x1, s0  }
0x5: {  	s7 =	smul.u32 $0x7680, s9;
	s5 =	sadd.s32 $0x4FC00, s1;
	s3 =	sshll.u32 s0, $0x4  }
0x6: {  	s8 =	smul.u32 $0x76800, s0;
	s0 =	ssub.s32 $0x2, s0;
	s4 =	sor.u32 s9, s3  }
0x7: {  	s3 =	rddreg [dreg:$0x2];
	s9 =	smul.u32 $0x1DA00, s9;
	s22 =	sshrl.u32 s0, $0x1  }
0x8: {  	s6 =	smul.u32 $0x500, s4;
	s4 =	simm.s32 $0x0;
	s21 =	sadd.s32 s7, s8  }
0x9: {  	s0 =	ssub.s32 s0, s22;
	s22 =	simm.s32 $0x8800;
	[smem:$0x7FF] =	sst s4  }
0xa: {  	s9 =	sshrl.u32 s9, $0x2;
	s14 =	smax.u32 s0, $0x1;
	_ =	strace $0x8000004A  }
0xb: {  	s10 =	sadd.s32 s6, s1;
	s6 =	sshrl.u32 s21, $0x3;
	s23 =	sadd.s32 s9, s3  }
0xc: {  	s21 =	simm.s32 $0x6800;
	s1 =	sadd.s32 s6, s1;
	s24 =	sadd.s32 $0x1800, s23  }
0xd: {  	s6 =	sadd.s32 s7, s3;
	s25 =	sadd.s32 $0x3000, s23;
	[dreg:$0x4] =	wrdreg s24  }
0xe: {  	s26 =	sadd.s32 $0x4800, s23;
	s31 =	sadd.s32 $0x6000, s23;
	[dreg:$0x5] =	wrdreg s25  }
0xf: {  	s11 =	sadd.s32 $0x70000, s10;
	s12 =	sadd.s32 $0x66000, s10;
	[dreg:$0x6] =	wrdreg s26  }
0x10: {  	s23 =	simm.s32 $0x1;
	[dreg:$0x7] =	wrdreg s31;
	s13 =	sadd.s32 $0x7A000, s1  }
0x11: {  	v0 =	vimm.f32 $0.0e+00;
	v1 =	vimm.s32 $0x0;
	v2 =	vimm.s32 $0x1;
	s24 =	simm.s32 $0x3;
	s25 =	simm.s32 $0x2;
	s26 =	simm.s32 $0x4  }
.LBB2_1:
0x12: {  	s0 =	simm.s32 $0x90C0  }
0x13: {  	[tilespmem:s0+$0xFFFFFF40] =	vst v0  }
0x14: {  	[tilespmem:s0+$0xB0] =	vst v0  }
0x15: {  	[tilespmem:s0+$0xA0] =	vst v0  }
0x16: {  	[tilespmem:s0+$0x90] =	vst v0  }
0x17: {  	[tilespmem:s0+$0x80] =	vst v0  }
0x18: {  	[tilespmem:s0+$0x70] =	vst v0  }
0x19: {  	[tilespmem:s0+$0x60] =	vst v0  }
0x1a: {  	[tilespmem:s0+$0x50] =	vst v0  }
0x1b: {  	[tilespmem:s0+$0x40] =	vst v0  }
0x1c: {  	[tilespmem:s0+$0x30] =	vst v0  }
0x1d: {  	[tilespmem:s0+$0x20] =	vst v0  }
0x1e: {  	[tilespmem:s0+$0x10] =	vst v0  }
0x1f: {  	[tilespmem:s0+$0x0] =	vst v0  }
0x20: {  	[tilespmem:s0+$0xFFFFFFF0] =	vst v0  }
0x21: {  	[tilespmem:s0+$0xFFFFFFE0] =	vst v0  }
0x22: {  	[tilespmem:s0+$0xFFFFFFD0] =	vst v0  }
0x23: {  	[tilespmem:s0+$0xFFFFFFC0] =	vst v0  }
0x24: {  	[tilespmem:s0+$0xFFFFFFB0] =	vst v0  }
0x25: {  	[tilespmem:s0+$0xFFFFFFA0] =	vst v0  }
0x26: {  	[tilespmem:s0+$0xFFFFFF90] =	vst v0  }
0x27: {  	[tilespmem:s0+$0xFFFFFF80] =	vst v0  }
0x28: {  	[tilespmem:s0+$0xFFFFFF70] =	vst v0  }
0x29: {  	s1 =	simm.s32 $0x0;
	[tilespmem:s0+$0xFFFFFF60] =	vst v0  }
.LBB2_2:
0x2a: {  	s1 =	sadd.s32 $0x8, s1;
	[tilespmem:s0+$0xFFFFFF50] =	vst v0;
	s0 =	sadd.s32 $0x180, s0  }
0x2b: {  	[tilespmem:s0+$0xFFFFFF40] =	vst v0;
	p0 =	slt.u32 s1, $0x78  }
0x2c: {  	[tilespmem:s0+$0xB0] =	vst v0  }
0x2d: {  	[tilespmem:s0+$0xA0] =	vst v0  }
0x2e: {  	[tilespmem:s0+$0x90] =	vst v0  }
0x2f: {  	[tilespmem:s0+$0x80] =	vst v0  }
0x30: {  	[tilespmem:s0+$0x70] =	vst v0  }
0x31: {  	[tilespmem:s0+$0x60] =	vst v0  }
0x32: {  	[tilespmem:s0+$0x50] =	vst v0  }
0x33: {  	[tilespmem:s0+$0x40] =	vst v0  }
0x34: {  	[tilespmem:s0+$0x30] =	vst v0  }
0x35: {  	[tilespmem:s0+$0x20] =	vst v0  }
0x36: {  	[tilespmem:s0+$0x10] =	vst v0  }
0x37: {  	[tilespmem:s0+$0x0] =	vst v0  }
0x38: {  	[tilespmem:s0+$0xFFFFFFF0] =	vst v0  }
0x39: {  	[tilespmem:s0+$0xFFFFFFE0] =	vst v0  }
0x3a: {  	[tilespmem:s0+$0xFFFFFFD0] =	vst v0  }
0x3b: {  	[tilespmem:s0+$0xFFFFFFC0] =	vst v0  }
0x3c: {  	[tilespmem:s0+$0xFFFFFFB0] =	vst v0  }
.Ltmp0:
0x3d: {  	[tilespmem:s0+$0xFFFFFFA0] =	vst v0;
	(pc) =	sbr.rel @p0 .LBB2_2-.Ltmp0, $4  }
0x3e: {  	[tilespmem:s0+$0xFFFFFF90] =	vst v0  }
0x3f: {  	[tilespmem:s0+$0xFFFFFF80] =	vst v0  }
0x40: {  	[tilespmem:s0+$0xFFFFFF70] =	vst v0  }
0x41: {  	[tilespmem:s0+$0xFFFFFF60] =	vst v0  }
0x42: {  	[tilespmem:s0+$0xFFFFFF50] =	vst v0  }
0x43: {  	[spmem:s6] =	stream.linear.scatter [tilespmem:s15], [sflag:$0x7], $0x1800, $0x38;
	[tilespmem:$0x13680] =	vst v63  }
0x44: {  	_ =	swait.ge [sflag:s16], $0x1800  }
0x45: {  	[sflag:s16] =	ssyncset.done $0x0  }
0x46: {  	s8 =	rddreg [dreg:$0x4];
	[sflag:s16] =	ssyncadd.s32 $0xFFFFE800  }
0x47: {  	[spmem:s8] =	stream.linear.scatter [tilespmem:s15], [sflag:$0x7], $0x1800, $0x38;
	[tilespmem:$0x13680] =	vst v63  }
0x48: {  	_ =	swait.ge [sflag:s16], $0x1800  }
0x49: {  	[sflag:s16] =	ssyncset.done $0x0  }
0x4a: {  	s9 =	rddreg [dreg:$0x5];
	[sflag:s16] =	ssyncadd.s32 $0xFFFFE800  }
0x4b: {  	[spmem:s9] =	stream.linear.scatter [tilespmem:s15], [sflag:$0x7], $0x1800, $0x38;
	[tilespmem:$0x13680] =	vst v63  }
0x4c: {  	_ =	swait.ge [sflag:s16], $0x1800  }
0x4d: {  	[sflag:s16] =	ssyncset.done $0x0  }
0x4e: {  	s10 =	rddreg [dreg:$0x6];
	[sflag:s16] =	ssyncadd.s32 $0xFFFFE800  }
0x4f: {  	[spmem:s10] =	stream.linear.scatter [tilespmem:s15], [sflag:$0x7], $0x1800, $0x38;
	[tilespmem:$0x13680] =	vst v63  }
0x50: {  	_ =	swait.ge [sflag:s16], $0x1800  }
0x51: {  	[sflag:s16] =	ssyncset.done $0x0  }
0x52: {  	s17 =	rddreg [dreg:$0x7];
	[sflag:s16] =	ssyncadd.s32 $0xFFFFE800  }
0x53: {  	[spmem:s17] =	stream.linear.scatter [tilespmem:s15], [sflag:$0x7], $0x1680, $0x38;
	[tilespmem:$0x13680] =	vst v63  }
0x54: {  	_ =	swait.ge [sflag:s16], $0x1680  }
0x55: {  	[sflag:s16] =	ssyncset.done $0x0  }
0x56: {  	[sflag:s16] =	ssyncadd.s32 $0xFFFFE980  }
0x57: {  	s31 =	simm.s32 $0x0;
	[bflag:$0x0] =	sbarrier.arrive $0xFFFF  }
0x58: {  	[tilespmem:s31], [sflag:$0x7] =	stream.linear.gather [hbm4b:s11+s31], $0x2800, $0x38;
	[tilespmem:$0x13680] =	vst v63  }
0x59: {  	_ =	swait.ge [sflag:s16], $0x2800  }
0x5a: {  	[sflag:s16] =	ssyncset.done $0x0  }
0x5b: {  	s19 =	simm.s32 $0x2800;
	[sflag:s16] =	ssyncadd.s32 $0xFFFFD800  }
0x5c: {  	[tilespmem:s19], [sflag:$0x7] =	stream.linear.gather [hbm4b:s12+s31], $0x2800, $0x38;
	[tilespmem:$0x13680] =	vst v63  }
0x5d: {  	_ =	swait.ge [sflag:s16], $0x2800  }
0x5e: {  	[sflag:s16] =	ssyncset.done $0x0  }
0x5f: {  	s1 =	simm.s32 $0x5000;
	[sflag:s16] =	ssyncadd.s32 $0xFFFFD800  }
0x60: {  	[tilespmem:s1], [sflag:$0x1] =	stream.indirect.gather [hbm4b:s5+s18], $0x30, s31, s18, $0xb8;
	[tilespmem:$0x13680] =	vst v63  }
0x61: {  	s20 =	simm.s32 $0x8000  }
0x62: {  	[tilespmem:s20], [sflag:$0x3] =	stream.indirect.gather [hbm4b:s2+s18], $0x10, s19, s18, $0xb8;
	[tilespmem:$0x13680] =	vst v63  }
.LBB2_4:
0x63: {  	s0 =	sshllo.u32 s31, $0x1  }
0x64: {  	s1 =	sshll.u32 s0, $0x7  }
0x65: {  	[tilespmem:s21], [sflag:$0x2] =	stream.indirect.gather [hbm4b:s5+s18], $0x30, s1, s18, $0xb8;
	[tilespmem:$0x13680] =	vst v63  }
0x66: {  	s0 =	sadd.s32 $0x2800, s1  }
0x67: {  	[tilespmem:s22], [sflag:$0x4] =	stream.indirect.gather [hbm4b:s2+s18], $0x10, s0, s18, $0xb8;
	[tilespmem:$0x13680] =	vst v63  }
0x68: {  	_ =	swait.ge [sflag:s23], $0x1800  }
0x69: {  	[sflag:s23] =	ssyncset.done $0x0  }
0x6a: {  	[sflag:s23] =	ssyncadd.s32 $0xFFFFE800  }
0x6b: {  	_ =	swait.ge [sflag:s24], $0x800  }
0x6c: {  	p0 =	seq.s32 s31, $0x0;
	[sflag:s24] =	ssyncset.done $0x0  }
0x6d: {  	s0 =	simm.s32 @!p0 $0x5;
	[sflag:s24] =	ssyncadd.s32 $0xFFFFF800  }
0x6e: {  	_ =	swait.ge @!p0 [sflag:s0], $0x1800  }
0x6f: {  	[sflag:s0] =	ssyncset.done @!p0 $0x0  }
0x70: {  	s9 =	simm.s32 $0x50C0;
	[sflag:s0] =	ssyncadd.s32 @!p0 $0xFFFFE800  }
0x71: {  	s10 =	simm.s32 $0x8040;
	v3 =	vld [tilespmem:s9+$0x90]  }
0x72: {  	v4 =	vld [tilespmem:s10+$0x30];
	_ =	sdelay $0x2  }
0x73: {  	v5 =	vld [tilespmem:s10+$0xFFFFFFD0]  }
0x74: {  	v7 =	vld [tilespmem:s10+$0xFFFFFFE0]  }
0x75: {  	v9 =	vld [tilespmem:s9+$0x0];
	v3 =	vadd.f32 v4, v3  }
0x76: {  	v10 =	vld [tilespmem:s10+$0x0]  }
0x77: {  	v4 =	vld [tilespmem:s9+$0xFFFFFF70];
	v6 =	vmul.f32 $2.000000030e-01, v3  }
0x78: {  	s20 =	simm.s32 $0x5240;
	v11 =	vld [tilespmem:s10+$0x10]  }
0x79: {  	s17 =	simm.s32 $0x80C0;
	v16 =	vld [tilespmem:s20+$0xFFFFFFA0];
	v3 =	vmax.f32 v3, v6  }
0x7a: {  	v19 =	vld [tilespmem:s17+$0xFFFFFFE0];
	v3 =	vmul.f32 $1.442695020e+00, v3  }
0x7b: {  	v6 =	vld [tilespmem:s9+$0xFFFFFFA0]  }
0x7c: {  	v4 =	vadd.f32 v5, v4;
	v5 =	vld [tilespmem:s10+$0xFFFFFFF0];
	(erf) = vpow2.f32 v3  }
0x7d: {  	v3 =	vld [tilespmem:s9+$0xFFFFFFD0]  }
0x7e: {  	v21 =	vld [tilespmem:s20+$0xFFFFFFD0];
	v8 =	vmul.f32 $2.000000030e-01, v4  }
0x7f: {  	v23 =	vld [tilespmem:s17+$0xFFFFFFF0]  }
0x80: {  	v12 =	vld [tilespmem:s10+$0xFFFFFFC0];
	v4 =	vmax.f32 v4, v8  }
0x81: {  	v8 =	vld [tilespmem:s9+$0x30];
	v6 =	vadd.f32 v7, v6;
	v4 =	vmul.f32 $1.442695020e+00, v4  }
0x82: {  	v9 =	vadd.f32 v10, v9;
	v7 =	vld [tilespmem:s10+$0x20];
	v3 =	vadd.f32 v5, v3  }
0x83: {  	v16 =	vadd.f32 v19, v16;
	(erf) = vpow2.f32 v4;
	v4 =	vld [tilespmem:s9+$0x60];
	v5 =	vmul.f32 $2.000000030e-01, v6  }
0x84: {  	v13 =	vld [tilespmem:s9+$0xFFFFFF40];
	v21 =	vadd.f32 v23, v21;
	v14 =	vmul.f32 $2.000000030e-01, v3  }
0x85: {  	s19 =	simm.s32 $0x90C0;
	v31 =	vmul.f32 $2.000000030e-01, v16;
	v5 =	vmax.f32 v6, v5;
	v6 =	vmul.f32 $2.000000030e-01, v9;
	v10 =	vpop (erf)  }
0x86: {  	v8 =	vadd.f32 v11, v8;
	v5 =	vmul.f32 $1.442695020e+00, v5;
	v3 =	vmax.f32 v3, v14;
	[tilespmem:s19+$0x90] =	vst v10  }
0x87: {  	v34 =	vmul.f32 $2.000000030e-01, v21;
	v6 =	vmax.f32 v9, v6;
	v3 =	vmul.f32 $1.442695020e+00, v3;
	v11 =	vld [tilespmem:s9+$0xA0]  }
0x88: {  	v9 =	vmul.f32 $2.000000030e-01, v8;
	v4 =	vadd.f32 v7, v4;
	(erf) = vpow2.f32 v5;
	v7 =	vld [tilespmem:s20+$0x90]  }
0x89: {  	v12 =	vadd.f32 v12, v13;
	v6 =	vmul.f32 $1.442695020e+00, v6;
	(erf) = vpow2.f32 v3;
	v3 =	vld [tilespmem:s17+$0x30]  }
0x8a: {  	v24 =	vld [tilespmem:s20+$0x0];
	v5 =	vperm.xlane v10, v1;
	v8 =	vmax.f32 v8, v9;
	v9 =	vmul.f32 $2.000000030e-01, v4  }
0x8b: {  	v26 =	vld [tilespmem:s17+$0x0];
	v8 =	vmul.f32 $1.442695020e+00, v8;
	(erf) = vpow2.f32 v6  }
0x8c: {  	v29 =	vld [tilespmem:s20+$0x30];
	v6 =	vmul.f32 $2.000000030e-01, v12;
	v5 =	vmul.f32 v11, v5  }
0x8d: {  	v32 =	vld [tilespmem:s17+$0x20];
	v16 =	vmax.f32 v16, v31;
	v4 =	vmax.f32 v4, v9;
	(erf) = vpow2.f32 v8  }
0x8e: {  	v4 =	vmul.f32 $1.442695020e+00, v4;
	v3 =	vadd.f32 v3, v7;
	v7 =	vld [tilespmem:s17+$0xFFFFFFD0];
	[tilespmem:s19+$0xA0] =	vst v5;
	v5 =	vmax.f32 v12, v6  }
0x8f: {  	v16 =	vmul.f32 $1.442695020e+00, v16;
	v6 =	vld [tilespmem:s20+$0xFFFFFF70];
	v5 =	vmul.f32 $1.442695020e+00, v5  }
0x90: {  	v33 =	vld [tilespmem:s20+$0xFFFFFF40];
	v13 =	vpop (erf);
	(erf) = vpow2.f32 v4;
	v4 =	vmul.f32 $2.000000030e-01, v3  }
0x91: {  	v19 =	vld [tilespmem:s17+$0x10];
	[tilespmem:s19+$0xFFFFFF70] =	vst v13;
	v8 =	vperm.xlane v13, v2;
	v15 =	vpop (erf);
	(erf) = vpow2.f32 v5  }
0x92: {  	s7 =	simm.s32 $0x8140;
	v11 =	vld [tilespmem:s9+$0xFFFFFF80];
	v17 =	vperm.xlane v15, v1;
	v12 =	vperm.xlane v15, v2;
	v3 =	vmax.f32 v3, v4  }
0x93: {  	v39 =	vld [tilespmem:s7+$0xFFFFFFE0];
	v24 =	vadd.f32 v26, v24;
	v5 =	vperm.xlane v13, v1;
	v18 =	vpop (erf);
	v3 =	vmul.f32 $1.442695020e+00, v3  }
0x94: {  	v23 =	vld [tilespmem:s20+$0x60];
	v20 =	vperm.xlane v18, v1;
	v13 =	vperm.xlane v18, v2;
	v6 =	vadd.f32 v7, v6  }
0x95: {  	v14 =	vld [tilespmem:s17+$0xFFFFFFC0];
	s17 =	simm.s32 $0x53C0;
	v22 =	vpop (erf);
	[tilespmem:s19+$0xFFFFFFD0] =	vst v18;
	v18 =	vmax.f32 v21, v34;
	v21 =	vmul.f32 $2.000000030e-01, v24;
	(erf) = vpow2.f32 v3  }
0x96: {  	v37 =	vld [tilespmem:s17+$0xFFFFFFA0];
	[tilespmem:s19+$0xFFFFFFA0] =	vst v15;
	v7 =	vperm.xlane v22, v1;
	v27 =	vmul.f32 $2.000000030e-01, v6  }
0x97: {  	v19 =	vadd.f32 v19, v29;
	v29 =	vld [tilespmem:s9+$0xFFFFFFB0];
	v25 =	vpop (erf);
	v11 =	vmul.f32 v11, v5;
	v18 =	vmul.f32 $1.442695020e+00, v18  }
0x98: {  	v9 =	vld [tilespmem:s9+$0xB0];
	[tilespmem:s19+$0x0] =	vst v22;
	v3 =	vperm.xlane v22, v2;
	v28 =	vperm.xlane v25, v1;
	v5 =	vmax.f32 v6, v27  }
0x99: {  	v23 =	vadd.f32 v32, v23;
	v51 =	vld [tilespmem:s9+$0x10];
	v6 =	vperm.xlane v10, v2;
	v10 =	vpop (erf);
	v5 =	vmul.f32 $1.442695020e+00, v5  }
0x9a: {  	v35 =	vld [tilespmem:s7+$0xFFFFFFD0];
	v4 =	vperm.xlane v25, v2;
	v21 =	vmax.f32 v24, v21;
	v24 =	vmul.f32 $2.000000030e-01, v19;
	[tilespmem:s19+$0x30] =	vst v25;
	v30 =	vpop (erf)  }
0x9b: {  	v54 =	vld [tilespmem:s17+$0xFFFFFF70];
	v56 =	vadd.f32 v39, v37;
	v25 =	vmul.f32 $2.000000030e-01, v23;
	(erf) = vpow2.f32 v5;
	[tilespmem:s19+$0xFFFFFF40] =	vst v30  }
0x9c: {  	v21 =	vmul.f32 $1.442695020e+00, v21;
	v17 =	vmul.f32 v29, v17;
	[tilespmem:s19+$0x60] =	vst v10;
	v26 =	vld [tilespmem:s9+$0xFFFFFF50]  }
0x9d: {  	[tilespmem:s19+$0xFFFFFF80] =	vst v11;
	v58 =	vmul.f32 $2.000000030e-01, v56;
	v27 =	vperm.xlane v10, v1;
	v11 =	vld [tilespmem:s9+$0x70]  }
0x9e: {  	s0 =	simm.s32 $0x9240;
	v59 =	vld [tilespmem:s17+$0xFFFFFF40];
	[tilespmem:s19+$0xFFFFFFB0] =	vst v17;
	v17 =	vmul.f32 v9, v6;
	v29 =	vmul.f32 v51, v7;
	v31 =	vpop (erf)  }
0x9f: {  	v6 =	vmax.f32 v23, v25;
	v23 =	vld [tilespmem:s9+$0xFFFFFFC0];
	v5 =	vperm.xlane v10, v2;
	v15 =	vperm.xlane v30, v1;
	[tilespmem:s0+$0x90] =	vst v31  }
0xa0: {  	v10 =	vadd.f32 v14, v33;
	v6 =	vmul.f32 $1.442695020e+00, v6;
	(erf) = vpow2.f32 v16;
	v16 =	vld [tilespmem:s20+$0xA0]  }
0xa1: {  	v14 =	vld [tilespmem:s9+$0x40];
	(erf) = vpow2.f32 v18;
	v15 =	vmul.f32 v26, v15  }
0xa2: {  	v22 =	vld [tilespmem:s9+$0xFFFFFFE0];
	v18 =	vmax.f32 v19, v24;
	v19 =	vmul.f32 $2.000000030e-01, v10;
	v27 =	vmul.f32 v11, v27  }
0xa3: {  	v25 =	vld [tilespmem:s7+$0x30];
	v18 =	vmul.f32 $1.442695020e+00, v18;
	[tilespmem:s19+$0xFFFFFF50] =	vst v15;
	v15 =	vperm.xlane v31, v1  }
0xa4: {  	v24 =	vld [tilespmem:s9+$0xFFFFFF90];
	v23 =	vmul.f32 v23, v12;
	(erf) = vpow2.f32 v21;
	v26 =	vpop (erf)  }
0xa5: {  	v10 =	vmax.f32 v10, v19;
	(erf) = vpow2.f32 v18;
	v18 =	vld [tilespmem:s17+$0x90];
	[tilespmem:s0+$0xFFFFFF70] =	vst v26;
	v9 =	vmul.f32 v16, v15  }
0xa6: {  	v14 =	vmul.f32 v14, v28;
	v10 =	vmul.f32 $1.442695020e+00, v10;
	v15 =	vld [tilespmem:s20+$0xFFFFFF80]  }
0xa7: {  	v28 =	vld [tilespmem:s7+$0xFFFFFFC0];
	v19 =	vmul.f32 v22, v20;
	(erf) = vpow2.f32 v6;
	[tilespmem:s0+$0xA0] =	vst v9  }
0xa8: {  	(erf) = vpow2.f32 v10;
	v22 =	vperm.xlane v26, v1;
	v20 =	vld [tilespmem:s20+$0xB0]  }
0xa9: {  	v21 =	vld [tilespmem:s9+$0xFFFFFF60];
	v10 =	vperm.xlane v26, v2;
	v16 =	vperm.xlane v30, v2;
	v30 =	vpop (erf)  }
0xaa: {  	v52 =	vperm.xlane v30, v1;
	v11 =	vperm.xlane v30, v2  }
0xab: {  	v18 =	vadd.f32 v25, v18;
	v25 =	vld [tilespmem:s17+$0xFFFFFFD0];
	v53 =	vpop (erf);
	v15 =	vmul.f32 v15, v22;
	v22 =	vperm.xlane v31, v2  }
0xac: {  	[tilespmem:s19+$0xB0] =	vst v17;
	v26 =	vperm.xlane v53, v1;
	v9 =	vperm.xlane v53, v2;
	v31 =	vld [tilespmem:s7+$0xFFFFFFF0]  }
0xad: {  	v57 =	vld [tilespmem:s7+$0x10];
	[tilespmem:s19+$0x10] =	vst v29;
	v28 =	vadd.f32 v28, v59;
	v17 =	vmul.f32 v20, v22;
	v20 =	vmul.f32 $2.000000030e-01, v18  }
0xae: {  	[tilespmem:s0+$0xFFFFFFA0] =	vst v30;
	v30 =	vadd.f32 v35, v54;
	v36 =	vpop (erf);
	v16 =	vmul.f32 v21, v16;
	v21 =	vmul.f32 v24, v8;
	v24 =	vld [tilespmem:s7+$0x0]  }
0xaf: {  	[tilespmem:s19+$0x70] =	vst v27;
	v38 =	vperm.xlane v36, v1;
	v6 =	vperm.xlane v36, v2;
	v22 =	vld [tilespmem:s17+$0x0];
	v18 =	vmax.f32 v18, v20  }
0xb0: {  	[tilespmem:s19+$0xFFFFFFE0] =	vst v19;
	v12 =	vmul.f32 $2.000000030e-01, v30;
	v40 =	vpop (erf);
	v20 =	vld [tilespmem:s17+$0x30];
	v18 =	vmul.f32 $1.442695020e+00, v18  }
0xb1: {  	v41 =	vperm.xlane v40, v1;
	v19 =	vpop (erf);
	[tilespmem:s19+$0xFFFFFF60] =	vst v16;
	v16 =	vmul.f32 $2.000000030e-01, v28;
	v25 =	vadd.f32 v31, v25;
	v31 =	vld [tilespmem:s17+$0x60]  }
0xb2: {  	[tilespmem:s19+$0x40] =	vst v14;
	v30 =	vmax.f32 v30, v12;
	v55 =	vperm.xlane v19, v1;
	(erf) = vpow2.f32 v18;
	v18 =	vld [tilespmem:s7+$0x20]  }
0xb3: {  	v33 =	vmax.f32 v56, v58;
	v8 =	vperm.xlane v19, v2;
	[tilespmem:s0+$0x60] =	vst v19;
	v19 =	vmul.f32 $1.442695020e+00, v30  }
0xb4: {  	v62 =	vld [tilespmem:s20+$0xFFFFFFB0];
	v29 =	vpop (erf);
	[tilespmem:s0+$0xFFFFFF80] =	vst v15;
	v15 =	vmul.f32 $1.442695020e+00, v33;
	v60 =	vmul.f32 $2.000000030e-01, v25;
	v22 =	vadd.f32 v24, v22  }
0xb5: {  	[tilespmem:s0+$0x30] =	vst v40;
	v61 =	vperm.xlane v29, v1;
	v12 =	vperm.xlane v29, v2;
	v24 =	vld [tilespmem:s9+$0xFFFFFFF0]  }
0xb6: {  	v27 =	vld [tilespmem:s20+$0x40];
	[tilespmem:s0+$0xFFFFFF40] =	vst v29;
	v25 =	vmax.f32 v25, v60;
	v30 =	vmul.f32 $2.000000030e-01, v22;
	v20 =	vadd.f32 v57, v20  }
0xb7: {  	[tilespmem:s0+$0xFFFFFFD0] =	vst v53;
	v29 =	vld [tilespmem:s20+$0xFFFFFF50];
	(erf) = vpow2.f32 v19;
	v25 =	vmul.f32 $1.442695020e+00, v25;
	v18 =	vadd.f32 v18, v31  }
0xb8: {  	[tilespmem:s0+$0xB0] =	vst v17;
	v17 =	vld [tilespmem:s20+$0xFFFFFFE0];
	(erf) = vpow2.f32 v15;
	v19 =	vmax.f32 v22, v30;
	v14 =	vmul.f32 $2.000000030e-01, v20  }
0xb9: {  	v63 =	vld [tilespmem:s20+$0x70];
	v19 =	vmul.f32 $1.442695020e+00, v19;
	v31 =	vmul.f32 $2.000000030e-01, v18  }
0xba: {  	[tilespmem:s0+$0x0] =	vst v36;
	v15 =	vld [tilespmem:s20+$0xFFFFFF90];
	(erf) = vpow2.f32 v25;
	v13 =	vmul.f32 v24, v13;
	v14 =	vmax.f32 v20, v14  }
0xbb: {  	s8 =	simm.s32 $0x93C0;
	[tilespmem:s19+$0xFFFFFF90] =	vst v21;
	v30 =	vld [tilespmem:s20+$0x10];
	v20 =	vmul.f32 $1.442695020e+00, v14;
	(erf) = vpow2.f32 v19;
	v22 =	vpop (erf);
	v18 =	vmax.f32 v18, v31  }
0xbc: {  	v19 =	vmul.f32 v29, v61;
	v14 =	vld [tilespmem:s9+$0x20];
	[tilespmem:s8+$0x90] =	vst v22;
	v18 =	vmul.f32 $1.442695020e+00, v18  }
0xbd: {  	v16 =	vmax.f32 v28, v16;
	[tilespmem:s19+$0xFFFFFFF0] =	vst v13;
	v13 =	vmul.f32 v17, v26;
	(erf) = vpow2.f32 v20;
	v21 =	vld [tilespmem:s17+$0xA0]  }
0xbe: {  	v17 =	vld [tilespmem:s9+$0x80];
	v20 =	vmul.f32 $1.442695020e+00, v16;
	[tilespmem:s0+$0xFFFFFF50] =	vst v19;
	v19 =	vmul.f32 v62, v52  }
0xbf: {  	[tilespmem:s19+$0xFFFFFFC0] =	vst v23;
	v7 =	vperm.xlane v40, v2;
	v16 =	vld [tilespmem:s9+$0x50];
	(erf) = vpow2.f32 v18  }
0xc0: {  	[tilespmem:s0+$0xFFFFFFE0] =	vst v13;
	v23 =	vld [tilespmem:s20+$0xFFFFFF60];
	v25 =	vperm.xlane v22, v1;
	(erf) = vpow2.f32 v20;
	v18 =	vpop (erf)  }
0xc1: {  	v28 =	vmul.f32 v30, v38;
	v26 =	vld [tilespmem:s20+$0xFFFFFFF0];
	[tilespmem:s8+$0xFFFFFF70] =	vst v18;
	v29 =	vperm.xlane v18, v1  }
0xc2: {  	[tilespmem:s0+$0xFFFFFFB0] =	vst v19;
	v19 =	vpop (erf);
	v30 =	vld [tilespmem:s17+$0xFFFFFF80];
	v31 =	vmul.f32 v21, v25;
	v25 =	vmul.f32 v27, v41  }
0xc3: {  	s10 =	simm.s32 $0x5540;
	s9 =	simm.s32 $0x10;
	v24 =	vld [tilespmem:s20+$0xFFFFFFC0];
	[tilespmem:s8+$0xFFFFFFA0] =	vst v19;
	v13 =	vperm.xlane v19, v1;
	v20 =	vpop (erf);
	v27 =	vmul.f32 v63, v55  }
.LBB2_5:
0xc4: {  	v32 =	vld [tilespmem:s10+$0x90];
	v33 =	vperm.xlane v18, v2;
	v18 =	vperm.xlane v20, v1;
	[tilespmem:s8+$0xA0] =	vst v31  }
0xc5: {  	v31 =	vperm.xlane v19, v2;
	v34 =	vperm.xlane v20, v2;
	s7 =	sadd.s32 $0x80, s7;
	[tilespmem:s8+$0xFFFFFFD0] =	vst v20;
	v35 =	vld [tilespmem:s17+$0xB0];
	v20 =	vpop (erf)  }
0xc6: {  	s9 =	sadd.s32 $0x8, s9;
	v36 =	vld [tilespmem:s7+$0x30];
	[tilespmem:s8+$0x0] =	vst v20;
	v19 =	vperm.xlane v20, v1;
	v37 =	vperm.xlane v20, v2;
	v21 =	vpop (erf)  }
0xc7: {  	p1 =	slt.u32 s9, $0x78;
	v38 =	vld [tilespmem:s7+$0xFFFFFFC0];
	v29 =	vmul.f32 v30, v29;
	[tilespmem:s8+$0x30] =	vst v21;
	v20 =	vperm.xlane v21, v1  }
0xc8: {  	v22 =	vperm.xlane v22, v2;
	v39 =	vperm.xlane v21, v2;
	v30 =	vld [tilespmem:s10+$0xFFFFFF70];
	v40 =	vpop (erf);
	[tilespmem:s0+$0x10] =	vst v28  }
0xc9: {  	v28 =	vld [tilespmem:s7+$0xFFFFFFD0];
	[tilespmem:s8+$0x60] =	vst v40;
	v21 =	vperm.xlane v40, v1;
	v40 =	vperm.xlane v40, v2;
	v41 =	vpop (erf)  }
0xca: {  	v42 =	vld [tilespmem:s10+$0xFFFFFFA0];
	[tilespmem:s8+$0xFFFFFF40] =	vst v41;
	v43 =	vperm.xlane v41, v1;
	v22 =	vmul.f32 v35, v22  }
0xcb: {  	v23 =	vmul.f32 v23, v12;
	v12 =	vperm.xlane v41, v2;
	v35 =	vld [tilespmem:s7+$0xFFFFFFE0];
	v32 =	vadd.f32 v36, v32;
	[tilespmem:s8+$0xFFFFFF80] =	vst v29  }
0xcc: {  	v15 =	vmul.f32 v15, v10;
	v10 =	vmovc v33;
	v29 =	vld [tilespmem:s10+$0xFFFFFFD0];
	[tilespmem:s8+$0xB0] =	vst v22;
	v22 =	vmul.f32 v24, v11;
	v11 =	vmov v31  }
0xcd: {  	v26 =	vmul.f32 v26, v9;
	v9 =	vmov v34;
	v24 =	vld [tilespmem:s7+$0xFFFFFFF0];
	v31 =	vmul.f32 $2.000000030e-01, v32;
	[tilespmem:s0+$0x40] =	vst v25  }
0xce: {  	v14 =	vmul.f32 v14, v3;
	v16 =	vmul.f32 v16, v4;
	v25 =	vadd.f32 v28, v30;
	v28 =	vld [tilespmem:s10+$0x0];
	[tilespmem:s0+$0x70] =	vst v27  }
0xcf: {  	v3 =	vmovc v6;
	v17 =	vmul.f32 v17, v5;
	v6 =	vmov v37;
	v27 =	vld [tilespmem:s7+$0x0];
	v33 =	vmax.f32 v32, v31;
	[tilespmem:s0+$0xFFFFFF60] =	vst v23  }
0xd0: {  	v4 =	vmovc v7;
	v7 =	vmovc v39;
	v23 =	vmul.f32 $2.000000030e-01, v25;
	v30 =	vadd.f32 v35, v42;
	v31 =	vld [tilespmem:s10+$0x30];
	v32 =	vmul.f32 $1.442695020e+00, v33;
	[tilespmem:s0+$0xFFFFFF90] =	vst v15  }
0xd1: {  	v5 =	vmov v8;
	v8 =	vmov v40;
	v15 =	vld [tilespmem:s7+$0x10];
	[tilespmem:s0+$0xFFFFFFC0] =	vst v22  }
0xd2: {  	v22 =	vmul.f32 $2.000000030e-01, v30;
	v24 =	vadd.f32 v24, v29;
	v29 =	vld [tilespmem:s10+$0x60];
	(erf) = vpow2.f32 v32;
	[tilespmem:s0+$0xFFFFFFF0] =	vst v26  }
0xd3: {  	v23 =	vmax.f32 v25, v23;
	v25 =	vld [tilespmem:s7+$0x20];
	[tilespmem:s19+$0x20] =	vst v14  }
0xd4: {  	v14 =	vld [tilespmem:s10+$0xFFFFFF40];
	v22 =	vmax.f32 v30, v22;
	v26 =	vmul.f32 $2.000000030e-01, v24;
	v27 =	vadd.f32 v27, v28;
	[tilespmem:s19+$0x50] =	vst v16  }
0xd5: {  	v16 =	vmul.f32 $1.442695020e+00, v23;
	v22 =	vmul.f32 $1.442695020e+00, v22;
	v23 =	vld [tilespmem:s17+$0xFFFFFF50];
	[tilespmem:s19+$0x80] =	vst v17;
	s19 =	smov.u32 s0;
	s0 =	smov.u32 s8  }
0xd6: {  	v17 =	vmax.f32 v24, v26;
	v24 =	vmul.f32 $2.000000030e-01, v27;
	v15 =	vadd.f32 v15, v31;
	v26 =	vld [tilespmem:s17+$0xFFFFFFB0]  }
0xd7: {  	v17 =	vmul.f32 $1.442695020e+00, v17;
	(erf) = vpow2.f32 v16;
	v28 =	vld [tilespmem:s17+$0xFFFFFFE0]  }
0xd8: {  	v16 =	vmax.f32 v27, v24;
	v24 =	vmul.f32 $2.000000030e-01, v15;
	v25 =	vadd.f32 v25, v29;
	v27 =	vld [tilespmem:s17+$0x10]  }
0xd9: {  	v29 =	vadd.f32 v38, v14;
	v14 =	vmul.f32 $1.442695020e+00, v16;
	(erf) = vpow2.f32 v22;
	v32 =	vld [tilespmem:s17+$0x40]  }
0xda: {  	s8 =	sadd.s32 $0x180, s8;
	v15 =	vmax.f32 v15, v24;
	v16 =	vmul.f32 $2.000000030e-01, v25;
	(erf) = vpow2.f32 v17;
	v33 =	vld [tilespmem:s17+$0x70]  }
0xdb: {  	v17 =	vmul.f32 $2.000000030e-01, v29;
	v24 =	vmul.f32 $1.442695020e+00, v15;
	v22 =	vpop (erf);
	v15 =	vld [tilespmem:s17+$0xFFFFFF90]  }
0xdc: {  	v23 =	vmul.f32 v23, v43;
	v16 =	vmax.f32 v25, v16;
	[tilespmem:s8+$0x90] =	vst v22;
	(erf) = vpow2.f32 v14;
	v14 =	vld [tilespmem:s20+$0x20]  }
0xdd: {  	v17 =	vmax.f32 v29, v17;
	v25 =	vmul.f32 $1.442695020e+00, v16;
	v31 =	vld [tilespmem:s10+$0xA0];
	(erf) = vpow2.f32 v24  }
0xde: {  	v13 =	vmul.f32 v26, v13;
	v17 =	vmul.f32 $1.442695020e+00, v17;
	[tilespmem:s0+$0xFFFFFF50] =	vst v23;
	v16 =	vld [tilespmem:s20+$0x50]  }
.Ltmp1:
0xdf: {  	(erf) = vpow2.f32 v25;
	v23 =	vld [tilespmem:s17+$0xFFFFFF60];
	v25 =	vmul.f32 v28, v18;
	(pc) =	sbr.rel @p1 .LBB2_5-.Ltmp1, $4  }
0xe0: {  	v26 =	vperm.xlane v22, v1;
	(erf) = vpow2.f32 v17;
	v18 =	vpop (erf);
	[tilespmem:s0+$0xFFFFFFB0] =	vst v13;
	v17 =	vld [tilespmem:s20+$0x80];
	s20 =	smov.u32 s17;
	s17 =	smov.u32 s10  }
0xe1: {  	v28 =	vmul.f32 v27, v19;
	[tilespmem:s8+$0xFFFFFF70] =	vst v18;
	v29 =	vperm.xlane v18, v1;
	v24 =	vld [tilespmem:s20+$0xFFFFFFC0]  }
0xe2: {  	v30 =	vld [tilespmem:s10+$0xFFFFFF80];
	v31 =	vmul.f32 v31, v26;
	v19 =	vpop (erf);
	[tilespmem:s0+$0xFFFFFFE0] =	vst v25;
	v25 =	vmul.f32 v32, v20  }
0xe3: {  	v27 =	vmul.f32 v33, v21;
	s10 =	sadd.s32 $0x180, s10;
	[tilespmem:s8+$0xFFFFFFA0] =	vst v19;
	v13 =	vperm.xlane v19, v1;
	v20 =	vpop (erf);
	v26 =	vld [tilespmem:s20+$0xFFFFFFF0]  }
0xe4: {  	[tilespmem:s8+$0xA0] =	vst v31  }
0xe5: {  	[tilespmem:s8+$0xFFFFFFD0] =	vst v20  }
0xe6: {  	[tilespmem:s0+$0x10] =	vst v28;
	v12 =	vmul.f32 v23, v12;
	v21 =	vld [tilespmem:s17+$0xB0];
	v31 =	vpop (erf)  }
0xe7: {  	v10 =	vmul.f32 v15, v10;
	[tilespmem:s8+$0x0] =	vst v31  }
0xe8: {  	v3 =	vmul.f32 v14, v3;
	[tilespmem:s0+$0xFFFFFF60] =	vst v12  }
0xe9: {  	v22 =	vperm.xlane v22, v2;
	v4 =	vmul.f32 v16, v4;
	v32 =	vpop (erf);
	[tilespmem:s0+$0xFFFFFF90] =	vst v10  }
0xea: {  	[tilespmem:s19+$0x20] =	vst v3;
	v33 =	vpop (erf)  }
0xeb: {  	[tilespmem:s19+$0x50] =	vst v4;
	v28 =	vmul.f32 v30, v29;
	v29 =	vpop (erf);
	v21 =	vmul.f32 v21, v22  }
0xec: {  	v10 =	vld [tilespmem:s17+$0xFFFFFFE0];
	[tilespmem:s8+$0xFFFFFF40] =	vst v29  }
0xed: {  	v11 =	vmul.f32 v24, v11;
	[tilespmem:s8+$0xB0] =	vst v21;
	v21 =	vld [tilespmem:s17+$0xFFFFFF50]  }
0xee: {  	[tilespmem:s8+$0x30] =	vst v32  }
0xef: {  	v14 =	vperm.xlane v20, v1;
	v12 =	vld [tilespmem:s17+$0xFFFFFFB0];
	[tilespmem:s0+$0xFFFFFFC0] =	vst v11  }
0xf0: {  	v9 =	vmul.f32 v26, v9;
	[tilespmem:s8+$0x60] =	vst v33;
	v15 =	vperm.xlane v29, v1  }
0xf1: {  	v3 =	vld [tilespmem:s17+$0x40];
	[tilespmem:s8+$0xFFFFFF80] =	vst v28;
	v10 =	vmul.f32 v10, v14  }
0xf2: {  	[tilespmem:s0+$0xFFFFFFF0] =	vst v9;
	v9 =	vld [tilespmem:s17+$0x10];
	v11 =	vmul.f32 v21, v15  }
0xf3: {  	v5 =	vmul.f32 v17, v5;
	v14 =	vld [tilespmem:s17+$0xFFFFFF90];
	[tilespmem:s8+$0xFFFFFFE0] =	vst v10  }
0xf4: {  	v15 =	vld [tilespmem:s17+$0x70];
	[tilespmem:s8+$0xFFFFFF50] =	vst v11;
	v11 =	vmul.f32 v12, v13  }
0xf5: {  	[tilespmem:s19+$0x80] =	vst v5;
	v5 =	vld [tilespmem:s17+$0xFFFFFFF0];
	v12 =	vperm.xlane v31, v1  }
0xf6: {  	v10 =	vperm.xlane v29, v2;
	v13 =	vperm.xlane v32, v1;
	v4 =	vld [tilespmem:s17+$0xFFFFFF60];
	[tilespmem:s8+$0xFFFFFFB0] =	vst v11  }
0xf7: {  	[tilespmem:s0+$0x40] =	vst v25;
	v11 =	vperm.xlane v33, v1;
	v9 =	vmul.f32 v9, v12;
	v16 =	vld [tilespmem:s17+$0xFFFFFFC0]  }
0xf8: {  	[tilespmem:s0+$0x70] =	vst v27;
	v3 =	vmul.f32 v3, v13;
	v12 =	vperm.xlane v18, v2  }
0xf9: {  	v13 =	vld [tilespmem:s20+$0x20];
	v11 =	vmul.f32 v15, v11;
	[tilespmem:s8+$0x10] =	vst v9;
	v9 =	vperm.xlane v19, v2  }
0xfa: {  	v15 =	vld [tilespmem:s20+$0x50];
	[tilespmem:s8+$0x40] =	vst v3;
	v3 =	vperm.xlane v20, v2;
	v12 =	vmul.f32 v14, v12  }
0xfb: {  	v4 =	vmul.f32 v4, v10;
	v10 =	vld [tilespmem:s20+$0x80];
	[tilespmem:s8+$0x70] =	vst v11  }
0xfc: {  	v3 =	vmul.f32 v5, v3;
	[tilespmem:s8+$0xFFFFFF90] =	vst v12;
	v5 =	vld [tilespmem:s17+$0x50];
	v9 =	vmul.f32 v16, v9  }
0xfd: {  	[tilespmem:s8+$0xFFFFFF60] =	vst v4;
	v4 =	vld [tilespmem:s17+$0x20]  }
0xfe: {  	v6 =	vmul.f32 v13, v6;
	[tilespmem:s8+$0xFFFFFFC0] =	vst v9;
	v9 =	vld [tilespmem:s17+$0x80]  }
0xff: {  	[tilespmem:s8+$0xFFFFFFF0] =	vst v3;
	v3 =	vperm.xlane v32, v2;
	v7 =	vmul.f32 v15, v7  }
0x100: {  	v11 =	vperm.xlane v31, v2;
	[tilespmem:s0+$0x20] =	vst v6;
	v8 =	vmul.f32 v10, v8  }
0x101: {  	v6 =	vperm.xlane v33, v2;
	[tilespmem:s0+$0x50] =	vst v7;
	v3 =	vmul.f32 v5, v3  }
0x102: {  	v4 =	vmul.f32 v4, v11;
	[tilespmem:s0+$0x80] =	vst v8  }
0x103: {  	s9 =	sshll.u32 s31, $0x8;
	[tilespmem:s8+$0x50] =	vst v3;
	v5 =	vmul.f32 v9, v6  }
0x104: {  	s0 =	sand.u32 $0x3FFFFF00, s9;
	[tilespmem:s8+$0x20] =	vst v4  }
0x105: {  	p1 =	seq.s32 s31, $0x27;
	s0 =	sadd.s32 $0x2800, s0;
	[tilespmem:s8+$0x80] =	vst v5  }
0x106: {  	[spmem:s3] =	stream.indirect.scatter.add.f32 [tilespmem:s15], [sflag:$0x5], $0x30, s0, s18, $0xb8;
	[tilespmem:$0x13680] =	vst v63  }
0x107: {  	s0 =	sshll.u32 @!p1 s31, $0x8  }
0x108: {  	s9 =	simm.s32 @!p1 $0x5000;
	s8 =	simm.s32 @!p1 $0x80;
	s7 =	sadd.s32 @!p1 $0x100, s0  }
0x109: {  	[tilespmem:s9], [sflag:$0x1] =	stream.indirect.gather @!p1 [hbm4b:s5+s8], $0x30, s7, s8, $0xb8;
	[tilespmem:$0x13680] =	vst v63  }
0x10a: {  	s0 =	sadd.s32 @!p1 $0x2900, s0;
	s7 =	simm.s32 @!p1 $0x8000  }
0x10b: {  	[tilespmem:s7], [sflag:$0x3] =	stream.indirect.gather @!p1 [hbm4b:s2+s8], $0x10, s0, s8, $0xb8;
	[tilespmem:$0x13680] =	vst v63  }
0x10c: {  	_ =	swait.ge [sflag:s25], $0x1800  }
0x10d: {  	[sflag:s25] =	ssyncset.done $0x0  }
0x10e: {  	[sflag:s25] =	ssyncadd.s32 $0xFFFFE800  }
0x10f: {  	_ =	swait.ge [sflag:s26], $0x800  }
0x110: {  	[sflag:s26] =	ssyncset.done $0x0  }
0x111: {  	s0 =	simm.s32 @!p0 $0x6;
	[sflag:s26] =	ssyncadd.s32 $0xFFFFF800  }
0x112: {  	_ =	swait.ge @!p0 [sflag:s0], $0x1800  }
0x113: {  	[sflag:s0] =	ssyncset.done @!p0 $0x0  }
0x114: {  	s9 =	simm.s32 $0x68C0;
	[sflag:s0] =	ssyncadd.s32 @!p0 $0xFFFFE800  }
0x115: {  	s10 =	simm.s32 $0x8840;
	v3 =	vld [tilespmem:s9+$0x90]  }
0x116: {  	v4 =	vld [tilespmem:s10+$0x30];
	_ =	sdelay $0x2  }
0x117: {  	v5 =	vld [tilespmem:s10+$0xFFFFFFD0]  }
0x118: {  	v7 =	vld [tilespmem:s10+$0xFFFFFFE0]  }
0x119: {  	v9 =	vld [tilespmem:s9+$0x0];
	v3 =	vadd.f32 v4, v3  }
0x11a: {  	v10 =	vld [tilespmem:s10+$0x0]  }
0x11b: {  	v4 =	vld [tilespmem:s9+$0xFFFFFF70];
	v6 =	vmul.f32 $2.000000030e-01, v3  }
0x11c: {  	s20 =	simm.s32 $0x6A40;
	v11 =	vld [tilespmem:s10+$0x10]  }
0x11d: {  	s17 =	simm.s32 $0x88C0;
	v16 =	vld [tilespmem:s20+$0xFFFFFFA0];
	v3 =	vmax.f32 v3, v6  }
0x11e: {  	v19 =	vld [tilespmem:s17+$0xFFFFFFE0];
	v3 =	vmul.f32 $1.442695020e+00, v3  }
0x11f: {  	v6 =	vld [tilespmem:s9+$0xFFFFFFA0]  }
0x120: {  	v4 =	vadd.f32 v5, v4;
	v5 =	vld [tilespmem:s10+$0xFFFFFFF0];
	(erf) = vpow2.f32 v3  }
0x121: {  	v3 =	vld [tilespmem:s9+$0xFFFFFFD0]  }
0x122: {  	v21 =	vld [tilespmem:s20+$0xFFFFFFD0];
	v8 =	vmul.f32 $2.000000030e-01, v4  }
0x123: {  	v23 =	vld [tilespmem:s17+$0xFFFFFFF0]  }
0x124: {  	v12 =	vld [tilespmem:s10+$0xFFFFFFC0];
	v4 =	vmax.f32 v4, v8  }
0x125: {  	v8 =	vld [tilespmem:s9+$0x30];
	v6 =	vadd.f32 v7, v6;
	v4 =	vmul.f32 $1.442695020e+00, v4  }
0x126: {  	v9 =	vadd.f32 v10, v9;
	v7 =	vld [tilespmem:s10+$0x20];
	v3 =	vadd.f32 v5, v3  }
0x127: {  	v16 =	vadd.f32 v19, v16;
	(erf) = vpow2.f32 v4;
	v4 =	vld [tilespmem:s9+$0x60];
	v5 =	vmul.f32 $2.000000030e-01, v6  }
0x128: {  	v13 =	vld [tilespmem:s9+$0xFFFFFF40];
	v21 =	vadd.f32 v23, v21;
	v14 =	vmul.f32 $2.000000030e-01, v3  }
0x129: {  	s19 =	simm.s32 $0xA8C0;
	v31 =	vmul.f32 $2.000000030e-01, v16;
	v5 =	vmax.f32 v6, v5;
	v6 =	vmul.f32 $2.000000030e-01, v9;
	v10 =	vpop (erf)  }
0x12a: {  	v8 =	vadd.f32 v11, v8;
	v5 =	vmul.f32 $1.442695020e+00, v5;
	v3 =	vmax.f32 v3, v14;
	[tilespmem:s19+$0x90] =	vst v10  }
0x12b: {  	v34 =	vmul.f32 $2.000000030e-01, v21;
	v6 =	vmax.f32 v9, v6;
	v3 =	vmul.f32 $1.442695020e+00, v3;
	v11 =	vld [tilespmem:s9+$0xA0]  }
0x12c: {  	v9 =	vmul.f32 $2.000000030e-01, v8;
	v4 =	vadd.f32 v7, v4;
	(erf) = vpow2.f32 v5;
	v7 =	vld [tilespmem:s20+$0x90]  }
0x12d: {  	v12 =	vadd.f32 v12, v13;
	v6 =	vmul.f32 $1.442695020e+00, v6;
	(erf) = vpow2.f32 v3;
	v3 =	vld [tilespmem:s17+$0x30]  }
0x12e: {  	v24 =	vld [tilespmem:s20+$0x0];
	v5 =	vperm.xlane v10, v1;
	v8 =	vmax.f32 v8, v9;
	v9 =	vmul.f32 $2.000000030e-01, v4  }
0x12f: {  	v26 =	vld [tilespmem:s17+$0x0];
	v8 =	vmul.f32 $1.442695020e+00, v8;
	(erf) = vpow2.f32 v6  }
0x130: {  	v29 =	vld [tilespmem:s20+$0x30];
	v6 =	vmul.f32 $2.000000030e-01, v12;
	v5 =	vmul.f32 v11, v5  }
0x131: {  	v49 =	vld [tilespmem:s17+$0x20];
	v16 =	vmax.f32 v16, v31;
	v13 =	vpop (erf);
	v4 =	vmax.f32 v4, v9;
	(erf) = vpow2.f32 v8  }
0x132: {  	v4 =	vmul.f32 $1.442695020e+00, v4;
	v3 =	vadd.f32 v3, v7;
	v7 =	vld [tilespmem:s17+$0xFFFFFFD0];
	[tilespmem:s19+$0xA0] =	vst v5;
	v5 =	vmax.f32 v12, v6  }
0x133: {  	v16 =	vmul.f32 $1.442695020e+00, v16;
	v6 =	vld [tilespmem:s20+$0xFFFFFF70];
	v5 =	vmul.f32 $1.442695020e+00, v5  }
0x134: {  	v50 =	vld [tilespmem:s20+$0xFFFFFF40];
	(erf) = vpow2.f32 v4;
	v4 =	vmul.f32 $2.000000030e-01, v3  }
0x135: {  	v19 =	vld [tilespmem:s17+$0x10];
	[tilespmem:s19+$0xFFFFFF70] =	vst v13;
	v8 =	vperm.xlane v13, v2;
	v15 =	vpop (erf);
	(erf) = vpow2.f32 v5  }
0x136: {  	s7 =	simm.s32 $0x8940;
	v11 =	vld [tilespmem:s9+$0xFFFFFF80];
	v17 =	vperm.xlane v15, v1;
	v12 =	vperm.xlane v15, v2;
	v3 =	vmax.f32 v3, v4  }
0x137: {  	v39 =	vld [tilespmem:s7+$0xFFFFFFE0];
	v24 =	vadd.f32 v26, v24;
	v5 =	vperm.xlane v13, v1;
	v18 =	vpop (erf);
	v3 =	vmul.f32 $1.442695020e+00, v3  }
0x138: {  	v23 =	vld [tilespmem:s20+$0x60];
	v20 =	vperm.xlane v18, v1;
	v13 =	vperm.xlane v18, v2;
	v6 =	vadd.f32 v7, v6  }
0x139: {  	v14 =	vld [tilespmem:s17+$0xFFFFFFC0];
	s17 =	simm.s32 $0x6BC0;
	v22 =	vpop (erf);
	[tilespmem:s19+$0xFFFFFFD0] =	vst v18;
	v18 =	vmax.f32 v21, v34;
	v21 =	vmul.f32 $2.000000030e-01, v24;
	(erf) = vpow2.f32 v3  }
0x13a: {  	v37 =	vld [tilespmem:s17+$0xFFFFFFA0];
	[tilespmem:s19+$0xFFFFFFA0] =	vst v15;
	v7 =	vperm.xlane v22, v1;
	v27 =	vmul.f32 $2.000000030e-01, v6  }
0x13b: {  	v19 =	vadd.f32 v19, v29;
	v29 =	vld [tilespmem:s9+$0xFFFFFFB0];
	v25 =	vpop (erf);
	v11 =	vmul.f32 v11, v5;
	v18 =	vmul.f32 $1.442695020e+00, v18  }
0x13c: {  	v9 =	vld [tilespmem:s9+$0xB0];
	[tilespmem:s19+$0x0] =	vst v22;
	v3 =	vperm.xlane v22, v2;
	v28 =	vperm.xlane v25, v1;
	v5 =	vmax.f32 v6, v27  }
0x13d: {  	v23 =	vadd.f32 v49, v23;
	v51 =	vld [tilespmem:s9+$0x10];
	v6 =	vperm.xlane v10, v2;
	v10 =	vpop (erf);
	v5 =	vmul.f32 $1.442695020e+00, v5  }
0x13e: {  	v35 =	vld [tilespmem:s7+$0xFFFFFFD0];
	v4 =	vperm.xlane v25, v2;
	v21 =	vmax.f32 v24, v21;
	v24 =	vmul.f32 $2.000000030e-01, v19;
	[tilespmem:s19+$0x30] =	vst v25;
	v30 =	vpop (erf)  }
0x13f: {  	v54 =	vld [tilespmem:s17+$0xFFFFFF70];
	v56 =	vadd.f32 v39, v37;
	v25 =	vmul.f32 $2.000000030e-01, v23;
	(erf) = vpow2.f32 v5;
	[tilespmem:s19+$0xFFFFFF40] =	vst v30  }
0x140: {  	v21 =	vmul.f32 $1.442695020e+00, v21;
	v17 =	vmul.f32 v29, v17;
	[tilespmem:s19+$0x60] =	vst v10;
	v26 =	vld [tilespmem:s9+$0xFFFFFF50]  }
0x141: {  	[tilespmem:s19+$0xFFFFFF80] =	vst v11;
	v58 =	vmul.f32 $2.000000030e-01, v56;
	v27 =	vperm.xlane v10, v1;
	v11 =	vld [tilespmem:s9+$0x70]  }
0x142: {  	s0 =	simm.s32 $0xAA40;
	v59 =	vld [tilespmem:s17+$0xFFFFFF40];
	[tilespmem:s19+$0xFFFFFFB0] =	vst v17;
	v17 =	vmul.f32 v9, v6;
	v29 =	vmul.f32 v51, v7;
	v31 =	vpop (erf)  }
0x143: {  	v6 =	vmax.f32 v23, v25;
	v23 =	vld [tilespmem:s9+$0xFFFFFFC0];
	v5 =	vperm.xlane v10, v2;
	v15 =	vperm.xlane v30, v1;
	[tilespmem:s0+$0x90] =	vst v31  }
0x144: {  	v10 =	vadd.f32 v14, v50;
	v6 =	vmul.f32 $1.442695020e+00, v6;
	(erf) = vpow2.f32 v16;
	v16 =	vld [tilespmem:s20+$0xA0]  }
0x145: {  	v14 =	vld [tilespmem:s9+$0x40];
	(erf) = vpow2.f32 v18;
	v15 =	vmul.f32 v26, v15  }
0x146: {  	v22 =	vld [tilespmem:s9+$0xFFFFFFE0];
	v18 =	vmax.f32 v19, v24;
	v19 =	vmul.f32 $2.000000030e-01, v10;
	v27 =	vmul.f32 v11, v27  }
0x147: {  	v25 =	vld [tilespmem:s7+$0x30];
	v18 =	vmul.f32 $1.442695020e+00, v18;
	[tilespmem:s19+$0xFFFFFF50] =	vst v15;
	v15 =	vperm.xlane v31, v1  }
0x148: {  	v24 =	vld [tilespmem:s9+$0xFFFFFF90];
	v23 =	vmul.f32 v23, v12;
	(erf) = vpow2.f32 v21;
	v26 =	vpop (erf)  }
0x149: {  	v10 =	vmax.f32 v10, v19;
	(erf) = vpow2.f32 v18;
	v18 =	vld [tilespmem:s17+$0x90];
	[tilespmem:s0+$0xFFFFFF70] =	vst v26;
	v9 =	vmul.f32 v16, v15  }
0x14a: {  	v14 =	vmul.f32 v14, v28;
	v10 =	vmul.f32 $1.442695020e+00, v10;
	v15 =	vld [tilespmem:s20+$0xFFFFFF80]  }
0x14b: {  	v28 =	vld [tilespmem:s7+$0xFFFFFFC0];
	v19 =	vmul.f32 v22, v20;
	(erf) = vpow2.f32 v6;
	[tilespmem:s0+$0xA0] =	vst v9  }
0x14c: {  	(erf) = vpow2.f32 v10;
	v22 =	vperm.xlane v26, v1;
	v20 =	vld [tilespmem:s20+$0xB0]  }
0x14d: {  	v21 =	vld [tilespmem:s9+$0xFFFFFF60];
	v10 =	vperm.xlane v26, v2;
	v16 =	vperm.xlane v30, v2;
	v30 =	vpop (erf)  }
0x14e: {  	v52 =	vperm.xlane v30, v1;
	v11 =	vperm.xlane v30, v2  }
0x14f: {  	v18 =	vadd.f32 v25, v18;
	v25 =	vld [tilespmem:s17+$0xFFFFFFD0];
	v53 =	vpop (erf);
	v15 =	vmul.f32 v15, v22;
	v22 =	vperm.xlane v31, v2  }
0x150: {  	[tilespmem:s19+$0xB0] =	vst v17;
	v26 =	vperm.xlane v53, v1;
	v9 =	vperm.xlane v53, v2;
	v31 =	vld [tilespmem:s7+$0xFFFFFFF0]  }
0x151: {  	v57 =	vld [tilespmem:s7+$0x10];
	[tilespmem:s19+$0x10] =	vst v29;
	v28 =	vadd.f32 v28, v59;
	v17 =	vmul.f32 v20, v22;
	v20 =	vmul.f32 $2.000000030e-01, v18  }
0x152: {  	[tilespmem:s0+$0xFFFFFFA0] =	vst v30;
	v30 =	vadd.f32 v35, v54;
	v36 =	vpop (erf);
	v16 =	vmul.f32 v21, v16;
	v21 =	vmul.f32 v24, v8;
	v24 =	vld [tilespmem:s7+$0x0]  }
0x153: {  	[tilespmem:s19+$0x70] =	vst v27;
	v38 =	vperm.xlane v36, v1;
	v6 =	vperm.xlane v36, v2;
	v22 =	vld [tilespmem:s17+$0x0];
	v18 =	vmax.f32 v18, v20  }
0x154: {  	[tilespmem:s19+$0xFFFFFFE0] =	vst v19;
	v12 =	vmul.f32 $2.000000030e-01, v30;
	v40 =	vpop (erf);
	v20 =	vld [tilespmem:s17+$0x30];
	v18 =	vmul.f32 $1.442695020e+00, v18  }
0x155: {  	v41 =	vperm.xlane v40, v1;
	v19 =	vpop (erf);
	[tilespmem:s19+$0xFFFFFF60] =	vst v16;
	v16 =	vmul.f32 $2.000000030e-01, v28;
	v25 =	vadd.f32 v31, v25;
	v31 =	vld [tilespmem:s17+$0x60]  }
0x156: {  	[tilespmem:s19+$0x40] =	vst v14;
	v30 =	vmax.f32 v30, v12;
	v55 =	vperm.xlane v19, v1;
	(erf) = vpow2.f32 v18;
	v18 =	vld [tilespmem:s7+$0x20]  }
0x157: {  	v33 =	vmax.f32 v56, v58;
	v8 =	vperm.xlane v19, v2;
	[tilespmem:s0+$0x60] =	vst v19;
	v19 =	vmul.f32 $1.442695020e+00, v30  }
0x158: {  	v62 =	vld [tilespmem:s20+$0xFFFFFFB0];
	v29 =	vpop (erf);
	[tilespmem:s0+$0xFFFFFF80] =	vst v15;
	v15 =	vmul.f32 $1.442695020e+00, v33;
	v60 =	vmul.f32 $2.000000030e-01, v25;
	v22 =	vadd.f32 v24, v22  }
0x159: {  	[tilespmem:s0+$0x30] =	vst v40;
	v61 =	vperm.xlane v29, v1;
	v12 =	vperm.xlane v29, v2;
	v24 =	vld [tilespmem:s9+$0xFFFFFFF0]  }
0x15a: {  	v27 =	vld [tilespmem:s20+$0x40];
	[tilespmem:s0+$0xFFFFFF40] =	vst v29;
	v25 =	vmax.f32 v25, v60;
	v30 =	vmul.f32 $2.000000030e-01, v22;
	v20 =	vadd.f32 v57, v20  }
0x15b: {  	[tilespmem:s0+$0xFFFFFFD0] =	vst v53;
	v29 =	vld [tilespmem:s20+$0xFFFFFF50];
	(erf) = vpow2.f32 v19;
	v25 =	vmul.f32 $1.442695020e+00, v25;
	v18 =	vadd.f32 v18, v31  }
0x15c: {  	[tilespmem:s0+$0xB0] =	vst v17;
	v17 =	vld [tilespmem:s20+$0xFFFFFFE0];
	(erf) = vpow2.f32 v15;
	v19 =	vmax.f32 v22, v30;
	v14 =	vmul.f32 $2.000000030e-01, v20  }
0x15d: {  	v63 =	vld [tilespmem:s20+$0x70];
	v19 =	vmul.f32 $1.442695020e+00, v19;
	v31 =	vmul.f32 $2.000000030e-01, v18  }
0x15e: {  	[tilespmem:s0+$0x0] =	vst v36;
	v15 =	vld [tilespmem:s20+$0xFFFFFF90];
	(erf) = vpow2.f32 v25;
	v13 =	vmul.f32 v24, v13;
	v14 =	vmax.f32 v20, v14  }
0x15f: {  	s8 =	simm.s32 $0xABC0;
	[tilespmem:s19+$0xFFFFFF90] =	vst v21;
	v30 =	vld [tilespmem:s20+$0x10];
	v20 =	vmul.f32 $1.442695020e+00, v14;
	(erf) = vpow2.f32 v19;
	v22 =	vpop (erf);
	v18 =	vmax.f32 v18, v31  }
0x160: {  	v19 =	vmul.f32 v29, v61;
	v14 =	vld [tilespmem:s9+$0x20];
	[tilespmem:s8+$0x90] =	vst v22;
	v18 =	vmul.f32 $1.442695020e+00, v18  }
0x161: {  	v16 =	vmax.f32 v28, v16;
	[tilespmem:s19+$0xFFFFFFF0] =	vst v13;
	v13 =	vmul.f32 v17, v26;
	(erf) = vpow2.f32 v20;
	v21 =	vld [tilespmem:s17+$0xA0]  }
0x162: {  	v17 =	vld [tilespmem:s9+$0x80];
	v20 =	vmul.f32 $1.442695020e+00, v16;
	[tilespmem:s0+$0xFFFFFF50] =	vst v19;
	v19 =	vmul.f32 v62, v52  }
0x163: {  	[tilespmem:s19+$0xFFFFFFC0] =	vst v23;
	v7 =	vperm.xlane v40, v2;
	v16 =	vld [tilespmem:s9+$0x50];
	(erf) = vpow2.f32 v18  }
0x164: {  	[tilespmem:s0+$0xFFFFFFE0] =	vst v13;
	v23 =	vld [tilespmem:s20+$0xFFFFFF60];
	v25 =	vperm.xlane v22, v1;
	(erf) = vpow2.f32 v20;
	v18 =	vpop (erf)  }
0x165: {  	v28 =	vmul.f32 v30, v38;
	v26 =	vld [tilespmem:s20+$0xFFFFFFF0];
	[tilespmem:s8+$0xFFFFFF70] =	vst v18;
	v29 =	vperm.xlane v18, v1  }
0x166: {  	[tilespmem:s0+$0xFFFFFFB0] =	vst v19;
	v19 =	vpop (erf);
	v30 =	vld [tilespmem:s17+$0xFFFFFF80];
	v31 =	vmul.f32 v21, v25;
	v25 =	vmul.f32 v27, v41  }
0x167: {  	s10 =	simm.s32 $0x6D40;
	s9 =	simm.s32 $0x10;
	v24 =	vld [tilespmem:s20+$0xFFFFFFC0];
	[tilespmem:s8+$0xFFFFFFA0] =	vst v19;
	v13 =	vperm.xlane v19, v1;
	v20 =	vpop (erf);
	v27 =	vmul.f32 v63, v55  }
.LBB2_7:
0x168: {  	v32 =	vld [tilespmem:s10+$0x90];
	v33 =	vperm.xlane v18, v2;
	v18 =	vperm.xlane v20, v1;
	[tilespmem:s8+$0xA0] =	vst v31  }
0x169: {  	v31 =	vperm.xlane v19, v2;
	v34 =	vperm.xlane v20, v2;
	s7 =	sadd.s32 $0x80, s7;
	[tilespmem:s8+$0xFFFFFFD0] =	vst v20;
	v35 =	vld [tilespmem:s17+$0xB0];
	v20 =	vpop (erf)  }
0x16a: {  	s9 =	sadd.s32 $0x8, s9;
	v36 =	vld [tilespmem:s7+$0x30];
	[tilespmem:s8+$0x0] =	vst v20;
	v19 =	vperm.xlane v20, v1;
	v37 =	vperm.xlane v20, v2;
	v21 =	vpop (erf)  }
0x16b: {  	p0 =	slt.u32 s9, $0x78;
	v38 =	vld [tilespmem:s7+$0xFFFFFFC0];
	v29 =	vmul.f32 v30, v29;
	[tilespmem:s8+$0x30] =	vst v21;
	v20 =	vperm.xlane v21, v1  }
0x16c: {  	v22 =	vperm.xlane v22, v2;
	v39 =	vperm.xlane v21, v2;
	v30 =	vld [tilespmem:s10+$0xFFFFFF70];
	v40 =	vpop (erf);
	[tilespmem:s0+$0x10] =	vst v28  }
0x16d: {  	v28 =	vld [tilespmem:s7+$0xFFFFFFD0];
	[tilespmem:s8+$0x60] =	vst v40;
	v21 =	vperm.xlane v40, v1;
	v40 =	vperm.xlane v40, v2;
	v41 =	vpop (erf)  }
0x16e: {  	v42 =	vld [tilespmem:s10+$0xFFFFFFA0];
	[tilespmem:s8+$0xFFFFFF40] =	vst v41;
	v43 =	vperm.xlane v41, v1;
	v22 =	vmul.f32 v35, v22  }
0x16f: {  	v23 =	vmul.f32 v23, v12;
	v12 =	vperm.xlane v41, v2;
	v35 =	vld [tilespmem:s7+$0xFFFFFFE0];
	v32 =	vadd.f32 v36, v32;
	[tilespmem:s8+$0xFFFFFF80] =	vst v29  }
0x170: {  	v15 =	vmul.f32 v15, v10;
	v10 =	vmovc v33;
	v29 =	vld [tilespmem:s10+$0xFFFFFFD0];
	[tilespmem:s8+$0xB0] =	vst v22;
	v22 =	vmul.f32 v24, v11;
	v11 =	vmov v31  }
0x171: {  	v26 =	vmul.f32 v26, v9;
	v9 =	vmov v34;
	v24 =	vld [tilespmem:s7+$0xFFFFFFF0];
	v31 =	vmul.f32 $2.000000030e-01, v32;
	[tilespmem:s0+$0x40] =	vst v25  }
0x172: {  	v14 =	vmul.f32 v14, v3;
	v16 =	vmul.f32 v16, v4;
	v25 =	vadd.f32 v28, v30;
	v28 =	vld [tilespmem:s10+$0x0];
	[tilespmem:s0+$0x70] =	vst v27  }
0x173: {  	v3 =	vmovc v6;
	v17 =	vmul.f32 v17, v5;
	v6 =	vmov v37;
	v27 =	vld [tilespmem:s7+$0x0];
	v33 =	vmax.f32 v32, v31;
	[tilespmem:s0+$0xFFFFFF60] =	vst v23  }
0x174: {  	v4 =	vmovc v7;
	v7 =	vmovc v39;
	v23 =	vmul.f32 $2.000000030e-01, v25;
	v30 =	vadd.f32 v35, v42;
	v31 =	vld [tilespmem:s10+$0x30];
	v32 =	vmul.f32 $1.442695020e+00, v33;
	[tilespmem:s0+$0xFFFFFF90] =	vst v15  }
0x175: {  	v5 =	vmov v8;
	v8 =	vmov v40;
	v15 =	vld [tilespmem:s7+$0x10];
	[tilespmem:s0+$0xFFFFFFC0] =	vst v22  }
0x176: {  	v22 =	vmul.f32 $2.000000030e-01, v30;
	v24 =	vadd.f32 v24, v29;
	v29 =	vld [tilespmem:s10+$0x60];
	(erf) = vpow2.f32 v32;
	[tilespmem:s0+$0xFFFFFFF0] =	vst v26  }
0x177: {  	v23 =	vmax.f32 v25, v23;
	v25 =	vld [tilespmem:s7+$0x20];
	[tilespmem:s19+$0x20] =	vst v14  }
0x178: {  	v14 =	vld [tilespmem:s10+$0xFFFFFF40];
	v22 =	vmax.f32 v30, v22;
	v26 =	vmul.f32 $2.000000030e-01, v24;
	v27 =	vadd.f32 v27, v28;
	[tilespmem:s19+$0x50] =	vst v16  }
0x179: {  	v16 =	vmul.f32 $1.442695020e+00, v23;
	v22 =	vmul.f32 $1.442695020e+00, v22;
	v23 =	vld [tilespmem:s17+$0xFFFFFF50];
	[tilespmem:s19+$0x80] =	vst v17;
	s19 =	smov.u32 s0;
	s0 =	smov.u32 s8  }
0x17a: {  	v17 =	vmax.f32 v24, v26;
	v24 =	vmul.f32 $2.000000030e-01, v27;
	v15 =	vadd.f32 v15, v31;
	v26 =	vld [tilespmem:s17+$0xFFFFFFB0]  }
0x17b: {  	v17 =	vmul.f32 $1.442695020e+00, v17;
	(erf) = vpow2.f32 v16;
	v28 =	vld [tilespmem:s17+$0xFFFFFFE0]  }
0x17c: {  	v16 =	vmax.f32 v27, v24;
	v24 =	vmul.f32 $2.000000030e-01, v15;
	v25 =	vadd.f32 v25, v29;
	v27 =	vld [tilespmem:s17+$0x10]  }
0x17d: {  	v29 =	vadd.f32 v38, v14;
	v14 =	vmul.f32 $1.442695020e+00, v16;
	(erf) = vpow2.f32 v22;
	v32 =	vld [tilespmem:s17+$0x40]  }
0x17e: {  	s8 =	sadd.s32 $0x180, s8;
	v15 =	vmax.f32 v15, v24;
	v16 =	vmul.f32 $2.000000030e-01, v25;
	(erf) = vpow2.f32 v17;
	v33 =	vld [tilespmem:s17+$0x70]  }
0x17f: {  	v17 =	vmul.f32 $2.000000030e-01, v29;
	v24 =	vmul.f32 $1.442695020e+00, v15;
	v22 =	vpop (erf);
	v15 =	vld [tilespmem:s17+$0xFFFFFF90]  }
0x180: {  	v23 =	vmul.f32 v23, v43;
	v16 =	vmax.f32 v25, v16;
	[tilespmem:s8+$0x90] =	vst v22;
	(erf) = vpow2.f32 v14;
	v14 =	vld [tilespmem:s20+$0x20]  }
0x181: {  	v17 =	vmax.f32 v29, v17;
	v25 =	vmul.f32 $1.442695020e+00, v16;
	v31 =	vld [tilespmem:s10+$0xA0];
	(erf) = vpow2.f32 v24  }
0x182: {  	v13 =	vmul.f32 v26, v13;
	v17 =	vmul.f32 $1.442695020e+00, v17;
	[tilespmem:s0+$0xFFFFFF50] =	vst v23;
	v16 =	vld [tilespmem:s20+$0x50]  }
.Ltmp2:
0x183: {  	(erf) = vpow2.f32 v25;
	v23 =	vld [tilespmem:s17+$0xFFFFFF60];
	v25 =	vmul.f32 v28, v18;
	(pc) =	sbr.rel @p0 .LBB2_7-.Ltmp2, $4  }
0x184: {  	v26 =	vperm.xlane v22, v1;
	(erf) = vpow2.f32 v17;
	v18 =	vpop (erf);
	[tilespmem:s0+$0xFFFFFFB0] =	vst v13;
	v17 =	vld [tilespmem:s20+$0x80];
	s20 =	smov.u32 s17;
	s17 =	smov.u32 s10  }
0x185: {  	v28 =	vmul.f32 v27, v19;
	[tilespmem:s8+$0xFFFFFF70] =	vst v18;
	v29 =	vperm.xlane v18, v1;
	v24 =	vld [tilespmem:s20+$0xFFFFFFC0]  }
0x186: {  	v30 =	vld [tilespmem:s10+$0xFFFFFF80];
	v31 =	vmul.f32 v31, v26;
	v19 =	vpop (erf);
	[tilespmem:s0+$0xFFFFFFE0] =	vst v25;
	v25 =	vmul.f32 v32, v20  }
0x187: {  	v27 =	vmul.f32 v33, v21;
	s10 =	sadd.s32 $0x180, s10;
	[tilespmem:s8+$0xFFFFFFA0] =	vst v19;
	v13 =	vperm.xlane v19, v1;
	v20 =	vpop (erf);
	v26 =	vld [tilespmem:s20+$0xFFFFFFF0]  }
0x188: {  	[tilespmem:s8+$0xA0] =	vst v31  }
0x189: {  	[tilespmem:s8+$0xFFFFFFD0] =	vst v20  }
0x18a: {  	[tilespmem:s0+$0x10] =	vst v28  }
0x18b: {  	[tilespmem:s0+$0x40] =	vst v25  }
0x18c: {  	v12 =	vmul.f32 v23, v12;
	v63 =	vpop (erf);
	[tilespmem:s0+$0x70] =	vst v27  }
0x18d: {  	v10 =	vmul.f32 v15, v10;
	[tilespmem:s8+$0x0] =	vst v63  }
0x18e: {  	v3 =	vmul.f32 v14, v3;
	[tilespmem:s0+$0xFFFFFF60] =	vst v12  }
0x18f: {  	v4 =	vmul.f32 v16, v4;
	[tilespmem:s0+$0xFFFFFF90] =	vst v10  }
0x190: {  	[tilespmem:s19+$0x20] =	vst v3  }
0x191: {  	v5 =	vmul.f32 v17, v5;
	v32 =	vpop (erf);
	[tilespmem:s19+$0x50] =	vst v4  }
0x192: {  	v37 =	vld [tilespmem:s17+$0xFFFFFFB0];
	v11 =	vmul.f32 v24, v11;
	[tilespmem:s8+$0x30] =	vst v32  }
0x193: {  	v39 =	vld [tilespmem:s17+$0xFFFFFFE0];
	[tilespmem:s19+$0x80] =	vst v5  }
0x194: {  	v21 =	vld [tilespmem:s17+$0xB0];
	v34 =	vmul.f32 v30, v29;
	v33 =	vpop (erf);
	[tilespmem:s0+$0xFFFFFFC0] =	vst v11  }
0x195: {  	v54 =	vld [tilespmem:s20+$0x20];
	[tilespmem:s8+$0x60] =	vst v33  }
0x196: {  	v42 =	vperm.xlane v20, v1;
	v56 =	vld [tilespmem:s20+$0x50];
	v9 =	vmul.f32 v26, v9;
	v35 =	vpop (erf);
	[tilespmem:s8+$0xFFFFFF80] =	vst v34  }
0x197: {  	v22 =	vperm.xlane v22, v2;
	v3 =	vld [tilespmem:s17+$0x40];
	v44 =	vmul.f32 v37, v13;
	[tilespmem:s8+$0xFFFFFF40] =	vst v35  }
0x198: {  	[tilespmem:s0+$0xFFFFFFF0] =	vst v9;
	v10 =	vmul.f32 v39, v42;
	v36 =	vld [tilespmem:s17+$0xFFFFFF50]  }
0x199: {  	v21 =	vmul.f32 v21, v22;
	v43 =	vld [tilespmem:s17+$0x70];
	[tilespmem:s8+$0xFFFFFFB0] =	vst v44  }
0x19a: {  	v40 =	vld [tilespmem:s17+$0x10];
	v47 =	vperm.xlane v32, v1;
	v6 =	vmul.f32 v54, v6;
	[tilespmem:s8+$0xFFFFFFE0] =	vst v10  }
0x19b: {  	v38 =	vperm.xlane v35, v1;
	v7 =	vmul.f32 v56, v7;
	[tilespmem:s8+$0xB0] =	vst v21;
	v52 =	vld [tilespmem:s17+$0xFFFFFFF0]  }
0x19c: {  	v57 =	vld [tilespmem:s20+$0x80];
	v49 =	vperm.xlane v33, v1;
	[tilespmem:s0+$0x20] =	vst v6;
	v3 =	vmul.f32 v3, v47  }
0x19d: {  	v45 =	vperm.xlane v63, v1;
	v48 =	vld [tilespmem:s17+$0xFFFFFF90];
	[tilespmem:s0+$0x50] =	vst v7;
	v41 =	vmul.f32 v36, v38  }
0x19e: {  	v50 =	vld [tilespmem:s17+$0xFFFFFFC0];
	v11 =	vmul.f32 v43, v49;
	[tilespmem:s8+$0x40] =	vst v3;
	v3 =	vperm.xlane v20, v2  }
0x19f: {  	v9 =	vmul.f32 v40, v45;
	v59 =	vld [tilespmem:s17+$0x50];
	[tilespmem:s8+$0xFFFFFF50] =	vst v41  }
0x1a0: {  	v53 =	vperm.xlane v18, v2;
	[tilespmem:s8+$0x70] =	vst v11;
	v3 =	vmul.f32 v52, v3;
	v46 =	vld [tilespmem:s17+$0xFFFFFF60]  }
0x1a1: {  	v55 =	vperm.xlane v19, v2;
	v8 =	vmul.f32 v57, v8;
	[tilespmem:s8+$0x10] =	vst v9;
	v60 =	vld [tilespmem:s17+$0x80]  }
0x1a2: {  	v12 =	vmul.f32 v48, v53;
	v58 =	vld [tilespmem:s17+$0x20];
	[tilespmem:s8+$0xFFFFFFF0] =	vst v3;
	v3 =	vperm.xlane v32, v2  }
0x1a3: {  	v51 =	vperm.xlane v35, v2;
	[tilespmem:s0+$0x80] =	vst v8;
	v9 =	vmul.f32 v50, v55  }
0x1a4: {  	s31 =	sadd.s32 $0x1, s31;
	v62 =	vperm.xlane v33, v2;
	[tilespmem:s8+$0xFFFFFF90] =	vst v12;
	v3 =	vmul.f32 v59, v3  }
0x1a5: {  	p0 =	sne.s32 s31, $0x28;
	v61 =	vperm.xlane v63, v2;
	[tilespmem:s8+$0xFFFFFFC0] =	vst v9;
	v4 =	vmul.f32 v46, v51  }
.Ltmp3:
0x1a6: {  	v63 =	vmul.f32 v60, v62;
	[tilespmem:s8+$0x50] =	vst v3;
	(pc) =	sbr.rel @p0 .LBB2_4-.Ltmp3, $4  }
0x1a7: {  	[tilespmem:s8+$0xFFFFFF60] =	vst v4;
	v4 =	vmul.f32 v58, v61  }
0x1a8: {  	s20 =	sand.u32 $0x3FFFFF80, s1;
	[tilespmem:s8+$0x80] =	vst v63  }
0x1a9: {  	s0 =	sadd.s32 $0x2800, s20;
	[tilespmem:s8+$0x20] =	vst v4  }
0x1aa: {  	[spmem:s3] =	stream.indirect.scatter.add.f32 [tilespmem:s28], [sflag:$0x6], $0x30, s0, s18, $0xb8;
	[tilespmem:$0x13680] =	vst v63  }
0x1ab: {  	_ =	swait.ge [sflag:s29], $0x1800  }
0x1ac: {  	[sflag:s29] =	ssyncset.done $0x0  }
0x1ad: {  	[sflag:s29] =	ssyncadd.s32 $0xFFFFE800  }
0x1ae: {  	s0 =	stileid.u32;
	_ =	swait.ge [sflag:s30], $0x1800  }
0x1af: {  	s1 =	sshrl.u32 s6, $0x3;
	s4 =	sadd.s32 $0x1, s4;
	[sflag:s30] =	ssyncset.done $0x0  }
0x1b0: {  	s0 =	sshll.u32 s0, $0x6;
	p0 =	sne.s32 s4, s14;
	[sflag:s30] =	ssyncadd.s32 $0xFFFFE800  }
.Ltmp4:
0x1b1: {  	s0 =	sor.u32 $0x1C07, s0;
	[bflag:$0x0] =	sbarrier.arrive $0xFFFF;
	(pc) =	sbr.rel @p0 .LBB2_1-.Ltmp4, $4  }
0x1b2: {  	[hbm:s13], [sflag:s0] =	dma.local [spmem:s1], $0xED0  }
0x1b3: {  	_ =	swait.ge [sflag:s16], $0xED0  }
0x1b4: {  	[sflag:s16] =	ssyncset.done $0x0  }
0x1b5: {  	[sflag:s16] =	ssyncadd.s32 $0xFFFFF130  }
0x1b6: {  	_ =	sfence.sel $0x180000  }
0x1b7: {  	[bflag:$0x0] =	sbarrier.arrive $0xFFFF  }
0x1b8: {  	_ =	strace $0x9000004A  }
0x1b9: {  	s0 =	stileid.u32;
	[bflag:$0x2] =	sbarrier.arrive $0xFFFF  }
0x1ba: {  	p0 =	sne.s32 s0, $0x0;
	s0 =	rddreg [dreg:$0x3]  }
0x1bb: {  	s0 =	sadd.s32 @!p0 $0x100000, s0  }
0x1bc: {  	[sflag:s0] =	ssyncadd.tile.s32 @!p0 $0x1;
	_ =	shalt  }
.Lfunc_end2:
_tile_overlayer_lowered:
.L_overlay_start_2:
0x1bd: {  	(tag) =	ssettag $0x2  }
0x1be: {  	s0 =	rddreg [dreg:$0x0];
	s2 =	stileid.u32  }
0x1bf: {  	s1 =	rddreg [dreg:$0x1];
	p0 =	sne.s32 s2, $0x0  }
0x1c0: {  	s3 =	rddreg [dreg:$0x2];
	[bflag:$0x3] =	sbarrier.arrive $0xFFFF;
	s2 =	simm.s32 @!p0 $0x1C07  }
0x1c1: {  	[timem:s3], [sflag:s2] =	dma.local @!p0 [hbm:s0], s1  }
0x1c2: {  	s0 =	simm.s32 @!p0 $0x7  }
0x1c3: {  	_ =	swait.ge @!p0 [sflag:s0], s1  }
0x1c4: {  	s1 =	ssub.s32 @!p0 $0x0, s1;
	[sflag:s0] =	ssyncset.done @!p0 $0x0  }
0x1c5: {  	[sflag:s0] =	ssyncadd.s32 @!p0 s1  }
0x1c6: {  	[bflag:$0x3] =	sbarrier.arrive $0xFFFF  }
0x1c7: {  	_ =	shalt  }

// kernel: kernel.7.cloned.1.call-start
scs
__scs_entry_jumppad:
0x0: {  	(pc) =	sbr.rel $0x88, $3  }
0x1: {  	(tag) =	ssettag $0x0;
	lr =	simm.s32 $0x1  }
0x2: {  	[smem:$0x3F93] =	sst lr;
	_ =	strace $0xD0000000  }
0x3: {  	_ = 	snop  }
0x4: {  	_ = 	snop  }
0x5: {  	_ = 	snop  }
0x6: {  	_ = 	snop  }
0x7: {  	_ = 	snop  }
__scs_overlays_trampoline_lowered:
0x8: {  	[smem:$0x3FA2] =	sst s0  }
0x9: {  	[smem:$0x3FA3] =	sst s1  }
0xa: {  	[smem:$0x3FA4] =	sst s2  }
0xb: {  	[smem:$0x3FA5] =	sst s3  }
0xc: {  	[smem:$0x3FA6] =	sst s4  }
0xd: {  	[smem:$0x3FA7] =	sst s5  }
0xe: {  	[smem:$0x3FA8] =	sst s6  }
0xf: {  	[smem:$0x3FA9] =	sst s7  }
0x10: {  	[smem:$0x3FAA] =	sst s8  }
0x11: {  	[smem:$0x3FAB] =	sst s9;
	s0 =	simm.s32 @!p0 $0x0  }
0x12: {  	s1 =	sld [smem:$0x3F91];
	s0 =	simm.s32 @p0 $0x1  }
0x13: {  	[smem:$0x3FAC] =	sst s0;
	s0 =	simm.s32 @!p1 $0x0  }
0x14: {  	s2 =	sld [smem:$0x3F90];
	s0 =	simm.s32 @p1 $0x1  }
0x15: {  	[smem:$0x3FAD] =	sst s0;
	s0 =	simm.s32 @!p2 $0x0  }
0x16: {  	s3 =	sld [smem:$0x3FDB];
	s0 =	simm.s32 @p2 $0x1  }
0x17: {  	s4 =	simm.s32 $0x1BF5;
	[smem:$0x3FAF] =	sst s0  }
0x18: {  	s0 =	sld [smem:$0x3F92];
	_ =	swait.ge [sflag:s4], $0x0  }
0x19: {  	s7 =	sld [smem:$0x3F93]  }
0x1a: {  	s8 =	sadd.s32 $0xFFFFE003, lr  }
0x1b: {  	s9 =	sadd.s32 $0xFFFFFEF7, lr;
	s5 =	simm.s32 $0xFFFFFFFF;
	p2 =	slt.u32 s8, $0xFFFFF086  }
0x1c: {  	p1 =	slt.u32 s9, $0xF7A;
	s5 =	simm.s32 @!p2 $0x0  }
0x1d: {  	s5 =	simm.s32 @p1 $0x1;
	p0 =	seq.s32 s7, s2  }
0x1e: {  	s7 =	smul.u32 @!p0 $0xF7A, s2;
	p2 =	seq.s32 @!p0 s5, $0x0  }
0x1f: {  	s9 =	smul.u32 $0xF7A, s1;
	s8 =	simm.s32 @!p0 $0x1BF5;
	p2 =	por !p2, p0  }
0x20: {  	[sflag:s8] =	ssyncset.s32 @!p0 $0xFFFFF086;
	s6 =	sadd.s32 @!p0 s3, s7;
	s7 =	simm.s32 @!p0 $0x108  }
0x21: {  	s3 =	sadd.s32 s3, s9;
	s6 =	sadd.s32 @!p0 $0x88, s6;
	s7 =	simm.s32 @p2 $0x1082  }
0x22: {  	[simem:s7], [sflag:s8] =	dma.local @!p0 [hbm:s6], $0xF7A  }
0x23: {  	s9 =	sor.u32 $0xD0000000, s2;
	s6 =	simm.s32 $0x108;
	_ =	swait.ge @!p0 [sflag:s8], $0x0  }
0x24: {  	s3 =	sadd.s32 $0x88, s3;
	s6 =	simm.s32 @!p1 $0x1082;
	[sflag:s4] =	ssyncset.s32 $0xFFFFF086  }
0x25: {  	[simem:s6], [sflag:s4] =	dma.local [hbm:s3], $0xF7A  }
0x26: {  	[smem:$0x3F93] =	sst s1;
	(tag) =	ssettag s2;
	_ =	strace s9  }
0x27: {  	s1 =	sld [smem:$0x3FA3]  }
0x28: {  	s2 =	sld [smem:$0x3FA4]  }
0x29: {  	s4 =	sld [smem:$0x3FA6]  }
0x2a: {  	p0 =	seq.s32 s5, $0x0;
	s5 =	sld [smem:$0x3FA7]  }
0x2b: {  	s6 =	sld [smem:$0x3FA8]  }
0x2c: {  	s7 =	sld [smem:$0x3FA9]  }
0x2d: {  	s3 =	simm.s32 $0x108;
	s8 =	sld [smem:$0x3FAA]  }
0x2e: {  	s3 =	simm.s32 @!p0 $0x1082;
	s9 =	sld [smem:$0x3FAB]  }
0x2f: {  	lr =	sadd.s32 s0, s3;
	s0 =	sld [smem:$0x3FA2]  }
0x30: {  	s3 =	sld [smem:$0x3FA5]  }
0x31: {  	[smem:$0x3FAE] =	sst s10  }
0x32: {  	s10 =	sld [smem:$0x3FAC];
	_ =	sdelay $0x3  }
0x33: {  	p0 =	seq.s32 s10, $0x1;
	s10 =	sld [smem:$0x3FAE];
	_ =	sdelay $0x3  }
0x34: {  	[smem:$0x3FAE] =	sst s10  }
0x35: {  	s10 =	sld [smem:$0x3FAD];
	_ =	sdelay $0x3  }
0x36: {  	p1 =	seq.s32 s10, $0x1;
	s10 =	sld [smem:$0x3FAE];
	_ =	sdelay $0x3  }
0x37: {  	[smem:$0x3FAE] =	sst s10  }
0x38: {  	s10 =	sld [smem:$0x3FAF]  }
0x39: {  	_ = 	snop;
	(pc) =	sbr.ind lr, $3  }
0x3a: {  	_ = 	snop  }
0x3b: {  	_ = 	snop  }
0x3c: {  	p2 =	seq.s32 s10, $0x1;
	s10 =	sld [smem:$0x3FAE]  }
0x3d: {  	_ =	shalt  }
0x3e: {  	_ =	shalt  }
0x3f: {  	_ =	shalt  }
0x40: {  	_ =	shalt  }
0x41: {  	_ =	shalt  }
0x42: {  	_ =	shalt  }
0x43: {  	_ =	shalt  }
0x44: {  	_ =	shalt  }
0x45: {  	_ =	shalt  }
0x46: {  	_ =	shalt  }
0x47: {  	_ =	shalt  }
0x48: {  	_ =	shalt  }
0x49: {  	_ =	shalt  }
0x4a: {  	_ =	shalt  }
0x4b: {  	_ =	shalt  }
0x4c: {  	_ =	shalt  }
0x4d: {  	_ =	shalt  }
0x4e: {  	_ =	shalt  }
0x4f: {  	_ =	shalt  }
0x50: {  	_ =	shalt  }
0x51: {  	_ =	shalt  }
0x52: {  	_ =	shalt  }
0x53: {  	_ =	shalt  }
0x54: {  	_ =	shalt  }
0x55: {  	_ =	shalt  }
0x56: {  	_ =	shalt  }
0x57: {  	_ =	shalt  }
0x58: {  	_ =	shalt  }
0x59: {  	_ =	shalt  }
0x5a: {  	_ =	shalt  }
0x5b: {  	_ =	shalt  }
0x5c: {  	_ =	shalt  }
0x5d: {  	_ =	shalt  }
0x5e: {  	_ =	shalt  }
0x5f: {  	_ =	shalt  }
0x60: {  	_ =	shalt  }
0x61: {  	_ =	shalt  }
0x62: {  	_ =	shalt  }
0x63: {  	_ =	shalt  }
0x64: {  	_ =	shalt  }
0x65: {  	_ =	shalt  }
0x66: {  	_ =	shalt  }
0x67: {  	_ =	shalt  }
0x68: {  	_ =	shalt  }
0x69: {  	_ =	shalt  }
0x6a: {  	_ =	shalt  }
0x6b: {  	_ =	shalt  }
0x6c: {  	_ =	shalt  }
0x6d: {  	_ =	shalt  }
0x6e: {  	_ =	shalt  }
0x6f: {  	_ =	shalt  }
0x70: {  	_ =	shalt  }
0x71: {  	_ =	shalt  }
0x72: {  	_ =	shalt  }
0x73: {  	_ =	shalt  }
0x74: {  	_ =	shalt  }
0x75: {  	_ =	shalt  }
0x76: {  	_ =	shalt  }
0x77: {  	_ =	shalt  }
0x78: {  	_ =	shalt  }
0x79: {  	_ =	shalt  }
0x7a: {  	_ =	shalt  }
0x7b: {  	_ =	shalt  }
0x7c: {  	_ =	shalt  }
0x7d: {  	_ =	shalt  }
0x7e: {  	_ =	shalt  }
0x7f: {  	_ =	shalt  }
0x80: {  	_ =	shalt  }
0x81: {  	_ =	shalt  }
0x82: {  	_ =	shalt  }
0x83: {  	_ =	shalt  }
0x84: {  	_ =	shalt  }
0x85: {  	_ =	shalt  }
0x86: {  	_ =	shalt  }
0x87: {  	_ =	shalt  }
.Lfunc_end0:
.L_simem_size_0:
called_computation_lowered:
.L_overlay_start_0:
0x88: {  	s2 =	sld [smem:$0x3FD9]  }
0x89: {  	s3 =	sld [smem:$0x3FFE];
	_ =	sdelay $0x1  }
0x8a: {  	s1 =	srdreg.scid  }
0x8b: {  	s0 =	sand.u32 $0x1, s1  }
0x8c: {  	s14 =	sshll.u32 s0, $0xA;
	s2 =	sadd.s32 s3, s2  }
0x8d: {  	s2 =	sadd.s32 s2, s14  }
0x8e: {  	[smem:$0x3FBA] =	sst s2  }
0x8f: {  	_ = 	snop  }
0x90: {  	s2 =	sld [smem:$0x3FD0];
	_ =	sdelay $0x2  }
0x91: {  	s15 =	simm.s32 $0xA;
	s4 =	simm.s32 $0x10  }
0x92: {  	[smem:s4], [sflag:s15] =	dma.local [hbm:s2], $0x1  }
0x93: {  	_ =	swait.eq [sflag:s15], $0x1  }
0x94: {  	[sflag:s15] =	ssyncset.done $0x0  }
0x95: {  	[sflag:s15] =	ssyncadd.s32 $0xFFFFFFFF  }
0x96: {  	s16 =	sld [smem:$0x11];
	(tm) =	ssettm $0x1  }
0x97: {  	s17 =	sld [smem:$0x3FFB];
	_ =	sdelay $0x3  }
0x98: {  	_ =	strace s17  }
0x99: {  	s3 =	sld [smem:$0x3FFC];
	_ =	sdelay $0x3  }
0x9a: {  	_ =	strace s3  }
0x9b: {  	s3 =	sld [smem:$0x3FFD];
	_ =	sdelay $0x3  }
0x9c: {  	_ =	strace s3  }
0x9d: {  	_ =	strace $0x8FFFFFFF  }
0x9e: {  	s18 =	sld [smem:$0x3FDB];
	_ =	sdelay $0x1  }
0x9f: {  	s19 =	simm.s32 $_scs_section_size  }
0xa0: {  	s5 =	simm.s32 $_size__tile_overlayer_lowered;
	s6 =	simm.s32 $_tile_overlayer_lowered  }
0xa1: {  	s22 =	simm.s32 $0x1BFF;
	s21 =	sshll.u32 s6, $0x1;
	s3 =	sadd.s32 s19, s18  }
0xa2: {  	s7 =	simm.s32 $0x0;
	s20 =	sshll.u32 s5, $0x1;
	s5 =	sadd.s32 s21, s3  }
0xa3: {  	[timem:s7], [sflag:s22] =	dma.local [hbm:s5], s20  }
0xa4: {  	_ =	swait.ge [sflag:s22], s20  }
0xa5: {  	s4 =	ssub.s32 $0x0, s20;
	[sflag:s22] =	ssyncset.done $0x0  }
0xa6: {  	[sflag:s22] =	ssyncadd.s32 s4;
	_ =	sdelay $0x1  }
0xa7: {  	s23 =	simm.s32 $0x1B8B  }
0xa8: {  	_ =	swait.ge [sflag:s23], $0x1  }
0xa9: {  	[sflag:s23] =	ssyncset.done $0x0  }
0xaa: {  	s25 =	simm.s32 $0x1B8E;
	s24 =	sld [smem:$0x3FFE];
	[sflag:s23] =	ssyncadd.s32 $0xFFFFFFFF  }
0xab: {  	s26 =	simm.s32 $execute0_lowered;
	[smem:$0x3FD2] =	sst s25  }
0xac: {  	s5 =	sshll.u32 s26, $0x1;
	_ =	strace $0x80000046;
	[dreg:$0x1] =	wrdreg $0xFFFFFFFF  }
0xad: {  	s28 =	simm.s32 $_size_execute0_lowered;
	s3 =	sadd.s32 s3, s5;
	[dreg:$0x0] =	wrdreg $0x0  }
0xae: {  	s5 =	sshll.u32 s28, $0x1;
	[dreg:$0x2] =	wrdreg s3  }
0xaf: {  	[dreg:$0x3] =	wrdreg s5  }
0xb0: {  	[dreg:$0x4] =	wrdreg $0xC0  }
0xb1: {  	_ =	task [dreg:s7], $0x5FFFF  }
0xb2: {  	[dreg:$0x1] =	wrdreg $0xFFFFFFFF  }
0xb3: {  	[dreg:$0x0] =	wrdreg $0x60  }
0xb4: {  	[dreg:$0x2] =	wrdreg s24  }
0xb5: {  	[dreg:$0x3] =	wrdreg s16  }
0xb6: {  	[dreg:$0x4] =	wrdreg $0xF0000  }
0xb7: {  	[dreg:$0x5] =	wrdreg $0x9  }
0xb8: {  	_ =	task.clear_ibuf [dreg:s7], $0x6FFFF;
	_ =	strace $0x90000046  }
0xb9: {  	s29 =	simm.s32 $0x9;
	_ =	strace $0x80000048  }
0xba: {  	_ =	swait.ge [sflag:s29], $0x1  }
0xbb: {  	[sflag:s29] =	ssyncadd.s32 $0xFFFFFFFF  }
0xbc: {  	_ =	strace $0x90000048  }
0xbd: {  	_ =	sfence  }
0xbe: {  	s30 =	sld [smem:$0x0];
	_ =	sdelay $0x2  }
0xbf: {  	s31 =	sshll.u32 s1, $0xD;
	s1 =	sshrl.u32 s1, $0x2  }
0xc0: {  	s3 =	sand.u32 $0x4000, s31;
	s1 =	sadd.s32 s1, s30  }
0xc1: {  	s0 =	sor.u32 s3, s0;
	s1 =	sshll.u32 s1, $0x11  }
0xc2: {  	s0 =	sor.u32 s1, s0  }
0xc3: {  	s0 =	sadd.s32 $0x8F2B, s0  }
0xc4: {  	[sflag:s0] =	ssyncadd.remote.s32 $0x1  }
0xc5: {  	_ =	sfence.sel $0xFFFF  }
0xc6: {  	[dreg:$0x0] =	wrdreg $0xFFFFFFFF;
	(pc) =	sbr.abs _section_cstart, $3  }
0xc7: {  	[dreg:$0x1] =	wrdreg $0xFFFFFFFF  }
0xc8: {  	_ =	task.clear_ibuf [dreg:s7], $0x2FFFF;
	_ =	strace $0x9FFFFFFF  }
0xc9: {  	(tm) =	ssettm $0x7FFFFFFF  }
tec
execute0_lowered:
.L_overlay_start_1:
0x0: {  	(tag) =	ssettag $0x1  }
0x1: {  	s0 =	srdreg.scid;
	s1 =	rddreg [dreg:$0x0]  }
0x2: {  	s9 =	stileid.u32;
	s2 =	rddreg [dreg:$0x1]  }
0x3: {  	s15 =	simm.s32 $0xA800;
	s16 =	simm.s32 $0x7;
	s18 =	simm.s32 $0x80  }
0x4: {  	s21 =	simm.s32 $0x7400;
	s28 =	simm.s32 $0xCC00;
	s29 =	simm.s32 $0x5  }
0x5: {  	s30 =	simm.s32 $0x6;
	s0 =	sand.u32 $0x1, s0;
	s7 =	smul.u32 $0xB1C0, s9  }
0x6: {  	s5 =	sadd.s32 $0x4FC00, s1;
	s3 =	sshll.u32 s0, $0x4;
	s8 =	smul.u32 $0xB1C00, s0  }
0x7: {  	s0 =	ssub.s32 $0x2, s0;
	s4 =	sor.u32 s9, s3;
	s9 =	smul.u32 $0x2C700, s9  }
0x8: {  	s3 =	rddreg [dreg:$0x2];
	s23 =	sshrl.u32 s0, $0x1;
	s6 =	smul.u32 $0x500, s4  }
0x9: {  	s4 =	simm.s32 $0x0;
	s22 =	sadd.s32 s7, s8;
	s0 =	ssub.s32 s0, s23  }
0xa: {  	s23 =	simm.s32 $0x1;
	[smem:$0x7FF] =	sst s4;
	s9 =	sshrl.u32 s9, $0x2  }
0xb: {  	s14 =	smax.u32 s0, $0x1;
	_ =	strace $0x80000047;
	s12 =	sadd.s32 s6, s1  }
0xc: {  	s6 =	sshrl.u32 s22, $0x3;
	s24 =	sadd.s32 s9, s3;
	s22 =	simm.s32 $0xA000  }
0xd: {  	s1 =	sadd.s32 s6, s1;
	s6 =	sadd.s32 s7, s3;
	s25 =	sadd.s32 $0x2400, s24  }
0xe: {  	v5 =	vlaneseq.u32;
	s26 =	sadd.s32 $0x4800, s24;
	s31 =	sadd.s32 $0x6C00, s24;
	[dreg:$0x4] =	wrdreg s25  }
0xf: {  	v0 =	vimm.f32 $0.0e+00;
	v4 =	vshrl.u32 v5, $0x3;
	s10 =	sadd.s32 $0x9000, s24;
	s11 =	sadd.s32 $0x70000, s12;
	[dreg:$0x5] =	wrdreg s26  }
0x10: {  	vm0 =	vmmov $0xff;
	v5 =	vor.u32 $0x8, v5;
	v1 =	vor.u32 $0x8, v4;
	s12 =	sadd.s32 $0x66000, s12;
	s24 =	simm.s32 $0x3;
	[dreg:$0x6] =	wrdreg s31  }
0x11: {  	v2 =	vor.u32 $0xA, v4;
	v3 =	vor.u32 $0xC, v4;
	v4 =	vor.u32 $0xE, v4;
	s13 =	sadd.s32 $0x7A000, s1;
	s25 =	simm.s32 $0x2;
	s26 =	simm.s32 $0x4  }
.LBB2_1:
0x12: {  	s0 =	simm.s32 $0xA920  }
0x13: {  	[tilespmem:s0+$0xFFFFFEE0] =	vst v0  }
0x14: {  	[tilespmem:s0+$0xF8] =	vst v0  }
0x15: {  	[tilespmem:s0+$0xE8] =	vst v0  }
0x16: {  	[tilespmem:s0+$0xD8] =	vst v0  }
0x17: {  	[tilespmem:s0+$0xB0] =	vst v0  }
0x18: {  	[tilespmem:s0+$0xA0] =	vst v0  }
0x19: {  	[tilespmem:s0+$0x90] =	vst v0  }
0x1a: {  	[tilespmem:s0+$0x68] =	vst v0  }
0x1b: {  	[tilespmem:s0+$0x58] =	vst v0  }
0x1c: {  	[tilespmem:s0+$0x48] =	vst v0  }
0x1d: {  	[tilespmem:s0+$0x20] =	vst v0  }
0x1e: {  	[tilespmem:s0+$0x10] =	vst v0  }
0x1f: {  	[tilespmem:s0+$0x0] =	vst v0  }
0x20: {  	[tilespmem:s0+$0xFFFFFFF0] =	vst v0  }
0x21: {  	[tilespmem:s0+$0xFFFFFFE8] =	vst v0  }
0x22: {  	[tilespmem:s0+$0xFFFFFFD8] =	vst v0  }
0x23: {  	[tilespmem:s0+$0xFFFFFFC8] =	vst v0  }
0x24: {  	[tilespmem:s0+$0xFFFFFFB8] =	vst v0  }
0x25: {  	[tilespmem:s0+$0xFFFFFF90] =	vst v0  }
0x26: {  	[tilespmem:s0+$0xFFFFFF80] =	vst v0  }
0x27: {  	[tilespmem:s0+$0xFFFFFF70] =	vst v0  }
0x28: {  	[tilespmem:s0+$0xFFFFFF48] =	vst v0  }
0x29: {  	[tilespmem:s0+$0xFFFFFF38] =	vst v0  }
0x2a: {  	[tilespmem:s0+$0xFFFFFF28] =	vst v0  }
0x2b: {  	[tilespmem:s0+$0xFFFFFF00] =	vst v0  }
0x2c: {  	[tilespmem:s0+$0xFFFFFEF0] =	vst v0  }
0x2d: {  	[tilespmem:s0+$0xFFFFFF10] =	vst v0  }
0x2e: {  	[tilespmem:s0+$0x108] =	vst v0  }
0x2f: {  	[tilespmem:s0+$0xFFFFFFA0] =	vst v0  }
0x30: {  	[tilespmem:s0+$0xC0] =	vst v0  }
0x31: {  	[tilespmem:s0+$0x30] =	vst v0  }
0x32: {  	[tilespmem:s0+$0x78] =	vst v0  }
0x33: {  	[tilespmem:s0+$0xFFFFFF58] =	vst v0  }
0x34: {  	[tilespmem:s0+$0x110] =	vst v0  }
0x35: {  	[tilespmem:s0+$0xC8] =	vst v0  }
0x36: {  	[tilespmem:s0+$0xFFFFFFA8] =	vst v0  }
0x37: {  	[tilespmem:s0+$0x80] =	vst v0  }
0x38: {  	[tilespmem:s0+$0x38] =	vst v0  }
0x39: {  	s1 =	simm.s32 $0x0;
	[tilespmem:s0+$0xFFFFFF60] =	vst v0  }
.LBB2_2:
0x3a: {  	s1 =	sadd.s32 $0x8, s1;
	[tilespmem:s0+$0xFFFFFF18] =	vst v0;
	s0 =	sadd.s32 $0x240, s0  }
0x3b: {  	[tilespmem:s0+$0xFFFFFEE0] =	vst v0;
	p0 =	slt.u32 s1, $0x78  }
0x3c: {  	[tilespmem:s0+$0xF8] =	vst v0  }
0x3d: {  	[tilespmem:s0+$0xE8] =	vst v0  }
0x3e: {  	[tilespmem:s0+$0xD8] =	vst v0  }
0x3f: {  	[tilespmem:s0+$0xB0] =	vst v0  }
0x40: {  	[tilespmem:s0+$0xA0] =	vst v0  }
0x41: {  	[tilespmem:s0+$0x90] =	vst v0  }
0x42: {  	[tilespmem:s0+$0x68] =	vst v0  }
0x43: {  	[tilespmem:s0+$0x58] =	vst v0  }
0x44: {  	[tilespmem:s0+$0x48] =	vst v0  }
0x45: {  	[tilespmem:s0+$0x20] =	vst v0  }
0x46: {  	[tilespmem:s0+$0x10] =	vst v0  }
0x47: {  	[tilespmem:s0+$0x0] =	vst v0  }
0x48: {  	[tilespmem:s0+$0xFFFFFFF0] =	vst v0  }
0x49: {  	[tilespmem:s0+$0xFFFFFFE8] =	vst v0  }
0x4a: {  	[tilespmem:s0+$0xFFFFFFD8] =	vst v0  }
0x4b: {  	[tilespmem:s0+$0xFFFFFFC8] =	vst v0  }
0x4c: {  	[tilespmem:s0+$0xFFFFFFB8] =	vst v0  }
0x4d: {  	[tilespmem:s0+$0xFFFFFF90] =	vst v0  }
0x4e: {  	[tilespmem:s0+$0xFFFFFF80] =	vst v0  }
0x4f: {  	[tilespmem:s0+$0xFFFFFF70] =	vst v0  }
0x50: {  	[tilespmem:s0+$0xFFFFFF48] =	vst v0  }
0x51: {  	[tilespmem:s0+$0xFFFFFF38] =	vst v0  }
0x52: {  	[tilespmem:s0+$0xFFFFFF28] =	vst v0  }
0x53: {  	[tilespmem:s0+$0xFFFFFF00] =	vst v0  }
0x54: {  	[tilespmem:s0+$0xFFFFFEF0] =	vst v0  }
0x55: {  	[tilespmem:s0+$0xFFFFFF10] =	vst v0  }
0x56: {  	[tilespmem:s0+$0x108] =	vst v0  }
0x57: {  	[tilespmem:s0+$0x110] =	vst v0  }
0x58: {  	[tilespmem:s0+$0xFFFFFFA0] =	vst v0  }
0x59: {  	[tilespmem:s0+$0xC0] =	vst v0  }
0x5a: {  	[tilespmem:s0+$0xC8] =	vst v0  }
0x5b: {  	[tilespmem:s0+$0xFFFFFFA8] =	vst v0  }
0x5c: {  	[tilespmem:s0+$0x30] =	vst v0  }
.Ltmp0:
0x5d: {  	[tilespmem:s0+$0x78] =	vst v0;
	(pc) =	sbr.rel @p0 .LBB2_2-.Ltmp0, $4  }
0x5e: {  	[tilespmem:s0+$0x80] =	vst v0  }
0x5f: {  	[tilespmem:s0+$0x38] =	vst v0  }
0x60: {  	[tilespmem:s0+$0xFFFFFF58] =	vst v0  }
0x61: {  	[tilespmem:s0+$0xFFFFFF60] =	vst v0  }
0x62: {  	[tilespmem:s0+$0xFFFFFF18] =	vst v0  }
0x63: {  	[spmem:s6] =	stream.linear.scatter [tilespmem:s15], [sflag:$0x7], $0x2400, $0x38;
	[tilespmem:$0x1A1C0] =	vst v63  }
0x64: {  	_ =	swait.ge [sflag:s16], $0x2400  }
0x65: {  	[sflag:s16] =	ssyncset.done $0x0  }
0x66: {  	s8 =	rddreg [dreg:$0x4];
	[sflag:s16] =	ssyncadd.s32 $0xFFFFDC00  }
0x67: {  	[spmem:s8] =	stream.linear.scatter [tilespmem:s15], [sflag:$0x7], $0x2400, $0x38;
	[tilespmem:$0x1A1C0] =	vst v63  }
0x68: {  	_ =	swait.ge [sflag:s16], $0x2400  }
0x69: {  	[sflag:s16] =	ssyncset.done $0x0  }
0x6a: {  	s9 =	rddreg [dreg:$0x5];
	[sflag:s16] =	ssyncadd.s32 $0xFFFFDC00  }
0x6b: {  	[spmem:s9] =	stream.linear.scatter [tilespmem:s15], [sflag:$0x7], $0x2400, $0x38;
	[tilespmem:$0x1A1C0] =	vst v63  }
0x6c: {  	_ =	swait.ge [sflag:s16], $0x2400  }
0x6d: {  	[sflag:s16] =	ssyncset.done $0x0  }
0x6e: {  	s17 =	rddreg [dreg:$0x6];
	[sflag:s16] =	ssyncadd.s32 $0xFFFFDC00  }
0x6f: {  	[spmem:s17] =	stream.linear.scatter [tilespmem:s15], [sflag:$0x7], $0x2400, $0x38;
	[tilespmem:$0x1A1C0] =	vst v63  }
0x70: {  	_ =	swait.ge [sflag:s16], $0x2400  }
0x71: {  	[sflag:s16] =	ssyncset.done $0x0  }
0x72: {  	[sflag:s16] =	ssyncadd.s32 $0xFFFFDC00  }
0x73: {  	[spmem:s10] =	stream.linear.scatter [tilespmem:s15], [sflag:$0x7], $0x21C0, $0x38;
	[tilespmem:$0x1A1C0] =	vst v63  }
0x74: {  	_ =	swait.ge [sflag:s16], $0x21C0  }
0x75: {  	[sflag:s16] =	ssyncset.done $0x0  }
0x76: {  	[sflag:s16] =	ssyncadd.s32 $0xFFFFDE40  }
0x77: {  	s31 =	simm.s32 $0x0;
	[bflag:$0x0] =	sbarrier.arrive $0xFFFF  }
0x78: {  	[tilespmem:s31], [sflag:$0x7] =	stream.linear.gather [hbm4b:s11+s31], $0x2800, $0x38;
	[tilespmem:$0x1A1C0] =	vst v63  }
0x79: {  	_ =	swait.ge [sflag:s16], $0x2800  }
0x7a: {  	[sflag:s16] =	ssyncset.done $0x0  }
0x7b: {  	s19 =	simm.s32 $0x2800;
	[sflag:s16] =	ssyncadd.s32 $0xFFFFD800  }
0x7c: {  	[tilespmem:s19], [sflag:$0x7] =	stream.linear.gather [hbm4b:s12+s31], $0x2800, $0x38;
	[tilespmem:$0x1A1C0] =	vst v63  }
0x7d: {  	_ =	swait.ge [sflag:s16], $0x2800  }
0x7e: {  	[sflag:s16] =	ssyncset.done $0x0  }
0x7f: {  	s1 =	simm.s32 $0x5000;
	[sflag:s16] =	ssyncadd.s32 $0xFFFFD800  }
0x80: {  	[tilespmem:s1], [sflag:$0x1] =	stream.indirect.gather [hbm4b:s5+s18], $0x48, s31, s18, $0xb8;
	[tilespmem:$0x1A1C0] =	vst v63  }
0x81: {  	s20 =	simm.s32 $0x9800  }
0x82: {  	[tilespmem:s20], [sflag:$0x3] =	stream.indirect.gather [hbm4b:s2+s18], $0x10, s19, s18, $0xb8;
	[tilespmem:$0x1A1C0] =	vst v63  }
.LBB2_4:
0x83: {  	s0 =	sshllo.u32 s31, $0x1  }
0x84: {  	s1 =	sshll.u32 s0, $0x7  }
0x85: {  	[tilespmem:s21], [sflag:$0x2] =	stream.indirect.gather [hbm4b:s5+s18], $0x48, s1, s18, $0xb8;
	[tilespmem:$0x1A1C0] =	vst v63  }
0x86: {  	s0 =	sadd.s32 $0x2800, s1  }
0x87: {  	[tilespmem:s22], [sflag:$0x4] =	stream.indirect.gather [hbm4b:s2+s18], $0x10, s0, s18, $0xb8;
	[tilespmem:$0x1A1C0] =	vst v63  }
0x88: {  	_ =	swait.ge [sflag:s23], $0x2400  }
0x89: {  	[sflag:s23] =	ssyncset.done $0x0  }
0x8a: {  	[sflag:s23] =	ssyncadd.s32 $0xFFFFDC00  }
0x8b: {  	_ =	swait.ge [sflag:s24], $0x800  }
0x8c: {  	p0 =	seq.s32 s31, $0x0;
	[sflag:s24] =	ssyncset.done $0x0  }
0x8d: {  	s0 =	simm.s32 @!p0 $0x5;
	[sflag:s24] =	ssyncadd.s32 $0xFFFFF800  }
0x8e: {  	_ =	swait.ge @!p0 [sflag:s0], $0x2400  }
0x8f: {  	[sflag:s0] =	ssyncset.done @!p0 $0x0  }
0x90: {  	s19 =	simm.s32 $0x9840;
	[sflag:s0] =	ssyncadd.s32 @!p0 $0xFFFFDC00  }
0x91: {  	s20 =	simm.s32 $0x5120;
	v6 =	vld [tilespmem:s19+$0x20]  }
0x92: {  	v7 =	vld [tilespmem:s20+$0xC8];
	_ =	sdelay $0x1  }
0x93: {  	v9 =	vld [tilespmem:s20+$0x80]  }
0x94: {  	v10 =	vld [tilespmem:s19+$0x10]  }
0x95: {  	v8 =	vld [tilespmem:s20+$0xFFFFFF18]  }
0x96: {  	v11 =	vld [tilespmem:s19+$0x30];
	v6 =	vadd.f32 v6, v7  }
0x97: {  	v12 =	vld [tilespmem:s19+$0xFFFFFFE0]  }
0x98: {  	v15 =	vld [tilespmem:s19+$0x0];
	v14 =	vmul.f32 $2.000000030e-01, v6  }
0x99: {  	v7 =	vld [tilespmem:s20+$0xFFFFFFA8];
	v9 =	vadd.f32 v10, v9  }
0x9a: {  	v10 =	vld [tilespmem:s20+$0x38];
	v6 =	vmax.f32 v6, v14  }
0x9b: {  	v13 =	vld [tilespmem:s20+$0x110];
	v14 =	vmul.f32 $2.000000030e-01, v9;
	v6 =	vmul.f32 $1.442695020e+00, v6  }
0x9c: {  	v16 =	vld [tilespmem:s19+$0xFFFFFFC0]  }
0x9d: {  	v17 =	vld [tilespmem:s19+$0xFFFFFFF0];
	(erf) = vpow2.f32 v6;
	v6 =	vmax.f32 v9, v14  }
0x9e: {  	v7 =	vadd.f32 v12, v7;
	v12 =	vld [tilespmem:s20+$0xFFFFFFF0];
	v6 =	vmul.f32 $1.442695020e+00, v6  }
0x9f: {  	v10 =	vadd.f32 v15, v10;
	v15 =	vld [tilespmem:s20+$0xFFFFFF60]  }
0xa0: {  	v9 =	vld [tilespmem:s19+$0xFFFFFFD0];
	v14 =	vmul.f32 $2.000000030e-01, v7;
	(erf) = vpow2.f32 v6  }
0xa1: {  	v6 =	vadd.f32 v16, v8;
	v8 =	vadd.f32 v11, v13;
	v11 =	vmul.f32 $2.000000030e-01, v10  }
0xa2: {  	v7 =	vmax.f32 v7, v14  }
0xa3: {  	v7 =	vmul.f32 $1.442695020e+00, v7;
	v10 =	vmax.f32 v10, v11  }
0xa4: {  	v12 =	vadd.f32 v17, v12;
	v13 =	vmul.f32 $2.000000030e-01, v6;
	v10 =	vmul.f32 $1.442695020e+00, v10  }
0xa5: {  	v19 =	vld [tilespmem:s20+$0xFFFFFF28];
	v14 =	vmul.f32 $2.000000030e-01, v8;
	v9 =	vadd.f32 v9, v15  }
0xa6: {  	v20 =	vld [tilespmem:s20+$0xFFFFFFB8];
	(erf) = vpow2.f32 v7;
	v11 =	vmul.f32 $2.000000030e-01, v12;
	v6 =	vmax.f32 v6, v13  }
0xa7: {  	s7 =	simm.s32 $0x98C0;
	v21 =	vld [tilespmem:s20+$0xD8];
	v8 =	vmax.f32 v8, v14;
	v13 =	vmul.f32 $2.000000030e-01, v9;
	v6 =	vmul.f32 $1.442695020e+00, v6  }
0xa8: {  	v27 =	vld [tilespmem:s7+$0x30];
	(erf) = vpow2.f32 v10;
	v8 =	vmul.f32 $1.442695020e+00, v8;
	v10 =	vpop (erf)  }
0xa9: {  	s17 =	simm.s32 $0x5360;
	v14 =	vld [tilespmem:s20+$0x90];
	(erf) = vpow2.f32 v6;
	v6 =	vmax.f32 v12, v11;
	v11 =	vperm.xlane v10, v1  }
0xaa: {  	v32 =	vld [tilespmem:s17+$0x110];
	v6 =	vmul.f32 $1.442695020e+00, v6;
	v22 =	vperm.xlane v10, v2  }
0xab: {  	v35 =	vld [tilespmem:s7+$0x0];
	v26 =	vperm.xlane v10, v3;
	v29 =	vperm.xlane v10, v4  }
0xac: {  	v44 =	vld [tilespmem:s17+$0x80];
	v9 =	vmax.f32 v9, v13;
	v39 =	vperm.xlane v10, v5;
	v16 =	vpop (erf);
	(erf) = vpow2.f32 v8  }
0xad: {  	v8 =	vmul.f32 $1.442695020e+00, v9;
	v9 =	vld [tilespmem:s20+$0xFFFFFF70];
	v15 =	vperm.xlane v16, v1  }
0xae: {  	v46 =	vld [tilespmem:s7+$0x20];
	(erf) = vpow2.f32 v6;
	v14 =	vmul.f32 v14, v11  }
0xaf: {  	v6 =	vld [tilespmem:s20+$0x48];
	v23 =	vperm.xlane v16, v2;
	(erf) = vpow2.f32 v8;
	v24 =	vpop (erf)  }
0xb0: {  	v17 =	vld [tilespmem:s20+$0x0];
	v8 =	vperm.xlane v24, v1;
	v12 =	vperm.xlane v24, v5  }
0xb1: {  	v13 =	vld [tilespmem:s20+$0xFFFFFEE0];
	v42 =	vperm.xlane v24, v2;
	v48 =	vperm.xlane v24, v3  }
0xb2: {  	v50 =	vld [tilespmem:s17+$0x38];
	s19 =	simm.s32 $0xA920;
	v24 =	vperm.xlane v24, v4;
	v9 =	vmul.f32 v9, v8;
	v28 =	vpop (erf)  }
0xb3: {  	v51 =	vld [tilespmem:s7+$0x10];
	[tilespmem:s19+$0x90] =	vst v14;
	v8 =	vperm.xlane v16, v5;
	v18 =	vperm.xlane v28, v1;
	v31 =	vpop (erf)  }
0xb4: {  	v25 =	vld [tilespmem:s20+$0xA0];
	v30 =	vmul.f32 v6, v15;
	v6 =	vperm.xlane v31, v1  }
0xb5: {  	v7 =	vld [tilespmem:s17+$0xFFFFFF18];
	v60 =	vperm.xlane v28, v3;
	[tilespmem:s19+$0xFFFFFF70] =	vst v9;
	v9 =	vmul.f32 v17, v18  }
0xb6: {  	v33 =	vperm.xlane v31, v2;
	v18 =	vld [tilespmem:s20+$0xFFFFFF80];
	[tilespmem:s19+$0x48] =	vst v30;
	v13 =	vmul.f32 v13, v6  }
0xb7: {  	v11 =	vld [tilespmem:s7+$0xFFFFFFD0];
	v17 =	vperm.xlane v16, v3;
	v30 =	vperm.xlane v28, v2;
	[tilespmem:s19+$0x0] =	vst v9  }
0xb8: {  	v16 =	vperm.xlane v16, v4;
	v63 =	vperm.xlane v31, v3;
	v34 =	vpop (erf);
	v38 =	vld [tilespmem:s20+$0x10];
	[tilespmem:s19+$0xFFFFFEE0] =	vst v13  }
0xb9: {  	v22 =	vmul.f32 v25, v22;
	v6 =	vperm.xlane v34, v5;
	v36 =	vpop (erf);
	v41 =	vld [tilespmem:s20+$0xFFFFFEF0]  }
0xba: {  	v14 =	vld [tilespmem:s7+$0xFFFFFFE0];
	v37 =	vperm.xlane v34, v1;
	v9 =	vperm.xlane v36, v5  }
0xbb: {  	v15 =	vld [tilespmem:s17+$0xFFFFFFA8];
	v40 =	vpop (erf);
	v58 =	vperm.xlane v36, v1;
	v42 =	vmul.f32 v18, v42  }
0xbc: {  	v25 =	vld [tilespmem:s17+$0xC8];
	[tilespmem:s19+$0xA0] =	vst v22;
	v13 =	vperm.xlane v34, v4;
	v10 =	vperm.xlane v40, v5  }
0xbd: {  	v45 =	vperm.xlane v40, v1;
	v22 =	vld [tilespmem:s20+$0xB0];
	[tilespmem:s19+$0xFFFFFF80] =	vst v42;
	v30 =	vmul.f32 v38, v30  }
0xbe: {  	v21 =	vmul.f32 v21, v37;
	v59 =	vld [tilespmem:s20+$0xFFFFFF90];
	v33 =	vmul.f32 v41, v33  }
0xbf: {  	v43 =	vld [tilespmem:s20+$0x58];
	v37 =	vperm.xlane v28, v4;
	v49 =	vperm.xlane v40, v2;
	[tilespmem:s19+$0x10] =	vst v30  }
0xc0: {  	v18 =	vperm.xlane v31, v5;
	v20 =	vmul.f32 v20, v58;
	v61 =	vld [tilespmem:s20+$0x20];
	[tilespmem:s19+$0xFFFFFEF0] =	vst v33  }
0xc1: {  	v58 =	vperm.xlane v34, v3;
	[tilespmem:s19+$0xD8] =	vst v21;
	v45 =	vmul.f32 v19, v45;
	v47 =	vld [tilespmem:s20+$0xFFFFFF00]  }
0xc2: {  	v21 =	vperm.xlane v34, v2;
	v62 =	vld [tilespmem:s20+$0xE8];
	[tilespmem:s19+$0xFFFFFFB8] =	vst v20;
	v20 =	vmul.f32 v22, v26  }
0xc3: {  	v19 =	vperm.xlane v40, v4;
	v53 =	vadd.f32 v46, v25;
	[tilespmem:s19+$0xFFFFFF28] =	vst v45;
	v26 =	vld [tilespmem:s20+$0xFFFFFFC8];
	v38 =	vmul.f32 v59, v48  }
0xc4: {  	v25 =	vperm.xlane v36, v3;
	v56 =	vmul.f32 v43, v23;
	v55 =	vld [tilespmem:s20+$0xFFFFFF38];
	[tilespmem:s19+$0xB0] =	vst v20  }
0xc5: {  	v23 =	vmul.f32 $2.000000030e-01, v53;
	v54 =	vld [tilespmem:s20+$0xC0];
	[tilespmem:s19+$0xFFFFFF90] =	vst v38;
	v33 =	vmul.f32 v61, v60  }
0xc6: {  	v30 =	vperm.xlane v36, v2;
	v52 =	vld [tilespmem:s20+$0xFFFFFFA0];
	v48 =	vmul.f32 v47, v63  }
0xc7: {  	v23 =	vmax.f32 v53, v23;
	v20 =	vperm.xlane v28, v5;
	v28 =	vld [tilespmem:s7+$0xFFFFFFF0];
	v21 =	vmul.f32 v62, v21;
	[tilespmem:s19+$0x20] =	vst v33  }
0xc8: {  	v44 =	vadd.f32 v51, v44;
	v22 =	vperm.xlane v40, v3;
	v23 =	vmul.f32 $1.442695020e+00, v23;
	v57 =	vld [tilespmem:s20+$0x30];
	[tilespmem:s19+$0xFFFFFF00] =	vst v48  }
0xc9: {  	[tilespmem:s19+$0xE8] =	vst v21;
	v21 =	vmul.f32 v26, v30;
	v26 =	vperm.xlane v31, v4;
	v31 =	vld [tilespmem:s20+$0xFFFFFF10]  }
0xca: {  	v30 =	vmul.f32 $2.000000030e-01, v44;
	v59 =	vld [tilespmem:s20+$0xF8];
	v60 =	vmul.f32 v54, v29  }
0xcb: {  	[tilespmem:s19+$0xFFFFFFC8] =	vst v21;
	v61 =	vmul.f32 v55, v49;
	v29 =	vld [tilespmem:s17+$0xFFFFFFF0];
	v24 =	vmul.f32 v52, v24  }
0xcc: {  	[tilespmem:s19+$0x58] =	vst v56;
	(erf) = vpow2.f32 v23;
	v21 =	vadd.f32 v27, v32;
	v32 =	vld [tilespmem:s20+$0xFFFFFFD8];
	v63 =	vperm.xlane v60, v5  }
0xcd: {  	v62 =	vmax.f32 v44, v30;
	[tilespmem:s19+$0xFFFFFF38] =	vst v61;
	v33 =	vld [tilespmem:s20+$0x68];
	v30 =	vperm.xlane v24, v5;
	v23 =	vmul.f32 v57, v37  }
0xce: {  	v27 =	vadd.f32 v35, v50;
	v34 =	vld [tilespmem:s20+$0xFFFFFF48];
	[tilespmem:s19+$0xC0] =	vst v60;
	v37 =	vmul.f32 $1.442695020e+00, v62;
	v35 =	vmul.f32 v31, v26  }
0xcf: {  	s9 =	simm.s32 $0x8;
	s8 =	simm.s32 $0xA920;
	s0 =	simm.s32 $0x5360;
	[tilespmem:s19+$0xFFFFFFA0] =	vst v24;
	v24 =	vsel vm0, v63, v39;
	v31 =	vld [tilespmem:s17+$0xFFFFFF60];
	v26 =	vperm.xlane v36, v4;
	v36 =	vmul.f32 v59, v58  }
.LBB2_5:
0xd0: {  	s9 =	sadd.s32 $0x8, s9;
	v38 =	vld [tilespmem:s7+$0xFFFFFFC0];
	v28 =	vadd.f32 v28, v29;
	s17 =	sadd.s32 $0x240, s17;
	(erf) = vpow2.f32 v37;
	[tilespmem:s19+$0xFFFFFF10] =	vst v35;
	v29 =	vperm.xlane v35, v5;
	s8 =	sadd.s32 $0x240, s8  }
0xd1: {  	v37 =	vmul.f32 $2.000000030e-01, v21;
	v12 =	vsel vm0, v30, v12;
	v35 =	vld [tilespmem:s17+$0xFFFFFF18];
	p1 =	slt.u32 s9, $0x78;
	v25 =	vmul.f32 v32, v25;
	[tilespmem:s19+$0xF8] =	vst v36  }
0xd2: {  	v14 =	vadd.f32 v14, v15;
	v15 =	vmul.f32 $2.000000030e-01, v28;
	[tilespmem:s19+$0xFFFFFFA8] =	vst v12;
	v12 =	vmul.f32 v33, v17;
	v17 =	vld [tilespmem:s20+$0x108]  }
0xd3: {  	v30 =	vmul.f32 $2.000000030e-01, v27;
	v21 =	vmax.f32 v21, v37;
	v22 =	vmul.f32 v34, v22;
	[tilespmem:s19+$0xFFFFFFD8] =	vst v25  }
0xd4: {  	v18 =	vsel vm0, v29, v18;
	v25 =	vmul.f32 $2.000000030e-01, v14;
	v11 =	vadd.f32 v11, v31;
	v29 =	vld [tilespmem:s20+$0xFFFFFFE8];
	[tilespmem:s19+$0x68] =	vst v12  }
0xd5: {  	v15 =	vmax.f32 v28, v15;
	v31 =	vperm.xlane v23, v5;
	v12 =	vadd.f32 v38, v7;
	v28 =	vpop (erf);
	[tilespmem:s19+$0xFFFFFF48] =	vst v22;
	v22 =	vld [tilespmem:s20+$0x78]  }
0xd6: {  	v14 =	vmax.f32 v14, v25;
	v32 =	vmul.f32 $2.000000030e-01, v11;
	v33 =	vperm.xlane v28, v1;
	[tilespmem:s19+$0xFFFFFF18] =	vst v18;
	v18 =	vld [tilespmem:s20+$0xFFFFFF58];
	v7 =	vmovc v35;
	s20 =	smov.u32 s0;
	s0 =	smov.u32 s17  }
0xd7: {  	v14 =	vmul.f32 $1.442695020e+00, v14;
	v13 =	vmul.f32 v17, v13  }
0xd8: {  	v21 =	vmul.f32 $1.442695020e+00, v21;
	v17 =	vmul.f32 $2.000000030e-01, v12;
	v11 =	vmax.f32 v11, v32;
	[tilespmem:s19+$0x30] =	vst v23  }
0xd9: {  	v23 =	vmax.f32 v27, v30;
	(erf) = vpow2.f32 v14;
	v25 =	vpop (erf);
	v14 =	vmul.f32 v29, v26;
	[tilespmem:s19+$0x108] =	vst v13  }
0xda: {  	v12 =	vmax.f32 v12, v17;
	v17 =	vmul.f32 $1.442695020e+00, v23;
	v16 =	vmul.f32 v22, v16;
	[tilespmem:s19+$0xC8] =	vst v24  }
0xdb: {  	v12 =	vmul.f32 $1.442695020e+00, v12;
	v22 =	vld [tilespmem:s20+$0xFFFFFF28];
	v18 =	vmul.f32 v18, v19;
	[tilespmem:s19+$0xFFFFFFE8] =	vst v14;
	v19 =	vsel vm0, v31, v20  }
0xdc: {  	v20 =	vld [tilespmem:s20+$0x90];
	(erf) = vpow2.f32 v17;
	[tilespmem:s19+$0x38] =	vst v19;
	v17 =	vperm.xlane v16, v5  }
0xdd: {  	v19 =	vld [tilespmem:s20+$0xFFFFFFB8];
	(erf) = vpow2.f32 v12;
	[tilespmem:s19+$0xFFFFFF58] =	vst v18;
	v12 =	vperm.xlane v14, v5  }
0xde: {  	v14 =	vmul.f32 $1.442695020e+00, v15;
	v15 =	vperm.xlane v18, v5;
	v29 =	vld [tilespmem:s20+$0xD8];
	[tilespmem:s19+$0x78] =	vst v16;
	v8 =	vsel vm0, v17, v8  }
0xdf: {  	v11 =	vmul.f32 $1.442695020e+00, v11;
	v16 =	vld [tilespmem:s20+$0xFFFFFEE0];
	(erf) = vpow2.f32 v21;
	v9 =	vsel vm0, v12, v9;
	[tilespmem:s19+$0x80] =	vst v8  }
0xe0: {  	v17 =	vperm.xlane v25, v1;
	v10 =	vsel vm0, v15, v10;
	v8 =	vld [tilespmem:s20+$0xFFFFFF70];
	(erf) = vpow2.f32 v14;
	[tilespmem:s19+$0xFFFFFFF0] =	vst v9  }
0xe1: {  	v9 =	vld [tilespmem:s20+$0x48];
	v14 =	vmul.f32 v20, v33;
	(erf) = vpow2.f32 v11  }
0xe2: {  	s7 =	sadd.s32 $0x80, s7;
	v27 =	vperm.xlane v25, v2;
	v18 =	vld [tilespmem:s20+$0x0];
	v26 =	vpop (erf);
	[tilespmem:s19+$0xFFFFFF60] =	vst v10;
	v10 =	vperm.xlane v13, v5  }
0xe3: {  	v11 =	vld [tilespmem:s7+$0xFFFFFFD0];
	v13 =	vperm.xlane v26, v1;
	v12 =	vperm.xlane v26, v5;
	[tilespmem:s8+$0x90] =	vst v14  }
0xe4: {  	v31 =	vperm.xlane v28, v3;
	v20 =	vperm.xlane v28, v2;
	v30 =	vld [tilespmem:s20+$0xA0];
	v6 =	vsel vm0, v10, v6  }
0xe5: {  	v23 =	vperm.xlane v28, v4;
	v10 =	vld [tilespmem:s7+$0x30];
	v13 =	vmul.f32 v8, v13;
	v32 =	vpop (erf);
	[tilespmem:s19+$0x110] =	vst v6;
	s19 =	smov.u32 s8  }
0xe6: {  	v14 =	vld [tilespmem:s7+$0xFFFFFFE0];
	v6 =	vperm.xlane v32, v1;
	v21 =	vmul.f32 v9, v17;
	v33 =	vpop (erf)  }
0xe7: {  	v8 =	vperm.xlane v25, v5;
	v15 =	vld [tilespmem:s17+$0xFFFFFFA8];
	v9 =	vperm.xlane v33, v1  }
0xe8: {  	v35 =	vperm.xlane v33, v2;
	v34 =	vld [tilespmem:s17+$0x110];
	[tilespmem:s8+$0xFFFFFF70] =	vst v13;
	v13 =	vmul.f32 v18, v6;
	v36 =	vpop (erf)  }
0xe9: {  	v9 =	vmul.f32 v16, v9;
	v16 =	vld [tilespmem:s20+$0xFFFFFF80];
	v6 =	vperm.xlane v36, v5;
	v24 =	vpop (erf)  }
0xea: {  	v17 =	vperm.xlane v25, v3;
	v38 =	vperm.xlane v36, v1;
	v37 =	vld [tilespmem:s7+$0x0];
	[tilespmem:s8+$0x0] =	vst v13;
	v39 =	vpop (erf)  }
0xeb: {  	v41 =	vperm.xlane v28, v5;
	[tilespmem:s8+$0xFFFFFEE0] =	vst v9;
	v9 =	vperm.xlane v24, v5;
	v40 =	vld [tilespmem:s20+$0x10]  }
0xec: {  	v18 =	vperm.xlane v26, v2;
	v13 =	vperm.xlane v36, v4;
	v28 =	vld [tilespmem:s20+$0xFFFFFEF0];
	[tilespmem:s8+$0x48] =	vst v21  }
0xed: {  	v21 =	vadd.f32 v10, v34;
	v10 =	vperm.xlane v39, v5;
	v34 =	vperm.xlane v32, v2;
	v42 =	vld [tilespmem:s20+$0x58]  }
0xee: {  	v44 =	vperm.xlane v39, v1;
	v43 =	vld [tilespmem:s17+$0x80];
	v16 =	vmul.f32 v16, v18  }
0xef: {  	v20 =	vmul.f32 v30, v20;
	v18 =	vperm.xlane v33, v5;
	v45 =	vld [tilespmem:s7+$0x20]  }
0xf0: {  	v46 =	vperm.xlane v24, v1;
	v30 =	vld [tilespmem:s17+$0xC8];
	[tilespmem:s8+$0xFFFFFF80] =	vst v16;
	v16 =	vmul.f32 v40, v34  }
0xf1: {  	v28 =	vmul.f32 v28, v35;
	v34 =	vld [tilespmem:s20+$0xFFFFFF90];
	v35 =	vperm.xlane v32, v3;
	[tilespmem:s8+$0xA0] =	vst v20  }
0xf2: {  	[tilespmem:s8+$0x10] =	vst v16;
	v16 =	vperm.xlane v25, v4;
	v20 =	vld [tilespmem:s20+$0xB0];
	v25 =	vmul.f32 v29, v38  }
0xf3: {  	v38 =	vperm.xlane v32, v4;
	[tilespmem:s8+$0xFFFFFEF0] =	vst v28;
	v28 =	vperm.xlane v24, v2;
	v29 =	vld [tilespmem:s20+$0x20]  }
0xf4: {  	v47 =	vperm.xlane v26, v3;
	v40 =	vld [tilespmem:s20+$0xFFFFFF00];
	[tilespmem:s8+$0xD8] =	vst v25;
	v25 =	vperm.xlane v36, v2  }
0xf5: {  	v48 =	vperm.xlane v39, v2;
	v19 =	vmul.f32 v19, v46;
	v46 =	vld [tilespmem:s20+$0xE8]  }
0xf6: {  	v50 =	vperm.xlane v33, v3;
	v49 =	vld [tilespmem:s17+$0x38];
	v34 =	vmul.f32 v34, v47  }
0xf7: {  	v44 =	vmul.f32 v22, v44;
	v47 =	vld [tilespmem:s7+$0x10];
	[tilespmem:s8+$0xFFFFFFB8] =	vst v19;
	v20 =	vmul.f32 v20, v31  }
0xf8: {  	v22 =	vperm.xlane v39, v3;
	[tilespmem:s8+$0xFFFFFF90] =	vst v34;
	v31 =	vld [tilespmem:s20+$0xFFFFFFC8];
	v29 =	vmul.f32 v29, v35  }
0xf9: {  	v19 =	vperm.xlane v39, v4;
	v34 =	vmul.f32 v40, v50;
	v35 =	vld [tilespmem:s20+$0xFFFFFFA0];
	[tilespmem:s8+$0xB0] =	vst v20  }
0xfa: {  	v30 =	vadd.f32 v45, v30;
	v20 =	vperm.xlane v32, v5;
	[tilespmem:s8+$0xFFFFFF28] =	vst v44;
	v32 =	vld [tilespmem:s20+$0xC0];
	v39 =	vmul.f32 v46, v25  }
0xfb: {  	v27 =	vmul.f32 v42, v27;
	v25 =	vperm.xlane v24, v3;
	v40 =	vld [tilespmem:s20+$0xFFFFFF38];
	[tilespmem:s8+$0x20] =	vst v29  }
0xfc: {  	v26 =	vperm.xlane v26, v4;
	v29 =	vmul.f32 $2.000000030e-01, v30;
	v42 =	vld [tilespmem:s20+$0x30];
	[tilespmem:s8+$0xE8] =	vst v39  }
0xfd: {  	v36 =	vperm.xlane v36, v3;
	v39 =	vadd.f32 v47, v43;
	[tilespmem:s8+$0xFFFFFF00] =	vst v34;
	v31 =	vmul.f32 v31, v28;
	v43 =	vld [tilespmem:s20+$0xF8]  }
0xfe: {  	v29 =	vmax.f32 v30, v29;
	v34 =	vperm.xlane v33, v4;
	v44 =	vld [tilespmem:s20+$0xFFFFFF10];
	v26 =	vmul.f32 v35, v26  }
0xff: {  	v30 =	vmul.f32 $1.442695020e+00, v29;
	v28 =	vld [tilespmem:s7+$0xFFFFFFF0];
	[tilespmem:s8+$0xFFFFFFC8] =	vst v31;
	v31 =	vmul.f32 v32, v23  }
.Ltmp1:
0x100: {  	v33 =	vmul.f32 $2.000000030e-01, v39;
	v29 =	vld [tilespmem:s17+$0xFFFFFFF0];
	v35 =	vmul.f32 v40, v48;
	[tilespmem:s8+$0xFFFFFFA0] =	vst v26;
	(pc) =	sbr.rel @p1 .LBB2_5-.Ltmp1, $4  }
0x101: {  	(erf) = vpow2.f32 v30;
	v32 =	vld [tilespmem:s20+$0xFFFFFFD8];
	v23 =	vmul.f32 v42, v38;
	[tilespmem:s8+$0x58] =	vst v27  }
0x102: {  	v38 =	vmax.f32 v39, v33;
	v30 =	vperm.xlane v26, v5;
	v39 =	vperm.xlane v31, v5;
	[tilespmem:s8+$0xFFFFFF38] =	vst v35;
	v33 =	vld [tilespmem:s20+$0x68]  }
0x103: {  	v27 =	vadd.f32 v37, v49;
	v37 =	vmul.f32 $1.442695020e+00, v38;
	v35 =	vmul.f32 v44, v34;
	v34 =	vld [tilespmem:s20+$0xFFFFFF48];
	[tilespmem:s8+$0xC0] =	vst v31  }
0x104: {  	v26 =	vperm.xlane v24, v4;
	v36 =	vmul.f32 v43, v36;
	v24 =	vsel vm0, v39, v41;
	v31 =	vld [tilespmem:s17+$0xFFFFFF60]  }
0x105: {  	v38 =	vld [tilespmem:s7+$0xFFFFFFC0];
	_ =	sdelay $0x1  }
0x106: {  	v14 =	vadd.f32 v14, v15;
	_ =	sdelay $0x1  }
0x107: {  	v15 =	vmul.f32 $2.000000030e-01, v14  }
0x108: {  	v7 =	vadd.f32 v38, v7  }
0x109: {  	(erf) = vpow2.f32 v37;
	v54 =	vmul.f32 $2.000000030e-01, v27;
	v14 =	vmax.f32 v14, v15  }
0x10a: {  	v14 =	vmul.f32 $1.442695020e+00, v14;
	v15 =	vmul.f32 $2.000000030e-01, v7  }
0x10b: {  	v25 =	vmul.f32 v32, v25;
	v17 =	vmul.f32 v33, v17;
	v27 =	vmax.f32 v27, v54  }
0x10c: {  	(erf) = vpow2.f32 v14;
	v14 =	vmul.f32 $1.442695020e+00, v27;
	v7 =	vmax.f32 v7, v15  }
0x10d: {  	v22 =	vmul.f32 v34, v22;
	[tilespmem:s19+$0xFFFFFFD8] =	vst v25;
	v7 =	vmul.f32 $1.442695020e+00, v7  }
0x10e: {  	v25 =	vld [tilespmem:s20+$0xFFFFFFE8];
	[tilespmem:s19+$0x68] =	vst v17;
	(erf) = vpow2.f32 v14  }
0x10f: {  	v11 =	vadd.f32 v11, v31;
	[tilespmem:s19+$0xFFFFFF48] =	vst v22;
	v22 =	vld [tilespmem:s20+$0x78];
	(erf) = vpow2.f32 v7;
	v7 =	vmul.f32 $2.000000030e-01, v21  }
0x110: {  	v12 =	vsel vm0, v30, v12;
	v17 =	vperm.xlane v35, v5;
	v27 =	vld [tilespmem:s20+$0xFFFFFF58]  }
0x111: {  	[tilespmem:s19+$0xF8] =	vst v36;
	v7 =	vmax.f32 v21, v7;
	v21 =	vmul.f32 $2.000000030e-01, v11  }
0x112: {  	[tilespmem:s19+$0xFFFFFF10] =	vst v35;
	v17 =	vsel vm0, v17, v18;
	v15 =	vld [tilespmem:s20+$0x108]  }
0x113: {  	[tilespmem:s19+$0xFFFFFFA8] =	vst v12;
	v12 =	vpop (erf);
	v18 =	vperm.xlane v23, v5;
	v14 =	vadd.f32 v28, v29;
	v25 =	vmul.f32 v25, v26  }
0x114: {  	[tilespmem:s19+$0xFFFFFF18] =	vst v17;
	v16 =	vmul.f32 v22, v16;
	v17 =	vmul.f32 $1.442695020e+00, v7;
	v7 =	vpop (erf)  }
0x115: {  	[tilespmem:s19+$0x30] =	vst v23;
	v23 =	vld [tilespmem:s0+$0xFFFFFF70];
	v28 =	vmul.f32 $2.000000030e-01, v14;
	v19 =	vmul.f32 v27, v19;
	v11 =	vmax.f32 v11, v21;
	v21 =	vpop (erf)  }
0x116: {  	[tilespmem:s19+$0xC8] =	vst v24;
	v18 =	vsel vm0, v18, v20;
	v22 =	vld [tilespmem:s0+$0x90];
	(erf) = vpow2.f32 v17;
	v17 =	vperm.xlane v21, v1  }
0x117: {  	[tilespmem:s19+$0x38] =	vst v18;
	v18 =	vperm.xlane v16, v5;
	v14 =	vmax.f32 v14, v28;
	v13 =	vmul.f32 v15, v13  }
0x118: {  	v20 =	vld [tilespmem:s0+$0xFFFFFEE0];
	[tilespmem:s19+$0xFFFFFFE8] =	vst v25;
	v15 =	vperm.xlane v12, v1;
	v14 =	vmul.f32 $1.442695020e+00, v14  }
0x119: {  	[tilespmem:s19+$0x78] =	vst v16;
	v8 =	vsel vm0, v18, v8;
	v18 =	vperm.xlane v19, v5;
	v24 =	vmul.f32 $1.442695020e+00, v11;
	v11 =	vpop (erf)  }
0x11a: {  	[tilespmem:s19+$0xFFFFFF58] =	vst v19;
	(erf) = vpow2.f32 v14;
	v14 =	vmul.f32 v23, v17;
	v17 =	vpop (erf)  }
0x11b: {  	s9 =	sadd.s32 $0x240, s8;
	[tilespmem:s19+$0x108] =	vst v13;
	v15 =	vmul.f32 v22, v15;
	v16 =	vperm.xlane v17, v1  }
0x11c: {  	v22 =	vld [tilespmem:s0+$0x0];
	(erf) = vpow2.f32 v24;
	[tilespmem:s9+$0xFFFFFF70] =	vst v14  }
0x11d: {  	v10 =	vsel vm0, v18, v10;
	[tilespmem:s9+$0x90] =	vst v15;
	v14 =	vperm.xlane v25, v5;
	v15 =	vmul.f32 v20, v16;
	v16 =	vld [tilespmem:s0+$0xFFFFFF80]  }
0x11e: {  	v13 =	vperm.xlane v13, v5;
	[tilespmem:s19+$0xFFFFFF60] =	vst v10;
	v19 =	vld [tilespmem:s0+$0xA0]  }
0x11f: {  	v10 =	vperm.xlane v12, v2;
	v9 =	vsel vm0, v14, v9;
	v14 =	vperm.xlane v11, v1;
	v20 =	vld [tilespmem:s0+$0xD8];
	[tilespmem:s9+$0xFFFFFEE0] =	vst v15  }
0x120: {  	[tilespmem:s19+$0x80] =	vst v8;
	v8 =	vperm.xlane v7, v1;
	v13 =	vsel vm0, v13, v6;
	v18 =	vperm.xlane v21, v2;
	v15 =	vld [tilespmem:s0+$0xFFFFFEF0]  }
0x121: {  	[tilespmem:s19+$0x110] =	vst v13;
	v23 =	vld [tilespmem:s0+$0xFFFFFFB8];
	v24 =	vperm.xlane v17, v2;
	v6 =	vpop (erf);
	v14 =	vmul.f32 v22, v14  }
0x122: {  	[tilespmem:s19+$0xFFFFFFF0] =	vst v9;
	v22 =	vld [tilespmem:s0+$0x48];
	v13 =	vperm.xlane v6, v1;
	v16 =	vmul.f32 v16, v18  }
0x123: {  	v10 =	vmul.f32 v19, v10;
	v19 =	vperm.xlane v21, v5;
	v25 =	vpop (erf);
	[tilespmem:s9+$0x0] =	vst v14;
	v18 =	vld [tilespmem:s0+$0xFFFFFF28]  }
0x124: {  	v14 =	vld [tilespmem:s0+$0x10];
	v13 =	vmul.f32 v20, v13;
	[tilespmem:s9+$0xFFFFFF80] =	vst v16;
	v16 =	vperm.xlane v25, v1  }
0x125: {  	v9 =	vperm.xlane v7, v2;
	[tilespmem:s9+$0xA0] =	vst v10;
	v20 =	vpop (erf);
	v15 =	vmul.f32 v15, v24;
	v24 =	vld [tilespmem:s0+$0xFFFFFF90]  }
0x126: {  	v26 =	vld [tilespmem:s0+$0xB0];
	v10 =	vperm.xlane v20, v1;
	[tilespmem:s9+$0xD8] =	vst v13;
	v13 =	vmul.f32 v23, v16  }
0x127: {  	v8 =	vmul.f32 v22, v8;
	v16 =	vperm.xlane v11, v2;
	[tilespmem:s9+$0xFFFFFEF0] =	vst v15;
	v15 =	vld [tilespmem:s0+$0xE8]  }
0x128: {  	v23 =	vperm.xlane v21, v3;
	v10 =	vmul.f32 v18, v10;
	v22 =	vld [tilespmem:s0+$0xFFFFFF00];
	[tilespmem:s9+$0xFFFFFFB8] =	vst v13  }
0x129: {  	[tilespmem:s9+$0x48] =	vst v8;
	v13 =	vperm.xlane v12, v3;
	v8 =	vmul.f32 v14, v16;
	v14 =	vld [tilespmem:s0+$0xFFFFFFC8]  }
0x12a: {  	v18 =	vperm.xlane v6, v2;
	v16 =	vld [tilespmem:s0+$0x58];
	[tilespmem:s9+$0xFFFFFF28] =	vst v10;
	v23 =	vmul.f32 v24, v23  }
0x12b: {  	[tilespmem:s9+$0x10] =	vst v8;
	v8 =	vperm.xlane v17, v3;
	v10 =	vmul.f32 v26, v13;
	v13 =	vld [tilespmem:s0+$0xFFFFFF38]  }
0x12c: {  	v24 =	vperm.xlane v25, v2;
	v26 =	vld [tilespmem:s0+$0x20];
	[tilespmem:s9+$0xFFFFFF90] =	vst v23;
	v15 =	vmul.f32 v15, v18  }
0x12d: {  	v18 =	vperm.xlane v12, v4;
	[tilespmem:s9+$0xB0] =	vst v10;
	v8 =	vmul.f32 v22, v8;
	v22 =	vld [tilespmem:s0+$0xFFFFFFA0]  }
0x12e: {  	v10 =	vperm.xlane v20, v2;
	v23 =	vld [tilespmem:s0+$0xC0];
	[tilespmem:s9+$0xE8] =	vst v15;
	v14 =	vmul.f32 v14, v24  }
0x12f: {  	v9 =	vmul.f32 v16, v9;
	v15 =	vperm.xlane v11, v3;
	[tilespmem:s9+$0xFFFFFF00] =	vst v8;
	v8 =	vld [tilespmem:s0+$0xF8]  }
0x130: {  	v16 =	vperm.xlane v21, v4;
	v10 =	vmul.f32 v13, v10;
	v21 =	vld [tilespmem:s0+$0xFFFFFF10];
	[tilespmem:s9+$0xFFFFFFC8] =	vst v14  }
0x131: {  	v13 =	vperm.xlane v7, v3;
	[tilespmem:s9+$0x58] =	vst v9;
	v14 =	vmul.f32 v26, v15;
	v15 =	vld [tilespmem:s0+$0xFFFFFFD8]  }
0x132: {  	v9 =	vperm.xlane v6, v3;
	[tilespmem:s9+$0xFFFFFF38] =	vst v10;
	v10 =	vld [tilespmem:s0+$0x68];
	v16 =	vmul.f32 v22, v16  }
0x133: {  	[tilespmem:s9+$0x20] =	vst v14;
	v14 =	vperm.xlane v17, v4;
	v18 =	vmul.f32 v23, v18;
	v22 =	vld [tilespmem:s0+$0xFFFFFF48]  }
0x134: {  	v23 =	vperm.xlane v25, v3;
	[tilespmem:s9+$0xFFFFFFA0] =	vst v16;
	v8 =	vmul.f32 v8, v9  }
0x135: {  	v9 =	vperm.xlane v12, v5;
	[tilespmem:s9+$0xC0] =	vst v18;
	v12 =	vmul.f32 v21, v14  }
0x136: {  	v14 =	vperm.xlane v20, v3;
	v15 =	vmul.f32 v15, v23;
	[tilespmem:s9+$0xF8] =	vst v8  }
0x137: {  	v16 =	vperm.xlane v16, v5;
	v21 =	vld [tilespmem:s0+$0x30];
	v10 =	vmul.f32 v10, v13;
	[tilespmem:s9+$0xFFFFFF10] =	vst v12  }
0x138: {  	v18 =	vperm.xlane v18, v5;
	v13 =	vld [tilespmem:s0+$0x108];
	v14 =	vmul.f32 v22, v14;
	[tilespmem:s9+$0xFFFFFFD8] =	vst v15  }
0x139: {  	v8 =	vperm.xlane v17, v5;
	v16 =	vsel vm0, v16, v19;
	v12 =	vperm.xlane v12, v5;
	[tilespmem:s9+$0x68] =	vst v10;
	v17 =	vld [tilespmem:s0+$0xFFFFFFE8]  }
0x13a: {  	v9 =	vsel vm0, v18, v9;
	v22 =	vperm.xlane v7, v4;
	v15 =	vperm.xlane v11, v4;
	[tilespmem:s9+$0xFFFFFF48] =	vst v14;
	v14 =	vld [tilespmem:s0+$0x78]  }
0x13b: {  	[tilespmem:s9+$0xFFFFFFA8] =	vst v16;
	v16 =	vperm.xlane v25, v4;
	v10 =	vperm.xlane v6, v4;
	v8 =	vsel vm0, v12, v8;
	v12 =	vld [tilespmem:s0+$0xFFFFFF58]  }
0x13c: {  	[tilespmem:s9+$0xC8] =	vst v9;
	v11 =	vperm.xlane v11, v5;
	v15 =	vmul.f32 v21, v15  }
0x13d: {  	[tilespmem:s9+$0xFFFFFF18] =	vst v8;
	v8 =	vmul.f32 v13, v10;
	v10 =	vperm.xlane v20, v4  }
0x13e: {  	[tilespmem:s9+$0x30] =	vst v15;
	v13 =	vperm.xlane v15, v5;
	v15 =	vmul.f32 v17, v16  }
0x13f: {  	[tilespmem:s9+$0x108] =	vst v8;
	v14 =	vmul.f32 v14, v22  }
0x140: {  	v9 =	vmul.f32 v12, v10;
	v10 =	vsel vm0, v13, v11;
	[tilespmem:s9+$0xFFFFFFE8] =	vst v15  }
0x141: {  	v7 =	vperm.xlane v7, v5;
	[tilespmem:s9+$0x38] =	vst v10;
	v10 =	vperm.xlane v14, v5  }
0x142: {  	v11 =	vperm.xlane v25, v5;
	v12 =	vperm.xlane v15, v5;
	[tilespmem:s9+$0x78] =	vst v14  }
0x143: {  	v13 =	vperm.xlane v20, v5;
	[tilespmem:s9+$0xFFFFFF58] =	vst v9;
	v9 =	vperm.xlane v9, v5;
	v7 =	vsel vm0, v10, v7  }
0x144: {  	v6 =	vperm.xlane v6, v5;
	v10 =	vsel vm0, v12, v11;
	[tilespmem:s9+$0x80] =	vst v7;
	v7 =	vperm.xlane v8, v5  }
0x145: {  	s17 =	sshll.u32 s31, $0x8;
	v8 =	vsel vm0, v9, v13;
	[tilespmem:s9+$0xFFFFFFF0] =	vst v10  }
0x146: {  	s0 =	sand.u32 $0x3FFFFF00, s17;
	[tilespmem:s9+$0xFFFFFF60] =	vst v8;
	v6 =	vsel vm0, v7, v6  }
0x147: {  	p1 =	seq.s32 s31, $0x27;
	s0 =	sadd.s32 $0x2800, s0;
	[tilespmem:s9+$0x110] =	vst v6  }
0x148: {  	[spmem:s3] =	stream.indirect.scatter.add.f32 [tilespmem:s15], [sflag:$0x5], $0x48, s0, s18, $0xb8;
	[tilespmem:$0x1A1C0] =	vst v63  }
0x149: {  	s0 =	sshll.u32 @!p1 s31, $0x8  }
0x14a: {  	s8 =	simm.s32 @!p1 $0x80;
	s9 =	simm.s32 @!p1 $0x5000;
	s7 =	sadd.s32 @!p1 $0x100, s0  }
0x14b: {  	[tilespmem:s9], [sflag:$0x1] =	stream.indirect.gather @!p1 [hbm4b:s5+s8], $0x48, s7, s8, $0xb8;
	[tilespmem:$0x1A1C0] =	vst v63  }
0x14c: {  	s0 =	sadd.s32 @!p1 $0x2900, s0;
	s7 =	simm.s32 @!p1 $0x9800  }
0x14d: {  	[tilespmem:s7], [sflag:$0x3] =	stream.indirect.gather @!p1 [hbm4b:s2+s8], $0x10, s0, s8, $0xb8;
	[tilespmem:$0x1A1C0] =	vst v63  }
0x14e: {  	_ =	swait.ge [sflag:s25], $0x2400  }
0x14f: {  	[sflag:s25] =	ssyncset.done $0x0  }
0x150: {  	[sflag:s25] =	ssyncadd.s32 $0xFFFFDC00  }
0x151: {  	_ =	swait.ge [sflag:s26], $0x800  }
0x152: {  	[sflag:s26] =	ssyncset.done $0x0  }
0x153: {  	s0 =	simm.s32 @!p0 $0x6;
	[sflag:s26] =	ssyncadd.s32 $0xFFFFF800  }
0x154: {  	_ =	swait.ge @!p0 [sflag:s0], $0x2400  }
0x155: {  	[sflag:s0] =	ssyncset.done @!p0 $0x0  }
0x156: {  	s19 =	simm.s32 $0xA040;
	[sflag:s0] =	ssyncadd.s32 @!p0 $0xFFFFDC00  }
0x157: {  	s20 =	simm.s32 $0x7520;
	v6 =	vld [tilespmem:s19+$0x20]  }
0x158: {  	v7 =	vld [tilespmem:s20+$0xC8];
	_ =	sdelay $0x1  }
0x159: {  	v9 =	vld [tilespmem:s20+$0x80]  }
0x15a: {  	v10 =	vld [tilespmem:s19+$0x10]  }
0x15b: {  	v8 =	vld [tilespmem:s20+$0xFFFFFF18]  }
0x15c: {  	v11 =	vld [tilespmem:s19+$0x30];
	v6 =	vadd.f32 v6, v7  }
0x15d: {  	v12 =	vld [tilespmem:s19+$0xFFFFFFE0]  }
0x15e: {  	v15 =	vld [tilespmem:s19+$0x0];
	v14 =	vmul.f32 $2.000000030e-01, v6  }
0x15f: {  	v7 =	vld [tilespmem:s20+$0xFFFFFFA8];
	v9 =	vadd.f32 v10, v9  }
0x160: {  	v10 =	vld [tilespmem:s20+$0x38];
	v6 =	vmax.f32 v6, v14  }
0x161: {  	v13 =	vld [tilespmem:s20+$0x110];
	v14 =	vmul.f32 $2.000000030e-01, v9;
	v6 =	vmul.f32 $1.442695020e+00, v6  }
0x162: {  	v16 =	vld [tilespmem:s19+$0xFFFFFFC0]  }
0x163: {  	v17 =	vld [tilespmem:s19+$0xFFFFFFF0];
	(erf) = vpow2.f32 v6;
	v6 =	vmax.f32 v9, v14  }
0x164: {  	v7 =	vadd.f32 v12, v7;
	v12 =	vld [tilespmem:s20+$0xFFFFFFF0];
	v6 =	vmul.f32 $1.442695020e+00, v6  }
0x165: {  	v10 =	vadd.f32 v15, v10;
	v15 =	vld [tilespmem:s20+$0xFFFFFF60]  }
0x166: {  	v9 =	vld [tilespmem:s19+$0xFFFFFFD0];
	v14 =	vmul.f32 $2.000000030e-01, v7;
	(erf) = vpow2.f32 v6  }
0x167: {  	v6 =	vadd.f32 v16, v8;
	v8 =	vadd.f32 v11, v13;
	v11 =	vmul.f32 $2.000000030e-01, v10  }
0x168: {  	v7 =	vmax.f32 v7, v14  }
0x169: {  	v7 =	vmul.f32 $1.442695020e+00, v7;
	v10 =	vmax.f32 v10, v11  }
0x16a: {  	v12 =	vadd.f32 v17, v12;
	v13 =	vmul.f32 $2.000000030e-01, v6;
	v10 =	vmul.f32 $1.442695020e+00, v10  }
0x16b: {  	v19 =	vld [tilespmem:s20+$0xFFFFFF28];
	v14 =	vmul.f32 $2.000000030e-01, v8;
	v9 =	vadd.f32 v9, v15  }
0x16c: {  	v20 =	vld [tilespmem:s20+$0xFFFFFFB8];
	(erf) = vpow2.f32 v7;
	v11 =	vmul.f32 $2.000000030e-01, v12;
	v6 =	vmax.f32 v6, v13  }
0x16d: {  	s7 =	simm.s32 $0xA0C0;
	v21 =	vld [tilespmem:s20+$0xD8];
	v8 =	vmax.f32 v8, v14;
	v13 =	vmul.f32 $2.000000030e-01, v9;
	v6 =	vmul.f32 $1.442695020e+00, v6  }
0x16e: {  	v27 =	vld [tilespmem:s7+$0x30];
	(erf) = vpow2.f32 v10;
	v8 =	vmul.f32 $1.442695020e+00, v8;
	v10 =	vpop (erf)  }
0x16f: {  	s17 =	simm.s32 $0x7760;
	v14 =	vld [tilespmem:s20+$0x90];
	(erf) = vpow2.f32 v6;
	v6 =	vmax.f32 v12, v11;
	v11 =	vperm.xlane v10, v1  }
0x170: {  	v32 =	vld [tilespmem:s17+$0x110];
	v9 =	vmax.f32 v9, v13;
	v6 =	vmul.f32 $1.442695020e+00, v6;
	(erf) = vpow2.f32 v8  }
0x171: {  	v35 =	vld [tilespmem:s7+$0x0];
	v8 =	vmul.f32 $1.442695020e+00, v9;
	v22 =	vperm.xlane v10, v2  }
0x172: {  	v44 =	vld [tilespmem:s17+$0x80];
	v26 =	vperm.xlane v10, v3;
	v29 =	vperm.xlane v10, v4;
	v16 =	vpop (erf)  }
0x173: {  	v9 =	vld [tilespmem:s20+$0xFFFFFF70];
	v39 =	vperm.xlane v10, v5;
	v15 =	vperm.xlane v16, v1  }
0x174: {  	v46 =	vld [tilespmem:s7+$0x20];
	(erf) = vpow2.f32 v6;
	v14 =	vmul.f32 v14, v11  }
0x175: {  	v6 =	vld [tilespmem:s20+$0x48];
	v23 =	vperm.xlane v16, v2;
	(erf) = vpow2.f32 v8;
	v24 =	vpop (erf)  }
0x176: {  	v17 =	vld [tilespmem:s20+$0x0];
	v8 =	vperm.xlane v24, v1;
	v12 =	vperm.xlane v24, v5  }
0x177: {  	v13 =	vld [tilespmem:s20+$0xFFFFFEE0];
	v42 =	vperm.xlane v24, v2;
	v48 =	vperm.xlane v24, v3  }
0x178: {  	v50 =	vld [tilespmem:s17+$0x38];
	v24 =	vperm.xlane v24, v4;
	v9 =	vmul.f32 v9, v8;
	v28 =	vpop (erf)  }
0x179: {  	v51 =	vld [tilespmem:s7+$0x10];
	s19 =	simm.s32 $0xCD20;
	v8 =	vperm.xlane v16, v5;
	v18 =	vperm.xlane v28, v1;
	v31 =	vpop (erf)  }
0x17a: {  	v7 =	vld [tilespmem:s17+$0xFFFFFF18];
	[tilespmem:s19+$0x90] =	vst v14;
	v30 =	vmul.f32 v6, v15;
	v6 =	vperm.xlane v31, v1  }
0x17b: {  	v25 =	vld [tilespmem:s20+$0xA0];
	v60 =	vperm.xlane v28, v3;
	[tilespmem:s19+$0xFFFFFF70] =	vst v9;
	v9 =	vmul.f32 v17, v18  }
0x17c: {  	v37 =	vperm.xlane v28, v4;
	v18 =	vld [tilespmem:s20+$0xFFFFFF80];
	[tilespmem:s19+$0x48] =	vst v30;
	v13 =	vmul.f32 v13, v6  }
0x17d: {  	v11 =	vld [tilespmem:s7+$0xFFFFFFD0];
	v55 =	vperm.xlane v31, v2;
	v17 =	vperm.xlane v16, v3;
	[tilespmem:s19+$0x0] =	vst v9  }
0x17e: {  	v34 =	vpop (erf);
	v30 =	vperm.xlane v28, v2;
	v16 =	vperm.xlane v16, v4;
	v57 =	vld [tilespmem:s20+$0x10];
	[tilespmem:s19+$0xFFFFFEE0] =	vst v13  }
0x17f: {  	v63 =	vperm.xlane v31, v3;
	v56 =	vperm.xlane v34, v1;
	v41 =	vld [tilespmem:s20+$0xFFFFFEF0]  }
0x180: {  	v14 =	vld [tilespmem:s7+$0xFFFFFFE0];
	v22 =	vmul.f32 v25, v22;
	v6 =	vperm.xlane v34, v5;
	v36 =	vpop (erf)  }
0x181: {  	v15 =	vld [tilespmem:s17+$0xFFFFFFA8];
	v9 =	vperm.xlane v36, v5;
	v42 =	vmul.f32 v18, v42  }
0x182: {  	v25 =	vld [tilespmem:s17+$0xC8];
	v58 =	vperm.xlane v36, v1;
	[tilespmem:s19+$0xA0] =	vst v22;
	v21 =	vmul.f32 v21, v56  }
0x183: {  	v40 =	vpop (erf);
	v13 =	vperm.xlane v34, v4;
	v22 =	vld [tilespmem:s20+$0xB0];
	[tilespmem:s19+$0xFFFFFF80] =	vst v42;
	v30 =	vmul.f32 v57, v30  }
0x184: {  	v10 =	vperm.xlane v40, v5;
	v59 =	vld [tilespmem:s20+$0xFFFFFF90];
	v33 =	vmul.f32 v41, v55  }
0x185: {  	v43 =	vld [tilespmem:s20+$0x58];
	v45 =	vperm.xlane v40, v1;
	v49 =	vperm.xlane v40, v2;
	[tilespmem:s19+$0x10] =	vst v30  }
0x186: {  	v18 =	vperm.xlane v31, v5;
	v20 =	vmul.f32 v20, v58;
	v61 =	vld [tilespmem:s20+$0x20];
	[tilespmem:s19+$0xFFFFFEF0] =	vst v33  }
0x187: {  	[tilespmem:s19+$0xD8] =	vst v21;
	v21 =	vperm.xlane v34, v2;
	v45 =	vmul.f32 v19, v45;
	v47 =	vld [tilespmem:s20+$0xFFFFFF00]  }
0x188: {  	v58 =	vperm.xlane v34, v3;
	v62 =	vld [tilespmem:s20+$0xE8];
	[tilespmem:s19+$0xFFFFFFB8] =	vst v20;
	v20 =	vmul.f32 v22, v26  }
0x189: {  	v19 =	vperm.xlane v40, v4;
	v53 =	vadd.f32 v46, v25;
	[tilespmem:s19+$0xFFFFFF28] =	vst v45;
	v26 =	vld [tilespmem:s20+$0xFFFFFFC8];
	v38 =	vmul.f32 v59, v48  }
0x18a: {  	v25 =	vperm.xlane v36, v3;
	v56 =	vmul.f32 v43, v23;
	v55 =	vld [tilespmem:s20+$0xFFFFFF38];
	[tilespmem:s19+$0xB0] =	vst v20  }
0x18b: {  	v23 =	vmul.f32 $2.000000030e-01, v53;
	v54 =	vld [tilespmem:s20+$0xC0];
	[tilespmem:s19+$0xFFFFFF90] =	vst v38;
	v33 =	vmul.f32 v61, v60  }
0x18c: {  	v30 =	vperm.xlane v36, v2;
	v52 =	vld [tilespmem:s20+$0xFFFFFFA0];
	v48 =	vmul.f32 v47, v63  }
0x18d: {  	v23 =	vmax.f32 v53, v23;
	v20 =	vperm.xlane v28, v5;
	v21 =	vmul.f32 v62, v21;
	v28 =	vld [tilespmem:s7+$0xFFFFFFF0];
	[tilespmem:s19+$0x20] =	vst v33  }
0x18e: {  	v44 =	vadd.f32 v51, v44;
	v22 =	vperm.xlane v40, v3;
	v23 =	vmul.f32 $1.442695020e+00, v23;
	v57 =	vld [tilespmem:s20+$0x30];
	[tilespmem:s19+$0xFFFFFF00] =	vst v48  }
0x18f: {  	[tilespmem:s19+$0xE8] =	vst v21;
	v21 =	vmul.f32 v26, v30;
	v26 =	vperm.xlane v31, v4;
	v31 =	vld [tilespmem:s20+$0xFFFFFF10]  }
0x190: {  	v59 =	vld [tilespmem:s20+$0xF8];
	v30 =	vmul.f32 $2.000000030e-01, v44;
	v60 =	vmul.f32 v54, v29  }
0x191: {  	[tilespmem:s19+$0xFFFFFFC8] =	vst v21;
	v61 =	vmul.f32 v55, v49;
	v29 =	vld [tilespmem:s17+$0xFFFFFFF0];
	v24 =	vmul.f32 v52, v24  }
0x192: {  	[tilespmem:s19+$0x58] =	vst v56;
	(erf) = vpow2.f32 v23;
	v21 =	vadd.f32 v27, v32;
	v32 =	vld [tilespmem:s20+$0xFFFFFFD8];
	v63 =	vperm.xlane v60, v5  }
0x193: {  	v62 =	vmax.f32 v44, v30;
	[tilespmem:s19+$0xFFFFFF38] =	vst v61;
	v33 =	vld [tilespmem:s20+$0x68];
	v30 =	vperm.xlane v24, v5;
	v23 =	vmul.f32 v57, v37  }
0x194: {  	v27 =	vadd.f32 v35, v50;
	v34 =	vld [tilespmem:s20+$0xFFFFFF48];
	[tilespmem:s19+$0xC0] =	vst v60;
	v37 =	vmul.f32 $1.442695020e+00, v62;
	v35 =	vmul.f32 v31, v26  }
0x195: {  	s9 =	simm.s32 $0x8;
	s8 =	simm.s32 $0xCD20;
	s0 =	simm.s32 $0x7760;
	[tilespmem:s19+$0xFFFFFFA0] =	vst v24;
	v24 =	vsel vm0, v63, v39;
	v31 =	vld [tilespmem:s17+$0xFFFFFF60];
	v26 =	vperm.xlane v36, v4;
	v36 =	vmul.f32 v59, v58  }
.LBB2_7:
0x196: {  	s9 =	sadd.s32 $0x8, s9;
	v38 =	vld [tilespmem:s7+$0xFFFFFFC0];
	v28 =	vadd.f32 v28, v29;
	s17 =	sadd.s32 $0x240, s17;
	(erf) = vpow2.f32 v37;
	[tilespmem:s19+$0xFFFFFF10] =	vst v35;
	v29 =	vperm.xlane v35, v5;
	s8 =	sadd.s32 $0x240, s8  }
0x197: {  	v37 =	vmul.f32 $2.000000030e-01, v21;
	v12 =	vsel vm0, v30, v12;
	v35 =	vld [tilespmem:s17+$0xFFFFFF18];
	p0 =	slt.u32 s9, $0x78;
	v25 =	vmul.f32 v32, v25;
	[tilespmem:s19+$0xF8] =	vst v36  }
0x198: {  	v14 =	vadd.f32 v14, v15;
	v15 =	vmul.f32 $2.000000030e-01, v28;
	[tilespmem:s19+$0xFFFFFFA8] =	vst v12;
	v12 =	vmul.f32 v33, v17;
	v17 =	vld [tilespmem:s20+$0x108]  }
0x199: {  	v30 =	vmul.f32 $2.000000030e-01, v27;
	v21 =	vmax.f32 v21, v37;
	v22 =	vmul.f32 v34, v22;
	[tilespmem:s19+$0xFFFFFFD8] =	vst v25  }
0x19a: {  	v18 =	vsel vm0, v29, v18;
	v25 =	vmul.f32 $2.000000030e-01, v14;
	v11 =	vadd.f32 v11, v31;
	v29 =	vld [tilespmem:s20+$0xFFFFFFE8];
	[tilespmem:s19+$0x68] =	vst v12  }
0x19b: {  	v15 =	vmax.f32 v28, v15;
	v31 =	vperm.xlane v23, v5;
	v12 =	vadd.f32 v38, v7;
	v28 =	vpop (erf);
	[tilespmem:s19+$0xFFFFFF48] =	vst v22;
	v22 =	vld [tilespmem:s20+$0x78]  }
0x19c: {  	v14 =	vmax.f32 v14, v25;
	v32 =	vmul.f32 $2.000000030e-01, v11;
	v33 =	vperm.xlane v28, v1;
	[tilespmem:s19+$0xFFFFFF18] =	vst v18;
	v18 =	vld [tilespmem:s20+$0xFFFFFF58];
	v7 =	vmovc v35;
	s20 =	smov.u32 s0;
	s0 =	smov.u32 s17  }
0x19d: {  	v14 =	vmul.f32 $1.442695020e+00, v14;
	v13 =	vmul.f32 v17, v13  }
0x19e: {  	v21 =	vmul.f32 $1.442695020e+00, v21;
	v17 =	vmul.f32 $2.000000030e-01, v12;
	v11 =	vmax.f32 v11, v32;
	[tilespmem:s19+$0x30] =	vst v23  }
0x19f: {  	v23 =	vmax.f32 v27, v30;
	(erf) = vpow2.f32 v14;
	v25 =	vpop (erf);
	v14 =	vmul.f32 v29, v26;
	[tilespmem:s19+$0x108] =	vst v13  }
0x1a0: {  	v12 =	vmax.f32 v12, v17;
	v17 =	vmul.f32 $1.442695020e+00, v23;
	v16 =	vmul.f32 v22, v16;
	[tilespmem:s19+$0xC8] =	vst v24  }
0x1a1: {  	v12 =	vmul.f32 $1.442695020e+00, v12;
	v22 =	vld [tilespmem:s20+$0xFFFFFF28];
	v18 =	vmul.f32 v18, v19;
	[tilespmem:s19+$0xFFFFFFE8] =	vst v14;
	v19 =	vsel vm0, v31, v20  }
0x1a2: {  	v20 =	vld [tilespmem:s20+$0x90];
	(erf) = vpow2.f32 v17;
	[tilespmem:s19+$0x38] =	vst v19;
	v17 =	vperm.xlane v16, v5  }
0x1a3: {  	v19 =	vld [tilespmem:s20+$0xFFFFFFB8];
	(erf) = vpow2.f32 v12;
	[tilespmem:s19+$0xFFFFFF58] =	vst v18;
	v12 =	vperm.xlane v14, v5  }
0x1a4: {  	v14 =	vmul.f32 $1.442695020e+00, v15;
	v15 =	vperm.xlane v18, v5;
	v29 =	vld [tilespmem:s20+$0xD8];
	[tilespmem:s19+$0x78] =	vst v16;
	v8 =	vsel vm0, v17, v8  }
0x1a5: {  	v11 =	vmul.f32 $1.442695020e+00, v11;
	v16 =	vld [tilespmem:s20+$0xFFFFFEE0];
	(erf) = vpow2.f32 v21;
	v9 =	vsel vm0, v12, v9;
	[tilespmem:s19+$0x80] =	vst v8  }
0x1a6: {  	v17 =	vperm.xlane v25, v1;
	v10 =	vsel vm0, v15, v10;
	v8 =	vld [tilespmem:s20+$0xFFFFFF70];
	(erf) = vpow2.f32 v14;
	[tilespmem:s19+$0xFFFFFFF0] =	vst v9  }
0x1a7: {  	v9 =	vld [tilespmem:s20+$0x48];
	v14 =	vmul.f32 v20, v33;
	(erf) = vpow2.f32 v11  }
0x1a8: {  	s7 =	sadd.s32 $0x80, s7;
	v27 =	vperm.xlane v25, v2;
	v18 =	vld [tilespmem:s20+$0x0];
	v26 =	vpop (erf);
	[tilespmem:s19+$0xFFFFFF60] =	vst v10;
	v10 =	vperm.xlane v13, v5  }
0x1a9: {  	v11 =	vld [tilespmem:s7+$0xFFFFFFD0];
	v13 =	vperm.xlane v26, v1;
	v12 =	vperm.xlane v26, v5;
	[tilespmem:s8+$0x90] =	vst v14  }
0x1aa: {  	v31 =	vperm.xlane v28, v3;
	v20 =	vperm.xlane v28, v2;
	v30 =	vld [tilespmem:s20+$0xA0];
	v6 =	vsel vm0, v10, v6  }
0x1ab: {  	v23 =	vperm.xlane v28, v4;
	v10 =	vld [tilespmem:s7+$0x30];
	v13 =	vmul.f32 v8, v13;
	v32 =	vpop (erf);
	[tilespmem:s19+$0x110] =	vst v6;
	s19 =	smov.u32 s8  }
0x1ac: {  	v14 =	vld [tilespmem:s7+$0xFFFFFFE0];
	v6 =	vperm.xlane v32, v1;
	v21 =	vmul.f32 v9, v17;
	v33 =	vpop (erf)  }
0x1ad: {  	v8 =	vperm.xlane v25, v5;
	v15 =	vld [tilespmem:s17+$0xFFFFFFA8];
	v9 =	vperm.xlane v33, v1  }
0x1ae: {  	v35 =	vperm.xlane v33, v2;
	v34 =	vld [tilespmem:s17+$0x110];
	[tilespmem:s8+$0xFFFFFF70] =	vst v13;
	v13 =	vmul.f32 v18, v6;
	v36 =	vpop (erf)  }
0x1af: {  	v9 =	vmul.f32 v16, v9;
	v16 =	vld [tilespmem:s20+$0xFFFFFF80];
	v6 =	vperm.xlane v36, v5;
	v24 =	vpop (erf)  }
0x1b0: {  	v17 =	vperm.xlane v25, v3;
	v38 =	vperm.xlane v36, v1;
	v37 =	vld [tilespmem:s7+$0x0];
	[tilespmem:s8+$0x0] =	vst v13;
	v39 =	vpop (erf)  }
0x1b1: {  	v41 =	vperm.xlane v28, v5;
	[tilespmem:s8+$0xFFFFFEE0] =	vst v9;
	v9 =	vperm.xlane v24, v5;
	v40 =	vld [tilespmem:s20+$0x10]  }
0x1b2: {  	v18 =	vperm.xlane v26, v2;
	v13 =	vperm.xlane v36, v4;
	v28 =	vld [tilespmem:s20+$0xFFFFFEF0];
	[tilespmem:s8+$0x48] =	vst v21  }
0x1b3: {  	v21 =	vadd.f32 v10, v34;
	v10 =	vperm.xlane v39, v5;
	v34 =	vperm.xlane v32, v2;
	v42 =	vld [tilespmem:s20+$0x58]  }
0x1b4: {  	v44 =	vperm.xlane v39, v1;
	v43 =	vld [tilespmem:s17+$0x80];
	v16 =	vmul.f32 v16, v18  }
0x1b5: {  	v20 =	vmul.f32 v30, v20;
	v18 =	vperm.xlane v33, v5;
	v45 =	vld [tilespmem:s7+$0x20]  }
0x1b6: {  	v46 =	vperm.xlane v24, v1;
	v30 =	vld [tilespmem:s17+$0xC8];
	[tilespmem:s8+$0xFFFFFF80] =	vst v16;
	v16 =	vmul.f32 v40, v34  }
0x1b7: {  	v28 =	vmul.f32 v28, v35;
	v34 =	vld [tilespmem:s20+$0xFFFFFF90];
	v35 =	vperm.xlane v32, v3;
	[tilespmem:s8+$0xA0] =	vst v20  }
0x1b8: {  	[tilespmem:s8+$0x10] =	vst v16;
	v16 =	vperm.xlane v25, v4;
	v20 =	vld [tilespmem:s20+$0xB0];
	v25 =	vmul.f32 v29, v38  }
0x1b9: {  	v38 =	vperm.xlane v32, v4;
	[tilespmem:s8+$0xFFFFFEF0] =	vst v28;
	v28 =	vperm.xlane v24, v2;
	v29 =	vld [tilespmem:s20+$0x20]  }
0x1ba: {  	v47 =	vperm.xlane v26, v3;
	v40 =	vld [tilespmem:s20+$0xFFFFFF00];
	[tilespmem:s8+$0xD8] =	vst v25;
	v25 =	vperm.xlane v36, v2  }
0x1bb: {  	v48 =	vperm.xlane v39, v2;
	v19 =	vmul.f32 v19, v46;
	v46 =	vld [tilespmem:s20+$0xE8]  }
0x1bc: {  	v50 =	vperm.xlane v33, v3;
	v49 =	vld [tilespmem:s17+$0x38];
	v34 =	vmul.f32 v34, v47  }
0x1bd: {  	v44 =	vmul.f32 v22, v44;
	v47 =	vld [tilespmem:s7+$0x10];
	[tilespmem:s8+$0xFFFFFFB8] =	vst v19;
	v20 =	vmul.f32 v20, v31  }
0x1be: {  	v22 =	vperm.xlane v39, v3;
	[tilespmem:s8+$0xFFFFFF90] =	vst v34;
	v31 =	vld [tilespmem:s20+$0xFFFFFFC8];
	v29 =	vmul.f32 v29, v35  }
0x1bf: {  	v19 =	vperm.xlane v39, v4;
	v34 =	vmul.f32 v40, v50;
	v35 =	vld [tilespmem:s20+$0xFFFFFFA0];
	[tilespmem:s8+$0xB0] =	vst v20  }
0x1c0: {  	v30 =	vadd.f32 v45, v30;
	v20 =	vperm.xlane v32, v5;
	[tilespmem:s8+$0xFFFFFF28] =	vst v44;
	v32 =	vld [tilespmem:s20+$0xC0];
	v39 =	vmul.f32 v46, v25  }
0x1c1: {  	v27 =	vmul.f32 v42, v27;
	v25 =	vperm.xlane v24, v3;
	v40 =	vld [tilespmem:s20+$0xFFFFFF38];
	[tilespmem:s8+$0x20] =	vst v29  }
0x1c2: {  	v26 =	vperm.xlane v26, v4;
	v29 =	vmul.f32 $2.000000030e-01, v30;
	v42 =	vld [tilespmem:s20+$0x30];
	[tilespmem:s8+$0xE8] =	vst v39  }
0x1c3: {  	v36 =	vperm.xlane v36, v3;
	v39 =	vadd.f32 v47, v43;
	[tilespmem:s8+$0xFFFFFF00] =	vst v34;
	v31 =	vmul.f32 v31, v28;
	v43 =	vld [tilespmem:s20+$0xF8]  }
0x1c4: {  	v29 =	vmax.f32 v30, v29;
	v34 =	vperm.xlane v33, v4;
	v44 =	vld [tilespmem:s20+$0xFFFFFF10];
	v26 =	vmul.f32 v35, v26  }
0x1c5: {  	v30 =	vmul.f32 $1.442695020e+00, v29;
	v28 =	vld [tilespmem:s7+$0xFFFFFFF0];
	[tilespmem:s8+$0xFFFFFFC8] =	vst v31;
	v31 =	vmul.f32 v32, v23  }
.Ltmp2:
0x1c6: {  	v33 =	vmul.f32 $2.000000030e-01, v39;
	v29 =	vld [tilespmem:s17+$0xFFFFFFF0];
	v35 =	vmul.f32 v40, v48;
	[tilespmem:s8+$0xFFFFFFA0] =	vst v26;
	(pc) =	sbr.rel @p0 .LBB2_7-.Ltmp2, $4  }
0x1c7: {  	(erf) = vpow2.f32 v30;
	v32 =	vld [tilespmem:s20+$0xFFFFFFD8];
	v23 =	vmul.f32 v42, v38;
	[tilespmem:s8+$0x58] =	vst v27  }
0x1c8: {  	v38 =	vmax.f32 v39, v33;
	v30 =	vperm.xlane v26, v5;
	v39 =	vperm.xlane v31, v5;
	[tilespmem:s8+$0xFFFFFF38] =	vst v35;
	v33 =	vld [tilespmem:s20+$0x68]  }
0x1c9: {  	v27 =	vadd.f32 v37, v49;
	v37 =	vmul.f32 $1.442695020e+00, v38;
	v35 =	vmul.f32 v44, v34;
	v34 =	vld [tilespmem:s20+$0xFFFFFF48];
	[tilespmem:s8+$0xC0] =	vst v31  }
0x1ca: {  	v26 =	vperm.xlane v24, v4;
	v36 =	vmul.f32 v43, v36;
	v24 =	vsel vm0, v39, v41;
	v31 =	vld [tilespmem:s17+$0xFFFFFF60]  }
0x1cb: {  	v38 =	vld [tilespmem:s7+$0xFFFFFFC0];
	_ =	sdelay $0x1  }
0x1cc: {  	v14 =	vadd.f32 v14, v15  }
0x1cd: {  	(erf) = vpow2.f32 v37;
	v44 =	vmul.f32 $2.000000030e-01, v27  }
0x1ce: {  	v49 =	vperm.xlane v35, v5;
	v15 =	vmul.f32 $2.000000030e-01, v14  }
0x1cf: {  	v12 =	vsel vm0, v30, v12;
	v52 =	vperm.xlane v23, v5;
	v7 =	vadd.f32 v38, v7  }
0x1d0: {  	[tilespmem:s19+$0xFFFFFF10] =	vst v35;
	v57 =	vld [tilespmem:s0+$0x90];
	v25 =	vmul.f32 v32, v25;
	v22 =	vmul.f32 v34, v22;
	v14 =	vmax.f32 v14, v15  }
0x1d1: {  	[tilespmem:s19+$0xF8] =	vst v36;
	v27 =	vmax.f32 v27, v44;
	v14 =	vmul.f32 $1.442695020e+00, v14;
	v45 =	vmul.f32 $2.000000030e-01, v7  }
0x1d2: {  	v48 =	vadd.f32 v28, v29;
	[tilespmem:s19+$0xFFFFFFA8] =	vst v12;
	v17 =	vmul.f32 v33, v17;
	v46 =	vmul.f32 $1.442695020e+00, v27;
	v12 =	vpop (erf)  }
0x1d3: {  	v47 =	vld [tilespmem:s20+$0x108];
	[tilespmem:s19+$0xFFFFFF48] =	vst v22;
	v54 =	vperm.xlane v12, v1;
	(erf) = vpow2.f32 v14;
	v7 =	vmax.f32 v7, v45  }
0x1d4: {  	v28 =	vmul.f32 $2.000000030e-01, v48;
	[tilespmem:s19+$0xFFFFFFD8] =	vst v25;
	v51 =	vld [tilespmem:s20+$0xFFFFFF58];
	v7 =	vmul.f32 $1.442695020e+00, v7  }
0x1d5: {  	[tilespmem:s19+$0x30] =	vst v23;
	v25 =	vld [tilespmem:s20+$0xFFFFFFE8];
	v11 =	vadd.f32 v11, v31;
	(erf) = vpow2.f32 v46;
	v15 =	vmul.f32 v57, v54  }
0x1d6: {  	[tilespmem:s19+$0x68] =	vst v17;
	(erf) = vpow2.f32 v7;
	v7 =	vmul.f32 $2.000000030e-01, v21  }
0x1d7: {  	[tilespmem:s19+$0xC8] =	vst v24;
	s17 =	sadd.s32 $0x240, s8;
	v17 =	vsel vm0, v49, v18;
	v50 =	vld [tilespmem:s20+$0x78];
	v53 =	vmul.f32 $2.000000030e-01, v11;
	v36 =	vperm.xlane v12, v2  }
0x1d8: {  	v13 =	vmul.f32 v47, v13;
	v14 =	vmax.f32 v48, v28;
	[tilespmem:s17+$0x90] =	vst v15;
	v7 =	vmax.f32 v21, v7  }
0x1d9: {  	v18 =	vsel vm0, v52, v20;
	[tilespmem:s19+$0xFFFFFF18] =	vst v17;
	v14 =	vmul.f32 $1.442695020e+00, v14;
	v19 =	vmul.f32 v51, v19;
	v30 =	vld [tilespmem:s0+$0xA0]  }
0x1da: {  	v56 =	vld [tilespmem:s0+$0xFFFFFF70];
	[tilespmem:s19+$0x38] =	vst v18;
	v11 =	vmax.f32 v11, v53;
	v25 =	vmul.f32 v25, v26;
	v55 =	vmul.f32 $1.442695020e+00, v7  }
0x1db: {  	[tilespmem:s19+$0x108] =	vst v13;
	v61 =	vmul.f32 $1.442695020e+00, v11;
	v28 =	vperm.xlane v19, v5;
	v7 =	vpop (erf)  }
0x1dc: {  	v16 =	vmul.f32 v50, v16;
	[tilespmem:s19+$0xFFFFFFE8] =	vst v25;
	(erf) = vpow2.f32 v55;
	v21 =	vpop (erf)  }
0x1dd: {  	[tilespmem:s19+$0xFFFFFF58] =	vst v19;
	v10 =	vsel vm0, v28, v10;
	(erf) = vpow2.f32 v14;
	v59 =	vperm.xlane v21, v1  }
0x1de: {  	v58 =	vld [tilespmem:s0+$0xFFFFFEE0];
	[tilespmem:s19+$0xFFFFFF60] =	vst v10;
	v10 =	vmul.f32 v30, v36;
	(erf) = vpow2.f32 v61  }
0x1df: {  	v37 =	vld [tilespmem:s0+$0x48];
	v13 =	vperm.xlane v13, v5;
	[tilespmem:s19+$0x78] =	vst v16;
	v11 =	vpop (erf);
	v62 =	vmul.f32 v56, v59  }
0x1e0: {  	v24 =	vld [tilespmem:s0+$0x0];
	v25 =	vperm.xlane v25, v5;
	[tilespmem:s17+$0xA0] =	vst v10;
	v17 =	vpop (erf)  }
0x1e1: {  	v13 =	vsel vm0, v13, v6;
	v60 =	vperm.xlane v16, v5;
	v44 =	vld [tilespmem:s0+$0xB0];
	v63 =	vperm.xlane v17, v1;
	[tilespmem:s17+$0xFFFFFF70] =	vst v62  }
0x1e2: {  	v50 =	vperm.xlane v12, v3;
	[tilespmem:s19+$0x110] =	vst v13;
	v9 =	vsel vm0, v25, v9;
	v29 =	vperm.xlane v7, v1;
	v27 =	vld [tilespmem:s0+$0xFFFFFF80]  }
0x1e3: {  	v31 =	vld [tilespmem:s0+$0xD8];
	v8 =	vsel vm0, v60, v8;
	[tilespmem:s19+$0xFFFFFFF0] =	vst v9;
	v32 =	vperm.xlane v11, v1;
	v26 =	vmul.f32 v58, v63  }
0x1e4: {  	v35 =	vld [tilespmem:s0+$0xFFFFFFB8];
	v60 =	vperm.xlane v12, v4;
	[tilespmem:s19+$0x80] =	vst v8;
	v8 =	vmul.f32 v37, v29  }
0x1e5: {  	v39 =	vld [tilespmem:s0+$0xFFFFFF28];
	v34 =	vperm.xlane v21, v2;
	v14 =	vmul.f32 v24, v32;
	[tilespmem:s17+$0xFFFFFEE0] =	vst v26;
	v6 =	vpop (erf)  }
0x1e6: {  	[tilespmem:s17+$0x48] =	vst v8;
	v56 =	vmul.f32 v44, v50;
	v15 =	vld [tilespmem:s0+$0xFFFFFEF0];
	v38 =	vperm.xlane v6, v1;
	v25 =	vpop (erf)  }
0x1e7: {  	v53 =	vld [tilespmem:s0+$0x58];
	[tilespmem:s17+$0x0] =	vst v14;
	v41 =	vperm.xlane v25, v1;
	v20 =	vpop (erf);
	v16 =	vmul.f32 v27, v34  }
0x1e8: {  	v14 =	vld [tilespmem:s0+$0x10];
	[tilespmem:s17+$0xB0] =	vst v56;
	v13 =	vmul.f32 v31, v38;
	v43 =	vperm.xlane v20, v1  }
0x1e9: {  	v40 =	vperm.xlane v17, v2;
	v63 =	vld [tilespmem:s0+$0xC0];
	v45 =	vmul.f32 v35, v41;
	[tilespmem:s17+$0xFFFFFF80] =	vst v16  }
0x1ea: {  	v33 =	vperm.xlane v7, v2;
	[tilespmem:s17+$0xD8] =	vst v13;
	v10 =	vmul.f32 v39, v43;
	v42 =	vld [tilespmem:s0+$0xFFFFFF90]  }
0x1eb: {  	v46 =	vperm.xlane v11, v2;
	v15 =	vmul.f32 v15, v40;
	v47 =	vld [tilespmem:s0+$0xE8];
	[tilespmem:s17+$0xFFFFFFB8] =	vst v45  }
0x1ec: {  	v49 =	vperm.xlane v21, v3;
	v9 =	vmul.f32 v53, v33;
	v52 =	vld [tilespmem:s0+$0xFFFFFFC8];
	[tilespmem:s17+$0xFFFFFF28] =	vst v10  }
0x1ed: {  	v55 =	vperm.xlane v17, v3;
	v51 =	vmul.f32 v14, v46;
	[tilespmem:s17+$0xFFFFFEF0] =	vst v15;
	v57 =	vld [tilespmem:s0+$0xFFFFFF38]  }
0x1ee: {  	v54 =	vperm.xlane v6, v2;
	[tilespmem:s17+$0x58] =	vst v9;
	v18 =	vmul.f32 v63, v60;
	v48 =	vld [tilespmem:s0+$0xFFFFFF00]  }
0x1ef: {  	v58 =	vperm.xlane v25, v2;
	[tilespmem:s17+$0x10] =	vst v51;
	v23 =	vmul.f32 v42, v49  }
0x1f0: {  	v62 =	vperm.xlane v20, v2;
	v59 =	vld [tilespmem:s0+$0x20];
	[tilespmem:s17+$0xC0] =	vst v18;
	v15 =	vmul.f32 v47, v54  }
0x1f1: {  	v27 =	vperm.xlane v11, v3;
	v35 =	vld [tilespmem:s0+$0x68];
	v14 =	vmul.f32 v52, v58;
	[tilespmem:s17+$0xFFFFFF90] =	vst v23  }
0x1f2: {  	v39 =	vperm.xlane v12, v5;
	[tilespmem:s17+$0xE8] =	vst v15;
	v10 =	vmul.f32 v57, v62;
	v61 =	vld [tilespmem:s0+$0xFFFFFFA0]  }
0x1f3: {  	v18 =	vperm.xlane v18, v5;
	v8 =	vmul.f32 v48, v55;
	v28 =	vld [tilespmem:s0+$0xF8];
	[tilespmem:s17+$0xFFFFFFC8] =	vst v14  }
0x1f4: {  	v19 =	vperm.xlane v21, v5;
	v31 =	vperm.xlane v7, v3;
	v33 =	vld [tilespmem:s0+$0xFFFFFFD8];
	[tilespmem:s17+$0xFFFFFF38] =	vst v10  }
0x1f5: {  	v29 =	vperm.xlane v21, v4;
	v9 =	vsel vm0, v18, v39;
	v32 =	vmul.f32 v59, v27;
	[tilespmem:s17+$0xFFFFFF00] =	vst v8;
	v37 =	vld [tilespmem:s0+$0xFFFFFF48]  }
0x1f6: {  	v34 =	vperm.xlane v6, v3;
	[tilespmem:s17+$0xC8] =	vst v9;
	v10 =	vmul.f32 v35, v31;
	v30 =	vld [tilespmem:s0+$0xFFFFFF10]  }
0x1f7: {  	v38 =	vperm.xlane v25, v3;
	[tilespmem:s17+$0x20] =	vst v32;
	v16 =	vmul.f32 v61, v29  }
0x1f8: {  	v41 =	vperm.xlane v20, v3;
	v42 =	vld [tilespmem:s0+$0x30];
	[tilespmem:s17+$0x68] =	vst v10;
	v8 =	vmul.f32 v28, v34  }
0x1f9: {  	v36 =	vperm.xlane v17, v4;
	v49 =	vld [tilespmem:s0+$0x78];
	v15 =	vmul.f32 v33, v38;
	[tilespmem:s17+$0xFFFFFFA0] =	vst v16  }
0x1fa: {  	v45 =	vperm.xlane v11, v4;
	[tilespmem:s17+$0xF8] =	vst v8;
	v14 =	vmul.f32 v37, v41  }
0x1fb: {  	v16 =	vperm.xlane v16, v5;
	v40 =	vmul.f32 v30, v36;
	[tilespmem:s17+$0xFFFFFFD8] =	vst v15  }
0x1fc: {  	v43 =	vperm.xlane v17, v5;
	v48 =	vperm.xlane v7, v4;
	[tilespmem:s17+$0xFFFFFF48] =	vst v14  }
0x1fd: {  	v11 =	vperm.xlane v11, v5;
	v44 =	vld [tilespmem:s0+$0x108];
	v15 =	vmul.f32 v42, v45;
	v16 =	vsel vm0, v16, v19;
	[tilespmem:s17+$0xFFFFFF10] =	vst v40  }
0x1fe: {  	v46 =	vld [tilespmem:s0+$0xFFFFFFE8];
	v14 =	vmul.f32 v49, v48;
	v12 =	vperm.xlane v40, v5;
	[tilespmem:s17+$0xFFFFFFA8] =	vst v16  }
0x1ff: {  	v47 =	vperm.xlane v6, v4;
	v50 =	vld [tilespmem:s0+$0xFFFFFF58];
	[tilespmem:s17+$0x30] =	vst v15;
	v54 =	vperm.xlane v15, v5  }
0x200: {  	v7 =	vperm.xlane v7, v5;
	v58 =	vperm.xlane v14, v5;
	[tilespmem:s17+$0x78] =	vst v14;
	v8 =	vsel vm0, v12, v43  }
0x201: {  	v51 =	vperm.xlane v25, v4;
	v57 =	vsel vm0, v54, v11;
	[tilespmem:s17+$0xFFFFFF18] =	vst v8  }
0x202: {  	v53 =	vperm.xlane v20, v4;
	v52 =	vmul.f32 v44, v47;
	[tilespmem:s17+$0x38] =	vst v57;
	v7 =	vsel vm0, v58, v7  }
0x203: {  	v6 =	vperm.xlane v6, v5;
	v55 =	vmul.f32 v46, v51;
	[tilespmem:s17+$0x80] =	vst v7  }
0x204: {  	s31 =	sadd.s32 $0x1, s31;
	[tilespmem:s17+$0x108] =	vst v52;
	v56 =	vmul.f32 v50, v53;
	v7 =	vperm.xlane v52, v5  }
0x205: {  	p0 =	sne.s32 s31, $0x28;
	v59 =	vperm.xlane v25, v5;
	[tilespmem:s17+$0xFFFFFFE8] =	vst v55;
	v60 =	vperm.xlane v55, v5  }
.Ltmp3:
0x206: {  	v61 =	vperm.xlane v20, v5;
	[tilespmem:s17+$0xFFFFFF58] =	vst v56;
	v9 =	vperm.xlane v56, v5;
	v6 =	vsel vm0, v7, v6;
	(pc) =	sbr.rel @p0 .LBB2_4-.Ltmp3, $4  }
0x207: {  	v62 =	vsel vm0, v60, v59;
	[tilespmem:s17+$0x110] =	vst v6  }
0x208: {  	s20 =	sand.u32 $0x3FFFFF80, s1;
	v63 =	vsel vm0, v9, v61;
	[tilespmem:s17+$0xFFFFFFF0] =	vst v62  }
0x209: {  	s0 =	sadd.s32 $0x2800, s20;
	[tilespmem:s17+$0xFFFFFF60] =	vst v63  }
0x20a: {  	[spmem:s3] =	stream.indirect.scatter.add.f32 [tilespmem:s28], [sflag:$0x6], $0x48, s0, s18, $0xb8;
	[tilespmem:$0x1A1C0] =	vst v63  }
0x20b: {  	_ =	swait.ge [sflag:s29], $0x2400  }
0x20c: {  	[sflag:s29] =	ssyncset.done $0x0  }
0x20d: {  	[sflag:s29] =	ssyncadd.s32 $0xFFFFDC00  }
0x20e: {  	s0 =	stileid.u32;
	_ =	swait.ge [sflag:s30], $0x2400  }
0x20f: {  	s1 =	sshrl.u32 s6, $0x3;
	s4 =	sadd.s32 $0x1, s4;
	[sflag:s30] =	ssyncset.done $0x0  }
0x210: {  	s0 =	sshll.u32 s0, $0x6;
	p0 =	sne.s32 s4, s14;
	[sflag:s30] =	ssyncadd.s32 $0xFFFFDC00  }
.Ltmp4:
0x211: {  	s0 =	sor.u32 $0x1C07, s0;
	[bflag:$0x0] =	sbarrier.arrive $0xFFFF;
	(pc) =	sbr.rel @p0 .LBB2_1-.Ltmp4, $4  }
0x212: {  	[hbm:s13], [sflag:s0] =	dma.local [spmem:s1], $0x1638  }
0x213: {  	_ =	swait.ge [sflag:s16], $0x1638  }
0x214: {  	[sflag:s16] =	ssyncset.done $0x0  }
0x215: {  	[sflag:s16] =	ssyncadd.s32 $0xFFFFE9C8  }
0x216: {  	_ =	sfence.sel $0x180000  }
0x217: {  	[bflag:$0x0] =	sbarrier.arrive $0xFFFF  }
0x218: {  	_ =	strace $0x90000047  }
0x219: {  	s0 =	stileid.u32;
	[bflag:$0x2] =	sbarrier.arrive $0xFFFF  }
0x21a: {  	p0 =	sne.s32 s0, $0x0;
	s0 =	rddreg [dreg:$0x3]  }
0x21b: {  	s0 =	sadd.s32 @!p0 $0x100000, s0  }
0x21c: {  	[sflag:s0] =	ssyncadd.tile.s32 @!p0 $0x1;
	_ =	shalt  }
.Lfunc_end2:
_tile_overlayer_lowered:
.L_overlay_start_2:
0x21d: {  	(tag) =	ssettag $0x2  }
0x21e: {  	s0 =	rddreg [dreg:$0x0];
	s2 =	stileid.u32  }
0x21f: {  	s1 =	rddreg [dreg:$0x1];
	p0 =	sne.s32 s2, $0x0  }
0x220: {  	s3 =	rddreg [dreg:$0x2];
	[bflag:$0x3] =	sbarrier.arrive $0xFFFF;
	s2 =	simm.s32 @!p0 $0x1C07  }
0x221: {  	[timem:s3], [sflag:s2] =	dma.local @!p0 [hbm:s0], s1  }
0x222: {  	s0 =	simm.s32 @!p0 $0x7  }
0x223: {  	_ =	swait.ge @!p0 [sflag:s0], s1  }
0x224: {  	s1 =	ssub.s32 @!p0 $0x0, s1;
	[sflag:s0] =	ssyncset.done @!p0 $0x0  }
0x225: {  	[sflag:s0] =	ssyncadd.s32 @!p0 s1  }
0x226: {  	[bflag:$0x3] =	sbarrier.arrive $0xFFFF  }
0x227: {  	_ =	shalt  }

</sc_bundles>
